<compile_context>
chip_gen: v7x
topology: tpu7x:2x2x1
jax: 0.10.2.dev20260603
libtpu: 0.0.44.dev20260713+nightly
codegen_flags: <defaults>
</compile_context>

<pallas_src>
import functools

import jax
import jax.numpy as jnp
from jax import lax
from jax.experimental import pallas as pl
from jax.experimental.pallas import tpu as pltpu
from jax.experimental.pallas import tpu_sc as plsc

N = 10000
E = 320000
D = 128
EPS = 1e-5

NCORES = 2
NSUB = 16
CH = 64
CPC = 40
PHT = 8
F0 = 4
DCH = 128
DCT = PHT * CPC * CH // DCH
E_PAD = NSUB * PHT * CPC * CH
NP = 10240
RPT = NP // NSUB
PAD_ROW = 10008

_MESH = plsc.VectorSubcoreMesh(
    core_axis_name="c", subcore_axis_name="s",
    num_cores=NCORES, num_subcores=NSUB)



def _deg_body(srcs_hbm, dsts_hbm, zdeg_hbm, ones_hbm,
              do_hbm, di_hbm, h_out, h_in, sidx, didx, ones_v, sem_o, sem_i):
    c = lax.axis_index("c")
    s = lax.axis_index("s")
    pltpu.sync_copy(srcs_hbm.at[s], sidx)
    pltpu.sync_copy(dsts_hbm.at[s], didx)
    pltpu.sync_copy(ones_hbm, ones_v)
    sl = pl.ds(s * RPT, RPT)
    pltpu.sync_copy(zdeg_hbm.at[sl], h_out.at[sl])
    pltpu.sync_copy(zdeg_hbm.at[sl], h_in.at[sl])
    plsc.subcore_barrier()

    LAG = 8
    lo = c * (DCT // NCORES)
    hi = lo + DCT // NCORES

    @pl.loop(lo, hi)
    def _(j):
        pltpu.async_copy(ones_v, h_out.at[sidx.at[j]], sem_o, add=True)
        pltpu.async_copy(ones_v, h_in.at[didx.at[j]], sem_i, add=True)

        @pl.when(j >= lo + LAG)
        def _():
            pltpu.make_async_copy(ones_v, h_out.at[sidx.at[0]], sem_o).wait()
            pltpu.make_async_copy(ones_v, h_in.at[didx.at[0]], sem_i).wait()

    for _ in range(LAG):
        pltpu.make_async_copy(ones_v, h_out.at[sidx.at[0]], sem_o).wait()
        pltpu.make_async_copy(ones_v, h_in.at[didx.at[0]], sem_i).wait()

    plsc.subcore_barrier()
    pltpu.sync_copy(h_out.at[sl], do_hbm.at[c, sl])
    pltpu.sync_copy(h_in.at[sl], di_hbm.at[c, sl])


_deg_call = pl.kernel(
    _deg_body,
    out_type=[jax.ShapeDtypeStruct((NCORES, NP, 16), jnp.float32),
              jax.ShapeDtypeStruct((NCORES, NP, 16), jnp.float32)],
    mesh=_MESH,
    scratch_types=[
        pltpu.VMEM_SHARED((NP, 16), jnp.float32),
        pltpu.VMEM_SHARED((NP, 16), jnp.float32),
        pltpu.VMEM((DCT, DCH), jnp.int32),
        pltpu.VMEM((DCT, DCH), jnp.int32),
        pltpu.VMEM((DCH, 16), jnp.float32),
        pltpu.SemaphoreType.DMA,
        pltpu.SemaphoreType.DMA,
    ],
)


def _agg_body(xw_hbm, srcg_hbm, dsts_hbm, znd_hbm,
              out_hbm, acc, sidx, didx, bufs, semg, sems):
    c = lax.axis_index("c")
    s = lax.axis_index("s")
    sl = pl.ds(s * RPT, RPT)
    pltpu.sync_copy(znd_hbm.at[sl], acc.at[sl])
    plsc.subcore_barrier()

    lo = c * F0
    hi = F0 + c * (PHT - F0)

    @pl.loop(lo, hi)
    def _(p):
        pltpu.sync_copy(srcg_hbm.at[s, p], sidx)
        pltpu.sync_copy(dsts_hbm.at[s, p], didx)
        pltpu.async_copy(xw_hbm.at[sidx.at[0]], bufs[0], semg[0])
        pltpu.async_copy(xw_hbm.at[sidx.at[1]], bufs[1], semg[1])

        @pl.loop(0, CPC, step=4)
        def _(j):
            for b in range(4):
                ch = j + b
                buf = bufs[b]
                pltpu.make_async_copy(xw_hbm.at[sidx.at[ch]], buf, semg[b]).wait()
                pltpu.async_copy(buf, acc.at[didx.at[ch]], sems[b], add=True)

                b2 = (b + 2) % 4

                @pl.when(ch >= 2)
                def _():
                    pltpu.make_async_copy(
                        bufs[b2], acc.at[didx.at[0]], sems[b2]).wait()

                @pl.when(ch + 2 < CPC)
                def _():
                    pltpu.async_copy(xw_hbm.at[sidx.at[ch + 2]],
                                     bufs[b2], semg[b2])

        for b in (2, 3):
            pltpu.make_async_copy(bufs[b], acc.at[didx.at[0]], sems[b]).wait()

    plsc.subcore_barrier()
    pltpu.sync_copy(acc.at[sl], out_hbm.at[c, sl])


_agg_call = pl.kernel(
    _agg_body,
    out_type=jax.ShapeDtypeStruct((NCORES, NP, D), jnp.float32),
    mesh=_MESH,
    scratch_types=[
        pltpu.VMEM_SHARED((NP, D), jnp.float32),
        pltpu.VMEM((CPC, CH), jnp.int32),
        pltpu.VMEM((CPC, CH), jnp.int32),
        [pltpu.VMEM((CH, D), jnp.float32)] * 4,
        [pltpu.SemaphoreType.DMA] * 4,
        [pltpu.SemaphoreType.DMA] * 4,
    ],
)



def _tc_pre_body(dop_ref, dip_ref, h_ref, sn_ref, w_ref, norms_ref, xw_ref):
    dop = dop_ref[...]
    dip = dip_ref[...]
    deg_o = dop[0, :N, 0:1] + dop[1, :N, 0:1]
    deg_i = dip[0, :N, 0:1] + dip[1, :N, 0:1]
    ns = lax.rsqrt(jnp.maximum(deg_o, 1.0))
    nd = lax.rsqrt(jnp.maximum(deg_i, 1.0))
    sn = sn_ref[...]
    norms_ref[...] = jnp.concatenate([ns, nd, sn], axis=1)
    xw_ref[...] = jnp.dot(h_ref[...] * ns, w_ref[...],
                          preferred_element_type=jnp.float32)


def _tc_pre(dop, dip, h, sn, w):
    return pl.pallas_call(
        _tc_pre_body,
        out_shape=[jax.ShapeDtypeStruct((N, 3), jnp.float32),
                   jax.ShapeDtypeStruct((N, D), jnp.float32)],
    )(dop, dip, h, sn, w)


def _post_agg(h, aggp, norms, b, g, bb):
    agg = aggp[0, :N] + aggp[1, :N]
    nd = norms[:, 1:2]
    sn = norms[:, 2:3]
    hh = (agg * nd + b) * sn
    mu = jnp.mean(hh, axis=0, keepdims=True)
    cen = hh - mu
    var = jnp.mean(cen * cen, axis=0, keepdims=True)
    hn = cen * lax.rsqrt(var + EPS) * g + bb
    return h + jnp.maximum(hn, 0.0)


def _tc_mid_body(h_ref, ap_ref, norms_ref, b_ref, g_ref, bb_ref, w_ref,
                 hn_ref, xw_ref):
    norms = norms_ref[...]
    h_next = _post_agg(h_ref[...], ap_ref[...], norms,
                       b_ref[...], g_ref[...], bb_ref[...])
    hn_ref[...] = h_next
    xw_ref[...] = jnp.dot(h_next * norms[:, 0:1], w_ref[...],
                          preferred_element_type=jnp.float32)


def _tc_mid(h, aggp, norms, b, g, bb, w_next):
    return pl.pallas_call(
        _tc_mid_body,
        out_shape=[jax.ShapeDtypeStruct((N, D), jnp.float32),
                   jax.ShapeDtypeStruct((N, D), jnp.float32)],
    )(h, aggp, norms, b, g, bb, w_next)


def _tc_post_body(h_ref, ap_ref, norms_ref, b_ref, g_ref, bb_ref,
                  w0_ref, b0_ref, w1_ref, b1_ref, w2_ref, b2_ref, y_ref):
    h_next = _post_agg(h_ref[...], ap_ref[...], norms_ref[...],
                       b_ref[...], g_ref[...], bb_ref[...])
    hg = jnp.mean(h_next, axis=0, keepdims=True)
    y = jnp.maximum(jnp.dot(hg, w0_ref[...],
                            preferred_element_type=jnp.float32) + b0_ref[...], 0.0)
    y = jnp.maximum(jnp.dot(y, w1_ref[...],
                            preferred_element_type=jnp.float32) + b1_ref[...], 0.0)
    y_ref[...] = jnp.dot(y, w2_ref[...],
                         preferred_element_type=jnp.float32) + b2_ref[...]


def _tc_post(h, aggp, norms, b, g, bb, mw0, mb0, mw1, mb1, mw2, mb2):
    return pl.pallas_call(
        _tc_post_body,
        out_shape=jax.ShapeDtypeStruct((1, 10), jnp.float32),
    )(h, aggp, norms, b, g, bb, mw0, mb0, mw1, mb1, mw2, mb2)



def kernel(edge_index, nodes_feat, edges_feat, nodes_num_norm_sqrt,
           edges_num_norm_sqrt, params):
    del edges_feat, edges_num_norm_sqrt
    src = edge_index[0]
    dst = edge_index[1]
    pad = E_PAD - E
    pad_i = jnp.arange(pad, dtype=jnp.int32)
    pad0 = pad_i % N
    padd = N + pad_i % (NP - N)
    shape4 = (NSUB, PHT, CPC, CH)
    shape_d = (NSUB, DCT, DCH)
    src_g = jnp.concatenate([src, pad0]).reshape(shape4)
    src_s = jnp.concatenate([src, padd]).reshape(shape_d)
    dst_s = jnp.concatenate([dst, padd]).reshape(shape4)
    zeros_nd = jnp.zeros((NP, D), jnp.float32)
    zeros_dg = jnp.zeros((NP, 16), jnp.float32)
    ones_ch = jnp.ones((DCH, 16), jnp.float32)

    dop, dip = _deg_call(src_s, dst_s.reshape(shape_d), zeros_dg, ones_ch)
    norms, xw = _tc_pre(dop, dip, nodes_feat, nodes_num_norm_sqrt,
                        params['W0'])

    def row(v):
        return v.reshape(1, -1)

    h = nodes_feat
    y = None
    for l in range(4):
        aggp = _agg_call(xw, src_g, dst_s, zeros_nd)
        b = row(params['b%d' % l])
        g = row(params['bn_g%d' % l])
        bb = row(params['bn_b%d' % l])
        if l < 3:
            h, xw = _tc_mid(h, aggp, norms, b, g, bb, params['W%d' % (l + 1)])
        else:
            y = _tc_post(h, aggp, norms, b, g, bb,
                         params['mlp_W0'], row(params['mlp_b0']),
                         params['mlp_W1'], row(params['mlp_b1']),
                         params['mlp_W2'], row(params['mlp_b2']))
    return y

# --- scband reference (transcript-rebuilt; emitter-appended) ---
"""Pipeline reference for scband-gcnnet32-45767171506838 (READ-ONLY COPY).

The authoritative reference and input builder live on the scoring server;
editing this copy changes nothing except your own understanding.
"""

import jax, jax.numpy as jnp
import numpy as np

N = 10000
E = 320000
D = 128
NC = 10
EPS = 1e-5


def _init_params(key):
    ks = jax.random.split(key, 16)
    p = {}
    i = 0
    for l in range(4):
        p['W%d' % l] = jax.random.normal(ks[i], (D, D), jnp.float32) / np.sqrt(D); i += 1
        p['b%d' % l] = jnp.zeros((D,), jnp.float32)
        p['bn_g%d' % l] = jnp.ones((D,), jnp.float32)
        p['bn_b%d' % l] = jnp.zeros((D,), jnp.float32)
    dims = [D, D // 2, D // 4, NC]
    for l in range(3):
        p['mlp_W%d' % l] = jax.random.normal(ks[i], (dims[l], dims[l + 1]), jnp.float32) / np.sqrt(dims[l]); i += 1
        p['mlp_b%d' % l] = jnp.zeros((dims[l + 1],), jnp.float32)
    return p


def setup_inputs(seed: int = 0):
    key = jax.random.key(seed)
    k1, k2, k3, k4, k5 = jax.random.split(key, 5)
    return {
        'edge_index': jax.random.randint(k1, (2, E), 0, N, dtype=jnp.int32),
        'nodes_feat': jax.random.normal(k2, (N, D), jnp.float32),
        'edges_feat': jax.random.normal(k3, (E, 4), jnp.float32),
        'nodes_num_norm_sqrt': jax.random.uniform(k4, (N, 1), jnp.float32),
        'edges_num_norm_sqrt': jax.random.uniform(k5, (E, 1), jnp.float32),
        'params': _init_params(jax.random.fold_in(key, 7)),
    }


def _bn(h, g, b):
    mu = jnp.mean(h, axis=0)
    var = jnp.var(h, axis=0)
    return (h - mu) * jax.lax.rsqrt(var + EPS) * g + b


def _gcn_layer(h, params, l, src, dst, norm_src, norm_dst, snorm_n):
    # DGL GraphConv(norm='both'): h' = D_in^{-1/2} A D_out^{-1/2} h W + b
    h_in = h
    x = h * norm_src
    x = x @ params['W%d' % l]
    agg = jnp.zeros_like(x).at[dst].add(jnp.take(x, src, axis=0))
    agg = agg * norm_dst + params['b%d' % l]
    hh = agg * snorm_n            # graph_norm
    hh = _bn(hh, params['bn_g%d' % l], params['bn_b%d' % l])  # batch_norm
    hh = jax.nn.relu(hh)          # activation
    return h_in + hh              # residual (dropout p=0 is identity)


def reference(edge_index, nodes_feat, edges_feat, nodes_num_norm_sqrt, edges_num_norm_sqrt, params):
    src = edge_index[0]
    dst = edge_index[1]
    deg_out = jnp.zeros((N,), jnp.float32).at[src].add(1.0)
    deg_in = jnp.zeros((N,), jnp.float32).at[dst].add(1.0)
    norm_src = jnp.power(jnp.clip(deg_out, 1.0, None), -0.5)[:, None]
    norm_dst = jnp.power(jnp.clip(deg_in, 1.0, None), -0.5)[:, None]
    h = nodes_feat
    for l in range(4):
        h = _gcn_layer(h, params, l, src, dst, norm_src, norm_dst, nodes_num_norm_sqrt)
    # dgl.mean_nodes over a single graph
    hg = jnp.mean(h, axis=0, keepdims=True)
    # MLPReadout (2 hidden halving layers + output)
    y = hg
    for l in range(3):
        y = y @ params['mlp_W%d' % l] + params['mlp_b%d' % l]
        if l < 2:
            y = jax.nn.relu(y)
    return y


if False:  # reference __main__ guard neutralized (emitter)
    out = reference(**setup_inputs())
    print(out.shape)

if __name__ == "__main__":
    import jax
    _d = setup_inputs()
    print(jax.jit(kernel)(*tuple(_d.values())))

</pallas_src>

<mosaic_0001>
#map = affine_map<(d0, d1) -> (0, 0, 0)>
#map1 = affine_map<(d0, d1) -> (0, 0)>
module attributes {stable_mosaic.version = 14 : i64} {
  func.func @_deg_body(%arg0: i32, %arg1: i32, %arg2: memref<16x160x128xi32, #tpu.memory_space<hbm>>, %arg3: memref<16x160x128xi32, #tpu.memory_space<hbm>>, %arg4: memref<10240x16xf32, #tpu.memory_space<hbm>>, %arg5: memref<128x16xf32, #tpu.memory_space<hbm>>, %arg6: memref<2x10240x16xf32, #tpu.memory_space<hbm>>, %arg7: memref<2x10240x16xf32, #tpu.memory_space<hbm>>, %arg8: memref<10240x16xf32, #tpu.memory_space<vmem_shared>>, %arg9: memref<10240x16xf32, #tpu.memory_space<vmem_shared>>, %arg10: memref<160x128xi32, #tpu.memory_space<vmem>>, %arg11: memref<160x128xi32, #tpu.memory_space<vmem>>, %arg12: memref<128x16xf32, #tpu.memory_space<vmem>>, %arg13: memref<!tpu.dma_semaphore, #tpu.memory_space<semaphore_mem>>, %arg14: memref<!tpu.dma_semaphore, #tpu.memory_space<semaphore_mem>>) attributes {dimension_semantics = [#tpu.dimension_semantics<core_parallel>, #tpu.dimension_semantics<subcore_parallel>], iteration_bounds = array<i64: 2, 16>, scalar_prefetch = 0 : i64, scratch_operands = 7 : i64, tpu.core_type = #tpu.core_type<sc_vector_subcore>, window_params = [{transform_indices = #map}, {transform_indices = #map}, {transform_indices = #map1}, {transform_indices = #map1}, {transform_indices = #map}, {transform_indices = #map}]} {
    "tpu.region"() ({
      %run_scoped3A = tpu.sem_alloc : memref<!tpu.dma_semaphore, #tpu.memory_space<semaphore_mem>>
      %dma_start3A = arith.constant 0 : i32
      %dma_start3A_130 = arith.constant 0 : i32
      %dma_start3A_131 = tpu.memref_slice %arg2[%arg1, %dma_start3A, %dma_start3A_130] : memref<16x160x128xi32, #tpu.memory_space<hbm>> -> memref<1x160x128xi32, #tpu.memory_space<hbm>>
      %dma_start3A_132 = tpu.memref_squeeze %dma_start3A_131 : memref<1x160x128xi32, #tpu.memory_space<hbm>> -> memref<160x128xi32, #tpu.memory_space<hbm>>
      %dma_start3A_133 = arith.constant 0 : i32
      %dma_start3A_134 = arith.constant 0 : i32
      %dma_start3A_135 = tpu.memref_slice %arg2[%arg1, %dma_start3A_133, %dma_start3A_134] : memref<16x160x128xi32, #tpu.memory_space<hbm>> -> memref<1x160x128xi32, #tpu.memory_space<hbm>>
      %dma_start3A_136 = tpu.memref_squeeze %dma_start3A_135 : memref<1x160x128xi32, #tpu.memory_space<hbm>> -> memref<160x128xi32, #tpu.memory_space<hbm>>
      tpu.enqueue_dma source(%dma_start3A_136 : memref<160x128xi32, #tpu.memory_space<hbm>>) target(%arg10 : memref<160x128xi32, #tpu.memory_space<vmem>>) target_semaphore(%run_scoped3A : memref<!tpu.dma_semaphore, #tpu.memory_space<semaphore_mem>>)
      %dma_wait3A_137 = arith.constant 0 : i32
      %dma_wait3A_138 = arith.constant 0 : i32
      %dma_wait3A_139 = tpu.memref_slice %arg2[%arg1, %dma_wait3A_137, %dma_wait3A_138] : memref<16x160x128xi32, #tpu.memory_space<hbm>> -> memref<1x160x128xi32, #tpu.memory_space<hbm>>
      %dma_wait3A_140 = tpu.memref_squeeze %dma_wait3A_139 : memref<1x160x128xi32, #tpu.memory_space<hbm>> -> memref<160x128xi32, #tpu.memory_space<hbm>>
      %dma_wait3A_141 = arith.constant 0 : i32
      %dma_wait3A_142 = arith.constant 0 : i32
      %dma_wait3A_143 = tpu.memref_slice %arg2[%arg1, %dma_wait3A_141, %dma_wait3A_142] : memref<16x160x128xi32, #tpu.memory_space<hbm>> -> memref<1x160x128xi32, #tpu.memory_space<hbm>>
      %dma_wait3A_144 = tpu.memref_squeeze %dma_wait3A_143 : memref<1x160x128xi32, #tpu.memory_space<hbm>> -> memref<160x128xi32, #tpu.memory_space<hbm>>
      tpu.wait_dma2 semaphore(%run_scoped3A : memref<!tpu.dma_semaphore, #tpu.memory_space<semaphore_mem>>) src(%dma_wait3A_144 : memref<160x128xi32, #tpu.memory_space<hbm>>) dst(%arg10 : memref<160x128xi32, #tpu.memory_space<vmem>>)
      tpu.yield
    }) : () -> ()
    "tpu.region"() ({
      %run_scoped3A = tpu.sem_alloc : memref<!tpu.dma_semaphore, #tpu.memory_space<semaphore_mem>>
      %dma_start3A = arith.constant 0 : i32
      %dma_start3A_130 = arith.constant 0 : i32
      %dma_start3A_131 = tpu.memref_slice %arg3[%arg1, %dma_start3A, %dma_start3A_130] : memref<16x160x128xi32, #tpu.memory_space<hbm>> -> memref<1x160x128xi32, #tpu.memory_space<hbm>>
      %dma_start3A_132 = tpu.memref_squeeze %dma_start3A_131 : memref<1x160x128xi32, #tpu.memory_space<hbm>> -> memref<160x128xi32, #tpu.memory_space<hbm>>
      %dma_start3A_133 = arith.constant 0 : i32
      %dma_start3A_134 = arith.constant 0 : i32
      %dma_start3A_135 = tpu.memref_slice %arg3[%arg1, %dma_start3A_133, %dma_start3A_134] : memref<16x160x128xi32, #tpu.memory_space<hbm>> -> memref<1x160x128xi32, #tpu.memory_space<hbm>>
      %dma_start3A_136 = tpu.memref_squeeze %dma_start3A_135 : memref<1x160x128xi32, #tpu.memory_space<hbm>> -> memref<160x128xi32, #tpu.memory_space<hbm>>
      tpu.enqueue_dma source(%dma_start3A_136 : memref<160x128xi32, #tpu.memory_space<hbm>>) target(%arg11 : memref<160x128xi32, #tpu.memory_space<vmem>>) target_semaphore(%run_scoped3A : memref<!tpu.dma_semaphore, #tpu.memory_space<semaphore_mem>>)
      %dma_wait3A_137 = arith.constant 0 : i32
      %dma_wait3A_138 = arith.constant 0 : i32
      %dma_wait3A_139 = tpu.memref_slice %arg3[%arg1, %dma_wait3A_137, %dma_wait3A_138] : memref<16x160x128xi32, #tpu.memory_space<hbm>> -> memref<1x160x128xi32, #tpu.memory_space<hbm>>
      %dma_wait3A_140 = tpu.memref_squeeze %dma_wait3A_139 : memref<1x160x128xi32, #tpu.memory_space<hbm>> -> memref<160x128xi32, #tpu.memory_space<hbm>>
      %dma_wait3A_141 = arith.constant 0 : i32
      %dma_wait3A_142 = arith.constant 0 : i32
      %dma_wait3A_143 = tpu.memref_slice %arg3[%arg1, %dma_wait3A_141, %dma_wait3A_142] : memref<16x160x128xi32, #tpu.memory_space<hbm>> -> memref<1x160x128xi32, #tpu.memory_space<hbm>>
      %dma_wait3A_144 = tpu.memref_squeeze %dma_wait3A_143 : memref<1x160x128xi32, #tpu.memory_space<hbm>> -> memref<160x128xi32, #tpu.memory_space<hbm>>
      tpu.wait_dma2 semaphore(%run_scoped3A : memref<!tpu.dma_semaphore, #tpu.memory_space<semaphore_mem>>) src(%dma_wait3A_144 : memref<160x128xi32, #tpu.memory_space<hbm>>) dst(%arg11 : memref<160x128xi32, #tpu.memory_space<vmem>>)
      tpu.yield
    }) : () -> ()
    "tpu.region"() ({
      %run_scoped3A = tpu.sem_alloc : memref<!tpu.dma_semaphore, #tpu.memory_space<semaphore_mem>>
      tpu.enqueue_dma source(%arg5 : memref<128x16xf32, #tpu.memory_space<hbm>>) target(%arg12 : memref<128x16xf32, #tpu.memory_space<vmem>>) target_semaphore(%run_scoped3A : memref<!tpu.dma_semaphore, #tpu.memory_space<semaphore_mem>>)
      tpu.wait_dma2 semaphore(%run_scoped3A : memref<!tpu.dma_semaphore, #tpu.memory_space<semaphore_mem>>) src(%arg5 : memref<128x16xf32, #tpu.memory_space<hbm>>) dst(%arg12 : memref<128x16xf32, #tpu.memory_space<vmem>>)
      tpu.yield
    }) : () -> ()
    %mul3A = arith.constant 640 : i32
    %mul3A_0 = arith.muli %arg1, %mul3A : i32
    "tpu.region"() ({
      %run_scoped3A = tpu.sem_alloc : memref<!tpu.dma_semaphore, #tpu.memory_space<semaphore_mem>>
      %dma_start3A = arith.constant 0 : i32
      %dma_start3A_130 = tpu.memref_slice %arg8[%mul3A_0, %dma_start3A] : memref<10240x16xf32, #tpu.memory_space<vmem_shared>> -> memref<640x16xf32, #tpu.memory_space<vmem_shared>>
      %dma_start3A_131 = arith.constant 0 : i32
      %dma_start3A_132 = tpu.memref_slice %arg4[%mul3A_0, %dma_start3A_131] : memref<10240x16xf32, #tpu.memory_space<hbm>> -> memref<640x16xf32, #tpu.memory_space<hbm>>
      tpu.enqueue_dma source(%dma_start3A_132 : memref<640x16xf32, #tpu.memory_space<hbm>>) target(%dma_start3A_130 : memref<640x16xf32, #tpu.memory_space<vmem_shared>>) target_semaphore(%run_scoped3A : memref<!tpu.dma_semaphore, #tpu.memory_space<semaphore_mem>>)
      %dma_wait3A_133 = arith.constant 0 : i32
      %dma_wait3A_134 = tpu.memref_slice %arg8[%mul3A_0, %dma_wait3A_133] : memref<10240x16xf32, #tpu.memory_space<vmem_shared>> -> memref<640x16xf32, #tpu.memory_space<vmem_shared>>
      %dma_wait3A_135 = arith.constant 0 : i32
      %dma_wait3A_136 = tpu.memref_slice %arg4[%mul3A_0, %dma_wait3A_135] : memref<10240x16xf32, #tpu.memory_space<hbm>> -> memref<640x16xf32, #tpu.memory_space<hbm>>
      tpu.wait_dma2 semaphore(%run_scoped3A : memref<!tpu.dma_semaphore, #tpu.memory_space<semaphore_mem>>) src(%dma_wait3A_136 : memref<640x16xf32, #tpu.memory_space<hbm>>) dst(%dma_wait3A_134 : memref<640x16xf32, #tpu.memory_space<vmem_shared>>)
      tpu.yield
    }) : () -> ()
    "tpu.region"() ({
      %run_scoped3A = tpu.sem_alloc : memref<!tpu.dma_semaphore, #tpu.memory_space<semaphore_mem>>
      %dma_start3A = arith.constant 0 : i32
      %dma_start3A_130 = tpu.memref_slice %arg9[%mul3A_0, %dma_start3A] : memref<10240x16xf32, #tpu.memory_space<vmem_shared>> -> memref<640x16xf32, #tpu.memory_space<vmem_shared>>
      %dma_start3A_131 = arith.constant 0 : i32
      %dma_start3A_132 = tpu.memref_slice %arg4[%mul3A_0, %dma_start3A_131] : memref<10240x16xf32, #tpu.memory_space<hbm>> -> memref<640x16xf32, #tpu.memory_space<hbm>>
      tpu.enqueue_dma source(%dma_start3A_132 : memref<640x16xf32, #tpu.memory_space<hbm>>) target(%dma_start3A_130 : memref<640x16xf32, #tpu.memory_space<vmem_shared>>) target_semaphore(%run_scoped3A : memref<!tpu.dma_semaphore, #tpu.memory_space<semaphore_mem>>)
      %dma_wait3A_133 = arith.constant 0 : i32
      %dma_wait3A_134 = tpu.memref_slice %arg9[%mul3A_0, %dma_wait3A_133] : memref<10240x16xf32, #tpu.memory_space<vmem_shared>> -> memref<640x16xf32, #tpu.memory_space<vmem_shared>>
      %dma_wait3A_135 = arith.constant 0 : i32
      %dma_wait3A_136 = tpu.memref_slice %arg4[%mul3A_0, %dma_wait3A_135] : memref<10240x16xf32, #tpu.memory_space<hbm>> -> memref<640x16xf32, #tpu.memory_space<hbm>>
      tpu.wait_dma2 semaphore(%run_scoped3A : memref<!tpu.dma_semaphore, #tpu.memory_space<semaphore_mem>>) src(%dma_wait3A_136 : memref<640x16xf32, #tpu.memory_space<hbm>>) dst(%dma_wait3A_134 : memref<640x16xf32, #tpu.memory_space<vmem_shared>>)
      tpu.yield
    }) : () -> ()
    %barrier3A = arith.constant 0 : index
    tpu.barrier barrier_id(%barrier3A)
    %mul3A_1 = arith.constant 80 : i32
    %mul3A_2 = arith.muli %arg0, %mul3A_1 : i32
    %add3A = arith.constant 80 : i32
    %add3A_3 = arith.addi %mul3A_2, %add3A : i32
    %sub3A = arith.subi %add3A_3, %mul3A_2 : i32
    %sub3A_4 = arith.constant 1 : i32
    %sub3A_5 = arith.constant 1 : i32
    %sub3A_6 = arith.subi %sub3A_4, %sub3A_5 : i32
    %add3A_7 = arith.addi %sub3A, %sub3A_6 : i32
    %div3A = arith.constant 1 : i32
    %div3A_8 = arith.divsi %add3A_7, %div3A : i32
    %while3A = arith.constant 1 : i32
    %while3A_9 = arith.constant 0 : i32
    %while3A_10 = arith.subi %div3A_8, %while3A_9 : i32
    %while3A_11 = arith.addi %while3A_9, %while3A_10 : i32
    %while3A_12 = arith.constant 1 : i32
    %while3A_13 = arith.divsi %while3A_10, %while3A_12 : i32
    %while3A_14 = arith.muli %while3A_13, %while3A_12 : i32
    %while3A_15 = arith.addi %while3A_9, %while3A_14 : i32
    %while3A_16 = arith.constant 1 : i32
    scf.for %while3A_130 = %while3A_9 to %while3A_15 step %while3A_16  : i32 {
      %mul3A_131 = arith.muli %while3A_130, %while3A : i32
      %add3A_132 = arith.addi %mul3A_2, %mul3A_131 : i32
      %dma_start3A = arith.constant 0 : i32
      %dma_start3A_133 = tpu.memref_slice %arg10[%add3A_132, %dma_start3A] : memref<160x128xi32, #tpu.memory_space<vmem>> -> memref<1x128xi32, #tpu.memory_space<vmem>>
      %dma_start3A_134 = tpu.memref_squeeze %dma_start3A_133 : memref<1x128xi32, #tpu.memory_space<vmem>> -> memref<128xi32, #tpu.memory_space<vmem>>
      %dma_start3A_135 = arith.constant 0 : i32
      %dma_start3A_136 = arith.constant 0 : i32
      %dma_start3A_137 = tpu.memref_slice %arg8[%dma_start3A_135, %dma_start3A_136] : memref<10240x16xf32, #tpu.memory_space<vmem_shared>> -> memref<10240x16xf32, #tpu.memory_space<vmem_shared>>
      tpu.enqueue_indirect_dma source(%arg12 : memref<128x16xf32, #tpu.memory_space<vmem>>) target(%dma_start3A_137 : memref<10240x16xf32, #tpu.memory_space<vmem_shared>>) offsets(%dma_start3A_134 : memref<128xi32, #tpu.memory_space<vmem>>) semaphore(%arg13 : memref<!tpu.dma_semaphore, #tpu.memory_space<semaphore_mem>>) {add = true}
      %dma_start3A_138 = arith.constant 0 : i32
      %dma_start3A_139 = tpu.memref_slice %arg11[%add3A_132, %dma_start3A_138] : memref<160x128xi32, #tpu.memory_space<vmem>> -> memref<1x128xi32, #tpu.memory_space<vmem>>
      %dma_start3A_140 = tpu.memref_squeeze %dma_start3A_139 : memref<1x128xi32, #tpu.memory_space<vmem>> -> memref<128xi32, #tpu.memory_space<vmem>>
      %dma_start3A_141 = arith.constant 0 : i32
      %dma_start3A_142 = arith.constant 0 : i32
      %dma_start3A_143 = tpu.memref_slice %arg9[%dma_start3A_141, %dma_start3A_142] : memref<10240x16xf32, #tpu.memory_space<vmem_shared>> -> memref<10240x16xf32, #tpu.memory_space<vmem_shared>>
      tpu.enqueue_indirect_dma source(%arg12 : memref<128x16xf32, #tpu.memory_space<vmem>>) target(%dma_start3A_143 : memref<10240x16xf32, #tpu.memory_space<vmem_shared>>) offsets(%dma_start3A_140 : memref<128xi32, #tpu.memory_space<vmem>>) semaphore(%arg14 : memref<!tpu.dma_semaphore, #tpu.memory_space<semaphore_mem>>) {add = true}
      %add3A_144 = arith.constant 8 : i32
      %add3A_145 = arith.addi %mul3A_2, %add3A_144 : i32
      %ge3A = arith.cmpi sge, %add3A_132, %add3A_145 : i32
      %convert_element_type3A = arith.extui %ge3A : i1 to i32
      %cond3A = arith.constant 0 : i32
      %cond3A_146 = arith.cmpi ne, %convert_element_type3A, %cond3A : i32
      scf.if %cond3A_146 {
        %dma_wait3A_147 = arith.constant 0 : i32
        %dma_wait3A_148 = arith.constant 0 : i32
        %dma_wait3A_149 = tpu.memref_slice %arg10[%dma_wait3A_147, %dma_wait3A_148] : memref<160x128xi32, #tpu.memory_space<vmem>> -> memref<1x128xi32, #tpu.memory_space<vmem>>
        %dma_wait3A_150 = tpu.memref_squeeze %dma_wait3A_149 : memref<1x128xi32, #tpu.memory_space<vmem>> -> memref<128xi32, #tpu.memory_space<vmem>>
        %dma_wait3A_151 = arith.constant 0 : i32
        %dma_wait3A_152 = arith.constant 0 : i32
        %dma_wait3A_153 = tpu.memref_slice %arg8[%dma_wait3A_151, %dma_wait3A_152] : memref<10240x16xf32, #tpu.memory_space<vmem_shared>> -> memref<10240x16xf32, #tpu.memory_space<vmem_shared>>
        tpu.wait_indirect_dma semaphore(%arg13 : memref<!tpu.dma_semaphore, #tpu.memory_space<semaphore_mem>>) src(%arg12 : memref<128x16xf32, #tpu.memory_space<vmem>>) dst(%dma_wait3A_153 : memref<10240x16xf32, #tpu.memory_space<vmem_shared>>)
        %dma_wait3A_154 = arith.constant 0 : i32
        %dma_wait3A_155 = arith.constant 0 : i32
        %dma_wait3A_156 = tpu.memref_slice %arg11[%dma_wait3A_154, %dma_wait3A_155] : memref<160x128xi32, #tpu.memory_space<vmem>> -> memref<1x128xi32, #tpu.memory_space<vmem>>
        %dma_wait3A_157 = tpu.memref_squeeze %dma_wait3A_156 : memref<1x128xi32, #tpu.memory_space<vmem>> -> memref<128xi32, #tpu.memory_space<vmem>>
        %dma_wait3A_158 = arith.constant 0 : i32
        %dma_wait3A_159 = arith.constant 0 : i32
        %dma_wait3A_160 = tpu.memref_slice %arg9[%dma_wait3A_158, %dma_wait3A_159] : memref<10240x16xf32, #tpu.memory_space<vmem_shared>> -> memref<10240x16xf32, #tpu.memory_space<vmem_shared>>
        tpu.wait_indirect_dma semaphore(%arg14 : memref<!tpu.dma_semaphore, #tpu.memory_space<semaphore_mem>>) src(%arg12 : memref<128x16xf32, #tpu.memory_space<vmem>>) dst(%dma_wait3A_160 : memref<10240x16xf32, #tpu.memory_space<vmem_shared>>)
      } else {
      }
    }
    %while3A_17 = arith.constant 1 : i32
    scf.for %while3A_130 = %while3A_15 to %while3A_11 step %while3A_17  : i32 {
      %mul3A_131 = arith.muli %while3A_130, %while3A : i32
      %add3A_132 = arith.addi %mul3A_2, %mul3A_131 : i32
      %dma_start3A = arith.constant 0 : i32
      %dma_start3A_133 = tpu.memref_slice %arg10[%add3A_132, %dma_start3A] : memref<160x128xi32, #tpu.memory_space<vmem>> -> memref<1x128xi32, #tpu.memory_space<vmem>>
      %dma_start3A_134 = tpu.memref_squeeze %dma_start3A_133 : memref<1x128xi32, #tpu.memory_space<vmem>> -> memref<128xi32, #tpu.memory_space<vmem>>
      %dma_start3A_135 = arith.constant 0 : i32
      %dma_start3A_136 = arith.constant 0 : i32
      %dma_start3A_137 = tpu.memref_slice %arg8[%dma_start3A_135, %dma_start3A_136] : memref<10240x16xf32, #tpu.memory_space<vmem_shared>> -> memref<10240x16xf32, #tpu.memory_space<vmem_shared>>
      tpu.enqueue_indirect_dma source(%arg12 : memref<128x16xf32, #tpu.memory_space<vmem>>) target(%dma_start3A_137 : memref<10240x16xf32, #tpu.memory_space<vmem_shared>>) offsets(%dma_start3A_134 : memref<128xi32, #tpu.memory_space<vmem>>) semaphore(%arg13 : memref<!tpu.dma_semaphore, #tpu.memory_space<semaphore_mem>>) {add = true}
      %dma_start3A_138 = arith.constant 0 : i32
      %dma_start3A_139 = tpu.memref_slice %arg11[%add3A_132, %dma_start3A_138] : memref<160x128xi32, #tpu.memory_space<vmem>> -> memref<1x128xi32, #tpu.memory_space<vmem>>
      %dma_start3A_140 = tpu.memref_squeeze %dma_start3A_139 : memref<1x128xi32, #tpu.memory_space<vmem>> -> memref<128xi32, #tpu.memory_space<vmem>>
      %dma_start3A_141 = arith.constant 0 : i32
      %dma_start3A_142 = arith.constant 0 : i32
      %dma_start3A_143 = tpu.memref_slice %arg9[%dma_start3A_141, %dma_start3A_142] : memref<10240x16xf32, #tpu.memory_space<vmem_shared>> -> memref<10240x16xf32, #tpu.memory_space<vmem_shared>>
      tpu.enqueue_indirect_dma source(%arg12 : memref<128x16xf32, #tpu.memory_space<vmem>>) target(%dma_start3A_143 : memref<10240x16xf32, #tpu.memory_space<vmem_shared>>) offsets(%dma_start3A_140 : memref<128xi32, #tpu.memory_space<vmem>>) semaphore(%arg14 : memref<!tpu.dma_semaphore, #tpu.memory_space<semaphore_mem>>) {add = true}
      %add3A_144 = arith.constant 8 : i32
      %add3A_145 = arith.addi %mul3A_2, %add3A_144 : i32
      %ge3A = arith.cmpi sge, %add3A_132, %add3A_145 : i32
      %convert_element_type3A = arith.extui %ge3A : i1 to i32
      %cond3A = arith.constant 0 : i32
      %cond3A_146 = arith.cmpi ne, %convert_element_type3A, %cond3A : i32
      scf.if %cond3A_146 {
        %dma_wait3A_147 = arith.constant 0 : i32
        %dma_wait3A_148 = arith.constant 0 : i32
        %dma_wait3A_149 = tpu.memref_slice %arg10[%dma_wait3A_147, %dma_wait3A_148] : memref<160x128xi32, #tpu.memory_space<vmem>> -> memref<1x128xi32, #tpu.memory_space<vmem>>
        %dma_wait3A_150 = tpu.memref_squeeze %dma_wait3A_149 : memref<1x128xi32, #tpu.memory_space<vmem>> -> memref<128xi32, #tpu.memory_space<vmem>>
        %dma_wait3A_151 = arith.constant 0 : i32
        %dma_wait3A_152 = arith.constant 0 : i32
        %dma_wait3A_153 = tpu.memref_slice %arg8[%dma_wait3A_151, %dma_wait3A_152] : memref<10240x16xf32, #tpu.memory_space<vmem_shared>> -> memref<10240x16xf32, #tpu.memory_space<vmem_shared>>
        tpu.wait_indirect_dma semaphore(%arg13 : memref<!tpu.dma_semaphore, #tpu.memory_space<semaphore_mem>>) src(%arg12 : memref<128x16xf32, #tpu.memory_space<vmem>>) dst(%dma_wait3A_153 : memref<10240x16xf32, #tpu.memory_space<vmem_shared>>)
        %dma_wait3A_154 = arith.constant 0 : i32
        %dma_wait3A_155 = arith.constant 0 : i32
        %dma_wait3A_156 = tpu.memref_slice %arg11[%dma_wait3A_154, %dma_wait3A_155] : memref<160x128xi32, #tpu.memory_space<vmem>> -> memref<1x128xi32, #tpu.memory_space<vmem>>
        %dma_wait3A_157 = tpu.memref_squeeze %dma_wait3A_156 : memref<1x128xi32, #tpu.memory_space<vmem>> -> memref<128xi32, #tpu.memory_space<vmem>>
        %dma_wait3A_158 = arith.constant 0 : i32
        %dma_wait3A_159 = arith.constant 0 : i32
        %dma_wait3A_160 = tpu.memref_slice %arg9[%dma_wait3A_158, %dma_wait3A_159] : memref<10240x16xf32, #tpu.memory_space<vmem_shared>> -> memref<10240x16xf32, #tpu.memory_space<vmem_shared>>
        tpu.wait_indirect_dma semaphore(%arg14 : memref<!tpu.dma_semaphore, #tpu.memory_space<semaphore_mem>>) src(%arg12 : memref<128x16xf32, #tpu.memory_space<vmem>>) dst(%dma_wait3A_160 : memref<10240x16xf32, #tpu.memory_space<vmem_shared>>)
      } else {
      }
    }
    %dma_wait3A = arith.constant 0 : i32
    %dma_wait3A_18 = arith.constant 0 : i32
    %dma_wait3A_19 = tpu.memref_slice %arg10[%dma_wait3A, %dma_wait3A_18] : memref<160x128xi32, #tpu.memory_space<vmem>> -> memref<1x128xi32, #tpu.memory_space<vmem>>
    %dma_wait3A_20 = tpu.memref_squeeze %dma_wait3A_19 : memref<1x128xi32, #tpu.memory_space<vmem>> -> memref<128xi32, #tpu.memory_space<vmem>>
    %dma_wait3A_21 = arith.constant 0 : i32
    %dma_wait3A_22 = arith.constant 0 : i32
    %dma_wait3A_23 = tpu.memref_slice %arg8[%dma_wait3A_21, %dma_wait3A_22] : memref<10240x16xf32, #tpu.memory_space<vmem_shared>> -> memref<10240x16xf32, #tpu.memory_space<vmem_shared>>
    tpu.wait_indirect_dma semaphore(%arg13 : memref<!tpu.dma_semaphore, #tpu.memory_space<semaphore_mem>>) src(%arg12 : memref<128x16xf32, #tpu.memory_space<vmem>>) dst(%dma_wait3A_23 : memref<10240x16xf32, #tpu.memory_space<vmem_shared>>)
    %dma_wait3A_24 = arith.constant 0 : i32
    %dma_wait3A_25 = arith.constant 0 : i32
    %dma_wait3A_26 = tpu.memref_slice %arg11[%dma_wait3A_24, %dma_wait3A_25] : memref<160x128xi32, #tpu.memory_space<vmem>> -> memref<1x128xi32, #tpu.memory_space<vmem>>
    %dma_wait3A_27 = tpu.memref_squeeze %dma_wait3A_26 : memref<1x128xi32, #tpu.memory_space<vmem>> -> memref<128xi32, #tpu.memory_space<vmem>>
    %dma_wait3A_28 = arith.constant 0 : i32
    %dma_wait3A_29 = arith.constant 0 : i32
    %dma_wait3A_30 = tpu.memref_slice %arg9[%dma_wait3A_28, %dma_wait3A_29] : memref<10240x16xf32, #tpu.memory_space<vmem_shared>> -> memref<10240x16xf32, #tpu.memory_space<vmem_shared>>
    tpu.wait_indirect_dma semaphore(%arg14 : memref<!tpu.dma_semaphore, #tpu.memory_space<semaphore_mem>>) src(%arg12 : memref<128x16xf32, #tpu.memory_space<vmem>>) dst(%dma_wait3A_30 : memref<10240x16xf32, #tpu.memory_space<vmem_shared>>)
    %dma_wait3A_31 = arith.constant 0 : i32
    %dma_wait3A_32 = arith.constant 0 : i32
    %dma_wait3A_33 = tpu.memref_slice %arg10[%dma_wait3A_31, %dma_wait3A_32] : memref<160x128xi32, #tpu.memory_space<vmem>> -> memref<1x128xi32, #tpu.memory_space<vmem>>
    %dma_wait3A_34 = tpu.memref_squeeze %dma_wait3A_33 : memref<1x128xi32, #tpu.memory_space<vmem>> -> memref<128xi32, #tpu.memory_space<vmem>>
    %dma_wait3A_35 = arith.constant 0 : i32
    %dma_wait3A_36 = arith.constant 0 : i32
    %dma_wait3A_37 = tpu.memref_slice %arg8[%dma_wait3A_35, %dma_wait3A_36] : memref<10240x16xf32, #tpu.memory_space<vmem_shared>> -> memref<10240x16xf32, #tpu.memory_space<vmem_shared>>
    tpu.wait_indirect_dma semaphore(%arg13 : memref<!tpu.dma_semaphore, #tpu.memory_space<semaphore_mem>>) src(%arg12 : memref<128x16xf32, #tpu.memory_space<vmem>>) dst(%dma_wait3A_37 : memref<10240x16xf32, #tpu.memory_space<vmem_shared>>)
    %dma_wait3A_38 = arith.constant 0 : i32
    %dma_wait3A_39 = arith.constant 0 : i32
    %dma_wait3A_40 = tpu.memref_slice %arg11[%dma_wait3A_38, %dma_wait3A_39] : memref<160x128xi32, #tpu.memory_space<vmem>> -> memref<1x128xi32, #tpu.memory_space<vmem>>
    %dma_wait3A_41 = tpu.memref_squeeze %dma_wait3A_40 : memref<1x128xi32, #tpu.memory_space<vmem>> -> memref<128xi32, #tpu.memory_space<vmem>>
    %dma_wait3A_42 = arith.constant 0 : i32
    %dma_wait3A_43 = arith.constant 0 : i32
    %dma_wait3A_44 = tpu.memref_slice %arg9[%dma_wait3A_42, %dma_wait3A_43] : memref<10240x16xf32, #tpu.memory_space<vmem_shared>> -> memref<10240x16xf32, #tpu.memory_space<vmem_shared>>
    tpu.wait_indirect_dma semaphore(%arg14 : memref<!tpu.dma_semaphore, #tpu.memory_space<semaphore_mem>>) src(%arg12 : memref<128x16xf32, #tpu.memory_space<vmem>>) dst(%dma_wait3A_44 : memref<10240x16xf32, #tpu.memory_space<vmem_shared>>)
    %dma_wait3A_45 = arith.constant 0 : i32
    %dma_wait3A_46 = arith.constant 0 : i32
    %dma_wait3A_47 = tpu.memref_slice %arg10[%dma_wait3A_45, %dma_wait3A_46] : memref<160x128xi32, #tpu.memory_space<vmem>> -> memref<1x128xi32, #tpu.memory_space<vmem>>
    %dma_wait3A_48 = tpu.memref_squeeze %dma_wait3A_47 : memref<1x128xi32, #tpu.memory_space<vmem>> -> memref<128xi32, #tpu.memory_space<vmem>>
    %dma_wait3A_49 = arith.constant 0 : i32
    %dma_wait3A_50 = arith.constant 0 : i32
    %dma_wait3A_51 = tpu.memref_slice %arg8[%dma_wait3A_49, %dma_wait3A_50] : memref<10240x16xf32, #tpu.memory_space<vmem_shared>> -> memref<10240x16xf32, #tpu.memory_space<vmem_shared>>
    tpu.wait_indirect_dma semaphore(%arg13 : memref<!tpu.dma_semaphore, #tpu.memory_space<semaphore_mem>>) src(%arg12 : memref<128x16xf32, #tpu.memory_space<vmem>>) dst(%dma_wait3A_51 : memref<10240x16xf32, #tpu.memory_space<vmem_shared>>)
    %dma_wait3A_52 = arith.constant 0 : i32
    %dma_wait3A_53 = arith.constant 0 : i32
    %dma_wait3A_54 = tpu.memref_slice %arg11[%dma_wait3A_52, %dma_wait3A_53] : memref<160x128xi32, #tpu.memory_space<vmem>> -> memref<1x128xi32, #tpu.memory_space<vmem>>
    %dma_wait3A_55 = tpu.memref_squeeze %dma_wait3A_54 : memref<1x128xi32, #tpu.memory_space<vmem>> -> memref<128xi32, #tpu.memory_space<vmem>>
    %dma_wait3A_56 = arith.constant 0 : i32
    %dma_wait3A_57 = arith.constant 0 : i32
    %dma_wait3A_58 = tpu.memref_slice %arg9[%dma_wait3A_56, %dma_wait3A_57] : memref<10240x16xf32, #tpu.memory_space<vmem_shared>> -> memref<10240x16xf32, #tpu.memory_space<vmem_shared>>
    tpu.wait_indirect_dma semaphore(%arg14 : memref<!tpu.dma_semaphore, #tpu.memory_space<semaphore_mem>>) src(%arg12 : memref<128x16xf32, #tpu.memory_space<vmem>>) dst(%dma_wait3A_58 : memref<10240x16xf32, #tpu.memory_space<vmem_shared>>)
    %dma_wait3A_59 = arith.constant 0 : i32
    %dma_wait3A_60 = arith.constant 0 : i32
    %dma_wait3A_61 = tpu.memref_slice %arg10[%dma_wait3A_59, %dma_wait3A_60] : memref<160x128xi32, #tpu.memory_space<vmem>> -> memref<1x128xi32, #tpu.memory_space<vmem>>
    %dma_wait3A_62 = tpu.memref_squeeze %dma_wait3A_61 : memref<1x128xi32, #tpu.memory_space<vmem>> -> memref<128xi32, #tpu.memory_space<vmem>>
    %dma_wait3A_63 = arith.constant 0 : i32
    %dma_wait3A_64 = arith.constant 0 : i32
    %dma_wait3A_65 = tpu.memref_slice %arg8[%dma_wait3A_63, %dma_wait3A_64] : memref<10240x16xf32, #tpu.memory_space<vmem_shared>> -> memref<10240x16xf32, #tpu.memory_space<vmem_shared>>
    tpu.wait_indirect_dma semaphore(%arg13 : memref<!tpu.dma_semaphore, #tpu.memory_space<semaphore_mem>>) src(%arg12 : memref<128x16xf32, #tpu.memory_space<vmem>>) dst(%dma_wait3A_65 : memref<10240x16xf32, #tpu.memory_space<vmem_shared>>)
    %dma_wait3A_66 = arith.constant 0 : i32
    %dma_wait3A_67 = arith.constant 0 : i32
    %dma_wait3A_68 = tpu.memref_slice %arg11[%dma_wait3A_66, %dma_wait3A_67] : memref<160x128xi32, #tpu.memory_space<vmem>> -> memref<1x128xi32, #tpu.memory_space<vmem>>
    %dma_wait3A_69 = tpu.memref_squeeze %dma_wait3A_68 : memref<1x128xi32, #tpu.memory_space<vmem>> -> memref<128xi32, #tpu.memory_space<vmem>>
    %dma_wait3A_70 = arith.constant 0 : i32
    %dma_wait3A_71 = arith.constant 0 : i32
    %dma_wait3A_72 = tpu.memref_slice %arg9[%dma_wait3A_70, %dma_wait3A_71] : memref<10240x16xf32, #tpu.memory_space<vmem_shared>> -> memref<10240x16xf32, #tpu.memory_space<vmem_shared>>
    tpu.wait_indirect_dma semaphore(%arg14 : memref<!tpu.dma_semaphore, #tpu.memory_space<semaphore_mem>>) src(%arg12 : memref<128x16xf32, #tpu.memory_space<vmem>>) dst(%dma_wait3A_72 : memref<10240x16xf32, #tpu.memory_space<vmem_shared>>)
    %dma_wait3A_73 = arith.constant 0 : i32
    %dma_wait3A_74 = arith.constant 0 : i32
    %dma_wait3A_75 = tpu.memref_slice %arg10[%dma_wait3A_73, %dma_wait3A_74] : memref<160x128xi32, #tpu.memory_space<vmem>> -> memref<1x128xi32, #tpu.memory_space<vmem>>
    %dma_wait3A_76 = tpu.memref_squeeze %dma_wait3A_75 : memref<1x128xi32, #tpu.memory_space<vmem>> -> memref<128xi32, #tpu.memory_space<vmem>>
    %dma_wait3A_77 = arith.constant 0 : i32
    %dma_wait3A_78 = arith.constant 0 : i32
    %dma_wait3A_79 = tpu.memref_slice %arg8[%dma_wait3A_77, %dma_wait3A_78] : memref<10240x16xf32, #tpu.memory_space<vmem_shared>> -> memref<10240x16xf32, #tpu.memory_space<vmem_shared>>
    tpu.wait_indirect_dma semaphore(%arg13 : memref<!tpu.dma_semaphore, #tpu.memory_space<semaphore_mem>>) src(%arg12 : memref<128x16xf32, #tpu.memory_space<vmem>>) dst(%dma_wait3A_79 : memref<10240x16xf32, #tpu.memory_space<vmem_shared>>)
    %dma_wait3A_80 = arith.constant 0 : i32
    %dma_wait3A_81 = arith.constant 0 : i32
    %dma_wait3A_82 = tpu.memref_slice %arg11[%dma_wait3A_80, %dma_wait3A_81] : memref<160x128xi32, #tpu.memory_space<vmem>> -> memref<1x128xi32, #tpu.memory_space<vmem>>
    %dma_wait3A_83 = tpu.memref_squeeze %dma_wait3A_82 : memref<1x128xi32, #tpu.memory_space<vmem>> -> memref<128xi32, #tpu.memory_space<vmem>>
    %dma_wait3A_84 = arith.constant 0 : i32
    %dma_wait3A_85 = arith.constant 0 : i32
    %dma_wait3A_86 = tpu.memref_slice %arg9[%dma_wait3A_84, %dma_wait3A_85] : memref<10240x16xf32, #tpu.memory_space<vmem_shared>> -> memref<10240x16xf32, #tpu.memory_space<vmem_shared>>
    tpu.wait_indirect_dma semaphore(%arg14 : memref<!tpu.dma_semaphore, #tpu.memory_space<semaphore_mem>>) src(%arg12 : memref<128x16xf32, #tpu.memory_space<vmem>>) dst(%dma_wait3A_86 : memref<10240x16xf32, #tpu.memory_space<vmem_shared>>)
    %dma_wait3A_87 = arith.constant 0 : i32
    %dma_wait3A_88 = arith.constant 0 : i32
    %dma_wait3A_89 = tpu.memref_slice %arg10[%dma_wait3A_87, %dma_wait3A_88] : memref<160x128xi32, #tpu.memory_space<vmem>> -> memref<1x128xi32, #tpu.memory_space<vmem>>
    %dma_wait3A_90 = tpu.memref_squeeze %dma_wait3A_89 : memref<1x128xi32, #tpu.memory_space<vmem>> -> memref<128xi32, #tpu.memory_space<vmem>>
    %dma_wait3A_91 = arith.constant 0 : i32
    %dma_wait3A_92 = arith.constant 0 : i32
    %dma_wait3A_93 = tpu.memref_slice %arg8[%dma_wait3A_91, %dma_wait3A_92] : memref<10240x16xf32, #tpu.memory_space<vmem_shared>> -> memref<10240x16xf32, #tpu.memory_space<vmem_shared>>
    tpu.wait_indirect_dma semaphore(%arg13 : memref<!tpu.dma_semaphore, #tpu.memory_space<semaphore_mem>>) src(%arg12 : memref<128x16xf32, #tpu.memory_space<vmem>>) dst(%dma_wait3A_93 : memref<10240x16xf32, #tpu.memory_space<vmem_shared>>)
    %dma_wait3A_94 = arith.constant 0 : i32
    %dma_wait3A_95 = arith.constant 0 : i32
    %dma_wait3A_96 = tpu.memref_slice %arg11[%dma_wait3A_94, %dma_wait3A_95] : memref<160x128xi32, #tpu.memory_space<vmem>> -> memref<1x128xi32, #tpu.memory_space<vmem>>
    %dma_wait3A_97 = tpu.memref_squeeze %dma_wait3A_96 : memref<1x128xi32, #tpu.memory_space<vmem>> -> memref<128xi32, #tpu.memory_space<vmem>>
    %dma_wait3A_98 = arith.constant 0 : i32
    %dma_wait3A_99 = arith.constant 0 : i32
    %dma_wait3A_100 = tpu.memref_slice %arg9[%dma_wait3A_98, %dma_wait3A_99] : memref<10240x16xf32, #tpu.memory_space<vmem_shared>> -> memref<10240x16xf32, #tpu.memory_space<vmem_shared>>
    tpu.wait_indirect_dma semaphore(%arg14 : memref<!tpu.dma_semaphore, #tpu.memory_space<semaphore_mem>>) src(%arg12 : memref<128x16xf32, #tpu.memory_space<vmem>>) dst(%dma_wait3A_100 : memref<10240x16xf32, #tpu.memory_space<vmem_shared>>)
    %dma_wait3A_101 = arith.constant 0 : i32
    %dma_wait3A_102 = arith.constant 0 : i32
    %dma_wait3A_103 = tpu.memref_slice %arg10[%dma_wait3A_101, %dma_wait3A_102] : memref<160x128xi32, #tpu.memory_space<vmem>> -> memref<1x128xi32, #tpu.memory_space<vmem>>
    %dma_wait3A_104 = tpu.memref_squeeze %dma_wait3A_103 : memref<1x128xi32, #tpu.memory_space<vmem>> -> memref<128xi32, #tpu.memory_space<vmem>>
    %dma_wait3A_105 = arith.constant 0 : i32
    %dma_wait3A_106 = arith.constant 0 : i32
    %dma_wait3A_107 = tpu.memref_slice %arg8[%dma_wait3A_105, %dma_wait3A_106] : memref<10240x16xf32, #tpu.memory_space<vmem_shared>> -> memref<10240x16xf32, #tpu.memory_space<vmem_shared>>
    tpu.wait_indirect_dma semaphore(%arg13 : memref<!tpu.dma_semaphore, #tpu.memory_space<semaphore_mem>>) src(%arg12 : memref<128x16xf32, #tpu.memory_space<vmem>>) dst(%dma_wait3A_107 : memref<10240x16xf32, #tpu.memory_space<vmem_shared>>)
    %dma_wait3A_108 = arith.constant 0 : i32
    %dma_wait3A_109 = arith.constant 0 : i32
    %dma_wait3A_110 = tpu.memref_slice %arg11[%dma_wait3A_108, %dma_wait3A_109] : memref<160x128xi32, #tpu.memory_space<vmem>> -> memref<1x128xi32, #tpu.memory_space<vmem>>
    %dma_wait3A_111 = tpu.memref_squeeze %dma_wait3A_110 : memref<1x128xi32, #tpu.memory_space<vmem>> -> memref<128xi32, #tpu.memory_space<vmem>>
    %dma_wait3A_112 = arith.constant 0 : i32
    %dma_wait3A_113 = arith.constant 0 : i32
    %dma_wait3A_114 = tpu.memref_slice %arg9[%dma_wait3A_112, %dma_wait3A_113] : memref<10240x16xf32, #tpu.memory_space<vmem_shared>> -> memref<10240x16xf32, #tpu.memory_space<vmem_shared>>
    tpu.wait_indirect_dma semaphore(%arg14 : memref<!tpu.dma_semaphore, #tpu.memory_space<semaphore_mem>>) src(%arg12 : memref<128x16xf32, #tpu.memory_space<vmem>>) dst(%dma_wait3A_114 : memref<10240x16xf32, #tpu.memory_space<vmem_shared>>)
    %dma_wait3A_115 = arith.constant 0 : i32
    %dma_wait3A_116 = arith.constant 0 : i32
    %dma_wait3A_117 = tpu.memref_slice %arg10[%dma_wait3A_115, %dma_wait3A_116] : memref<160x128xi32, #tpu.memory_space<vmem>> -> memref<1x128xi32, #tpu.memory_space<vmem>>
    %dma_wait3A_118 = tpu.memref_squeeze %dma_wait3A_117 : memref<1x128xi32, #tpu.memory_space<vmem>> -> memref<128xi32, #tpu.memory_space<vmem>>
    %dma_wait3A_119 = arith.constant 0 : i32
    %dma_wait3A_120 = arith.constant 0 : i32
    %dma_wait3A_121 = tpu.memref_slice %arg8[%dma_wait3A_119, %dma_wait3A_120] : memref<10240x16xf32, #tpu.memory_space<vmem_shared>> -> memref<10240x16xf32, #tpu.memory_space<vmem_shared>>
    tpu.wait_indirect_dma semaphore(%arg13 : memref<!tpu.dma_semaphore, #tpu.memory_space<semaphore_mem>>) src(%arg12 : memref<128x16xf32, #tpu.memory_space<vmem>>) dst(%dma_wait3A_121 : memref<10240x16xf32, #tpu.memory_space<vmem_shared>>)
    %dma_wait3A_122 = arith.constant 0 : i32
    %dma_wait3A_123 = arith.constant 0 : i32
    %dma_wait3A_124 = tpu.memref_slice %arg11[%dma_wait3A_122, %dma_wait3A_123] : memref<160x128xi32, #tpu.memory_space<vmem>> -> memref<1x128xi32, #tpu.memory_space<vmem>>
    %dma_wait3A_125 = tpu.memref_squeeze %dma_wait3A_124 : memref<1x128xi32, #tpu.memory_space<vmem>> -> memref<128xi32, #tpu.memory_space<vmem>>
    %dma_wait3A_126 = arith.constant 0 : i32
    %dma_wait3A_127 = arith.constant 0 : i32
    %dma_wait3A_128 = tpu.memref_slice %arg9[%dma_wait3A_126, %dma_wait3A_127] : memref<10240x16xf32, #tpu.memory_space<vmem_shared>> -> memref<10240x16xf32, #tpu.memory_space<vmem_shared>>
    tpu.wait_indirect_dma semaphore(%arg14 : memref<!tpu.dma_semaphore, #tpu.memory_space<semaphore_mem>>) src(%arg12 : memref<128x16xf32, #tpu.memory_space<vmem>>) dst(%dma_wait3A_128 : memref<10240x16xf32, #tpu.memory_space<vmem_shared>>)
    %barrier3A_129 = arith.constant 0 : index
    tpu.barrier barrier_id(%barrier3A_129)
    "tpu.region"() ({
      %run_scoped3A = tpu.sem_alloc : memref<!tpu.dma_semaphore, #tpu.memory_space<semaphore_mem>>
      %dma_start3A = arith.constant 0 : i32
      %dma_start3A_130 = tpu.memref_slice %arg6[%arg0, %mul3A_0, %dma_start3A] : memref<2x10240x16xf32, #tpu.memory_space<hbm>> -> memref<1x640x16xf32, #tpu.memory_space<hbm>>
      %dma_start3A_131 = tpu.memref_squeeze %dma_start3A_130 : memref<1x640x16xf32, #tpu.memory_space<hbm>> -> memref<640x16xf32, #tpu.memory_space<hbm>>
      %dma_start3A_132 = arith.constant 0 : i32
      %dma_start3A_133 = tpu.memref_slice %arg8[%mul3A_0, %dma_start3A_132] : memref<10240x16xf32, #tpu.memory_space<vmem_shared>> -> memref<640x16xf32, #tpu.memory_space<vmem_shared>>
      tpu.enqueue_dma source(%dma_start3A_133 : memref<640x16xf32, #tpu.memory_space<vmem_shared>>) target(%dma_start3A_131 : memref<640x16xf32, #tpu.memory_space<hbm>>) target_semaphore(%run_scoped3A : memref<!tpu.dma_semaphore, #tpu.memory_space<semaphore_mem>>)
      %dma_wait3A_134 = arith.constant 0 : i32
      %dma_wait3A_135 = tpu.memref_slice %arg6[%arg0, %mul3A_0, %dma_wait3A_134] : memref<2x10240x16xf32, #tpu.memory_space<hbm>> -> memref<1x640x16xf32, #tpu.memory_space<hbm>>
      %dma_wait3A_136 = tpu.memref_squeeze %dma_wait3A_135 : memref<1x640x16xf32, #tpu.memory_space<hbm>> -> memref<640x16xf32, #tpu.memory_space<hbm>>
      %dma_wait3A_137 = arith.constant 0 : i32
      %dma_wait3A_138 = tpu.memref_slice %arg8[%mul3A_0, %dma_wait3A_137] : memref<10240x16xf32, #tpu.memory_space<vmem_shared>> -> memref<640x16xf32, #tpu.memory_space<vmem_shared>>
      tpu.wait_dma2 semaphore(%run_scoped3A : memref<!tpu.dma_semaphore, #tpu.memory_space<semaphore_mem>>) src(%dma_wait3A_138 : memref<640x16xf32, #tpu.memory_space<vmem_shared>>) dst(%dma_wait3A_136 : memref<640x16xf32, #tpu.memory_space<hbm>>)
      tpu.yield
    }) : () -> ()
    "tpu.region"() ({
      %run_scoped3A = tpu.sem_alloc : memref<!tpu.dma_semaphore, #tpu.memory_space<semaphore_mem>>
      %dma_start3A = arith.constant 0 : i32
      %dma_start3A_130 = tpu.memref_slice %arg7[%arg0, %mul3A_0, %dma_start3A] : memref<2x10240x16xf32, #tpu.memory_space<hbm>> -> memref<1x640x16xf32, #tpu.memory_space<hbm>>
      %dma_start3A_131 = tpu.memref_squeeze %dma_start3A_130 : memref<1x640x16xf32, #tpu.memory_space<hbm>> -> memref<640x16xf32, #tpu.memory_space<hbm>>
      %dma_start3A_132 = arith.constant 0 : i32
      %dma_start3A_133 = tpu.memref_slice %arg9[%mul3A_0, %dma_start3A_132] : memref<10240x16xf32, #tpu.memory_space<vmem_shared>> -> memref<640x16xf32, #tpu.memory_space<vmem_shared>>
      tpu.enqueue_dma source(%dma_start3A_133 : memref<640x16xf32, #tpu.memory_space<vmem_shared>>) target(%dma_start3A_131 : memref<640x16xf32, #tpu.memory_space<hbm>>) target_semaphore(%run_scoped3A : memref<!tpu.dma_semaphore, #tpu.memory_space<semaphore_mem>>)
      %dma_wait3A_134 = arith.constant 0 : i32
      %dma_wait3A_135 = tpu.memref_slice %arg7[%arg0, %mul3A_0, %dma_wait3A_134] : memref<2x10240x16xf32, #tpu.memory_space<hbm>> -> memref<1x640x16xf32, #tpu.memory_space<hbm>>
      %dma_wait3A_136 = tpu.memref_squeeze %dma_wait3A_135 : memref<1x640x16xf32, #tpu.memory_space<hbm>> -> memref<640x16xf32, #tpu.memory_space<hbm>>
      %dma_wait3A_137 = arith.constant 0 : i32
      %dma_wait3A_138 = tpu.memref_slice %arg9[%mul3A_0, %dma_wait3A_137] : memref<10240x16xf32, #tpu.memory_space<vmem_shared>> -> memref<640x16xf32, #tpu.memory_space<vmem_shared>>
      tpu.wait_dma2 semaphore(%run_scoped3A : memref<!tpu.dma_semaphore, #tpu.memory_space<semaphore_mem>>) src(%dma_wait3A_138 : memref<640x16xf32, #tpu.memory_space<vmem_shared>>) dst(%dma_wait3A_136 : memref<640x16xf32, #tpu.memory_space<hbm>>)
      tpu.yield
    }) : () -> ()
    return
  }
}

#map = affine_map<(d0, d1) -> (0, 0)>
#map1 = affine_map<(d0, d1) -> (0, 0, 0, 0)>
#map2 = affine_map<(d0, d1) -> (0, 0, 0)>
module attributes {stable_mosaic.version = 14 : i64} {
  func.func @_agg_body(%arg0: i32, %arg1: i32, %arg2: memref<10000x128xf32, #tpu.memory_space<hbm>>, %arg3: memref<16x8x40x64xi32, #tpu.memory_space<hbm>>, %arg4: memref<16x8x40x64xi32, #tpu.memory_space<hbm>>, %arg5: memref<10240x128xf32, #tpu.memory_space<hbm>>, %arg6: memref<2x10240x128xf32, #tpu.memory_space<hbm>>, %arg7: memref<10240x128xf32, #tpu.memory_space<vmem_shared>>, %arg8: memref<40x64xi32, #tpu.memory_space<vmem>>, %arg9: memref<40x64xi32, #tpu.memory_space<vmem>>, %arg10: memref<64x128xf32, #tpu.memory_space<vmem>>, %arg11: memref<64x128xf32, #tpu.memory_space<vmem>>, %arg12: memref<64x128xf32, #tpu.memory_space<vmem>>, %arg13: memref<64x128xf32, #tpu.memory_space<vmem>>, %arg14: memref<!tpu.dma_semaphore, #tpu.memory_space<semaphore_mem>>, %arg15: memref<!tpu.dma_semaphore, #tpu.memory_space<semaphore_mem>>, %arg16: memref<!tpu.dma_semaphore, #tpu.memory_space<semaphore_mem>>, %arg17: memref<!tpu.dma_semaphore, #tpu.memory_space<semaphore_mem>>, %arg18: memref<!tpu.dma_semaphore, #tpu.memory_space<semaphore_mem>>, %arg19: memref<!tpu.dma_semaphore, #tpu.memory_space<semaphore_mem>>, %arg20: memref<!tpu.dma_semaphore, #tpu.memory_space<semaphore_mem>>, %arg21: memref<!tpu.dma_semaphore, #tpu.memory_space<semaphore_mem>>) attributes {dimension_semantics = [#tpu.dimension_semantics<core_parallel>, #tpu.dimension_semantics<subcore_parallel>], iteration_bounds = array<i64: 2, 16>, scalar_prefetch = 0 : i64, scratch_operands = 15 : i64, tpu.core_type = #tpu.core_type<sc_vector_subcore>, window_params = [{transform_indices = #map}, {transform_indices = #map1}, {transform_indices = #map1}, {transform_indices = #map}, {transform_indices = #map2}]} {
    %mul3A = arith.constant 640 : i32
    %mul3A_0 = arith.muli %arg1, %mul3A : i32
    "tpu.region"() ({
      %run_scoped3A = tpu.sem_alloc : memref<!tpu.dma_semaphore, #tpu.memory_space<semaphore_mem>>
      %dma_start3A = arith.constant 0 : i32
      %dma_start3A_21 = tpu.memref_slice %arg7[%mul3A_0, %dma_start3A] : memref<10240x128xf32, #tpu.memory_space<vmem_shared>> -> memref<640x128xf32, #tpu.memory_space<vmem_shared>>
      %dma_start3A_22 = arith.constant 0 : i32
      %dma_start3A_23 = tpu.memref_slice %arg5[%mul3A_0, %dma_start3A_22] : memref<10240x128xf32, #tpu.memory_space<hbm>> -> memref<640x128xf32, #tpu.memory_space<hbm>>
      tpu.enqueue_dma source(%dma_start3A_23 : memref<640x128xf32, #tpu.memory_space<hbm>>) target(%dma_start3A_21 : memref<640x128xf32, #tpu.memory_space<vmem_shared>>) target_semaphore(%run_scoped3A : memref<!tpu.dma_semaphore, #tpu.memory_space<semaphore_mem>>)
      %dma_wait3A = arith.constant 0 : i32
      %dma_wait3A_24 = tpu.memref_slice %arg7[%mul3A_0, %dma_wait3A] : memref<10240x128xf32, #tpu.memory_space<vmem_shared>> -> memref<640x128xf32, #tpu.memory_space<vmem_shared>>
      %dma_wait3A_25 = arith.constant 0 : i32
      %dma_wait3A_26 = tpu.memref_slice %arg5[%mul3A_0, %dma_wait3A_25] : memref<10240x128xf32, #tpu.memory_space<hbm>> -> memref<640x128xf32, #tpu.memory_space<hbm>>
      tpu.wait_dma2 semaphore(%run_scoped3A : memref<!tpu.dma_semaphore, #tpu.memory_space<semaphore_mem>>) src(%dma_wait3A_26 : memref<640x128xf32, #tpu.memory_space<hbm>>) dst(%dma_wait3A_24 : memref<640x128xf32, #tpu.memory_space<vmem_shared>>)
      tpu.yield
    }) : () -> ()
    %barrier3A = arith.constant 0 : index
    tpu.barrier barrier_id(%barrier3A)
    %mul3A_1 = arith.constant 4 : i32
    %mul3A_2 = arith.muli %arg0, %mul3A_1 : i32
    %mul3A_3 = arith.constant 4 : i32
    %mul3A_4 = arith.muli %arg0, %mul3A_3 : i32
    %add3A = arith.constant 4 : i32
    %add3A_5 = arith.addi %add3A, %mul3A_4 : i32
    %sub3A = arith.subi %add3A_5, %mul3A_2 : i32
    %sub3A_6 = arith.constant 1 : i32
    %sub3A_7 = arith.constant 1 : i32
    %sub3A_8 = arith.subi %sub3A_6, %sub3A_7 : i32
    %add3A_9 = arith.addi %sub3A, %sub3A_8 : i32
    %div3A = arith.constant 1 : i32
    %div3A_10 = arith.divsi %add3A_9, %div3A : i32
    %while3A = arith.constant 1 : i32
    %while3A_11 = arith.constant 0 : i32
    %while3A_12 = arith.subi %div3A_10, %while3A_11 : i32
    %while3A_13 = arith.addi %while3A_11, %while3A_12 : i32
    %while3A_14 = arith.constant 1 : i32
    %while3A_15 = arith.divsi %while3A_12, %while3A_14 : i32
    %while3A_16 = arith.muli %while3A_15, %while3A_14 : i32
    %while3A_17 = arith.addi %while3A_11, %while3A_16 : i32
    %while3A_18 = arith.constant 1 : i32
    scf.for %while3A_21 = %while3A_11 to %while3A_17 step %while3A_18  : i32 {
      %mul3A_22 = arith.muli %while3A_21, %while3A : i32
      %add3A_23 = arith.addi %mul3A_2, %mul3A_22 : i32
      "tpu.region"() ({
        %run_scoped3A = tpu.sem_alloc : memref<!tpu.dma_semaphore, #tpu.memory_space<semaphore_mem>>
        %dma_start3A_54 = arith.constant 0 : i32
        %dma_start3A_55 = arith.constant 0 : i32
        %dma_start3A_56 = tpu.memref_slice %arg3[%arg1, %add3A_23, %dma_start3A_54, %dma_start3A_55] : memref<16x8x40x64xi32, #tpu.memory_space<hbm>> -> memref<1x1x40x64xi32, #tpu.memory_space<hbm>>
        %dma_start3A_57 = tpu.memref_squeeze %dma_start3A_56 : memref<1x1x40x64xi32, #tpu.memory_space<hbm>> -> memref<40x64xi32, #tpu.memory_space<hbm>>
        %dma_start3A_58 = arith.constant 0 : i32
        %dma_start3A_59 = arith.constant 0 : i32
        %dma_start3A_60 = tpu.memref_slice %arg3[%arg1, %add3A_23, %dma_start3A_58, %dma_start3A_59] : memref<16x8x40x64xi32, #tpu.memory_space<hbm>> -> memref<1x1x40x64xi32, #tpu.memory_space<hbm>>
        %dma_start3A_61 = tpu.memref_squeeze %dma_start3A_60 : memref<1x1x40x64xi32, #tpu.memory_space<hbm>> -> memref<40x64xi32, #tpu.memory_space<hbm>>
        tpu.enqueue_dma source(%dma_start3A_61 : memref<40x64xi32, #tpu.memory_space<hbm>>) target(%arg8 : memref<40x64xi32, #tpu.memory_space<vmem>>) target_semaphore(%run_scoped3A : memref<!tpu.dma_semaphore, #tpu.memory_space<semaphore_mem>>)
        %dma_wait3A_62 = arith.constant 0 : i32
        %dma_wait3A_63 = arith.constant 0 : i32
        %dma_wait3A_64 = tpu.memref_slice %arg3[%arg1, %add3A_23, %dma_wait3A_62, %dma_wait3A_63] : memref<16x8x40x64xi32, #tpu.memory_space<hbm>> -> memref<1x1x40x64xi32, #tpu.memory_space<hbm>>
        %dma_wait3A_65 = tpu.memref_squeeze %dma_wait3A_64 : memref<1x1x40x64xi32, #tpu.memory_space<hbm>> -> memref<40x64xi32, #tpu.memory_space<hbm>>
        %dma_wait3A_66 = arith.constant 0 : i32
        %dma_wait3A_67 = arith.constant 0 : i32
        %dma_wait3A_68 = tpu.memref_slice %arg3[%arg1, %add3A_23, %dma_wait3A_66, %dma_wait3A_67] : memref<16x8x40x64xi32, #tpu.memory_space<hbm>> -> memref<1x1x40x64xi32, #tpu.memory_space<hbm>>
        %dma_wait3A_69 = tpu.memref_squeeze %dma_wait3A_68 : memref<1x1x40x64xi32, #tpu.memory_space<hbm>> -> memref<40x64xi32, #tpu.memory_space<hbm>>
        tpu.wait_dma2 semaphore(%run_scoped3A : memref<!tpu.dma_semaphore, #tpu.memory_space<semaphore_mem>>) src(%dma_wait3A_69 : memref<40x64xi32, #tpu.memory_space<hbm>>) dst(%arg8 : memref<40x64xi32, #tpu.memory_space<vmem>>)
        tpu.yield
      }) : () -> ()
      "tpu.region"() ({
        %run_scoped3A = tpu.sem_alloc : memref<!tpu.dma_semaphore, #tpu.memory_space<semaphore_mem>>
        %dma_start3A_54 = arith.constant 0 : i32
        %dma_start3A_55 = arith.constant 0 : i32
        %dma_start3A_56 = tpu.memref_slice %arg4[%arg1, %add3A_23, %dma_start3A_54, %dma_start3A_55] : memref<16x8x40x64xi32, #tpu.memory_space<hbm>> -> memref<1x1x40x64xi32, #tpu.memory_space<hbm>>
        %dma_start3A_57 = tpu.memref_squeeze %dma_start3A_56 : memref<1x1x40x64xi32, #tpu.memory_space<hbm>> -> memref<40x64xi32, #tpu.memory_space<hbm>>
        %dma_start3A_58 = arith.constant 0 : i32
        %dma_start3A_59 = arith.constant 0 : i32
        %dma_start3A_60 = tpu.memref_slice %arg4[%arg1, %add3A_23, %dma_start3A_58, %dma_start3A_59] : memref<16x8x40x64xi32, #tpu.memory_space<hbm>> -> memref<1x1x40x64xi32, #tpu.memory_space<hbm>>
        %dma_start3A_61 = tpu.memref_squeeze %dma_start3A_60 : memref<1x1x40x64xi32, #tpu.memory_space<hbm>> -> memref<40x64xi32, #tpu.memory_space<hbm>>
        tpu.enqueue_dma source(%dma_start3A_61 : memref<40x64xi32, #tpu.memory_space<hbm>>) target(%arg9 : memref<40x64xi32, #tpu.memory_space<vmem>>) target_semaphore(%run_scoped3A : memref<!tpu.dma_semaphore, #tpu.memory_space<semaphore_mem>>)
        %dma_wait3A_62 = arith.constant 0 : i32
        %dma_wait3A_63 = arith.constant 0 : i32
        %dma_wait3A_64 = tpu.memref_slice %arg4[%arg1, %add3A_23, %dma_wait3A_62, %dma_wait3A_63] : memref<16x8x40x64xi32, #tpu.memory_space<hbm>> -> memref<1x1x40x64xi32, #tpu.memory_space<hbm>>
        %dma_wait3A_65 = tpu.memref_squeeze %dma_wait3A_64 : memref<1x1x40x64xi32, #tpu.memory_space<hbm>> -> memref<40x64xi32, #tpu.memory_space<hbm>>
        %dma_wait3A_66 = arith.constant 0 : i32
        %dma_wait3A_67 = arith.constant 0 : i32
        %dma_wait3A_68 = tpu.memref_slice %arg4[%arg1, %add3A_23, %dma_wait3A_66, %dma_wait3A_67] : memref<16x8x40x64xi32, #tpu.memory_space<hbm>> -> memref<1x1x40x64xi32, #tpu.memory_space<hbm>>
        %dma_wait3A_69 = tpu.memref_squeeze %dma_wait3A_68 : memref<1x1x40x64xi32, #tpu.memory_space<hbm>> -> memref<40x64xi32, #tpu.memory_space<hbm>>
        tpu.wait_dma2 semaphore(%run_scoped3A : memref<!tpu.dma_semaphore, #tpu.memory_space<semaphore_mem>>) src(%dma_wait3A_69 : memref<40x64xi32, #tpu.memory_space<hbm>>) dst(%arg9 : memref<40x64xi32, #tpu.memory_space<vmem>>)
        tpu.yield
      }) : () -> ()
      %dma_start3A = arith.constant 0 : i32
      %dma_start3A_24 = arith.constant 0 : i32
      %dma_start3A_25 = tpu.memref_slice %arg8[%dma_start3A, %dma_start3A_24] : memref<40x64xi32, #tpu.memory_space<vmem>> -> memref<1x64xi32, #tpu.memory_space<vmem>>
      %dma_start3A_26 = tpu.memref_squeeze %dma_start3A_25 : memref<1x64xi32, #tpu.memory_space<vmem>> -> memref<64xi32, #tpu.memory_space<vmem>>
      %dma_start3A_27 = arith.constant 0 : i32
      %dma_start3A_28 = arith.constant 0 : i32
      %dma_start3A_29 = tpu.memref_slice %arg2[%dma_start3A_27, %dma_start3A_28] : memref<10000x128xf32, #tpu.memory_space<hbm>> -> memref<10000x128xf32, #tpu.memory_space<hbm>>
      tpu.enqueue_indirect_dma source(%dma_start3A_29 : memref<10000x128xf32, #tpu.memory_space<hbm>>) target(%arg10 : memref<64x128xf32, #tpu.memory_space<vmem>>) offsets(%dma_start3A_26 : memref<64xi32, #tpu.memory_space<vmem>>) semaphore(%arg14 : memref<!tpu.dma_semaphore, #tpu.memory_space<semaphore_mem>>)
      %dma_start3A_30 = arith.constant 1 : i32
      %dma_start3A_31 = arith.constant 0 : i32
      %dma_start3A_32 = tpu.memref_slice %arg8[%dma_start3A_30, %dma_start3A_31] : memref<40x64xi32, #tpu.memory_space<vmem>> -> memref<1x64xi32, #tpu.memory_space<vmem>>
      %dma_start3A_33 = tpu.memref_squeeze %dma_start3A_32 : memref<1x64xi32, #tpu.memory_space<vmem>> -> memref<64xi32, #tpu.memory_space<vmem>>
      %dma_start3A_34 = arith.constant 0 : i32
      %dma_start3A_35 = arith.constant 0 : i32
      %dma_start3A_36 = tpu.memref_slice %arg2[%dma_start3A_34, %dma_start3A_35] : memref<10000x128xf32, #tpu.memory_space<hbm>> -> memref<10000x128xf32, #tpu.memory_space<hbm>>
      tpu.enqueue_indirect_dma source(%dma_start3A_36 : memref<10000x128xf32, #tpu.memory_space<hbm>>) target(%arg11 : memref<64x128xf32, #tpu.memory_space<vmem>>) offsets(%dma_start3A_33 : memref<64xi32, #tpu.memory_space<vmem>>) semaphore(%arg15 : memref<!tpu.dma_semaphore, #tpu.memory_space<semaphore_mem>>)
      %scan3A = arith.constant 0 : i32
      %scan3A_37 = arith.constant 10 : i32
      %scan3A_38 = arith.addi %scan3A, %scan3A_37 : i32
      %scan3A_39 = arith.constant 1 : i32
      scf.for %scan3A_54 = %scan3A to %scan3A_38 step %scan3A_39  : i32 {
        %mul3A_55 = arith.constant 4 : i32
        %mul3A_56 = arith.muli %scan3A_54, %mul3A_55 : i32
        %add3A_57 = arith.constant 0 : i32
        %add3A_58 = arith.addi %add3A_57, %mul3A_56 : i32
        %add3A_59 = arith.constant 0 : i32
        %add3A_60 = arith.addi %add3A_58, %add3A_59 : i32
        %dma_wait3A_61 = arith.constant 0 : i32
        %dma_wait3A_62 = tpu.memref_slice %arg8[%add3A_60, %dma_wait3A_61] : memref<40x64xi32, #tpu.memory_space<vmem>> -> memref<1x64xi32, #tpu.memory_space<vmem>>
        %dma_wait3A_63 = tpu.memref_squeeze %dma_wait3A_62 : memref<1x64xi32, #tpu.memory_space<vmem>> -> memref<64xi32, #tpu.memory_space<vmem>>
        %dma_wait3A_64 = arith.constant 0 : i32
        %dma_wait3A_65 = arith.constant 0 : i32
        %dma_wait3A_66 = tpu.memref_slice %arg2[%dma_wait3A_64, %dma_wait3A_65] : memref<10000x128xf32, #tpu.memory_space<hbm>> -> memref<10000x128xf32, #tpu.memory_space<hbm>>
        tpu.wait_indirect_dma semaphore(%arg14 : memref<!tpu.dma_semaphore, #tpu.memory_space<semaphore_mem>>) src(%dma_wait3A_66 : memref<10000x128xf32, #tpu.memory_space<hbm>>) dst(%arg10 : memref<64x128xf32, #tpu.memory_space<vmem>>)
        %dma_start3A_67 = arith.constant 0 : i32
        %dma_start3A_68 = tpu.memref_slice %arg9[%add3A_60, %dma_start3A_67] : memref<40x64xi32, #tpu.memory_space<vmem>> -> memref<1x64xi32, #tpu.memory_space<vmem>>
        %dma_start3A_69 = tpu.memref_squeeze %dma_start3A_68 : memref<1x64xi32, #tpu.memory_space<vmem>> -> memref<64xi32, #tpu.memory_space<vmem>>
        %dma_start3A_70 = arith.constant 0 : i32
        %dma_start3A_71 = arith.constant 0 : i32
        %dma_start3A_72 = tpu.memref_slice %arg7[%dma_start3A_70, %dma_start3A_71] : memref<10240x128xf32, #tpu.memory_space<vmem_shared>> -> memref<10240x128xf32, #tpu.memory_space<vmem_shared>>
        tpu.enqueue_indirect_dma source(%arg10 : memref<64x128xf32, #tpu.memory_space<vmem>>) target(%dma_start3A_72 : memref<10240x128xf32, #tpu.memory_space<vmem_shared>>) offsets(%dma_start3A_69 : memref<64xi32, #tpu.memory_space<vmem>>) semaphore(%arg18 : memref<!tpu.dma_semaphore, #tpu.memory_space<semaphore_mem>>) {add = true}
        %ge3A = arith.constant 2 : i32
        %ge3A_73 = arith.cmpi sge, %add3A_60, %ge3A : i32
        %convert_element_type3A = arith.extui %ge3A_73 : i1 to i32
        %cond3A = arith.constant 0 : i32
        %cond3A_74 = arith.cmpi ne, %convert_element_type3A, %cond3A : i32
        scf.if %cond3A_74 {
          %dma_wait3A_159 = arith.constant 0 : i32
          %dma_wait3A_160 = arith.constant 0 : i32
          %dma_wait3A_161 = tpu.memref_slice %arg9[%dma_wait3A_159, %dma_wait3A_160] : memref<40x64xi32, #tpu.memory_space<vmem>> -> memref<1x64xi32, #tpu.memory_space<vmem>>
          %dma_wait3A_162 = tpu.memref_squeeze %dma_wait3A_161 : memref<1x64xi32, #tpu.memory_space<vmem>> -> memref<64xi32, #tpu.memory_space<vmem>>
          %dma_wait3A_163 = arith.constant 0 : i32
          %dma_wait3A_164 = arith.constant 0 : i32
          %dma_wait3A_165 = tpu.memref_slice %arg7[%dma_wait3A_163, %dma_wait3A_164] : memref<10240x128xf32, #tpu.memory_space<vmem_shared>> -> memref<10240x128xf32, #tpu.memory_space<vmem_shared>>
          tpu.wait_indirect_dma semaphore(%arg20 : memref<!tpu.dma_semaphore, #tpu.memory_space<semaphore_mem>>) src(%arg12 : memref<64x128xf32, #tpu.memory_space<vmem>>) dst(%dma_wait3A_165 : memref<10240x128xf32, #tpu.memory_space<vmem_shared>>)
        } else {
        }
        %add3A_75 = arith.constant 2 : i32
        %add3A_76 = arith.addi %add3A_60, %add3A_75 : i32
        %lt3A = arith.constant 40 : i32
        %lt3A_77 = arith.cmpi slt, %add3A_76, %lt3A : i32
        %convert_element_type3A_78 = arith.extui %lt3A_77 : i1 to i32
        %cond3A_79 = arith.constant 0 : i32
        %cond3A_80 = arith.cmpi ne, %convert_element_type3A_78, %cond3A_79 : i32
        scf.if %cond3A_80 {
          %add3A_159 = arith.constant 2 : i32
          %add3A_160 = arith.addi %add3A_60, %add3A_159 : i32
          %dma_start3A_161 = arith.constant 0 : i32
          %dma_start3A_162 = tpu.memref_slice %arg8[%add3A_160, %dma_start3A_161] : memref<40x64xi32, #tpu.memory_space<vmem>> -> memref<1x64xi32, #tpu.memory_space<vmem>>
          %dma_start3A_163 = tpu.memref_squeeze %dma_start3A_162 : memref<1x64xi32, #tpu.memory_space<vmem>> -> memref<64xi32, #tpu.memory_space<vmem>>
          %dma_start3A_164 = arith.constant 0 : i32
          %dma_start3A_165 = arith.constant 0 : i32
          %dma_start3A_166 = tpu.memref_slice %arg2[%dma_start3A_164, %dma_start3A_165] : memref<10000x128xf32, #tpu.memory_space<hbm>> -> memref<10000x128xf32, #tpu.memory_space<hbm>>
          tpu.enqueue_indirect_dma source(%dma_start3A_166 : memref<10000x128xf32, #tpu.memory_space<hbm>>) target(%arg12 : memref<64x128xf32, #tpu.memory_space<vmem>>) offsets(%dma_start3A_163 : memref<64xi32, #tpu.memory_space<vmem>>) semaphore(%arg16 : memref<!tpu.dma_semaphore, #tpu.memory_space<semaphore_mem>>)
        } else {
        }
        %add3A_81 = arith.constant 1 : i32
        %add3A_82 = arith.addi %add3A_58, %add3A_81 : i32
        %dma_wait3A_83 = arith.constant 0 : i32
        %dma_wait3A_84 = tpu.memref_slice %arg8[%add3A_82, %dma_wait3A_83] : memref<40x64xi32, #tpu.memory_space<vmem>> -> memref<1x64xi32, #tpu.memory_space<vmem>>
        %dma_wait3A_85 = tpu.memref_squeeze %dma_wait3A_84 : memref<1x64xi32, #tpu.memory_space<vmem>> -> memref<64xi32, #tpu.memory_space<vmem>>
        %dma_wait3A_86 = arith.constant 0 : i32
        %dma_wait3A_87 = arith.constant 0 : i32
        %dma_wait3A_88 = tpu.memref_slice %arg2[%dma_wait3A_86, %dma_wait3A_87] : memref<10000x128xf32, #tpu.memory_space<hbm>> -> memref<10000x128xf32, #tpu.memory_space<hbm>>
        tpu.wait_indirect_dma semaphore(%arg15 : memref<!tpu.dma_semaphore, #tpu.memory_space<semaphore_mem>>) src(%dma_wait3A_88 : memref<10000x128xf32, #tpu.memory_space<hbm>>) dst(%arg11 : memref<64x128xf32, #tpu.memory_space<vmem>>)
        %dma_start3A_89 = arith.constant 0 : i32
        %dma_start3A_90 = tpu.memref_slice %arg9[%add3A_82, %dma_start3A_89] : memref<40x64xi32, #tpu.memory_space<vmem>> -> memref<1x64xi32, #tpu.memory_space<vmem>>
        %dma_start3A_91 = tpu.memref_squeeze %dma_start3A_90 : memref<1x64xi32, #tpu.memory_space<vmem>> -> memref<64xi32, #tpu.memory_space<vmem>>
        %dma_start3A_92 = arith.constant 0 : i32
        %dma_start3A_93 = arith.constant 0 : i32
        %dma_start3A_94 = tpu.memref_slice %arg7[%dma_start3A_92, %dma_start3A_93] : memref<10240x128xf32, #tpu.memory_space<vmem_shared>> -> memref<10240x128xf32, #tpu.memory_space<vmem_shared>>
        tpu.enqueue_indirect_dma source(%arg11 : memref<64x128xf32, #tpu.memory_space<vmem>>) target(%dma_start3A_94 : memref<10240x128xf32, #tpu.memory_space<vmem_shared>>) offsets(%dma_start3A_91 : memref<64xi32, #tpu.memory_space<vmem>>) semaphore(%arg19 : memref<!tpu.dma_semaphore, #tpu.memory_space<semaphore_mem>>) {add = true}
        %ge3A_95 = arith.constant 2 : i32
        %ge3A_96 = arith.cmpi sge, %add3A_82, %ge3A_95 : i32
        %convert_element_type3A_97 = arith.extui %ge3A_96 : i1 to i32
        %cond3A_98 = arith.constant 0 : i32
        %cond3A_99 = arith.cmpi ne, %convert_element_type3A_97, %cond3A_98 : i32
        scf.if %cond3A_99 {
          %dma_wait3A_159 = arith.constant 0 : i32
          %dma_wait3A_160 = arith.constant 0 : i32
          %dma_wait3A_161 = tpu.memref_slice %arg9[%dma_wait3A_159, %dma_wait3A_160] : memref<40x64xi32, #tpu.memory_space<vmem>> -> memref<1x64xi32, #tpu.memory_space<vmem>>
          %dma_wait3A_162 = tpu.memref_squeeze %dma_wait3A_161 : memref<1x64xi32, #tpu.memory_space<vmem>> -> memref<64xi32, #tpu.memory_space<vmem>>
          %dma_wait3A_163 = arith.constant 0 : i32
          %dma_wait3A_164 = arith.constant 0 : i32
          %dma_wait3A_165 = tpu.memref_slice %arg7[%dma_wait3A_163, %dma_wait3A_164] : memref<10240x128xf32, #tpu.memory_space<vmem_shared>> -> memref<10240x128xf32, #tpu.memory_space<vmem_shared>>
          tpu.wait_indirect_dma semaphore(%arg21 : memref<!tpu.dma_semaphore, #tpu.memory_space<semaphore_mem>>) src(%arg13 : memref<64x128xf32, #tpu.memory_space<vmem>>) dst(%dma_wait3A_165 : memref<10240x128xf32, #tpu.memory_space<vmem_shared>>)
        } else {
        }
        %add3A_100 = arith.constant 2 : i32
        %add3A_101 = arith.addi %add3A_82, %add3A_100 : i32
        %lt3A_102 = arith.constant 40 : i32
        %lt3A_103 = arith.cmpi slt, %add3A_101, %lt3A_102 : i32
        %convert_element_type3A_104 = arith.extui %lt3A_103 : i1 to i32
        %cond3A_105 = arith.constant 0 : i32
        %cond3A_106 = arith.cmpi ne, %convert_element_type3A_104, %cond3A_105 : i32
        scf.if %cond3A_106 {
          %add3A_159 = arith.constant 2 : i32
          %add3A_160 = arith.addi %add3A_82, %add3A_159 : i32
          %dma_start3A_161 = arith.constant 0 : i32
          %dma_start3A_162 = tpu.memref_slice %arg8[%add3A_160, %dma_start3A_161] : memref<40x64xi32, #tpu.memory_space<vmem>> -> memref<1x64xi32, #tpu.memory_space<vmem>>
          %dma_start3A_163 = tpu.memref_squeeze %dma_start3A_162 : memref<1x64xi32, #tpu.memory_space<vmem>> -> memref<64xi32, #tpu.memory_space<vmem>>
          %dma_start3A_164 = arith.constant 0 : i32
          %dma_start3A_165 = arith.constant 0 : i32
          %dma_start3A_166 = tpu.memref_slice %arg2[%dma_start3A_164, %dma_start3A_165] : memref<10000x128xf32, #tpu.memory_space<hbm>> -> memref<10000x128xf32, #tpu.memory_space<hbm>>
          tpu.enqueue_indirect_dma source(%dma_start3A_166 : memref<10000x128xf32, #tpu.memory_space<hbm>>) target(%arg13 : memref<64x128xf32, #tpu.memory_space<vmem>>) offsets(%dma_start3A_163 : memref<64xi32, #tpu.memory_space<vmem>>) semaphore(%arg17 : memref<!tpu.dma_semaphore, #tpu.memory_space<semaphore_mem>>)
        } else {
        }
        %add3A_107 = arith.constant 2 : i32
        %add3A_108 = arith.addi %add3A_58, %add3A_107 : i32
        %dma_wait3A_109 = arith.constant 0 : i32
        %dma_wait3A_110 = tpu.memref_slice %arg8[%add3A_108, %dma_wait3A_109] : memref<40x64xi32, #tpu.memory_space<vmem>> -> memref<1x64xi32, #tpu.memory_space<vmem>>
        %dma_wait3A_111 = tpu.memref_squeeze %dma_wait3A_110 : memref<1x64xi32, #tpu.memory_space<vmem>> -> memref<64xi32, #tpu.memory_space<vmem>>
        %dma_wait3A_112 = arith.constant 0 : i32
        %dma_wait3A_113 = arith.constant 0 : i32
        %dma_wait3A_114 = tpu.memref_slice %arg2[%dma_wait3A_112, %dma_wait3A_113] : memref<10000x128xf32, #tpu.memory_space<hbm>> -> memref<10000x128xf32, #tpu.memory_space<hbm>>
        tpu.wait_indirect_dma semaphore(%arg16 : memref<!tpu.dma_semaphore, #tpu.memory_space<semaphore_mem>>) src(%dma_wait3A_114 : memref<10000x128xf32, #tpu.memory_space<hbm>>) dst(%arg12 : memref<64x128xf32, #tpu.memory_space<vmem>>)
        %dma_start3A_115 = arith.constant 0 : i32
        %dma_start3A_116 = tpu.memref_slice %arg9[%add3A_108, %dma_start3A_115] : memref<40x64xi32, #tpu.memory_space<vmem>> -> memref<1x64xi32, #tpu.memory_space<vmem>>
        %dma_start3A_117 = tpu.memref_squeeze %dma_start3A_116 : memref<1x64xi32, #tpu.memory_space<vmem>> -> memref<64xi32, #tpu.memory_space<vmem>>
        %dma_start3A_118 = arith.constant 0 : i32
        %dma_start3A_119 = arith.constant 0 : i32
        %dma_start3A_120 = tpu.memref_slice %arg7[%dma_start3A_118, %dma_start3A_119] : memref<10240x128xf32, #tpu.memory_space<vmem_shared>> -> memref<10240x128xf32, #tpu.memory_space<vmem_shared>>
        tpu.enqueue_indirect_dma source(%arg12 : memref<64x128xf32, #tpu.memory_space<vmem>>) target(%dma_start3A_120 : memref<10240x128xf32, #tpu.memory_space<vmem_shared>>) offsets(%dma_start3A_117 : memref<64xi32, #tpu.memory_space<vmem>>) semaphore(%arg20 : memref<!tpu.dma_semaphore, #tpu.memory_space<semaphore_mem>>) {add = true}
        %ge3A_121 = arith.constant 2 : i32
        %ge3A_122 = arith.cmpi sge, %add3A_108, %ge3A_121 : i32
        %convert_element_type3A_123 = arith.extui %ge3A_122 : i1 to i32
        %cond3A_124 = arith.constant 0 : i32
        %cond3A_125 = arith.cmpi ne, %convert_element_type3A_123, %cond3A_124 : i32
        scf.if %cond3A_125 {
          %dma_wait3A_159 = arith.constant 0 : i32
          %dma_wait3A_160 = arith.constant 0 : i32
          %dma_wait3A_161 = tpu.memref_slice %arg9[%dma_wait3A_159, %dma_wait3A_160] : memref<40x64xi32, #tpu.memory_space<vmem>> -> memref<1x64xi32, #tpu.memory_space<vmem>>
          %dma_wait3A_162 = tpu.memref_squeeze %dma_wait3A_161 : memref<1x64xi32, #tpu.memory_space<vmem>> -> memref<64xi32, #tpu.memory_space<vmem>>
          %dma_wait3A_163 = arith.constant 0 : i32
          %dma_wait3A_164 = arith.constant 0 : i32
          %dma_wait3A_165 = tpu.memref_slice %arg7[%dma_wait3A_163, %dma_wait3A_164] : memref<10240x128xf32, #tpu.memory_space<vmem_shared>> -> memref<10240x128xf32, #tpu.memory_space<vmem_shared>>
          tpu.wait_indirect_dma semaphore(%arg18 : memref<!tpu.dma_semaphore, #tpu.memory_space<semaphore_mem>>) src(%arg10 : memref<64x128xf32, #tpu.memory_space<vmem>>) dst(%dma_wait3A_165 : memref<10240x128xf32, #tpu.memory_space<vmem_shared>>)
        } else {
        }
        %add3A_126 = arith.constant 2 : i32
        %add3A_127 = arith.addi %add3A_108, %add3A_126 : i32
        %lt3A_128 = arith.constant 40 : i32
        %lt3A_129 = arith.cmpi slt, %add3A_127, %lt3A_128 : i32
        %convert_element_type3A_130 = arith.extui %lt3A_129 : i1 to i32
        %cond3A_131 = arith.constant 0 : i32
        %cond3A_132 = arith.cmpi ne, %convert_element_type3A_130, %cond3A_131 : i32
        scf.if %cond3A_132 {
          %add3A_159 = arith.constant 2 : i32
          %add3A_160 = arith.addi %add3A_108, %add3A_159 : i32
          %dma_start3A_161 = arith.constant 0 : i32
          %dma_start3A_162 = tpu.memref_slice %arg8[%add3A_160, %dma_start3A_161] : memref<40x64xi32, #tpu.memory_space<vmem>> -> memref<1x64xi32, #tpu.memory_space<vmem>>
          %dma_start3A_163 = tpu.memref_squeeze %dma_start3A_162 : memref<1x64xi32, #tpu.memory_space<vmem>> -> memref<64xi32, #tpu.memory_space<vmem>>
          %dma_start3A_164 = arith.constant 0 : i32
          %dma_start3A_165 = arith.constant 0 : i32
          %dma_start3A_166 = tpu.memref_slice %arg2[%dma_start3A_164, %dma_start3A_165] : memref<10000x128xf32, #tpu.memory_space<hbm>> -> memref<10000x128xf32, #tpu.memory_space<hbm>>
          tpu.enqueue_indirect_dma source(%dma_start3A_166 : memref<10000x128xf32, #tpu.memory_space<hbm>>) target(%arg10 : memref<64x128xf32, #tpu.memory_space<vmem>>) offsets(%dma_start3A_163 : memref<64xi32, #tpu.memory_space<vmem>>) semaphore(%arg14 : memref<!tpu.dma_semaphore, #tpu.memory_space<semaphore_mem>>)
        } else {
        }
        %add3A_133 = arith.constant 3 : i32
        %add3A_134 = arith.addi %add3A_58, %add3A_133 : i32
        %dma_wait3A_135 = arith.constant 0 : i32
        %dma_wait3A_136 = tpu.memref_slice %arg8[%add3A_134, %dma_wait3A_135] : memref<40x64xi32, #tpu.memory_space<vmem>> -> memref<1x64xi32, #tpu.memory_space<vmem>>
        %dma_wait3A_137 = tpu.memref_squeeze %dma_wait3A_136 : memref<1x64xi32, #tpu.memory_space<vmem>> -> memref<64xi32, #tpu.memory_space<vmem>>
        %dma_wait3A_138 = arith.constant 0 : i32
        %dma_wait3A_139 = arith.constant 0 : i32
        %dma_wait3A_140 = tpu.memref_slice %arg2[%dma_wait3A_138, %dma_wait3A_139] : memref<10000x128xf32, #tpu.memory_space<hbm>> -> memref<10000x128xf32, #tpu.memory_space<hbm>>
        tpu.wait_indirect_dma semaphore(%arg17 : memref<!tpu.dma_semaphore, #tpu.memory_space<semaphore_mem>>) src(%dma_wait3A_140 : memref<10000x128xf32, #tpu.memory_space<hbm>>) dst(%arg13 : memref<64x128xf32, #tpu.memory_space<vmem>>)
        %dma_start3A_141 = arith.constant 0 : i32
        %dma_start3A_142 = tpu.memref_slice %arg9[%add3A_134, %dma_start3A_141] : memref<40x64xi32, #tpu.memory_space<vmem>> -> memref<1x64xi32, #tpu.memory_space<vmem>>
        %dma_start3A_143 = tpu.memref_squeeze %dma_start3A_142 : memref<1x64xi32, #tpu.memory_space<vmem>> -> memref<64xi32, #tpu.memory_space<vmem>>
        %dma_start3A_144 = arith.constant 0 : i32
        %dma_start3A_145 = arith.constant 0 : i32
        %dma_start3A_146 = tpu.memref_slice %arg7[%dma_start3A_144, %dma_start3A_145] : memref<10240x128xf32, #tpu.memory_space<vmem_shared>> -> memref<10240x128xf32, #tpu.memory_space<vmem_shared>>
        tpu.enqueue_indirect_dma source(%arg13 : memref<64x128xf32, #tpu.memory_space<vmem>>) target(%dma_start3A_146 : memref<10240x128xf32, #tpu.memory_space<vmem_shared>>) offsets(%dma_start3A_143 : memref<64xi32, #tpu.memory_space<vmem>>) semaphore(%arg21 : memref<!tpu.dma_semaphore, #tpu.memory_space<semaphore_mem>>) {add = true}
        %ge3A_147 = arith.constant 2 : i32
        %ge3A_148 = arith.cmpi sge, %add3A_134, %ge3A_147 : i32
        %convert_element_type3A_149 = arith.extui %ge3A_148 : i1 to i32
        %cond3A_150 = arith.constant 0 : i32
        %cond3A_151 = arith.cmpi ne, %convert_element_type3A_149, %cond3A_150 : i32
        scf.if %cond3A_151 {
          %dma_wait3A_159 = arith.constant 0 : i32
          %dma_wait3A_160 = arith.constant 0 : i32
          %dma_wait3A_161 = tpu.memref_slice %arg9[%dma_wait3A_159, %dma_wait3A_160] : memref<40x64xi32, #tpu.memory_space<vmem>> -> memref<1x64xi32, #tpu.memory_space<vmem>>
          %dma_wait3A_162 = tpu.memref_squeeze %dma_wait3A_161 : memref<1x64xi32, #tpu.memory_space<vmem>> -> memref<64xi32, #tpu.memory_space<vmem>>
          %dma_wait3A_163 = arith.constant 0 : i32
          %dma_wait3A_164 = arith.constant 0 : i32
          %dma_wait3A_165 = tpu.memref_slice %arg7[%dma_wait3A_163, %dma_wait3A_164] : memref<10240x128xf32, #tpu.memory_space<vmem_shared>> -> memref<10240x128xf32, #tpu.memory_space<vmem_shared>>
          tpu.wait_indirect_dma semaphore(%arg19 : memref<!tpu.dma_semaphore, #tpu.memory_space<semaphore_mem>>) src(%arg11 : memref<64x128xf32, #tpu.memory_space<vmem>>) dst(%dma_wait3A_165 : memref<10240x128xf32, #tpu.memory_space<vmem_shared>>)
        } else {
        }
        %add3A_152 = arith.constant 2 : i32
        %add3A_153 = arith.addi %add3A_134, %add3A_152 : i32
        %lt3A_154 = arith.constant 40 : i32
        %lt3A_155 = arith.cmpi slt, %add3A_153, %lt3A_154 : i32
        %convert_element_type3A_156 = arith.extui %lt3A_155 : i1 to i32
        %cond3A_157 = arith.constant 0 : i32
        %cond3A_158 = arith.cmpi ne, %convert_element_type3A_156, %cond3A_157 : i32
        scf.if %cond3A_158 {
          %add3A_159 = arith.constant 2 : i32
          %add3A_160 = arith.addi %add3A_134, %add3A_159 : i32
          %dma_start3A_161 = arith.constant 0 : i32
          %dma_start3A_162 = tpu.memref_slice %arg8[%add3A_160, %dma_start3A_161] : memref<40x64xi32, #tpu.memory_space<vmem>> -> memref<1x64xi32, #tpu.memory_space<vmem>>
          %dma_start3A_163 = tpu.memref_squeeze %dma_start3A_162 : memref<1x64xi32, #tpu.memory_space<vmem>> -> memref<64xi32, #tpu.memory_space<vmem>>
          %dma_start3A_164 = arith.constant 0 : i32
          %dma_start3A_165 = arith.constant 0 : i32
          %dma_start3A_166 = tpu.memref_slice %arg2[%dma_start3A_164, %dma_start3A_165] : memref<10000x128xf32, #tpu.memory_space<hbm>> -> memref<10000x128xf32, #tpu.memory_space<hbm>>
          tpu.enqueue_indirect_dma source(%dma_start3A_166 : memref<10000x128xf32, #tpu.memory_space<hbm>>) target(%arg11 : memref<64x128xf32, #tpu.memory_space<vmem>>) offsets(%dma_start3A_163 : memref<64xi32, #tpu.memory_space<vmem>>) semaphore(%arg15 : memref<!tpu.dma_semaphore, #tpu.memory_space<semaphore_mem>>)
        } else {
        }
      }
      %scan3A_40 = arith.constant 10 : i32
      %dma_wait3A = arith.constant 0 : i32
      %dma_wait3A_41 = arith.constant 0 : i32
      %dma_wait3A_42 = tpu.memref_slice %arg9[%dma_wait3A, %dma_wait3A_41] : memref<40x64xi32, #tpu.memory_space<vmem>> -> memref<1x64xi32, #tpu.memory_space<vmem>>
      %dma_wait3A_43 = tpu.memref_squeeze %dma_wait3A_42 : memref<1x64xi32, #tpu.memory_space<vmem>> -> memref<64xi32, #tpu.memory_space<vmem>>
      %dma_wait3A_44 = arith.constant 0 : i32
      %dma_wait3A_45 = arith.constant 0 : i32
      %dma_wait3A_46 = tpu.memref_slice %arg7[%dma_wait3A_44, %dma_wait3A_45] : memref<10240x128xf32, #tpu.memory_space<vmem_shared>> -> memref<10240x128xf32, #tpu.memory_space<vmem_shared>>
      tpu.wait_indirect_dma semaphore(%arg20 : memref<!tpu.dma_semaphore, #tpu.memory_space<semaphore_mem>>) src(%arg12 : memref<64x128xf32, #tpu.memory_space<vmem>>) dst(%dma_wait3A_46 : memref<10240x128xf32, #tpu.memory_space<vmem_shared>>)
      %dma_wait3A_47 = arith.constant 0 : i32
      %dma_wait3A_48 = arith.constant 0 : i32
      %dma_wait3A_49 = tpu.memref_slice %arg9[%dma_wait3A_47, %dma_wait3A_48] : memref<40x64xi32, #tpu.memory_space<vmem>> -> memref<1x64xi32, #tpu.memory_space<vmem>>
      %dma_wait3A_50 = tpu.memref_squeeze %dma_wait3A_49 : memref<1x64xi32, #tpu.memory_space<vmem>> -> memref<64xi32, #tpu.memory_space<vmem>>
      %dma_wait3A_51 = arith.constant 0 : i32
      %dma_wait3A_52 = arith.constant 0 : i32
      %dma_wait3A_53 = tpu.memref_slice %arg7[%dma_wait3A_51, %dma_wait3A_52] : memref<10240x128xf32, #tpu.memory_space<vmem_shared>> -> memref<10240x128xf32, #tpu.memory_space<vmem_shared>>
      tpu.wait_indirect_dma semaphore(%arg21 : memref<!tpu.dma_semaphore, #tpu.memory_space<semaphore_mem>>) src(%arg13 : memref<64x128xf32, #tpu.memory_space<vmem>>) dst(%dma_wait3A_53 : memref<10240x128xf32, #tpu.memory_space<vmem_shared>>)
    }
    %while3A_19 = arith.constant 1 : i32
    scf.for %while3A_21 = %while3A_17 to %while3A_13 step %while3A_19  : i32 {
      %mul3A_22 = arith.muli %while3A_21, %while3A : i32
      %add3A_23 = arith.addi %mul3A_2, %mul3A_22 : i32
      "tpu.region"() ({
        %run_scoped3A = tpu.sem_alloc : memref<!tpu.dma_semaphore, #tpu.memory_space<semaphore_mem>>
        %dma_start3A_54 = arith.constant 0 : i32
        %dma_start3A_55 = arith.constant 0 : i32
        %dma_start3A_56 = tpu.memref_slice %arg3[%arg1, %add3A_23, %dma_start3A_54, %dma_start3A_55] : memref<16x8x40x64xi32, #tpu.memory_space<hbm>> -> memref<1x1x40x64xi32, #tpu.memory_space<hbm>>
        %dma_start3A_57 = tpu.memref_squeeze %dma_start3A_56 : memref<1x1x40x64xi32, #tpu.memory_space<hbm>> -> memref<40x64xi32, #tpu.memory_space<hbm>>
        %dma_start3A_58 = arith.constant 0 : i32
        %dma_start3A_59 = arith.constant 0 : i32
        %dma_start3A_60 = tpu.memref_slice %arg3[%arg1, %add3A_23, %dma_start3A_58, %dma_start3A_59] : memref<16x8x40x64xi32, #tpu.memory_space<hbm>> -> memref<1x1x40x64xi32, #tpu.memory_space<hbm>>
        %dma_start3A_61 = tpu.memref_squeeze %dma_start3A_60 : memref<1x1x40x64xi32, #tpu.memory_space<hbm>> -> memref<40x64xi32, #tpu.memory_space<hbm>>
        tpu.enqueue_dma source(%dma_start3A_61 : memref<40x64xi32, #tpu.memory_space<hbm>>) target(%arg8 : memref<40x64xi32, #tpu.memory_space<vmem>>) target_semaphore(%run_scoped3A : memref<!tpu.dma_semaphore, #tpu.memory_space<semaphore_mem>>)
        %dma_wait3A_62 = arith.constant 0 : i32
        %dma_wait3A_63 = arith.constant 0 : i32
        %dma_wait3A_64 = tpu.memref_slice %arg3[%arg1, %add3A_23, %dma_wait3A_62, %dma_wait3A_63] : memref<16x8x40x64xi32, #tpu.memory_space<hbm>> -> memref<1x1x40x64xi32, #tpu.memory_space<hbm>>
        %dma_wait3A_65 = tpu.memref_squeeze %dma_wait3A_64 : memref<1x1x40x64xi32, #tpu.memory_space<hbm>> -> memref<40x64xi32, #tpu.memory_space<hbm>>
        %dma_wait3A_66 = arith.constant 0 : i32
        %dma_wait3A_67 = arith.constant 0 : i32
        %dma_wait3A_68 = tpu.memref_slice %arg3[%arg1, %add3A_23, %dma_wait3A_66, %dma_wait3A_67] : memref<16x8x40x64xi32, #tpu.memory_space<hbm>> -> memref<1x1x40x64xi32, #tpu.memory_space<hbm>>
        %dma_wait3A_69 = tpu.memref_squeeze %dma_wait3A_68 : memref<1x1x40x64xi32, #tpu.memory_space<hbm>> -> memref<40x64xi32, #tpu.memory_space<hbm>>
        tpu.wait_dma2 semaphore(%run_scoped3A : memref<!tpu.dma_semaphore, #tpu.memory_space<semaphore_mem>>) src(%dma_wait3A_69 : memref<40x64xi32, #tpu.memory_space<hbm>>) dst(%arg8 : memref<40x64xi32, #tpu.memory_space<vmem>>)
        tpu.yield
      }) : () -> ()
      "tpu.region"() ({
        %run_scoped3A = tpu.sem_alloc : memref<!tpu.dma_semaphore, #tpu.memory_space<semaphore_mem>>
        %dma_start3A_54 = arith.constant 0 : i32
        %dma_start3A_55 = arith.constant 0 : i32
        %dma_start3A_56 = tpu.memref_slice %arg4[%arg1, %add3A_23, %dma_start3A_54, %dma_start3A_55] : memref<16x8x40x64xi32, #tpu.memory_space<hbm>> -> memref<1x1x40x64xi32, #tpu.memory_space<hbm>>
        %dma_start3A_57 = tpu.memref_squeeze %dma_start3A_56 : memref<1x1x40x64xi32, #tpu.memory_space<hbm>> -> memref<40x64xi32, #tpu.memory_space<hbm>>
        %dma_start3A_58 = arith.constant 0 : i32
        %dma_start3A_59 = arith.constant 0 : i32
        %dma_start3A_60 = tpu.memref_slice %arg4[%arg1, %add3A_23, %dma_start3A_58, %dma_start3A_59] : memref<16x8x40x64xi32, #tpu.memory_space<hbm>> -> memref<1x1x40x64xi32, #tpu.memory_space<hbm>>
        %dma_start3A_61 = tpu.memref_squeeze %dma_start3A_60 : memref<1x1x40x64xi32, #tpu.memory_space<hbm>> -> memref<40x64xi32, #tpu.memory_space<hbm>>
        tpu.enqueue_dma source(%dma_start3A_61 : memref<40x64xi32, #tpu.memory_space<hbm>>) target(%arg9 : memref<40x64xi32, #tpu.memory_space<vmem>>) target_semaphore(%run_scoped3A : memref<!tpu.dma_semaphore, #tpu.memory_space<semaphore_mem>>)
        %dma_wait3A_62 = arith.constant 0 : i32
        %dma_wait3A_63 = arith.constant 0 : i32
        %dma_wait3A_64 = tpu.memref_slice %arg4[%arg1, %add3A_23, %dma_wait3A_62, %dma_wait3A_63] : memref<16x8x40x64xi32, #tpu.memory_space<hbm>> -> memref<1x1x40x64xi32, #tpu.memory_space<hbm>>
        %dma_wait3A_65 = tpu.memref_squeeze %dma_wait3A_64 : memref<1x1x40x64xi32, #tpu.memory_space<hbm>> -> memref<40x64xi32, #tpu.memory_space<hbm>>
        %dma_wait3A_66 = arith.constant 0 : i32
        %dma_wait3A_67 = arith.constant 0 : i32
        %dma_wait3A_68 = tpu.memref_slice %arg4[%arg1, %add3A_23, %dma_wait3A_66, %dma_wait3A_67] : memref<16x8x40x64xi32, #tpu.memory_space<hbm>> -> memref<1x1x40x64xi32, #tpu.memory_space<hbm>>
        %dma_wait3A_69 = tpu.memref_squeeze %dma_wait3A_68 : memref<1x1x40x64xi32, #tpu.memory_space<hbm>> -> memref<40x64xi32, #tpu.memory_space<hbm>>
        tpu.wait_dma2 semaphore(%run_scoped3A : memref<!tpu.dma_semaphore, #tpu.memory_space<semaphore_mem>>) src(%dma_wait3A_69 : memref<40x64xi32, #tpu.memory_space<hbm>>) dst(%arg9 : memref<40x64xi32, #tpu.memory_space<vmem>>)
        tpu.yield
      }) : () -> ()
      %dma_start3A = arith.constant 0 : i32
      %dma_start3A_24 = arith.constant 0 : i32
      %dma_start3A_25 = tpu.memref_slice %arg8[%dma_start3A, %dma_start3A_24] : memref<40x64xi32, #tpu.memory_space<vmem>> -> memref<1x64xi32, #tpu.memory_space<vmem>>
      %dma_start3A_26 = tpu.memref_squeeze %dma_start3A_25 : memref<1x64xi32, #tpu.memory_space<vmem>> -> memref<64xi32, #tpu.memory_space<vmem>>
      %dma_start3A_27 = arith.constant 0 : i32
      %dma_start3A_28 = arith.constant 0 : i32
      %dma_start3A_29 = tpu.memref_slice %arg2[%dma_start3A_27, %dma_start3A_28] : memref<10000x128xf32, #tpu.memory_space<hbm>> -> memref<10000x128xf32, #tpu.memory_space<hbm>>
      tpu.enqueue_indirect_dma source(%dma_start3A_29 : memref<10000x128xf32, #tpu.memory_space<hbm>>) target(%arg10 : memref<64x128xf32, #tpu.memory_space<vmem>>) offsets(%dma_start3A_26 : memref<64xi32, #tpu.memory_space<vmem>>) semaphore(%arg14 : memref<!tpu.dma_semaphore, #tpu.memory_space<semaphore_mem>>)
      %dma_start3A_30 = arith.constant 1 : i32
      %dma_start3A_31 = arith.constant 0 : i32
      %dma_start3A_32 = tpu.memref_slice %arg8[%dma_start3A_30, %dma_start3A_31] : memref<40x64xi32, #tpu.memory_space<vmem>> -> memref<1x64xi32, #tpu.memory_space<vmem>>
      %dma_start3A_33 = tpu.memref_squeeze %dma_start3A_32 : memref<1x64xi32, #tpu.memory_space<vmem>> -> memref<64xi32, #tpu.memory_space<vmem>>
      %dma_start3A_34 = arith.constant 0 : i32
      %dma_start3A_35 = arith.constant 0 : i32
      %dma_start3A_36 = tpu.memref_slice %arg2[%dma_start3A_34, %dma_start3A_35] : memref<10000x128xf32, #tpu.memory_space<hbm>> -> memref<10000x128xf32, #tpu.memory_space<hbm>>
      tpu.enqueue_indirect_dma source(%dma_start3A_36 : memref<10000x128xf32, #tpu.memory_space<hbm>>) target(%arg11 : memref<64x128xf32, #tpu.memory_space<vmem>>) offsets(%dma_start3A_33 : memref<64xi32, #tpu.memory_space<vmem>>) semaphore(%arg15 : memref<!tpu.dma_semaphore, #tpu.memory_space<semaphore_mem>>)
      %scan3A = arith.constant 0 : i32
      %scan3A_37 = arith.constant 10 : i32
      %scan3A_38 = arith.addi %scan3A, %scan3A_37 : i32
      %scan3A_39 = arith.constant 1 : i32
      scf.for %scan3A_54 = %scan3A to %scan3A_38 step %scan3A_39  : i32 {
        %mul3A_55 = arith.constant 4 : i32
        %mul3A_56 = arith.muli %scan3A_54, %mul3A_55 : i32
        %add3A_57 = arith.constant 0 : i32
        %add3A_58 = arith.addi %add3A_57, %mul3A_56 : i32
        %add3A_59 = arith.constant 0 : i32
        %add3A_60 = arith.addi %add3A_58, %add3A_59 : i32
        %dma_wait3A_61 = arith.constant 0 : i32
        %dma_wait3A_62 = tpu.memref_slice %arg8[%add3A_60, %dma_wait3A_61] : memref<40x64xi32, #tpu.memory_space<vmem>> -> memref<1x64xi32, #tpu.memory_space<vmem>>
        %dma_wait3A_63 = tpu.memref_squeeze %dma_wait3A_62 : memref<1x64xi32, #tpu.memory_space<vmem>> -> memref<64xi32, #tpu.memory_space<vmem>>
        %dma_wait3A_64 = arith.constant 0 : i32
        %dma_wait3A_65 = arith.constant 0 : i32
        %dma_wait3A_66 = tpu.memref_slice %arg2[%dma_wait3A_64, %dma_wait3A_65] : memref<10000x128xf32, #tpu.memory_space<hbm>> -> memref<10000x128xf32, #tpu.memory_space<hbm>>
        tpu.wait_indirect_dma semaphore(%arg14 : memref<!tpu.dma_semaphore, #tpu.memory_space<semaphore_mem>>) src(%dma_wait3A_66 : memref<10000x128xf32, #tpu.memory_space<hbm>>) dst(%arg10 : memref<64x128xf32, #tpu.memory_space<vmem>>)
        %dma_start3A_67 = arith.constant 0 : i32
        %dma_start3A_68 = tpu.memref_slice %arg9[%add3A_60, %dma_start3A_67] : memref<40x64xi32, #tpu.memory_space<vmem>> -> memref<1x64xi32, #tpu.memory_space<vmem>>
        %dma_start3A_69 = tpu.memref_squeeze %dma_start3A_68 : memref<1x64xi32, #tpu.memory_space<vmem>> -> memref<64xi32, #tpu.memory_space<vmem>>
        %dma_start3A_70 = arith.constant 0 : i32
        %dma_start3A_71 = arith.constant 0 : i32
        %dma_start3A_72 = tpu.memref_slice %arg7[%dma_start3A_70, %dma_start3A_71] : memref<10240x128xf32, #tpu.memory_space<vmem_shared>> -> memref<10240x128xf32, #tpu.memory_space<vmem_shared>>
        tpu.enqueue_indirect_dma source(%arg10 : memref<64x128xf32, #tpu.memory_space<vmem>>) target(%dma_start3A_72 : memref<10240x128xf32, #tpu.memory_space<vmem_shared>>) offsets(%dma_start3A_69 : memref<64xi32, #tpu.memory_space<vmem>>) semaphore(%arg18 : memref<!tpu.dma_semaphore, #tpu.memory_space<semaphore_mem>>) {add = true}
        %ge3A = arith.constant 2 : i32
        %ge3A_73 = arith.cmpi sge, %add3A_60, %ge3A : i32
        %convert_element_type3A = arith.extui %ge3A_73 : i1 to i32
        %cond3A = arith.constant 0 : i32
        %cond3A_74 = arith.cmpi ne, %convert_element_type3A, %cond3A : i32
        scf.if %cond3A_74 {
          %dma_wait3A_159 = arith.constant 0 : i32
          %dma_wait3A_160 = arith.constant 0 : i32
          %dma_wait3A_161 = tpu.memref_slice %arg9[%dma_wait3A_159, %dma_wait3A_160] : memref<40x64xi32, #tpu.memory_space<vmem>> -> memref<1x64xi32, #tpu.memory_space<vmem>>
          %dma_wait3A_162 = tpu.memref_squeeze %dma_wait3A_161 : memref<1x64xi32, #tpu.memory_space<vmem>> -> memref<64xi32, #tpu.memory_space<vmem>>
          %dma_wait3A_163 = arith.constant 0 : i32
          %dma_wait3A_164 = arith.constant 0 : i32
          %dma_wait3A_165 = tpu.memref_slice %arg7[%dma_wait3A_163, %dma_wait3A_164] : memref<10240x128xf32, #tpu.memory_space<vmem_shared>> -> memref<10240x128xf32, #tpu.memory_space<vmem_shared>>
          tpu.wait_indirect_dma semaphore(%arg20 : memref<!tpu.dma_semaphore, #tpu.memory_space<semaphore_mem>>) src(%arg12 : memref<64x128xf32, #tpu.memory_space<vmem>>) dst(%dma_wait3A_165 : memref<10240x128xf32, #tpu.memory_space<vmem_shared>>)
        } else {
        }
        %add3A_75 = arith.constant 2 : i32
        %add3A_76 = arith.addi %add3A_60, %add3A_75 : i32
        %lt3A = arith.constant 40 : i32
        %lt3A_77 = arith.cmpi slt, %add3A_76, %lt3A : i32
        %convert_element_type3A_78 = arith.extui %lt3A_77 : i1 to i32
        %cond3A_79 = arith.constant 0 : i32
        %cond3A_80 = arith.cmpi ne, %convert_element_type3A_78, %cond3A_79 : i32
        scf.if %cond3A_80 {
          %add3A_159 = arith.constant 2 : i32
          %add3A_160 = arith.addi %add3A_60, %add3A_159 : i32
          %dma_start3A_161 = arith.constant 0 : i32
          %dma_start3A_162 = tpu.memref_slice %arg8[%add3A_160, %dma_start3A_161] : memref<40x64xi32, #tpu.memory_space<vmem>> -> memref<1x64xi32, #tpu.memory_space<vmem>>
          %dma_start3A_163 = tpu.memref_squeeze %dma_start3A_162 : memref<1x64xi32, #tpu.memory_space<vmem>> -> memref<64xi32, #tpu.memory_space<vmem>>
          %dma_start3A_164 = arith.constant 0 : i32
          %dma_start3A_165 = arith.constant 0 : i32
          %dma_start3A_166 = tpu.memref_slice %arg2[%dma_start3A_164, %dma_start3A_165] : memref<10000x128xf32, #tpu.memory_space<hbm>> -> memref<10000x128xf32, #tpu.memory_space<hbm>>
          tpu.enqueue_indirect_dma source(%dma_start3A_166 : memref<10000x128xf32, #tpu.memory_space<hbm>>) target(%arg12 : memref<64x128xf32, #tpu.memory_space<vmem>>) offsets(%dma_start3A_163 : memref<64xi32, #tpu.memory_space<vmem>>) semaphore(%arg16 : memref<!tpu.dma_semaphore, #tpu.memory_space<semaphore_mem>>)
        } else {
        }
        %add3A_81 = arith.constant 1 : i32
        %add3A_82 = arith.addi %add3A_58, %add3A_81 : i32
        %dma_wait3A_83 = arith.constant 0 : i32
        %dma_wait3A_84 = tpu.memref_slice %arg8[%add3A_82, %dma_wait3A_83] : memref<40x64xi32, #tpu.memory_space<vmem>> -> memref<1x64xi32, #tpu.memory_space<vmem>>
        %dma_wait3A_85 = tpu.memref_squeeze %dma_wait3A_84 : memref<1x64xi32, #tpu.memory_space<vmem>> -> memref<64xi32, #tpu.memory_space<vmem>>
        %dma_wait3A_86 = arith.constant 0 : i32
        %dma_wait3A_87 = arith.constant 0 : i32
        %dma_wait3A_88 = tpu.memref_slice %arg2[%dma_wait3A_86, %dma_wait3A_87] : memref<10000x128xf32, #tpu.memory_space<hbm>> -> memref<10000x128xf32, #tpu.memory_space<hbm>>
        tpu.wait_indirect_dma semaphore(%arg15 : memref<!tpu.dma_semaphore, #tpu.memory_space<semaphore_mem>>) src(%dma_wait3A_88 : memref<10000x128xf32, #tpu.memory_space<hbm>>) dst(%arg11 : memref<64x128xf32, #tpu.memory_space<vmem>>)
        %dma_start3A_89 = arith.constant 0 : i32
        %dma_start3A_90 = tpu.memref_slice %arg9[%add3A_82, %dma_start3A_89] : memref<40x64xi32, #tpu.memory_space<vmem>> -> memref<1x64xi32, #tpu.memory_space<vmem>>
        %dma_start3A_91 = tpu.memref_squeeze %dma_start3A_90 : memref<1x64xi32, #tpu.memory_space<vmem>> -> memref<64xi32, #tpu.memory_space<vmem>>
        %dma_start3A_92 = arith.constant 0 : i32
        %dma_start3A_93 = arith.constant 0 : i32
        %dma_start3A_94 = tpu.memref_slice %arg7[%dma_start3A_92, %dma_start3A_93] : memref<10240x128xf32, #tpu.memory_space<vmem_shared>> -> memref<10240x128xf32, #tpu.memory_space<vmem_shared>>
        tpu.enqueue_indirect_dma source(%arg11 : memref<64x128xf32, #tpu.memory_space<vmem>>) target(%dma_start3A_94 : memref<10240x128xf32, #tpu.memory_space<vmem_shared>>) offsets(%dma_start3A_91 : memref<64xi32, #tpu.memory_space<vmem>>) semaphore(%arg19 : memref<!tpu.dma_semaphore, #tpu.memory_space<semaphore_mem>>) {add = true}
        %ge3A_95 = arith.constant 2 : i32
        %ge3A_96 = arith.cmpi sge, %add3A_82, %ge3A_95 : i32
        %convert_element_type3A_97 = arith.extui %ge3A_96 : i1 to i32
        %cond3A_98 = arith.constant 0 : i32
        %cond3A_99 = arith.cmpi ne, %convert_element_type3A_97, %cond3A_98 : i32
        scf.if %cond3A_99 {
          %dma_wait3A_159 = arith.constant 0 : i32
          %dma_wait3A_160 = arith.constant 0 : i32
          %dma_wait3A_161 = tpu.memref_slice %arg9[%dma_wait3A_159, %dma_wait3A_160] : memref<40x64xi32, #tpu.memory_space<vmem>> -> memref<1x64xi32, #tpu.memory_space<vmem>>
          %dma_wait3A_162 = tpu.memref_squeeze %dma_wait3A_161 : memref<1x64xi32, #tpu.memory_space<vmem>> -> memref<64xi32, #tpu.memory_space<vmem>>
          %dma_wait3A_163 = arith.constant 0 : i32
          %dma_wait3A_164 = arith.constant 0 : i32
          %dma_wait3A_165 = tpu.memref_slice %arg7[%dma_wait3A_163, %dma_wait3A_164] : memref<10240x128xf32, #tpu.memory_space<vmem_shared>> -> memref<10240x128xf32, #tpu.memory_space<vmem_shared>>
          tpu.wait_indirect_dma semaphore(%arg21 : memref<!tpu.dma_semaphore, #tpu.memory_space<semaphore_mem>>) src(%arg13 : memref<64x128xf32, #tpu.memory_space<vmem>>) dst(%dma_wait3A_165 : memref<10240x128xf32, #tpu.memory_space<vmem_shared>>)
        } else {
        }
        %add3A_100 = arith.constant 2 : i32
        %add3A_101 = arith.addi %add3A_82, %add3A_100 : i32
        %lt3A_102 = arith.constant 40 : i32
        %lt3A_103 = arith.cmpi slt, %add3A_101, %lt3A_102 : i32
        %convert_element_type3A_104 = arith.extui %lt3A_103 : i1 to i32
        %cond3A_105 = arith.constant 0 : i32
        %cond3A_106 = arith.cmpi ne, %convert_element_type3A_104, %cond3A_105 : i32
        scf.if %cond3A_106 {
          %add3A_159 = arith.constant 2 : i32
          %add3A_160 = arith.addi %add3A_82, %add3A_159 : i32
          %dma_start3A_161 = arith.constant 0 : i32
          %dma_start3A_162 = tpu.memref_slice %arg8[%add3A_160, %dma_start3A_161] : memref<40x64xi32, #tpu.memory_space<vmem>> -> memref<1x64xi32, #tpu.memory_space<vmem>>
          %dma_start3A_163 = tpu.memref_squeeze %dma_start3A_162 : memref<1x64xi32, #tpu.memory_space<vmem>> -> memref<64xi32, #tpu.memory_space<vmem>>
          %dma_start3A_164 = arith.constant 0 : i32
          %dma_start3A_165 = arith.constant 0 : i32
          %dma_start3A_166 = tpu.memref_slice %arg2[%dma_start3A_164, %dma_start3A_165] : memref<10000x128xf32, #tpu.memory_space<hbm>> -> memref<10000x128xf32, #tpu.memory_space<hbm>>
          tpu.enqueue_indirect_dma source(%dma_start3A_166 : memref<10000x128xf32, #tpu.memory_space<hbm>>) target(%arg13 : memref<64x128xf32, #tpu.memory_space<vmem>>) offsets(%dma_start3A_163 : memref<64xi32, #tpu.memory_space<vmem>>) semaphore(%arg17 : memref<!tpu.dma_semaphore, #tpu.memory_space<semaphore_mem>>)
        } else {
        }
        %add3A_107 = arith.constant 2 : i32
        %add3A_108 = arith.addi %add3A_58, %add3A_107 : i32
        %dma_wait3A_109 = arith.constant 0 : i32
        %dma_wait3A_110 = tpu.memref_slice %arg8[%add3A_108, %dma_wait3A_109] : memref<40x64xi32, #tpu.memory_space<vmem>> -> memref<1x64xi32, #tpu.memory_space<vmem>>
        %dma_wait3A_111 = tpu.memref_squeeze %dma_wait3A_110 : memref<1x64xi32, #tpu.memory_space<vmem>> -> memref<64xi32, #tpu.memory_space<vmem>>
        %dma_wait3A_112 = arith.constant 0 : i32
        %dma_wait3A_113 = arith.constant 0 : i32
        %dma_wait3A_114 = tpu.memref_slice %arg2[%dma_wait3A_112, %dma_wait3A_113] : memref<10000x128xf32, #tpu.memory_space<hbm>> -> memref<10000x128xf32, #tpu.memory_space<hbm>>
        tpu.wait_indirect_dma semaphore(%arg16 : memref<!tpu.dma_semaphore, #tpu.memory_space<semaphore_mem>>) src(%dma_wait3A_114 : memref<10000x128xf32, #tpu.memory_space<hbm>>) dst(%arg12 : memref<64x128xf32, #tpu.memory_space<vmem>>)
        %dma_start3A_115 = arith.constant 0 : i32
        %dma_start3A_116 = tpu.memref_slice %arg9[%add3A_108, %dma_start3A_115] : memref<40x64xi32, #tpu.memory_space<vmem>> -> memref<1x64xi32, #tpu.memory_space<vmem>>
        %dma_start3A_117 = tpu.memref_squeeze %dma_start3A_116 : memref<1x64xi32, #tpu.memory_space<vmem>> -> memref<64xi32, #tpu.memory_space<vmem>>
        %dma_start3A_118 = arith.constant 0 : i32
        %dma_start3A_119 = arith.constant 0 : i32
        %dma_start3A_120 = tpu.memref_slice %arg7[%dma_start3A_118, %dma_start3A_119] : memref<10240x128xf32, #tpu.memory_space<vmem_shared>> -> memref<10240x128xf32, #tpu.memory_space<vmem_shared>>
        tpu.enqueue_indirect_dma source(%arg12 : memref<64x128xf32, #tpu.memory_space<vmem>>) target(%dma_start3A_120 : memref<10240x128xf32, #tpu.memory_space<vmem_shared>>) offsets(%dma_start3A_117 : memref<64xi32, #tpu.memory_space<vmem>>) semaphore(%arg20 : memref<!tpu.dma_semaphore, #tpu.memory_space<semaphore_mem>>) {add = true}
        %ge3A_121 = arith.constant 2 : i32
        %ge3A_122 = arith.cmpi sge, %add3A_108, %ge3A_121 : i32
        %convert_element_type3A_123 = arith.extui %ge3A_122 : i1 to i32
        %cond3A_124 = arith.constant 0 : i32
        %cond3A_125 = arith.cmpi ne, %convert_element_type3A_123, %cond3A_124 : i32
        scf.if %cond3A_125 {
          %dma_wait3A_159 = arith.constant 0 : i32
          %dma_wait3A_160 = arith.constant 0 : i32
          %dma_wait3A_161 = tpu.memref_slice %arg9[%dma_wait3A_159, %dma_wait3A_160] : memref<40x64xi32, #tpu.memory_space<vmem>> -> memref<1x64xi32, #tpu.memory_space<vmem>>
          %dma_wait3A_162 = tpu.memref_squeeze %dma_wait3A_161 : memref<1x64xi32, #tpu.memory_space<vmem>> -> memref<64xi32, #tpu.memory_space<vmem>>
          %dma_wait3A_163 = arith.constant 0 : i32
          %dma_wait3A_164 = arith.constant 0 : i32
          %dma_wait3A_165 = tpu.memref_slice %arg7[%dma_wait3A_163, %dma_wait3A_164] : memref<10240x128xf32, #tpu.memory_space<vmem_shared>> -> memref<10240x128xf32, #tpu.memory_space<vmem_shared>>
          tpu.wait_indirect_dma semaphore(%arg18 : memref<!tpu.dma_semaphore, #tpu.memory_space<semaphore_mem>>) src(%arg10 : memref<64x128xf32, #tpu.memory_space<vmem>>) dst(%dma_wait3A_165 : memref<10240x128xf32, #tpu.memory_space<vmem_shared>>)
        } else {
        }
        %add3A_126 = arith.constant 2 : i32
        %add3A_127 = arith.addi %add3A_108, %add3A_126 : i32
        %lt3A_128 = arith.constant 40 : i32
        %lt3A_129 = arith.cmpi slt, %add3A_127, %lt3A_128 : i32
        %convert_element_type3A_130 = arith.extui %lt3A_129 : i1 to i32
        %cond3A_131 = arith.constant 0 : i32
        %cond3A_132 = arith.cmpi ne, %convert_element_type3A_130, %cond3A_131 : i32
        scf.if %cond3A_132 {
          %add3A_159 = arith.constant 2 : i32
          %add3A_160 = arith.addi %add3A_108, %add3A_159 : i32
          %dma_start3A_161 = arith.constant 0 : i32
          %dma_start3A_162 = tpu.memref_slice %arg8[%add3A_160, %dma_start3A_161] : memref<40x64xi32, #tpu.memory_space<vmem>> -> memref<1x64xi32, #tpu.memory_space<vmem>>
          %dma_start3A_163 = tpu.memref_squeeze %dma_start3A_162 : memref<1x64xi32, #tpu.memory_space<vmem>> -> memref<64xi32, #tpu.memory_space<vmem>>
          %dma_start3A_164 = arith.constant 0 : i32
          %dma_start3A_165 = arith.constant 0 : i32
          %dma_start3A_166 = tpu.memref_slice %arg2[%dma_start3A_164, %dma_start3A_165] : memref<10000x128xf32, #tpu.memory_space<hbm>> -> memref<10000x128xf32, #tpu.memory_space<hbm>>
          tpu.enqueue_indirect_dma source(%dma_start3A_166 : memref<10000x128xf32, #tpu.memory_space<hbm>>) target(%arg10 : memref<64x128xf32, #tpu.memory_space<vmem>>) offsets(%dma_start3A_163 : memref<64xi32, #tpu.memory_space<vmem>>) semaphore(%arg14 : memref<!tpu.dma_semaphore, #tpu.memory_space<semaphore_mem>>)
        } else {
        }
        %add3A_133 = arith.constant 3 : i32
        %add3A_134 = arith.addi %add3A_58, %add3A_133 : i32
        %dma_wait3A_135 = arith.constant 0 : i32
        %dma_wait3A_136 = tpu.memref_slice %arg8[%add3A_134, %dma_wait3A_135] : memref<40x64xi32, #tpu.memory_space<vmem>> -> memref<1x64xi32, #tpu.memory_space<vmem>>
        %dma_wait3A_137 = tpu.memref_squeeze %dma_wait3A_136 : memref<1x64xi32, #tpu.memory_space<vmem>> -> memref<64xi32, #tpu.memory_space<vmem>>
        %dma_wait3A_138 = arith.constant 0 : i32
        %dma_wait3A_139 = arith.constant 0 : i32
        %dma_wait3A_140 = tpu.memref_slice %arg2[%dma_wait3A_138, %dma_wait3A_139] : memref<10000x128xf32, #tpu.memory_space<hbm>> -> memref<10000x128xf32, #tpu.memory_space<hbm>>
        tpu.wait_indirect_dma semaphore(%arg17 : memref<!tpu.dma_semaphore, #tpu.memory_space<semaphore_mem>>) src(%dma_wait3A_140 : memref<10000x128xf32, #tpu.memory_space<hbm>>) dst(%arg13 : memref<64x128xf32, #tpu.memory_space<vmem>>)
        %dma_start3A_141 = arith.constant 0 : i32
        %dma_start3A_142 = tpu.memref_slice %arg9[%add3A_134, %dma_start3A_141] : memref<40x64xi32, #tpu.memory_space<vmem>> -> memref<1x64xi32, #tpu.memory_space<vmem>>
        %dma_start3A_143 = tpu.memref_squeeze %dma_start3A_142 : memref<1x64xi32, #tpu.memory_space<vmem>> -> memref<64xi32, #tpu.memory_space<vmem>>
        %dma_start3A_144 = arith.constant 0 : i32
        %dma_start3A_145 = arith.constant 0 : i32
        %dma_start3A_146 = tpu.memref_slice %arg7[%dma_start3A_144, %dma_start3A_145] : memref<10240x128xf32, #tpu.memory_space<vmem_shared>> -> memref<10240x128xf32, #tpu.memory_space<vmem_shared>>
        tpu.enqueue_indirect_dma source(%arg13 : memref<64x128xf32, #tpu.memory_space<vmem>>) target(%dma_start3A_146 : memref<10240x128xf32, #tpu.memory_space<vmem_shared>>) offsets(%dma_start3A_143 : memref<64xi32, #tpu.memory_space<vmem>>) semaphore(%arg21 : memref<!tpu.dma_semaphore, #tpu.memory_space<semaphore_mem>>) {add = true}
        %ge3A_147 = arith.constant 2 : i32
        %ge3A_148 = arith.cmpi sge, %add3A_134, %ge3A_147 : i32
        %convert_element_type3A_149 = arith.extui %ge3A_148 : i1 to i32
        %cond3A_150 = arith.constant 0 : i32
        %cond3A_151 = arith.cmpi ne, %convert_element_type3A_149, %cond3A_150 : i32
        scf.if %cond3A_151 {
          %dma_wait3A_159 = arith.constant 0 : i32
          %dma_wait3A_160 = arith.constant 0 : i32
          %dma_wait3A_161 = tpu.memref_slice %arg9[%dma_wait3A_159, %dma_wait3A_160] : memref<40x64xi32, #tpu.memory_space<vmem>> -> memref<1x64xi32, #tpu.memory_space<vmem>>
          %dma_wait3A_162 = tpu.memref_squeeze %dma_wait3A_161 : memref<1x64xi32, #tpu.memory_space<vmem>> -> memref<64xi32, #tpu.memory_space<vmem>>
          %dma_wait3A_163 = arith.constant 0 : i32
          %dma_wait3A_164 = arith.constant 0 : i32
          %dma_wait3A_165 = tpu.memref_slice %arg7[%dma_wait3A_163, %dma_wait3A_164] : memref<10240x128xf32, #tpu.memory_space<vmem_shared>> -> memref<10240x128xf32, #tpu.memory_space<vmem_shared>>
          tpu.wait_indirect_dma semaphore(%arg19 : memref<!tpu.dma_semaphore, #tpu.memory_space<semaphore_mem>>) src(%arg11 : memref<64x128xf32, #tpu.memory_space<vmem>>) dst(%dma_wait3A_165 : memref<10240x128xf32, #tpu.memory_space<vmem_shared>>)
        } else {
        }
        %add3A_152 = arith.constant 2 : i32
        %add3A_153 = arith.addi %add3A_134, %add3A_152 : i32
        %lt3A_154 = arith.constant 40 : i32
        %lt3A_155 = arith.cmpi slt, %add3A_153, %lt3A_154 : i32
        %convert_element_type3A_156 = arith.extui %lt3A_155 : i1 to i32
        %cond3A_157 = arith.constant 0 : i32
        %cond3A_158 = arith.cmpi ne, %convert_element_type3A_156, %cond3A_157 : i32
        scf.if %cond3A_158 {
          %add3A_159 = arith.constant 2 : i32
          %add3A_160 = arith.addi %add3A_134, %add3A_159 : i32
          %dma_start3A_161 = arith.constant 0 : i32
          %dma_start3A_162 = tpu.memref_slice %arg8[%add3A_160, %dma_start3A_161] : memref<40x64xi32, #tpu.memory_space<vmem>> -> memref<1x64xi32, #tpu.memory_space<vmem>>
          %dma_start3A_163 = tpu.memref_squeeze %dma_start3A_162 : memref<1x64xi32, #tpu.memory_space<vmem>> -> memref<64xi32, #tpu.memory_space<vmem>>
          %dma_start3A_164 = arith.constant 0 : i32
          %dma_start3A_165 = arith.constant 0 : i32
          %dma_start3A_166 = tpu.memref_slice %arg2[%dma_start3A_164, %dma_start3A_165] : memref<10000x128xf32, #tpu.memory_space<hbm>> -> memref<10000x128xf32, #tpu.memory_space<hbm>>
          tpu.enqueue_indirect_dma source(%dma_start3A_166 : memref<10000x128xf32, #tpu.memory_space<hbm>>) target(%arg11 : memref<64x128xf32, #tpu.memory_space<vmem>>) offsets(%dma_start3A_163 : memref<64xi32, #tpu.memory_space<vmem>>) semaphore(%arg15 : memref<!tpu.dma_semaphore, #tpu.memory_space<semaphore_mem>>)
        } else {
        }
      }
      %scan3A_40 = arith.constant 10 : i32
      %dma_wait3A = arith.constant 0 : i32
      %dma_wait3A_41 = arith.constant 0 : i32
      %dma_wait3A_42 = tpu.memref_slice %arg9[%dma_wait3A, %dma_wait3A_41] : memref<40x64xi32, #tpu.memory_space<vmem>> -> memref<1x64xi32, #tpu.memory_space<vmem>>
      %dma_wait3A_43 = tpu.memref_squeeze %dma_wait3A_42 : memref<1x64xi32, #tpu.memory_space<vmem>> -> memref<64xi32, #tpu.memory_space<vmem>>
      %dma_wait3A_44 = arith.constant 0 : i32
      %dma_wait3A_45 = arith.constant 0 : i32
      %dma_wait3A_46 = tpu.memref_slice %arg7[%dma_wait3A_44, %dma_wait3A_45] : memref<10240x128xf32, #tpu.memory_space<vmem_shared>> -> memref<10240x128xf32, #tpu.memory_space<vmem_shared>>
      tpu.wait_indirect_dma semaphore(%arg20 : memref<!tpu.dma_semaphore, #tpu.memory_space<semaphore_mem>>) src(%arg12 : memref<64x128xf32, #tpu.memory_space<vmem>>) dst(%dma_wait3A_46 : memref<10240x128xf32, #tpu.memory_space<vmem_shared>>)
      %dma_wait3A_47 = arith.constant 0 : i32
      %dma_wait3A_48 = arith.constant 0 : i32
      %dma_wait3A_49 = tpu.memref_slice %arg9[%dma_wait3A_47, %dma_wait3A_48] : memref<40x64xi32, #tpu.memory_space<vmem>> -> memref<1x64xi32, #tpu.memory_space<vmem>>
      %dma_wait3A_50 = tpu.memref_squeeze %dma_wait3A_49 : memref<1x64xi32, #tpu.memory_space<vmem>> -> memref<64xi32, #tpu.memory_space<vmem>>
      %dma_wait3A_51 = arith.constant 0 : i32
      %dma_wait3A_52 = arith.constant 0 : i32
      %dma_wait3A_53 = tpu.memref_slice %arg7[%dma_wait3A_51, %dma_wait3A_52] : memref<10240x128xf32, #tpu.memory_space<vmem_shared>> -> memref<10240x128xf32, #tpu.memory_space<vmem_shared>>
      tpu.wait_indirect_dma semaphore(%arg21 : memref<!tpu.dma_semaphore, #tpu.memory_space<semaphore_mem>>) src(%arg13 : memref<64x128xf32, #tpu.memory_space<vmem>>) dst(%dma_wait3A_53 : memref<10240x128xf32, #tpu.memory_space<vmem_shared>>)
    }
    %barrier3A_20 = arith.constant 0 : index
    tpu.barrier barrier_id(%barrier3A_20)
    "tpu.region"() ({
      %run_scoped3A = tpu.sem_alloc : memref<!tpu.dma_semaphore, #tpu.memory_space<semaphore_mem>>
      %dma_start3A = arith.constant 0 : i32
      %dma_start3A_21 = tpu.memref_slice %arg6[%arg0, %mul3A_0, %dma_start3A] : memref<2x10240x128xf32, #tpu.memory_space<hbm>> -> memref<1x640x128xf32, #tpu.memory_space<hbm>>
      %dma_start3A_22 = tpu.memref_squeeze %dma_start3A_21 : memref<1x640x128xf32, #tpu.memory_space<hbm>> -> memref<640x128xf32, #tpu.memory_space<hbm>>
      %dma_start3A_23 = arith.constant 0 : i32
      %dma_start3A_24 = tpu.memref_slice %arg7[%mul3A_0, %dma_start3A_23] : memref<10240x128xf32, #tpu.memory_space<vmem_shared>> -> memref<640x128xf32, #tpu.memory_space<vmem_shared>>
      tpu.enqueue_dma source(%dma_start3A_24 : memref<640x128xf32, #tpu.memory_space<vmem_shared>>) target(%dma_start3A_22 : memref<640x128xf32, #tpu.memory_space<hbm>>) target_semaphore(%run_scoped3A : memref<!tpu.dma_semaphore, #tpu.memory_space<semaphore_mem>>)
      %dma_wait3A = arith.constant 0 : i32
      %dma_wait3A_25 = tpu.memref_slice %arg6[%arg0, %mul3A_0, %dma_wait3A] : memref<2x10240x128xf32, #tpu.memory_space<hbm>> -> memref<1x640x128xf32, #tpu.memory_space<hbm>>
      %dma_wait3A_26 = tpu.memref_squeeze %dma_wait3A_25 : memref<1x640x128xf32, #tpu.memory_space<hbm>> -> memref<640x128xf32, #tpu.memory_space<hbm>>
      %dma_wait3A_27 = arith.constant 0 : i32
      %dma_wait3A_28 = tpu.memref_slice %arg7[%mul3A_0, %dma_wait3A_27] : memref<10240x128xf32, #tpu.memory_space<vmem_shared>> -> memref<640x128xf32, #tpu.memory_space<vmem_shared>>
      tpu.wait_dma2 semaphore(%run_scoped3A : memref<!tpu.dma_semaphore, #tpu.memory_space<semaphore_mem>>) src(%dma_wait3A_28 : memref<640x128xf32, #tpu.memory_space<vmem_shared>>) dst(%dma_wait3A_26 : memref<640x128xf32, #tpu.memory_space<hbm>>)
      tpu.yield
    }) : () -> ()
    return
  }
}

#map = affine_map<(d0, d1) -> (0, 0)>
#map1 = affine_map<(d0, d1) -> (0, 0, 0, 0)>
#map2 = affine_map<(d0, d1) -> (0, 0, 0)>
module attributes {stable_mosaic.version = 14 : i64} {
  func.func @_agg_body(%arg0: i32, %arg1: i32, %arg2: memref<10000x128xf32, #tpu.memory_space<hbm>>, %arg3: memref<16x8x40x64xi32, #tpu.memory_space<hbm>>, %arg4: memref<16x8x40x64xi32, #tpu.memory_space<hbm>>, %arg5: memref<10240x128xf32, #tpu.memory_space<hbm>>, %arg6: memref<2x10240x128xf32, #tpu.memory_space<hbm>>, %arg7: memref<10240x128xf32, #tpu.memory_space<vmem_shared>>, %arg8: memref<40x64xi32, #tpu.memory_space<vmem>>, %arg9: memref<40x64xi32, #tpu.memory_space<vmem>>, %arg10: memref<64x128xf32, #tpu.memory_space<vmem>>, %arg11: memref<64x128xf32, #tpu.memory_space<vmem>>, %arg12: memref<64x128xf32, #tpu.memory_space<vmem>>, %arg13: memref<64x128xf32, #tpu.memory_space<vmem>>, %arg14: memref<!tpu.dma_semaphore, #tpu.memory_space<semaphore_mem>>, %arg15: memref<!tpu.dma_semaphore, #tpu.memory_space<semaphore_mem>>, %arg16: memref<!tpu.dma_semaphore, #tpu.memory_space<semaphore_mem>>, %arg17: memref<!tpu.dma_semaphore, #tpu.memory_space<semaphore_mem>>, %arg18: memref<!tpu.dma_semaphore, #tpu.memory_space<semaphore_mem>>, %arg19: memref<!tpu.dma_semaphore, #tpu.memory_space<semaphore_mem>>, %arg20: memref<!tpu.dma_semaphore, #tpu.memory_space<semaphore_mem>>, %arg21: memref<!tpu.dma_semaphore, #tpu.memory_space<semaphore_mem>>) attributes {dimension_semantics = [#tpu.dimension_semantics<core_parallel>, #tpu.dimension_semantics<subcore_parallel>], iteration_bounds = array<i64: 2, 16>, scalar_prefetch = 0 : i64, scratch_operands = 15 : i64, tpu.core_type = #tpu.core_type<sc_vector_subcore>, window_params = [{transform_indices = #map}, {transform_indices = #map1}, {transform_indices = #map1}, {transform_indices = #map}, {transform_indices = #map2}]} {
    %mul3A = arith.constant 640 : i32
    %mul3A_0 = arith.muli %arg1, %mul3A : i32
    "tpu.region"() ({
      %run_scoped3A = tpu.sem_alloc : memref<!tpu.dma_semaphore, #tpu.memory_space<semaphore_mem>>
      %dma_start3A = arith.constant 0 : i32
      %dma_start3A_21 = tpu.memref_slice %arg7[%mul3A_0, %dma_start3A] : memref<10240x128xf32, #tpu.memory_space<vmem_shared>> -> memref<640x128xf32, #tpu.memory_space<vmem_shared>>
      %dma_start3A_22 = arith.constant 0 : i32
      %dma_start3A_23 = tpu.memref_slice %arg5[%mul3A_0, %dma_start3A_22] : memref<10240x128xf32, #tpu.memory_space<hbm>> -> memref<640x128xf32, #tpu.memory_space<hbm>>
      tpu.enqueue_dma source(%dma_start3A_23 : memref<640x128xf32, #tpu.memory_space<hbm>>) target(%dma_start3A_21 : memref<640x128xf32, #tpu.memory_space<vmem_shared>>) target_semaphore(%run_scoped3A : memref<!tpu.dma_semaphore, #tpu.memory_space<semaphore_mem>>)
      %dma_wait3A = arith.constant 0 : i32
      %dma_wait3A_24 = tpu.memref_slice %arg7[%mul3A_0, %dma_wait3A] : memref<10240x128xf32, #tpu.memory_space<vmem_shared>> -> memref<640x128xf32, #tpu.memory_space<vmem_shared>>
      %dma_wait3A_25 = arith.constant 0 : i32
      %dma_wait3A_26 = tpu.memref_slice %arg5[%mul3A_0, %dma_wait3A_25] : memref<10240x128xf32, #tpu.memory_space<hbm>> -> memref<640x128xf32, #tpu.memory_space<hbm>>
      tpu.wait_dma2 semaphore(%run_scoped3A : memref<!tpu.dma_semaphore, #tpu.memory_space<semaphore_mem>>) src(%dma_wait3A_26 : memref<640x128xf32, #tpu.memory_space<hbm>>) dst(%dma_wait3A_24 : memref<640x128xf32, #tpu.memory_space<vmem_shared>>)
      tpu.yield
    }) : () -> ()
    %barrier3A = arith.constant 0 : index
    tpu.barrier barrier_id(%barrier3A)
    %mul3A_1 = arith.constant 4 : i32
    %mul3A_2 = arith.muli %arg0, %mul3A_1 : i32
    %mul3A_3 = arith.constant 4 : i32
    %mul3A_4 = arith.muli %arg0, %mul3A_3 : i32
    %add3A = arith.constant 4 : i32
    %add3A_5 = arith.addi %add3A, %mul3A_4 : i32
    %sub3A = arith.subi %add3A_5, %mul3A_2 : i32
    %sub3A_6 = arith.constant 1 : i32
    %sub3A_7 = arith.constant 1 : i32
    %sub3A_8 = arith.subi %sub3A_6, %sub3A_7 : i32
    %add3A_9 = arith.addi %sub3A, %sub3A_8 : i32
    %div3A = arith.constant 1 : i32
    %div3A_10 = arith.divsi %add3A_9, %div3A : i32
    %while3A = arith.constant 1 : i32
    %while3A_11 = arith.constant 0 : i32
    %while3A_12 = arith.subi %div3A_10, %while3A_11 : i32
    %while3A_13 = arith.addi %while3A_11, %while3A_12 : i32
    %while3A_14 = arith.constant 1 : i32
    %while3A_15 = arith.divsi %while3A_12, %while3A_14 : i32
    %while3A_16 = arith.muli %while3A_15, %while3A_14 : i32
    %while3A_17 = arith.addi %while3A_11, %while3A_16 : i32
    %while3A_18 = arith.constant 1 : i32
    scf.for %while3A_21 = %while3A_11 to %while3A_17 step %while3A_18  : i32 {
      %mul3A_22 = arith.muli %while3A_21, %while3A : i32
      %add3A_23 = arith.addi %mul3A_2, %mul3A_22 : i32
      "tpu.region"() ({
        %run_scoped3A = tpu.sem_alloc : memref<!tpu.dma_semaphore, #tpu.memory_space<semaphore_mem>>
        %dma_start3A_54 = arith.constant 0 : i32
        %dma_start3A_55 = arith.constant 0 : i32
        %dma_start3A_56 = tpu.memref_slice %arg3[%arg1, %add3A_23, %dma_start3A_54, %dma_start3A_55] : memref<16x8x40x64xi32, #tpu.memory_space<hbm>> -> memref<1x1x40x64xi32, #tpu.memory_space<hbm>>
        %dma_start3A_57 = tpu.memref_squeeze %dma_start3A_56 : memref<1x1x40x64xi32, #tpu.memory_space<hbm>> -> memref<40x64xi32, #tpu.memory_space<hbm>>
        %dma_start3A_58 = arith.constant 0 : i32
        %dma_start3A_59 = arith.constant 0 : i32
        %dma_start3A_60 = tpu.memref_slice %arg3[%arg1, %add3A_23, %dma_start3A_58, %dma_start3A_59] : memref<16x8x40x64xi32, #tpu.memory_space<hbm>> -> memref<1x1x40x64xi32, #tpu.memory_space<hbm>>
        %dma_start3A_61 = tpu.memref_squeeze %dma_start3A_60 : memref<1x1x40x64xi32, #tpu.memory_space<hbm>> -> memref<40x64xi32, #tpu.memory_space<hbm>>
        tpu.enqueue_dma source(%dma_start3A_61 : memref<40x64xi32, #tpu.memory_space<hbm>>) target(%arg8 : memref<40x64xi32, #tpu.memory_space<vmem>>) target_semaphore(%run_scoped3A : memref<!tpu.dma_semaphore, #tpu.memory_space<semaphore_mem>>)
        %dma_wait3A_62 = arith.constant 0 : i32
        %dma_wait3A_63 = arith.constant 0 : i32
        %dma_wait3A_64 = tpu.memref_slice %arg3[%arg1, %add3A_23, %dma_wait3A_62, %dma_wait3A_63] : memref<16x8x40x64xi32, #tpu.memory_space<hbm>> -> memref<1x1x40x64xi32, #tpu.memory_space<hbm>>
        %dma_wait3A_65 = tpu.memref_squeeze %dma_wait3A_64 : memref<1x1x40x64xi32, #tpu.memory_space<hbm>> -> memref<40x64xi32, #tpu.memory_space<hbm>>
        %dma_wait3A_66 = arith.constant 0 : i32
        %dma_wait3A_67 = arith.constant 0 : i32
        %dma_wait3A_68 = tpu.memref_slice %arg3[%arg1, %add3A_23, %dma_wait3A_66, %dma_wait3A_67] : memref<16x8x40x64xi32, #tpu.memory_space<hbm>> -> memref<1x1x40x64xi32, #tpu.memory_space<hbm>>
        %dma_wait3A_69 = tpu.memref_squeeze %dma_wait3A_68 : memref<1x1x40x64xi32, #tpu.memory_space<hbm>> -> memref<40x64xi32, #tpu.memory_space<hbm>>
        tpu.wait_dma2 semaphore(%run_scoped3A : memref<!tpu.dma_semaphore, #tpu.memory_space<semaphore_mem>>) src(%dma_wait3A_69 : memref<40x64xi32, #tpu.memory_space<hbm>>) dst(%arg8 : memref<40x64xi32, #tpu.memory_space<vmem>>)
        tpu.yield
      }) : () -> ()
      "tpu.region"() ({
        %run_scoped3A = tpu.sem_alloc : memref<!tpu.dma_semaphore, #tpu.memory_space<semaphore_mem>>
        %dma_start3A_54 = arith.constant 0 : i32
        %dma_start3A_55 = arith.constant 0 : i32
        %dma_start3A_56 = tpu.memref_slice %arg4[%arg1, %add3A_23, %dma_start3A_54, %dma_start3A_55] : memref<16x8x40x64xi32, #tpu.memory_space<hbm>> -> memref<1x1x40x64xi32, #tpu.memory_space<hbm>>
        %dma_start3A_57 = tpu.memref_squeeze %dma_start3A_56 : memref<1x1x40x64xi32, #tpu.memory_space<hbm>> -> memref<40x64xi32, #tpu.memory_space<hbm>>
        %dma_start3A_58 = arith.constant 0 : i32
        %dma_start3A_59 = arith.constant 0 : i32
        %dma_start3A_60 = tpu.memref_slice %arg4[%arg1, %add3A_23, %dma_start3A_58, %dma_start3A_59] : memref<16x8x40x64xi32, #tpu.memory_space<hbm>> -> memref<1x1x40x64xi32, #tpu.memory_space<hbm>>
        %dma_start3A_61 = tpu.memref_squeeze %dma_start3A_60 : memref<1x1x40x64xi32, #tpu.memory_space<hbm>> -> memref<40x64xi32, #tpu.memory_space<hbm>>
        tpu.enqueue_dma source(%dma_start3A_61 : memref<40x64xi32, #tpu.memory_space<hbm>>) target(%arg9 : memref<40x64xi32, #tpu.memory_space<vmem>>) target_semaphore(%run_scoped3A : memref<!tpu.dma_semaphore, #tpu.memory_space<semaphore_mem>>)
        %dma_wait3A_62 = arith.constant 0 : i32
        %dma_wait3A_63 = arith.constant 0 : i32
        %dma_wait3A_64 = tpu.memref_slice %arg4[%arg1, %add3A_23, %dma_wait3A_62, %dma_wait3A_63] : memref<16x8x40x64xi32, #tpu.memory_space<hbm>> -> memref<1x1x40x64xi32, #tpu.memory_space<hbm>>
        %dma_wait3A_65 = tpu.memref_squeeze %dma_wait3A_64 : memref<1x1x40x64xi32, #tpu.memory_space<hbm>> -> memref<40x64xi32, #tpu.memory_space<hbm>>
        %dma_wait3A_66 = arith.constant 0 : i32
        %dma_wait3A_67 = arith.constant 0 : i32
        %dma_wait3A_68 = tpu.memref_slice %arg4[%arg1, %add3A_23, %dma_wait3A_66, %dma_wait3A_67] : memref<16x8x40x64xi32, #tpu.memory_space<hbm>> -> memref<1x1x40x64xi32, #tpu.memory_space<hbm>>
        %dma_wait3A_69 = tpu.memref_squeeze %dma_wait3A_68 : memref<1x1x40x64xi32, #tpu.memory_space<hbm>> -> memref<40x64xi32, #tpu.memory_space<hbm>>
        tpu.wait_dma2 semaphore(%run_scoped3A : memref<!tpu.dma_semaphore, #tpu.memory_space<semaphore_mem>>) src(%dma_wait3A_69 : memref<40x64xi32, #tpu.memory_space<hbm>>) dst(%arg9 : memref<40x64xi32, #tpu.memory_space<vmem>>)
        tpu.yield
      }) : () -> ()
      %dma_start3A = arith.constant 0 : i32
      %dma_start3A_24 = arith.constant 0 : i32
      %dma_start3A_25 = tpu.memref_slice %arg8[%dma_start3A, %dma_start3A_24] : memref<40x64xi32, #tpu.memory_space<vmem>> -> memref<1x64xi32, #tpu.memory_space<vmem>>
      %dma_start3A_26 = tpu.memref_squeeze %dma_start3A_25 : memref<1x64xi32, #tpu.memory_space<vmem>> -> memref<64xi32, #tpu.memory_space<vmem>>
      %dma_start3A_27 = arith.constant 0 : i32
      %dma_start3A_28 = arith.constant 0 : i32
      %dma_start3A_29 = tpu.memref_slice %arg2[%dma_start3A_27, %dma_start3A_28] : memref<10000x128xf32, #tpu.memory_space<hbm>> -> memref<10000x128xf32, #tpu.memory_space<hbm>>
      tpu.enqueue_indirect_dma source(%dma_start3A_29 : memref<10000x128xf32, #tpu.memory_space<hbm>>) target(%arg10 : memref<64x128xf32, #tpu.memory_space<vmem>>) offsets(%dma_start3A_26 : memref<64xi32, #tpu.memory_space<vmem>>) semaphore(%arg14 : memref<!tpu.dma_semaphore, #tpu.memory_space<semaphore_mem>>)
      %dma_start3A_30 = arith.constant 1 : i32
      %dma_start3A_31 = arith.constant 0 : i32
      %dma_start3A_32 = tpu.memref_slice %arg8[%dma_start3A_30, %dma_start3A_31] : memref<40x64xi32, #tpu.memory_space<vmem>> -> memref<1x64xi32, #tpu.memory_space<vmem>>
      %dma_start3A_33 = tpu.memref_squeeze %dma_start3A_32 : memref<1x64xi32, #tpu.memory_space<vmem>> -> memref<64xi32, #tpu.memory_space<vmem>>
      %dma_start3A_34 = arith.constant 0 : i32
      %dma_start3A_35 = arith.constant 0 : i32
      %dma_start3A_36 = tpu.memref_slice %arg2[%dma_start3A_34, %dma_start3A_35] : memref<10000x128xf32, #tpu.memory_space<hbm>> -> memref<10000x128xf32, #tpu.memory_space<hbm>>
      tpu.enqueue_indirect_dma source(%dma_start3A_36 : memref<10000x128xf32, #tpu.memory_space<hbm>>) target(%arg11 : memref<64x128xf32, #tpu.memory_space<vmem>>) offsets(%dma_start3A_33 : memref<64xi32, #tpu.memory_space<vmem>>) semaphore(%arg15 : memref<!tpu.dma_semaphore, #tpu.memory_space<semaphore_mem>>)
      %scan3A = arith.constant 0 : i32
      %scan3A_37 = arith.constant 10 : i32
      %scan3A_38 = arith.addi %scan3A, %scan3A_37 : i32
      %scan3A_39 = arith.constant 1 : i32
      scf.for %scan3A_54 = %scan3A to %scan3A_38 step %scan3A_39  : i32 {
        %mul3A_55 = arith.constant 4 : i32
        %mul3A_56 = arith.muli %scan3A_54, %mul3A_55 : i32
        %add3A_57 = arith.constant 0 : i32
        %add3A_58 = arith.addi %add3A_57, %mul3A_56 : i32
        %add3A_59 = arith.constant 0 : i32
        %add3A_60 = arith.addi %add3A_58, %add3A_59 : i32
        %dma_wait3A_61 = arith.constant 0 : i32
        %dma_wait3A_62 = tpu.memref_slice %arg8[%add3A_60, %dma_wait3A_61] : memref<40x64xi32, #tpu.memory_space<vmem>> -> memref<1x64xi32, #tpu.memory_space<vmem>>
        %dma_wait3A_63 = tpu.memref_squeeze %dma_wait3A_62 : memref<1x64xi32, #tpu.memory_space<vmem>> -> memref<64xi32, #tpu.memory_space<vmem>>
        %dma_wait3A_64 = arith.constant 0 : i32
        %dma_wait3A_65 = arith.constant 0 : i32
        %dma_wait3A_66 = tpu.memref_slice %arg2[%dma_wait3A_64, %dma_wait3A_65] : memref<10000x128xf32, #tpu.memory_space<hbm>> -> memref<10000x128xf32, #tpu.memory_space<hbm>>
        tpu.wait_indirect_dma semaphore(%arg14 : memref<!tpu.dma_semaphore, #tpu.memory_space<semaphore_mem>>) src(%dma_wait3A_66 : memref<10000x128xf32, #tpu.memory_space<hbm>>) dst(%arg10 : memref<64x128xf32, #tpu.memory_space<vmem>>)
        %dma_start3A_67 = arith.constant 0 : i32
        %dma_start3A_68 = tpu.memref_slice %arg9[%add3A_60, %dma_start3A_67] : memref<40x64xi32, #tpu.memory_space<vmem>> -> memref<1x64xi32, #tpu.memory_space<vmem>>
        %dma_start3A_69 = tpu.memref_squeeze %dma_start3A_68 : memref<1x64xi32, #tpu.memory_space<vmem>> -> memref<64xi32, #tpu.memory_space<vmem>>
        %dma_start3A_70 = arith.constant 0 : i32
        %dma_start3A_71 = arith.constant 0 : i32
        %dma_start3A_72 = tpu.memref_slice %arg7[%dma_start3A_70, %dma_start3A_71] : memref<10240x128xf32, #tpu.memory_space<vmem_shared>> -> memref<10240x128xf32, #tpu.memory_space<vmem_shared>>
        tpu.enqueue_indirect_dma source(%arg10 : memref<64x128xf32, #tpu.memory_space<vmem>>) target(%dma_start3A_72 : memref<10240x128xf32, #tpu.memory_space<vmem_shared>>) offsets(%dma_start3A_69 : memref<64xi32, #tpu.memory_space<vmem>>) semaphore(%arg18 : memref<!tpu.dma_semaphore, #tpu.memory_space<semaphore_mem>>) {add = true}
        %ge3A = arith.constant 2 : i32
        %ge3A_73 = arith.cmpi sge, %add3A_60, %ge3A : i32
        %convert_element_type3A = arith.extui %ge3A_73 : i1 to i32
        %cond3A = arith.constant 0 : i32
        %cond3A_74 = arith.cmpi ne, %convert_element_type3A, %cond3A : i32
        scf.if %cond3A_74 {
          %dma_wait3A_159 = arith.constant 0 : i32
          %dma_wait3A_160 = arith.constant 0 : i32
          %dma_wait3A_161 = tpu.memref_slice %arg9[%dma_wait3A_159, %dma_wait3A_160] : memref<40x64xi32, #tpu.memory_space<vmem>> -> memref<1x64xi32, #tpu.memory_space<vmem>>
          %dma_wait3A_162 = tpu.memref_squeeze %dma_wait3A_161 : memref<1x64xi32, #tpu.memory_space<vmem>> -> memref<64xi32, #tpu.memory_space<vmem>>
          %dma_wait3A_163 = arith.constant 0 : i32
          %dma_wait3A_164 = arith.constant 0 : i32
          %dma_wait3A_165 = tpu.memref_slice %arg7[%dma_wait3A_163, %dma_wait3A_164] : memref<10240x128xf32, #tpu.memory_space<vmem_shared>> -> memref<10240x128xf32, #tpu.memory_space<vmem_shared>>
          tpu.wait_indirect_dma semaphore(%arg20 : memref<!tpu.dma_semaphore, #tpu.memory_space<semaphore_mem>>) src(%arg12 : memref<64x128xf32, #tpu.memory_space<vmem>>) dst(%dma_wait3A_165 : memref<10240x128xf32, #tpu.memory_space<vmem_shared>>)
        } else {
        }
        %add3A_75 = arith.constant 2 : i32
        %add3A_76 = arith.addi %add3A_60, %add3A_75 : i32
        %lt3A = arith.constant 40 : i32
        %lt3A_77 = arith.cmpi slt, %add3A_76, %lt3A : i32
        %convert_element_type3A_78 = arith.extui %lt3A_77 : i1 to i32
        %cond3A_79 = arith.constant 0 : i32
        %cond3A_80 = arith.cmpi ne, %convert_element_type3A_78, %cond3A_79 : i32
        scf.if %cond3A_80 {
          %add3A_159 = arith.constant 2 : i32
          %add3A_160 = arith.addi %add3A_60, %add3A_159 : i32
          %dma_start3A_161 = arith.constant 0 : i32
          %dma_start3A_162 = tpu.memref_slice %arg8[%add3A_160, %dma_start3A_161] : memref<40x64xi32, #tpu.memory_space<vmem>> -> memref<1x64xi32, #tpu.memory_space<vmem>>
          %dma_start3A_163 = tpu.memref_squeeze %dma_start3A_162 : memref<1x64xi32, #tpu.memory_space<vmem>> -> memref<64xi32, #tpu.memory_space<vmem>>
          %dma_start3A_164 = arith.constant 0 : i32
          %dma_start3A_165 = arith.constant 0 : i32
          %dma_start3A_166 = tpu.memref_slice %arg2[%dma_start3A_164, %dma_start3A_165] : memref<10000x128xf32, #tpu.memory_space<hbm>> -> memref<10000x128xf32, #tpu.memory_space<hbm>>
          tpu.enqueue_indirect_dma source(%dma_start3A_166 : memref<10000x128xf32, #tpu.memory_space<hbm>>) target(%arg12 : memref<64x128xf32, #tpu.memory_space<vmem>>) offsets(%dma_start3A_163 : memref<64xi32, #tpu.memory_space<vmem>>) semaphore(%arg16 : memref<!tpu.dma_semaphore, #tpu.memory_space<semaphore_mem>>)
        } else {
        }
        %add3A_81 = arith.constant 1 : i32
        %add3A_82 = arith.addi %add3A_58, %add3A_81 : i32
        %dma_wait3A_83 = arith.constant 0 : i32
        %dma_wait3A_84 = tpu.memref_slice %arg8[%add3A_82, %dma_wait3A_83] : memref<40x64xi32, #tpu.memory_space<vmem>> -> memref<1x64xi32, #tpu.memory_space<vmem>>
        %dma_wait3A_85 = tpu.memref_squeeze %dma_wait3A_84 : memref<1x64xi32, #tpu.memory_space<vmem>> -> memref<64xi32, #tpu.memory_space<vmem>>
        %dma_wait3A_86 = arith.constant 0 : i32
        %dma_wait3A_87 = arith.constant 0 : i32
        %dma_wait3A_88 = tpu.memref_slice %arg2[%dma_wait3A_86, %dma_wait3A_87] : memref<10000x128xf32, #tpu.memory_space<hbm>> -> memref<10000x128xf32, #tpu.memory_space<hbm>>
        tpu.wait_indirect_dma semaphore(%arg15 : memref<!tpu.dma_semaphore, #tpu.memory_space<semaphore_mem>>) src(%dma_wait3A_88 : memref<10000x128xf32, #tpu.memory_space<hbm>>) dst(%arg11 : memref<64x128xf32, #tpu.memory_space<vmem>>)
        %dma_start3A_89 = arith.constant 0 : i32
        %dma_start3A_90 = tpu.memref_slice %arg9[%add3A_82, %dma_start3A_89] : memref<40x64xi32, #tpu.memory_space<vmem>> -> memref<1x64xi32, #tpu.memory_space<vmem>>
        %dma_start3A_91 = tpu.memref_squeeze %dma_start3A_90 : memref<1x64xi32, #tpu.memory_space<vmem>> -> memref<64xi32, #tpu.memory_space<vmem>>
        %dma_start3A_92 = arith.constant 0 : i32
        %dma_start3A_93 = arith.constant 0 : i32
        %dma_start3A_94 = tpu.memref_slice %arg7[%dma_start3A_92, %dma_start3A_93] : memref<10240x128xf32, #tpu.memory_space<vmem_shared>> -> memref<10240x128xf32, #tpu.memory_space<vmem_shared>>
        tpu.enqueue_indirect_dma source(%arg11 : memref<64x128xf32, #tpu.memory_space<vmem>>) target(%dma_start3A_94 : memref<10240x128xf32, #tpu.memory_space<vmem_shared>>) offsets(%dma_start3A_91 : memref<64xi32, #tpu.memory_space<vmem>>) semaphore(%arg19 : memref<!tpu.dma_semaphore, #tpu.memory_space<semaphore_mem>>) {add = true}
        %ge3A_95 = arith.constant 2 : i32
        %ge3A_96 = arith.cmpi sge, %add3A_82, %ge3A_95 : i32
        %convert_element_type3A_97 = arith.extui %ge3A_96 : i1 to i32
        %cond3A_98 = arith.constant 0 : i32
        %cond3A_99 = arith.cmpi ne, %convert_element_type3A_97, %cond3A_98 : i32
        scf.if %cond3A_99 {
          %dma_wait3A_159 = arith.constant 0 : i32
          %dma_wait3A_160 = arith.constant 0 : i32
          %dma_wait3A_161 = tpu.memref_slice %arg9[%dma_wait3A_159, %dma_wait3A_160] : memref<40x64xi32, #tpu.memory_space<vmem>> -> memref<1x64xi32, #tpu.memory_space<vmem>>
          %dma_wait3A_162 = tpu.memref_squeeze %dma_wait3A_161 : memref<1x64xi32, #tpu.memory_space<vmem>> -> memref<64xi32, #tpu.memory_space<vmem>>
          %dma_wait3A_163 = arith.constant 0 : i32
          %dma_wait3A_164 = arith.constant 0 : i32
          %dma_wait3A_165 = tpu.memref_slice %arg7[%dma_wait3A_163, %dma_wait3A_164] : memref<10240x128xf32, #tpu.memory_space<vmem_shared>> -> memref<10240x128xf32, #tpu.memory_space<vmem_shared>>
          tpu.wait_indirect_dma semaphore(%arg21 : memref<!tpu.dma_semaphore, #tpu.memory_space<semaphore_mem>>) src(%arg13 : memref<64x128xf32, #tpu.memory_space<vmem>>) dst(%dma_wait3A_165 : memref<10240x128xf32, #tpu.memory_space<vmem_shared>>)
        } else {
        }
        %add3A_100 = arith.constant 2 : i32
        %add3A_101 = arith.addi %add3A_82, %add3A_100 : i32
        %lt3A_102 = arith.constant 40 : i32
        %lt3A_103 = arith.cmpi slt, %add3A_101, %lt3A_102 : i32
        %convert_element_type3A_104 = arith.extui %lt3A_103 : i1 to i32
        %cond3A_105 = arith.constant 0 : i32
        %cond3A_106 = arith.cmpi ne, %convert_element_type3A_104, %cond3A_105 : i32
        scf.if %cond3A_106 {
          %add3A_159 = arith.constant 2 : i32
          %add3A_160 = arith.addi %add3A_82, %add3A_159 : i32
          %dma_start3A_161 = arith.constant 0 : i32
          %dma_start3A_162 = tpu.memref_slice %arg8[%add3A_160, %dma_start3A_161] : memref<40x64xi32, #tpu.memory_space<vmem>> -> memref<1x64xi32, #tpu.memory_space<vmem>>
          %dma_start3A_163 = tpu.memref_squeeze %dma_start3A_162 : memref<1x64xi32, #tpu.memory_space<vmem>> -> memref<64xi32, #tpu.memory_space<vmem>>
          %dma_start3A_164 = arith.constant 0 : i32
          %dma_start3A_165 = arith.constant 0 : i32
          %dma_start3A_166 = tpu.memref_slice %arg2[%dma_start3A_164, %dma_start3A_165] : memref<10000x128xf32, #tpu.memory_space<hbm>> -> memref<10000x128xf32, #tpu.memory_space<hbm>>
          tpu.enqueue_indirect_dma source(%dma_start3A_166 : memref<10000x128xf32, #tpu.memory_space<hbm>>) target(%arg13 : memref<64x128xf32, #tpu.memory_space<vmem>>) offsets(%dma_start3A_163 : memref<64xi32, #tpu.memory_space<vmem>>) semaphore(%arg17 : memref<!tpu.dma_semaphore, #tpu.memory_space<semaphore_mem>>)
        } else {
        }
        %add3A_107 = arith.constant 2 : i32
        %add3A_108 = arith.addi %add3A_58, %add3A_107 : i32
        %dma_wait3A_109 = arith.constant 0 : i32
        %dma_wait3A_110 = tpu.memref_slice %arg8[%add3A_108, %dma_wait3A_109] : memref<40x64xi32, #tpu.memory_space<vmem>> -> memref<1x64xi32, #tpu.memory_space<vmem>>
        %dma_wait3A_111 = tpu.memref_squeeze %dma_wait3A_110 : memref<1x64xi32, #tpu.memory_space<vmem>> -> memref<64xi32, #tpu.memory_space<vmem>>
        %dma_wait3A_112 = arith.constant 0 : i32
        %dma_wait3A_113 = arith.constant 0 : i32
        %dma_wait3A_114 = tpu.memref_slice %arg2[%dma_wait3A_112, %dma_wait3A_113] : memref<10000x128xf32, #tpu.memory_space<hbm>> -> memref<10000x128xf32, #tpu.memory_space<hbm>>
        tpu.wait_indirect_dma semaphore(%arg16 : memref<!tpu.dma_semaphore, #tpu.memory_space<semaphore_mem>>) src(%dma_wait3A_114 : memref<10000x128xf32, #tpu.memory_space<hbm>>) dst(%arg12 : memref<64x128xf32, #tpu.memory_space<vmem>>)
        %dma_start3A_115 = arith.constant 0 : i32
        %dma_start3A_116 = tpu.memref_slice %arg9[%add3A_108, %dma_start3A_115] : memref<40x64xi32, #tpu.memory_space<vmem>> -> memref<1x64xi32, #tpu.memory_space<vmem>>
        %dma_start3A_117 = tpu.memref_squeeze %dma_start3A_116 : memref<1x64xi32, #tpu.memory_space<vmem>> -> memref<64xi32, #tpu.memory_space<vmem>>
        %dma_start3A_118 = arith.constant 0 : i32
        %dma_start3A_119 = arith.constant 0 : i32
        %dma_start3A_120 = tpu.memref_slice %arg7[%dma_start3A_118, %dma_start3A_119] : memref<10240x128xf32, #tpu.memory_space<vmem_shared>> -> memref<10240x128xf32, #tpu.memory_space<vmem_shared>>
        tpu.enqueue_indirect_dma source(%arg12 : memref<64x128xf32, #tpu.memory_space<vmem>>) target(%dma_start3A_120 : memref<10240x128xf32, #tpu.memory_space<vmem_shared>>) offsets(%dma_start3A_117 : memref<64xi32, #tpu.memory_space<vmem>>) semaphore(%arg20 : memref<!tpu.dma_semaphore, #tpu.memory_space<semaphore_mem>>) {add = true}
        %ge3A_121 = arith.constant 2 : i32
        %ge3A_122 = arith.cmpi sge, %add3A_108, %ge3A_121 : i32
        %convert_element_type3A_123 = arith.extui %ge3A_122 : i1 to i32
        %cond3A_124 = arith.constant 0 : i32
        %cond3A_125 = arith.cmpi ne, %convert_element_type3A_123, %cond3A_124 : i32
        scf.if %cond3A_125 {
          %dma_wait3A_159 = arith.constant 0 : i32
          %dma_wait3A_160 = arith.constant 0 : i32
          %dma_wait3A_161 = tpu.memref_slice %arg9[%dma_wait3A_159, %dma_wait3A_160] : memref<40x64xi32, #tpu.memory_space<vmem>> -> memref<1x64xi32, #tpu.memory_space<vmem>>
          %dma_wait3A_162 = tpu.memref_squeeze %dma_wait3A_161 : memref<1x64xi32, #tpu.memory_space<vmem>> -> memref<64xi32, #tpu.memory_space<vmem>>
          %dma_wait3A_163 = arith.constant 0 : i32
          %dma_wait3A_164 = arith.constant 0 : i32
          %dma_wait3A_165 = tpu.memref_slice %arg7[%dma_wait3A_163, %dma_wait3A_164] : memref<10240x128xf32, #tpu.memory_space<vmem_shared>> -> memref<10240x128xf32, #tpu.memory_space<vmem_shared>>
          tpu.wait_indirect_dma semaphore(%arg18 : memref<!tpu.dma_semaphore, #tpu.memory_space<semaphore_mem>>) src(%arg10 : memref<64x128xf32, #tpu.memory_space<vmem>>) dst(%dma_wait3A_165 : memref<10240x128xf32, #tpu.memory_space<vmem_shared>>)
        } else {
        }
        %add3A_126 = arith.constant 2 : i32
        %add3A_127 = arith.addi %add3A_108, %add3A_126 : i32
        %lt3A_128 = arith.constant 40 : i32
        %lt3A_129 = arith.cmpi slt, %add3A_127, %lt3A_128 : i32
        %convert_element_type3A_130 = arith.extui %lt3A_129 : i1 to i32
        %cond3A_131 = arith.constant 0 : i32
        %cond3A_132 = arith.cmpi ne, %convert_element_type3A_130, %cond3A_131 : i32
        scf.if %cond3A_132 {
          %add3A_159 = arith.constant 2 : i32
          %add3A_160 = arith.addi %add3A_108, %add3A_159 : i32
          %dma_start3A_161 = arith.constant 0 : i32
          %dma_start3A_162 = tpu.memref_slice %arg8[%add3A_160, %dma_start3A_161] : memref<40x64xi32, #tpu.memory_space<vmem>> -> memref<1x64xi32, #tpu.memory_space<vmem>>
          %dma_start3A_163 = tpu.memref_squeeze %dma_start3A_162 : memref<1x64xi32, #tpu.memory_space<vmem>> -> memref<64xi32, #tpu.memory_space<vmem>>
          %dma_start3A_164 = arith.constant 0 : i32
          %dma_start3A_165 = arith.constant 0 : i32
          %dma_start3A_166 = tpu.memref_slice %arg2[%dma_start3A_164, %dma_start3A_165] : memref<10000x128xf32, #tpu.memory_space<hbm>> -> memref<10000x128xf32, #tpu.memory_space<hbm>>
          tpu.enqueue_indirect_dma source(%dma_start3A_166 : memref<10000x128xf32, #tpu.memory_space<hbm>>) target(%arg10 : memref<64x128xf32, #tpu.memory_space<vmem>>) offsets(%dma_start3A_163 : memref<64xi32, #tpu.memory_space<vmem>>) semaphore(%arg14 : memref<!tpu.dma_semaphore, #tpu.memory_space<semaphore_mem>>)
        } else {
        }
        %add3A_133 = arith.constant 3 : i32
        %add3A_134 = arith.addi %add3A_58, %add3A_133 : i32
        %dma_wait3A_135 = arith.constant 0 : i32
        %dma_wait3A_136 = tpu.memref_slice %arg8[%add3A_134, %dma_wait3A_135] : memref<40x64xi32, #tpu.memory_space<vmem>> -> memref<1x64xi32, #tpu.memory_space<vmem>>
        %dma_wait3A_137 = tpu.memref_squeeze %dma_wait3A_136 : memref<1x64xi32, #tpu.memory_space<vmem>> -> memref<64xi32, #tpu.memory_space<vmem>>
        %dma_wait3A_138 = arith.constant 0 : i32
        %dma_wait3A_139 = arith.constant 0 : i32
        %dma_wait3A_140 = tpu.memref_slice %arg2[%dma_wait3A_138, %dma_wait3A_139] : memref<10000x128xf32, #tpu.memory_space<hbm>> -> memref<10000x128xf32, #tpu.memory_space<hbm>>
        tpu.wait_indirect_dma semaphore(%arg17 : memref<!tpu.dma_semaphore, #tpu.memory_space<semaphore_mem>>) src(%dma_wait3A_140 : memref<10000x128xf32, #tpu.memory_space<hbm>>) dst(%arg13 : memref<64x128xf32, #tpu.memory_space<vmem>>)
        %dma_start3A_141 = arith.constant 0 : i32
        %dma_start3A_142 = tpu.memref_slice %arg9[%add3A_134, %dma_start3A_141] : memref<40x64xi32, #tpu.memory_space<vmem>> -> memref<1x64xi32, #tpu.memory_space<vmem>>
        %dma_start3A_143 = tpu.memref_squeeze %dma_start3A_142 : memref<1x64xi32, #tpu.memory_space<vmem>> -> memref<64xi32, #tpu.memory_space<vmem>>
        %dma_start3A_144 = arith.constant 0 : i32
        %dma_start3A_145 = arith.constant 0 : i32
        %dma_start3A_146 = tpu.memref_slice %arg7[%dma_start3A_144, %dma_start3A_145] : memref<10240x128xf32, #tpu.memory_space<vmem_shared>> -> memref<10240x128xf32, #tpu.memory_space<vmem_shared>>
        tpu.enqueue_indirect_dma source(%arg13 : memref<64x128xf32, #tpu.memory_space<vmem>>) target(%dma_start3A_146 : memref<10240x128xf32, #tpu.memory_space<vmem_shared>>) offsets(%dma_start3A_143 : memref<64xi32, #tpu.memory_space<vmem>>) semaphore(%arg21 : memref<!tpu.dma_semaphore, #tpu.memory_space<semaphore_mem>>) {add = true}
        %ge3A_147 = arith.constant 2 : i32
        %ge3A_148 = arith.cmpi sge, %add3A_134, %ge3A_147 : i32
        %convert_element_type3A_149 = arith.extui %ge3A_148 : i1 to i32
        %cond3A_150 = arith.constant 0 : i32
        %cond3A_151 = arith.cmpi ne, %convert_element_type3A_149, %cond3A_150 : i32
        scf.if %cond3A_151 {
          %dma_wait3A_159 = arith.constant 0 : i32
          %dma_wait3A_160 = arith.constant 0 : i32
          %dma_wait3A_161 = tpu.memref_slice %arg9[%dma_wait3A_159, %dma_wait3A_160] : memref<40x64xi32, #tpu.memory_space<vmem>> -> memref<1x64xi32, #tpu.memory_space<vmem>>
          %dma_wait3A_162 = tpu.memref_squeeze %dma_wait3A_161 : memref<1x64xi32, #tpu.memory_space<vmem>> -> memref<64xi32, #tpu.memory_space<vmem>>
          %dma_wait3A_163 = arith.constant 0 : i32
          %dma_wait3A_164 = arith.constant 0 : i32
          %dma_wait3A_165 = tpu.memref_slice %arg7[%dma_wait3A_163, %dma_wait3A_164] : memref<10240x128xf32, #tpu.memory_space<vmem_shared>> -> memref<10240x128xf32, #tpu.memory_space<vmem_shared>>
          tpu.wait_indirect_dma semaphore(%arg19 : memref<!tpu.dma_semaphore, #tpu.memory_space<semaphore_mem>>) src(%arg11 : memref<64x128xf32, #tpu.memory_space<vmem>>) dst(%dma_wait3A_165 : memref<10240x128xf32, #tpu.memory_space<vmem_shared>>)
        } else {
        }
        %add3A_152 = arith.constant 2 : i32
        %add3A_153 = arith.addi %add3A_134, %add3A_152 : i32
        %lt3A_154 = arith.constant 40 : i32
        %lt3A_155 = arith.cmpi slt, %add3A_153, %lt3A_154 : i32
        %convert_element_type3A_156 = arith.extui %lt3A_155 : i1 to i32
        %cond3A_157 = arith.constant 0 : i32
        %cond3A_158 = arith.cmpi ne, %convert_element_type3A_156, %cond3A_157 : i32
        scf.if %cond3A_158 {
          %add3A_159 = arith.constant 2 : i32
          %add3A_160 = arith.addi %add3A_134, %add3A_159 : i32
          %dma_start3A_161 = arith.constant 0 : i32
          %dma_start3A_162 = tpu.memref_slice %arg8[%add3A_160, %dma_start3A_161] : memref<40x64xi32, #tpu.memory_space<vmem>> -> memref<1x64xi32, #tpu.memory_space<vmem>>
          %dma_start3A_163 = tpu.memref_squeeze %dma_start3A_162 : memref<1x64xi32, #tpu.memory_space<vmem>> -> memref<64xi32, #tpu.memory_space<vmem>>
          %dma_start3A_164 = arith.constant 0 : i32
          %dma_start3A_165 = arith.constant 0 : i32
          %dma_start3A_166 = tpu.memref_slice %arg2[%dma_start3A_164, %dma_start3A_165] : memref<10000x128xf32, #tpu.memory_space<hbm>> -> memref<10000x128xf32, #tpu.memory_space<hbm>>
          tpu.enqueue_indirect_dma source(%dma_start3A_166 : memref<10000x128xf32, #tpu.memory_space<hbm>>) target(%arg11 : memref<64x128xf32, #tpu.memory_space<vmem>>) offsets(%dma_start3A_163 : memref<64xi32, #tpu.memory_space<vmem>>) semaphore(%arg15 : memref<!tpu.dma_semaphore, #tpu.memory_space<semaphore_mem>>)
        } else {
        }
      }
      %scan3A_40 = arith.constant 10 : i32
      %dma_wait3A = arith.constant 0 : i32
      %dma_wait3A_41 = arith.constant 0 : i32
      %dma_wait3A_42 = tpu.memref_slice %arg9[%dma_wait3A, %dma_wait3A_41] : memref<40x64xi32, #tpu.memory_space<vmem>> -> memref<1x64xi32, #tpu.memory_space<vmem>>
      %dma_wait3A_43 = tpu.memref_squeeze %dma_wait3A_42 : memref<1x64xi32, #tpu.memory_space<vmem>> -> memref<64xi32, #tpu.memory_space<vmem>>
      %dma_wait3A_44 = arith.constant 0 : i32
      %dma_wait3A_45 = arith.constant 0 : i32
      %dma_wait3A_46 = tpu.memref_slice %arg7[%dma_wait3A_44, %dma_wait3A_45] : memref<10240x128xf32, #tpu.memory_space<vmem_shared>> -> memref<10240x128xf32, #tpu.memory_space<vmem_shared>>
      tpu.wait_indirect_dma semaphore(%arg20 : memref<!tpu.dma_semaphore, #tpu.memory_space<semaphore_mem>>) src(%arg12 : memref<64x128xf32, #tpu.memory_space<vmem>>) dst(%dma_wait3A_46 : memref<10240x128xf32, #tpu.memory_space<vmem_shared>>)
      %dma_wait3A_47 = arith.constant 0 : i32
      %dma_wait3A_48 = arith.constant 0 : i32
      %dma_wait3A_49 = tpu.memref_slice %arg9[%dma_wait3A_47, %dma_wait3A_48] : memref<40x64xi32, #tpu.memory_space<vmem>> -> memref<1x64xi32, #tpu.memory_space<vmem>>
      %dma_wait3A_50 = tpu.memref_squeeze %dma_wait3A_49 : memref<1x64xi32, #tpu.memory_space<vmem>> -> memref<64xi32, #tpu.memory_space<vmem>>
      %dma_wait3A_51 = arith.constant 0 : i32
      %dma_wait3A_52 = arith.constant 0 : i32
      %dma_wait3A_53 = tpu.memref_slice %arg7[%dma_wait3A_51, %dma_wait3A_52] : memref<10240x128xf32, #tpu.memory_space<vmem_shared>> -> memref<10240x128xf32, #tpu.memory_space<vmem_shared>>
      tpu.wait_indirect_dma semaphore(%arg21 : memref<!tpu.dma_semaphore, #tpu.memory_space<semaphore_mem>>) src(%arg13 : memref<64x128xf32, #tpu.memory_space<vmem>>) dst(%dma_wait3A_53 : memref<10240x128xf32, #tpu.memory_space<vmem_shared>>)
    }
    %while3A_19 = arith.constant 1 : i32
    scf.for %while3A_21 = %while3A_17 to %while3A_13 step %while3A_19  : i32 {
      %mul3A_22 = arith.muli %while3A_21, %while3A : i32
      %add3A_23 = arith.addi %mul3A_2, %mul3A_22 : i32
      "tpu.region"() ({
        %run_scoped3A = tpu.sem_alloc : memref<!tpu.dma_semaphore, #tpu.memory_space<semaphore_mem>>
        %dma_start3A_54 = arith.constant 0 : i32
        %dma_start3A_55 = arith.constant 0 : i32
        %dma_start3A_56 = tpu.memref_slice %arg3[%arg1, %add3A_23, %dma_start3A_54, %dma_start3A_55] : memref<16x8x40x64xi32, #tpu.memory_space<hbm>> -> memref<1x1x40x64xi32, #tpu.memory_space<hbm>>
        %dma_start3A_57 = tpu.memref_squeeze %dma_start3A_56 : memref<1x1x40x64xi32, #tpu.memory_space<hbm>> -> memref<40x64xi32, #tpu.memory_space<hbm>>
        %dma_start3A_58 = arith.constant 0 : i32
        %dma_start3A_59 = arith.constant 0 : i32
        %dma_start3A_60 = tpu.memref_slice %arg3[%arg1, %add3A_23, %dma_start3A_58, %dma_start3A_59] : memref<16x8x40x64xi32, #tpu.memory_space<hbm>> -> memref<1x1x40x64xi32, #tpu.memory_space<hbm>>
        %dma_start3A_61 = tpu.memref_squeeze %dma_start3A_60 : memref<1x1x40x64xi32, #tpu.memory_space<hbm>> -> memref<40x64xi32, #tpu.memory_space<hbm>>
        tpu.enqueue_dma source(%dma_start3A_61 : memref<40x64xi32, #tpu.memory_space<hbm>>) target(%arg8 : memref<40x64xi32, #tpu.memory_space<vmem>>) target_semaphore(%run_scoped3A : memref<!tpu.dma_semaphore, #tpu.memory_space<semaphore_mem>>)
        %dma_wait3A_62 = arith.constant 0 : i32
        %dma_wait3A_63 = arith.constant 0 : i32
        %dma_wait3A_64 = tpu.memref_slice %arg3[%arg1, %add3A_23, %dma_wait3A_62, %dma_wait3A_63] : memref<16x8x40x64xi32, #tpu.memory_space<hbm>> -> memref<1x1x40x64xi32, #tpu.memory_space<hbm>>
        %dma_wait3A_65 = tpu.memref_squeeze %dma_wait3A_64 : memref<1x1x40x64xi32, #tpu.memory_space<hbm>> -> memref<40x64xi32, #tpu.memory_space<hbm>>
        %dma_wait3A_66 = arith.constant 0 : i32
        %dma_wait3A_67 = arith.constant 0 : i32
        %dma_wait3A_68 = tpu.memref_slice %arg3[%arg1, %add3A_23, %dma_wait3A_66, %dma_wait3A_67] : memref<16x8x40x64xi32, #tpu.memory_space<hbm>> -> memref<1x1x40x64xi32, #tpu.memory_space<hbm>>
        %dma_wait3A_69 = tpu.memref_squeeze %dma_wait3A_68 : memref<1x1x40x64xi32, #tpu.memory_space<hbm>> -> memref<40x64xi32, #tpu.memory_space<hbm>>
        tpu.wait_dma2 semaphore(%run_scoped3A : memref<!tpu.dma_semaphore, #tpu.memory_space<semaphore_mem>>) src(%dma_wait3A_69 : memref<40x64xi32, #tpu.memory_space<hbm>>) dst(%arg8 : memref<40x64xi32, #tpu.memory_space<vmem>>)
        tpu.yield
      }) : () -> ()
      "tpu.region"() ({
        %run_scoped3A = tpu.sem_alloc : memref<!tpu.dma_semaphore, #tpu.memory_space<semaphore_mem>>
        %dma_start3A_54 = arith.constant 0 : i32
        %dma_start3A_55 = arith.constant 0 : i32
        %dma_start3A_56 = tpu.memref_slice %arg4[%arg1, %add3A_23, %dma_start3A_54, %dma_start3A_55] : memref<16x8x40x64xi32, #tpu.memory_space<hbm>> -> memref<1x1x40x64xi32, #tpu.memory_space<hbm>>
        %dma_start3A_57 = tpu.memref_squeeze %dma_start3A_56 : memref<1x1x40x64xi32, #tpu.memory_space<hbm>> -> memref<40x64xi32, #tpu.memory_space<hbm>>
        %dma_start3A_58 = arith.constant 0 : i32
        %dma_start3A_59 = arith.constant 0 : i32
        %dma_start3A_60 = tpu.memref_slice %arg4[%arg1, %add3A_23, %dma_start3A_58, %dma_start3A_59] : memref<16x8x40x64xi32, #tpu.memory_space<hbm>> -> memref<1x1x40x64xi32, #tpu.memory_space<hbm>>
        %dma_start3A_61 = tpu.memref_squeeze %dma_start3A_60 : memref<1x1x40x64xi32, #tpu.memory_space<hbm>> -> memref<40x64xi32, #tpu.memory_space<hbm>>
        tpu.enqueue_dma source(%dma_start3A_61 : memref<40x64xi32, #tpu.memory_space<hbm>>) target(%arg9 : memref<40x64xi32, #tpu.memory_space<vmem>>) target_semaphore(%run_scoped3A : memref<!tpu.dma_semaphore, #tpu.memory_space<semaphore_mem>>)
        %dma_wait3A_62 = arith.constant 0 : i32
        %dma_wait3A_63 = arith.constant 0 : i32
        %dma_wait3A_64 = tpu.memref_slice %arg4[%arg1, %add3A_23, %dma_wait3A_62, %dma_wait3A_63] : memref<16x8x40x64xi32, #tpu.memory_space<hbm>> -> memref<1x1x40x64xi32, #tpu.memory_space<hbm>>
        %dma_wait3A_65 = tpu.memref_squeeze %dma_wait3A_64 : memref<1x1x40x64xi32, #tpu.memory_space<hbm>> -> memref<40x64xi32, #tpu.memory_space<hbm>>
        %dma_wait3A_66 = arith.constant 0 : i32
        %dma_wait3A_67 = arith.constant 0 : i32
        %dma_wait3A_68 = tpu.memref_slice %arg4[%arg1, %add3A_23, %dma_wait3A_66, %dma_wait3A_67] : memref<16x8x40x64xi32, #tpu.memory_space<hbm>> -> memref<1x1x40x64xi32, #tpu.memory_space<hbm>>
        %dma_wait3A_69 = tpu.memref_squeeze %dma_wait3A_68 : memref<1x1x40x64xi32, #tpu.memory_space<hbm>> -> memref<40x64xi32, #tpu.memory_space<hbm>>
        tpu.wait_dma2 semaphore(%run_scoped3A : memref<!tpu.dma_semaphore, #tpu.memory_space<semaphore_mem>>) src(%dma_wait3A_69 : memref<40x64xi32, #tpu.memory_space<hbm>>) dst(%arg9 : memref<40x64xi32, #tpu.memory_space<vmem>>)
        tpu.yield
      }) : () -> ()
      %dma_start3A = arith.constant 0 : i32
      %dma_start3A_24 = arith.constant 0 : i32
      %dma_start3A_25 = tpu.memref_slice %arg8[%dma_start3A, %dma_start3A_24] : memref<40x64xi32, #tpu.memory_space<vmem>> -> memref<1x64xi32, #tpu.memory_space<vmem>>
      %dma_start3A_26 = tpu.memref_squeeze %dma_start3A_25 : memref<1x64xi32, #tpu.memory_space<vmem>> -> memref<64xi32, #tpu.memory_space<vmem>>
      %dma_start3A_27 = arith.constant 0 : i32
      %dma_start3A_28 = arith.constant 0 : i32
      %dma_start3A_29 = tpu.memref_slice %arg2[%dma_start3A_27, %dma_start3A_28] : memref<10000x128xf32, #tpu.memory_space<hbm>> -> memref<10000x128xf32, #tpu.memory_space<hbm>>
      tpu.enqueue_indirect_dma source(%dma_start3A_29 : memref<10000x128xf32, #tpu.memory_space<hbm>>) target(%arg10 : memref<64x128xf32, #tpu.memory_space<vmem>>) offsets(%dma_start3A_26 : memref<64xi32, #tpu.memory_space<vmem>>) semaphore(%arg14 : memref<!tpu.dma_semaphore, #tpu.memory_space<semaphore_mem>>)
      %dma_start3A_30 = arith.constant 1 : i32
      %dma_start3A_31 = arith.constant 0 : i32
      %dma_start3A_32 = tpu.memref_slice %arg8[%dma_start3A_30, %dma_start3A_31] : memref<40x64xi32, #tpu.memory_space<vmem>> -> memref<1x64xi32, #tpu.memory_space<vmem>>
      %dma_start3A_33 = tpu.memref_squeeze %dma_start3A_32 : memref<1x64xi32, #tpu.memory_space<vmem>> -> memref<64xi32, #tpu.memory_space<vmem>>
      %dma_start3A_34 = arith.constant 0 : i32
      %dma_start3A_35 = arith.constant 0 : i32
      %dma_start3A_36 = tpu.memref_slice %arg2[%dma_start3A_34, %dma_start3A_35] : memref<10000x128xf32, #tpu.memory_space<hbm>> -> memref<10000x128xf32, #tpu.memory_space<hbm>>
      tpu.enqueue_indirect_dma source(%dma_start3A_36 : memref<10000x128xf32, #tpu.memory_space<hbm>>) target(%arg11 : memref<64x128xf32, #tpu.memory_space<vmem>>) offsets(%dma_start3A_33 : memref<64xi32, #tpu.memory_space<vmem>>) semaphore(%arg15 : memref<!tpu.dma_semaphore, #tpu.memory_space<semaphore_mem>>)
      %scan3A = arith.constant 0 : i32
      %scan3A_37 = arith.constant 10 : i32
      %scan3A_38 = arith.addi %scan3A, %scan3A_37 : i32
      %scan3A_39 = arith.constant 1 : i32
      scf.for %scan3A_54 = %scan3A to %scan3A_38 step %scan3A_39  : i32 {
        %mul3A_55 = arith.constant 4 : i32
        %mul3A_56 = arith.muli %scan3A_54, %mul3A_55 : i32
        %add3A_57 = arith.constant 0 : i32
        %add3A_58 = arith.addi %add3A_57, %mul3A_56 : i32
        %add3A_59 = arith.constant 0 : i32
        %add3A_60 = arith.addi %add3A_58, %add3A_59 : i32
        %dma_wait3A_61 = arith.constant 0 : i32
        %dma_wait3A_62 = tpu.memref_slice %arg8[%add3A_60, %dma_wait3A_61] : memref<40x64xi32, #tpu.memory_space<vmem>> -> memref<1x64xi32, #tpu.memory_space<vmem>>
        %dma_wait3A_63 = tpu.memref_squeeze %dma_wait3A_62 : memref<1x64xi32, #tpu.memory_space<vmem>> -> memref<64xi32, #tpu.memory_space<vmem>>
        %dma_wait3A_64 = arith.constant 0 : i32
        %dma_wait3A_65 = arith.constant 0 : i32
        %dma_wait3A_66 = tpu.memref_slice %arg2[%dma_wait3A_64, %dma_wait3A_65] : memref<10000x128xf32, #tpu.memory_space<hbm>> -> memref<10000x128xf32, #tpu.memory_space<hbm>>
        tpu.wait_indirect_dma semaphore(%arg14 : memref<!tpu.dma_semaphore, #tpu.memory_space<semaphore_mem>>) src(%dma_wait3A_66 : memref<10000x128xf32, #tpu.memory_space<hbm>>) dst(%arg10 : memref<64x128xf32, #tpu.memory_space<vmem>>)
        %dma_start3A_67 = arith.constant 0 : i32
        %dma_start3A_68 = tpu.memref_slice %arg9[%add3A_60, %dma_start3A_67] : memref<40x64xi32, #tpu.memory_space<vmem>> -> memref<1x64xi32, #tpu.memory_space<vmem>>
        %dma_start3A_69 = tpu.memref_squeeze %dma_start3A_68 : memref<1x64xi32, #tpu.memory_space<vmem>> -> memref<64xi32, #tpu.memory_space<vmem>>
        %dma_start3A_70 = arith.constant 0 : i32
        %dma_start3A_71 = arith.constant 0 : i32
        %dma_start3A_72 = tpu.memref_slice %arg7[%dma_start3A_70, %dma_start3A_71] : memref<10240x128xf32, #tpu.memory_space<vmem_shared>> -> memref<10240x128xf32, #tpu.memory_space<vmem_shared>>
        tpu.enqueue_indirect_dma source(%arg10 : memref<64x128xf32, #tpu.memory_space<vmem>>) target(%dma_start3A_72 : memref<10240x128xf32, #tpu.memory_space<vmem_shared>>) offsets(%dma_start3A_69 : memref<64xi32, #tpu.memory_space<vmem>>) semaphore(%arg18 : memref<!tpu.dma_semaphore, #tpu.memory_space<semaphore_mem>>) {add = true}
        %ge3A = arith.constant 2 : i32
        %ge3A_73 = arith.cmpi sge, %add3A_60, %ge3A : i32
        %convert_element_type3A = arith.extui %ge3A_73 : i1 to i32
        %cond3A = arith.constant 0 : i32
        %cond3A_74 = arith.cmpi ne, %convert_element_type3A, %cond3A : i32
        scf.if %cond3A_74 {
          %dma_wait3A_159 = arith.constant 0 : i32
          %dma_wait3A_160 = arith.constant 0 : i32
          %dma_wait3A_161 = tpu.memref_slice %arg9[%dma_wait3A_159, %dma_wait3A_160] : memref<40x64xi32, #tpu.memory_space<vmem>> -> memref<1x64xi32, #tpu.memory_space<vmem>>
          %dma_wait3A_162 = tpu.memref_squeeze %dma_wait3A_161 : memref<1x64xi32, #tpu.memory_space<vmem>> -> memref<64xi32, #tpu.memory_space<vmem>>
          %dma_wait3A_163 = arith.constant 0 : i32
          %dma_wait3A_164 = arith.constant 0 : i32
          %dma_wait3A_165 = tpu.memref_slice %arg7[%dma_wait3A_163, %dma_wait3A_164] : memref<10240x128xf32, #tpu.memory_space<vmem_shared>> -> memref<10240x128xf32, #tpu.memory_space<vmem_shared>>
          tpu.wait_indirect_dma semaphore(%arg20 : memref<!tpu.dma_semaphore, #tpu.memory_space<semaphore_mem>>) src(%arg12 : memref<64x128xf32, #tpu.memory_space<vmem>>) dst(%dma_wait3A_165 : memref<10240x128xf32, #tpu.memory_space<vmem_shared>>)
        } else {
        }
        %add3A_75 = arith.constant 2 : i32
        %add3A_76 = arith.addi %add3A_60, %add3A_75 : i32
        %lt3A = arith.constant 40 : i32
        %lt3A_77 = arith.cmpi slt, %add3A_76, %lt3A : i32
        %convert_element_type3A_78 = arith.extui %lt3A_77 : i1 to i32
        %cond3A_79 = arith.constant 0 : i32
        %cond3A_80 = arith.cmpi ne, %convert_element_type3A_78, %cond3A_79 : i32
        scf.if %cond3A_80 {
          %add3A_159 = arith.constant 2 : i32
          %add3A_160 = arith.addi %add3A_60, %add3A_159 : i32
          %dma_start3A_161 = arith.constant 0 : i32
          %dma_start3A_162 = tpu.memref_slice %arg8[%add3A_160, %dma_start3A_161] : memref<40x64xi32, #tpu.memory_space<vmem>> -> memref<1x64xi32, #tpu.memory_space<vmem>>
          %dma_start3A_163 = tpu.memref_squeeze %dma_start3A_162 : memref<1x64xi32, #tpu.memory_space<vmem>> -> memref<64xi32, #tpu.memory_space<vmem>>
          %dma_start3A_164 = arith.constant 0 : i32
          %dma_start3A_165 = arith.constant 0 : i32
          %dma_start3A_166 = tpu.memref_slice %arg2[%dma_start3A_164, %dma_start3A_165] : memref<10000x128xf32, #tpu.memory_space<hbm>> -> memref<10000x128xf32, #tpu.memory_space<hbm>>
          tpu.enqueue_indirect_dma source(%dma_start3A_166 : memref<10000x128xf32, #tpu.memory_space<hbm>>) target(%arg12 : memref<64x128xf32, #tpu.memory_space<vmem>>) offsets(%dma_start3A_163 : memref<64xi32, #tpu.memory_space<vmem>>) semaphore(%arg16 : memref<!tpu.dma_semaphore, #tpu.memory_space<semaphore_mem>>)
        } else {
        }
        %add3A_81 = arith.constant 1 : i32
        %add3A_82 = arith.addi %add3A_58, %add3A_81 : i32
        %dma_wait3A_83 = arith.constant 0 : i32
        %dma_wait3A_84 = tpu.memref_slice %arg8[%add3A_82, %dma_wait3A_83] : memref<40x64xi32, #tpu.memory_space<vmem>> -> memref<1x64xi32, #tpu.memory_space<vmem>>
        %dma_wait3A_85 = tpu.memref_squeeze %dma_wait3A_84 : memref<1x64xi32, #tpu.memory_space<vmem>> -> memref<64xi32, #tpu.memory_space<vmem>>
        %dma_wait3A_86 = arith.constant 0 : i32
        %dma_wait3A_87 = arith.constant 0 : i32
        %dma_wait3A_88 = tpu.memref_slice %arg2[%dma_wait3A_86, %dma_wait3A_87] : memref<10000x128xf32, #tpu.memory_space<hbm>> -> memref<10000x128xf32, #tpu.memory_space<hbm>>
        tpu.wait_indirect_dma semaphore(%arg15 : memref<!tpu.dma_semaphore, #tpu.memory_space<semaphore_mem>>) src(%dma_wait3A_88 : memref<10000x128xf32, #tpu.memory_space<hbm>>) dst(%arg11 : memref<64x128xf32, #tpu.memory_space<vmem>>)
        %dma_start3A_89 = arith.constant 0 : i32
        %dma_start3A_90 = tpu.memref_slice %arg9[%add3A_82, %dma_start3A_89] : memref<40x64xi32, #tpu.memory_space<vmem>> -> memref<1x64xi32, #tpu.memory_space<vmem>>
        %dma_start3A_91 = tpu.memref_squeeze %dma_start3A_90 : memref<1x64xi32, #tpu.memory_space<vmem>> -> memref<64xi32, #tpu.memory_space<vmem>>
        %dma_start3A_92 = arith.constant 0 : i32
        %dma_start3A_93 = arith.constant 0 : i32
        %dma_start3A_94 = tpu.memref_slice %arg7[%dma_start3A_92, %dma_start3A_93] : memref<10240x128xf32, #tpu.memory_space<vmem_shared>> -> memref<10240x128xf32, #tpu.memory_space<vmem_shared>>
        tpu.enqueue_indirect_dma source(%arg11 : memref<64x128xf32, #tpu.memory_space<vmem>>) target(%dma_start3A_94 : memref<10240x128xf32, #tpu.memory_space<vmem_shared>>) offsets(%dma_start3A_91 : memref<64xi32, #tpu.memory_space<vmem>>) semaphore(%arg19 : memref<!tpu.dma_semaphore, #tpu.memory_space<semaphore_mem>>) {add = true}
        %ge3A_95 = arith.constant 2 : i32
        %ge3A_96 = arith.cmpi sge, %add3A_82, %ge3A_95 : i32
        %convert_element_type3A_97 = arith.extui %ge3A_96 : i1 to i32
        %cond3A_98 = arith.constant 0 : i32
        %cond3A_99 = arith.cmpi ne, %convert_element_type3A_97, %cond3A_98 : i32
        scf.if %cond3A_99 {
          %dma_wait3A_159 = arith.constant 0 : i32
          %dma_wait3A_160 = arith.constant 0 : i32
          %dma_wait3A_161 = tpu.memref_slice %arg9[%dma_wait3A_159, %dma_wait3A_160] : memref<40x64xi32, #tpu.memory_space<vmem>> -> memref<1x64xi32, #tpu.memory_space<vmem>>
          %dma_wait3A_162 = tpu.memref_squeeze %dma_wait3A_161 : memref<1x64xi32, #tpu.memory_space<vmem>> -> memref<64xi32, #tpu.memory_space<vmem>>
          %dma_wait3A_163 = arith.constant 0 : i32
          %dma_wait3A_164 = arith.constant 0 : i32
          %dma_wait3A_165 = tpu.memref_slice %arg7[%dma_wait3A_163, %dma_wait3A_164] : memref<10240x128xf32, #tpu.memory_space<vmem_shared>> -> memref<10240x128xf32, #tpu.memory_space<vmem_shared>>
          tpu.wait_indirect_dma semaphore(%arg21 : memref<!tpu.dma_semaphore, #tpu.memory_space<semaphore_mem>>) src(%arg13 : memref<64x128xf32, #tpu.memory_space<vmem>>) dst(%dma_wait3A_165 : memref<10240x128xf32, #tpu.memory_space<vmem_shared>>)
        } else {
        }
        %add3A_100 = arith.constant 2 : i32
        %add3A_101 = arith.addi %add3A_82, %add3A_100 : i32
        %lt3A_102 = arith.constant 40 : i32
        %lt3A_103 = arith.cmpi slt, %add3A_101, %lt3A_102 : i32
        %convert_element_type3A_104 = arith.extui %lt3A_103 : i1 to i32
        %cond3A_105 = arith.constant 0 : i32
        %cond3A_106 = arith.cmpi ne, %convert_element_type3A_104, %cond3A_105 : i32
        scf.if %cond3A_106 {
          %add3A_159 = arith.constant 2 : i32
          %add3A_160 = arith.addi %add3A_82, %add3A_159 : i32
          %dma_start3A_161 = arith.constant 0 : i32
          %dma_start3A_162 = tpu.memref_slice %arg8[%add3A_160, %dma_start3A_161] : memref<40x64xi32, #tpu.memory_space<vmem>> -> memref<1x64xi32, #tpu.memory_space<vmem>>
          %dma_start3A_163 = tpu.memref_squeeze %dma_start3A_162 : memref<1x64xi32, #tpu.memory_space<vmem>> -> memref<64xi32, #tpu.memory_space<vmem>>
          %dma_start3A_164 = arith.constant 0 : i32
          %dma_start3A_165 = arith.constant 0 : i32
          %dma_start3A_166 = tpu.memref_slice %arg2[%dma_start3A_164, %dma_start3A_165] : memref<10000x128xf32, #tpu.memory_space<hbm>> -> memref<10000x128xf32, #tpu.memory_space<hbm>>
          tpu.enqueue_indirect_dma source(%dma_start3A_166 : memref<10000x128xf32, #tpu.memory_space<hbm>>) target(%arg13 : memref<64x128xf32, #tpu.memory_space<vmem>>) offsets(%dma_start3A_163 : memref<64xi32, #tpu.memory_space<vmem>>) semaphore(%arg17 : memref<!tpu.dma_semaphore, #tpu.memory_space<semaphore_mem>>)
        } else {
        }
        %add3A_107 = arith.constant 2 : i32
        %add3A_108 = arith.addi %add3A_58, %add3A_107 : i32
        %dma_wait3A_109 = arith.constant 0 : i32
        %dma_wait3A_110 = tpu.memref_slice %arg8[%add3A_108, %dma_wait3A_109] : memref<40x64xi32, #tpu.memory_space<vmem>> -> memref<1x64xi32, #tpu.memory_space<vmem>>
        %dma_wait3A_111 = tpu.memref_squeeze %dma_wait3A_110 : memref<1x64xi32, #tpu.memory_space<vmem>> -> memref<64xi32, #tpu.memory_space<vmem>>
        %dma_wait3A_112 = arith.constant 0 : i32
        %dma_wait3A_113 = arith.constant 0 : i32
        %dma_wait3A_114 = tpu.memref_slice %arg2[%dma_wait3A_112, %dma_wait3A_113] : memref<10000x128xf32, #tpu.memory_space<hbm>> -> memref<10000x128xf32, #tpu.memory_space<hbm>>
        tpu.wait_indirect_dma semaphore(%arg16 : memref<!tpu.dma_semaphore, #tpu.memory_space<semaphore_mem>>) src(%dma_wait3A_114 : memref<10000x128xf32, #tpu.memory_space<hbm>>) dst(%arg12 : memref<64x128xf32, #tpu.memory_space<vmem>>)
        %dma_start3A_115 = arith.constant 0 : i32
        %dma_start3A_116 = tpu.memref_slice %arg9[%add3A_108, %dma_start3A_115] : memref<40x64xi32, #tpu.memory_space<vmem>> -> memref<1x64xi32, #tpu.memory_space<vmem>>
        %dma_start3A_117 = tpu.memref_squeeze %dma_start3A_116 : memref<1x64xi32, #tpu.memory_space<vmem>> -> memref<64xi32, #tpu.memory_space<vmem>>
        %dma_start3A_118 = arith.constant 0 : i32
        %dma_start3A_119 = arith.constant 0 : i32
        %dma_start3A_120 = tpu.memref_slice %arg7[%dma_start3A_118, %dma_start3A_119] : memref<10240x128xf32, #tpu.memory_space<vmem_shared>> -> memref<10240x128xf32, #tpu.memory_space<vmem_shared>>
        tpu.enqueue_indirect_dma source(%arg12 : memref<64x128xf32, #tpu.memory_space<vmem>>) target(%dma_start3A_120 : memref<10240x128xf32, #tpu.memory_space<vmem_shared>>) offsets(%dma_start3A_117 : memref<64xi32, #tpu.memory_space<vmem>>) semaphore(%arg20 : memref<!tpu.dma_semaphore, #tpu.memory_space<semaphore_mem>>) {add = true}
        %ge3A_121 = arith.constant 2 : i32
        %ge3A_122 = arith.cmpi sge, %add3A_108, %ge3A_121 : i32
        %convert_element_type3A_123 = arith.extui %ge3A_122 : i1 to i32
        %cond3A_124 = arith.constant 0 : i32
        %cond3A_125 = arith.cmpi ne, %convert_element_type3A_123, %cond3A_124 : i32
        scf.if %cond3A_125 {
          %dma_wait3A_159 = arith.constant 0 : i32
          %dma_wait3A_160 = arith.constant 0 : i32
          %dma_wait3A_161 = tpu.memref_slice %arg9[%dma_wait3A_159, %dma_wait3A_160] : memref<40x64xi32, #tpu.memory_space<vmem>> -> memref<1x64xi32, #tpu.memory_space<vmem>>
          %dma_wait3A_162 = tpu.memref_squeeze %dma_wait3A_161 : memref<1x64xi32, #tpu.memory_space<vmem>> -> memref<64xi32, #tpu.memory_space<vmem>>
          %dma_wait3A_163 = arith.constant 0 : i32
          %dma_wait3A_164 = arith.constant 0 : i32
          %dma_wait3A_165 = tpu.memref_slice %arg7[%dma_wait3A_163, %dma_wait3A_164] : memref<10240x128xf32, #tpu.memory_space<vmem_shared>> -> memref<10240x128xf32, #tpu.memory_space<vmem_shared>>
          tpu.wait_indirect_dma semaphore(%arg18 : memref<!tpu.dma_semaphore, #tpu.memory_space<semaphore_mem>>) src(%arg10 : memref<64x128xf32, #tpu.memory_space<vmem>>) dst(%dma_wait3A_165 : memref<10240x128xf32, #tpu.memory_space<vmem_shared>>)
        } else {
        }
        %add3A_126 = arith.constant 2 : i32
        %add3A_127 = arith.addi %add3A_108, %add3A_126 : i32
        %lt3A_128 = arith.constant 40 : i32
        %lt3A_129 = arith.cmpi slt, %add3A_127, %lt3A_128 : i32
        %convert_element_type3A_130 = arith.extui %lt3A_129 : i1 to i32
        %cond3A_131 = arith.constant 0 : i32
        %cond3A_132 = arith.cmpi ne, %convert_element_type3A_130, %cond3A_131 : i32
        scf.if %cond3A_132 {
          %add3A_159 = arith.constant 2 : i32
          %add3A_160 = arith.addi %add3A_108, %add3A_159 : i32
          %dma_start3A_161 = arith.constant 0 : i32
          %dma_start3A_162 = tpu.memref_slice %arg8[%add3A_160, %dma_start3A_161] : memref<40x64xi32, #tpu.memory_space<vmem>> -> memref<1x64xi32, #tpu.memory_space<vmem>>
          %dma_start3A_163 = tpu.memref_squeeze %dma_start3A_162 : memref<1x64xi32, #tpu.memory_space<vmem>> -> memref<64xi32, #tpu.memory_space<vmem>>
          %dma_start3A_164 = arith.constant 0 : i32
          %dma_start3A_165 = arith.constant 0 : i32
          %dma_start3A_166 = tpu.memref_slice %arg2[%dma_start3A_164, %dma_start3A_165] : memref<10000x128xf32, #tpu.memory_space<hbm>> -> memref<10000x128xf32, #tpu.memory_space<hbm>>
          tpu.enqueue_indirect_dma source(%dma_start3A_166 : memref<10000x128xf32, #tpu.memory_space<hbm>>) target(%arg10 : memref<64x128xf32, #tpu.memory_space<vmem>>) offsets(%dma_start3A_163 : memref<64xi32, #tpu.memory_space<vmem>>) semaphore(%arg14 : memref<!tpu.dma_semaphore, #tpu.memory_space<semaphore_mem>>)
        } else {
        }
        %add3A_133 = arith.constant 3 : i32
        %add3A_134 = arith.addi %add3A_58, %add3A_133 : i32
        %dma_wait3A_135 = arith.constant 0 : i32
        %dma_wait3A_136 = tpu.memref_slice %arg8[%add3A_134, %dma_wait3A_135] : memref<40x64xi32, #tpu.memory_space<vmem>> -> memref<1x64xi32, #tpu.memory_space<vmem>>
        %dma_wait3A_137 = tpu.memref_squeeze %dma_wait3A_136 : memref<1x64xi32, #tpu.memory_space<vmem>> -> memref<64xi32, #tpu.memory_space<vmem>>
        %dma_wait3A_138 = arith.constant 0 : i32
        %dma_wait3A_139 = arith.constant 0 : i32
        %dma_wait3A_140 = tpu.memref_slice %arg2[%dma_wait3A_138, %dma_wait3A_139] : memref<10000x128xf32, #tpu.memory_space<hbm>> -> memref<10000x128xf32, #tpu.memory_space<hbm>>
        tpu.wait_indirect_dma semaphore(%arg17 : memref<!tpu.dma_semaphore, #tpu.memory_space<semaphore_mem>>) src(%dma_wait3A_140 : memref<10000x128xf32, #tpu.memory_space<hbm>>) dst(%arg13 : memref<64x128xf32, #tpu.memory_space<vmem>>)
        %dma_start3A_141 = arith.constant 0 : i32
        %dma_start3A_142 = tpu.memref_slice %arg9[%add3A_134, %dma_start3A_141] : memref<40x64xi32, #tpu.memory_space<vmem>> -> memref<1x64xi32, #tpu.memory_space<vmem>>
        %dma_start3A_143 = tpu.memref_squeeze %dma_start3A_142 : memref<1x64xi32, #tpu.memory_space<vmem>> -> memref<64xi32, #tpu.memory_space<vmem>>
        %dma_start3A_144 = arith.constant 0 : i32
        %dma_start3A_145 = arith.constant 0 : i32
        %dma_start3A_146 = tpu.memref_slice %arg7[%dma_start3A_144, %dma_start3A_145] : memref<10240x128xf32, #tpu.memory_space<vmem_shared>> -> memref<10240x128xf32, #tpu.memory_space<vmem_shared>>
        tpu.enqueue_indirect_dma source(%arg13 : memref<64x128xf32, #tpu.memory_space<vmem>>) target(%dma_start3A_146 : memref<10240x128xf32, #tpu.memory_space<vmem_shared>>) offsets(%dma_start3A_143 : memref<64xi32, #tpu.memory_space<vmem>>) semaphore(%arg21 : memref<!tpu.dma_semaphore, #tpu.memory_space<semaphore_mem>>) {add = true}
        %ge3A_147 = arith.constant 2 : i32
        %ge3A_148 = arith.cmpi sge, %add3A_134, %ge3A_147 : i32
        %convert_element_type3A_149 = arith.extui %ge3A_148 : i1 to i32
        %cond3A_150 = arith.constant 0 : i32
        %cond3A_151 = arith.cmpi ne, %convert_element_type3A_149, %cond3A_150 : i32
        scf.if %cond3A_151 {
          %dma_wait3A_159 = arith.constant 0 : i32
          %dma_wait3A_160 = arith.constant 0 : i32
          %dma_wait3A_161 = tpu.memref_slice %arg9[%dma_wait3A_159, %dma_wait3A_160] : memref<40x64xi32, #tpu.memory_space<vmem>> -> memref<1x64xi32, #tpu.memory_space<vmem>>
          %dma_wait3A_162 = tpu.memref_squeeze %dma_wait3A_161 : memref<1x64xi32, #tpu.memory_space<vmem>> -> memref<64xi32, #tpu.memory_space<vmem>>
          %dma_wait3A_163 = arith.constant 0 : i32
          %dma_wait3A_164 = arith.constant 0 : i32
          %dma_wait3A_165 = tpu.memref_slice %arg7[%dma_wait3A_163, %dma_wait3A_164] : memref<10240x128xf32, #tpu.memory_space<vmem_shared>> -> memref<10240x128xf32, #tpu.memory_space<vmem_shared>>
          tpu.wait_indirect_dma semaphore(%arg19 : memref<!tpu.dma_semaphore, #tpu.memory_space<semaphore_mem>>) src(%arg11 : memref<64x128xf32, #tpu.memory_space<vmem>>) dst(%dma_wait3A_165 : memref<10240x128xf32, #tpu.memory_space<vmem_shared>>)
        } else {
        }
        %add3A_152 = arith.constant 2 : i32
        %add3A_153 = arith.addi %add3A_134, %add3A_152 : i32
        %lt3A_154 = arith.constant 40 : i32
        %lt3A_155 = arith.cmpi slt, %add3A_153, %lt3A_154 : i32
        %convert_element_type3A_156 = arith.extui %lt3A_155 : i1 to i32
        %cond3A_157 = arith.constant 0 : i32
        %cond3A_158 = arith.cmpi ne, %convert_element_type3A_156, %cond3A_157 : i32
        scf.if %cond3A_158 {
          %add3A_159 = arith.constant 2 : i32
          %add3A_160 = arith.addi %add3A_134, %add3A_159 : i32
          %dma_start3A_161 = arith.constant 0 : i32
          %dma_start3A_162 = tpu.memref_slice %arg8[%add3A_160, %dma_start3A_161] : memref<40x64xi32, #tpu.memory_space<vmem>> -> memref<1x64xi32, #tpu.memory_space<vmem>>
          %dma_start3A_163 = tpu.memref_squeeze %dma_start3A_162 : memref<1x64xi32, #tpu.memory_space<vmem>> -> memref<64xi32, #tpu.memory_space<vmem>>
          %dma_start3A_164 = arith.constant 0 : i32
          %dma_start3A_165 = arith.constant 0 : i32
          %dma_start3A_166 = tpu.memref_slice %arg2[%dma_start3A_164, %dma_start3A_165] : memref<10000x128xf32, #tpu.memory_space<hbm>> -> memref<10000x128xf32, #tpu.memory_space<hbm>>
          tpu.enqueue_indirect_dma source(%dma_start3A_166 : memref<10000x128xf32, #tpu.memory_space<hbm>>) target(%arg11 : memref<64x128xf32, #tpu.memory_space<vmem>>) offsets(%dma_start3A_163 : memref<64xi32, #tpu.memory_space<vmem>>) semaphore(%arg15 : memref<!tpu.dma_semaphore, #tpu.memory_space<semaphore_mem>>)
        } else {
        }
      }
      %scan3A_40 = arith.constant 10 : i32
      %dma_wait3A = arith.constant 0 : i32
      %dma_wait3A_41 = arith.constant 0 : i32
      %dma_wait3A_42 = tpu.memref_slice %arg9[%dma_wait3A, %dma_wait3A_41] : memref<40x64xi32, #tpu.memory_space<vmem>> -> memref<1x64xi32, #tpu.memory_space<vmem>>
      %dma_wait3A_43 = tpu.memref_squeeze %dma_wait3A_42 : memref<1x64xi32, #tpu.memory_space<vmem>> -> memref<64xi32, #tpu.memory_space<vmem>>
      %dma_wait3A_44 = arith.constant 0 : i32
      %dma_wait3A_45 = arith.constant 0 : i32
      %dma_wait3A_46 = tpu.memref_slice %arg7[%dma_wait3A_44, %dma_wait3A_45] : memref<10240x128xf32, #tpu.memory_space<vmem_shared>> -> memref<10240x128xf32, #tpu.memory_space<vmem_shared>>
      tpu.wait_indirect_dma semaphore(%arg20 : memref<!tpu.dma_semaphore, #tpu.memory_space<semaphore_mem>>) src(%arg12 : memref<64x128xf32, #tpu.memory_space<vmem>>) dst(%dma_wait3A_46 : memref<10240x128xf32, #tpu.memory_space<vmem_shared>>)
      %dma_wait3A_47 = arith.constant 0 : i32
      %dma_wait3A_48 = arith.constant 0 : i32
      %dma_wait3A_49 = tpu.memref_slice %arg9[%dma_wait3A_47, %dma_wait3A_48] : memref<40x64xi32, #tpu.memory_space<vmem>> -> memref<1x64xi32, #tpu.memory_space<vmem>>
      %dma_wait3A_50 = tpu.memref_squeeze %dma_wait3A_49 : memref<1x64xi32, #tpu.memory_space<vmem>> -> memref<64xi32, #tpu.memory_space<vmem>>
      %dma_wait3A_51 = arith.constant 0 : i32
      %dma_wait3A_52 = arith.constant 0 : i32
      %dma_wait3A_53 = tpu.memref_slice %arg7[%dma_wait3A_51, %dma_wait3A_52] : memref<10240x128xf32, #tpu.memory_space<vmem_shared>> -> memref<10240x128xf32, #tpu.memory_space<vmem_shared>>
      tpu.wait_indirect_dma semaphore(%arg21 : memref<!tpu.dma_semaphore, #tpu.memory_space<semaphore_mem>>) src(%arg13 : memref<64x128xf32, #tpu.memory_space<vmem>>) dst(%dma_wait3A_53 : memref<10240x128xf32, #tpu.memory_space<vmem_shared>>)
    }
    %barrier3A_20 = arith.constant 0 : index
    tpu.barrier barrier_id(%barrier3A_20)
    "tpu.region"() ({
      %run_scoped3A = tpu.sem_alloc : memref<!tpu.dma_semaphore, #tpu.memory_space<semaphore_mem>>
      %dma_start3A = arith.constant 0 : i32
      %dma_start3A_21 = tpu.memref_slice %arg6[%arg0, %mul3A_0, %dma_start3A] : memref<2x10240x128xf32, #tpu.memory_space<hbm>> -> memref<1x640x128xf32, #tpu.memory_space<hbm>>
      %dma_start3A_22 = tpu.memref_squeeze %dma_start3A_21 : memref<1x640x128xf32, #tpu.memory_space<hbm>> -> memref<640x128xf32, #tpu.memory_space<hbm>>
      %dma_start3A_23 = arith.constant 0 : i32
      %dma_start3A_24 = tpu.memref_slice %arg7[%mul3A_0, %dma_start3A_23] : memref<10240x128xf32, #tpu.memory_space<vmem_shared>> -> memref<640x128xf32, #tpu.memory_space<vmem_shared>>
      tpu.enqueue_dma source(%dma_start3A_24 : memref<640x128xf32, #tpu.memory_space<vmem_shared>>) target(%dma_start3A_22 : memref<640x128xf32, #tpu.memory_space<hbm>>) target_semaphore(%run_scoped3A : memref<!tpu.dma_semaphore, #tpu.memory_space<semaphore_mem>>)
      %dma_wait3A = arith.constant 0 : i32
      %dma_wait3A_25 = tpu.memref_slice %arg6[%arg0, %mul3A_0, %dma_wait3A] : memref<2x10240x128xf32, #tpu.memory_space<hbm>> -> memref<1x640x128xf32, #tpu.memory_space<hbm>>
      %dma_wait3A_26 = tpu.memref_squeeze %dma_wait3A_25 : memref<1x640x128xf32, #tpu.memory_space<hbm>> -> memref<640x128xf32, #tpu.memory_space<hbm>>
      %dma_wait3A_27 = arith.constant 0 : i32
      %dma_wait3A_28 = tpu.memref_slice %arg7[%mul3A_0, %dma_wait3A_27] : memref<10240x128xf32, #tpu.memory_space<vmem_shared>> -> memref<640x128xf32, #tpu.memory_space<vmem_shared>>
      tpu.wait_dma2 semaphore(%run_scoped3A : memref<!tpu.dma_semaphore, #tpu.memory_space<semaphore_mem>>) src(%dma_wait3A_28 : memref<640x128xf32, #tpu.memory_space<vmem_shared>>) dst(%dma_wait3A_26 : memref<640x128xf32, #tpu.memory_space<hbm>>)
      tpu.yield
    }) : () -> ()
    return
  }
}

#map = affine_map<(d0, d1) -> (0, 0)>
#map1 = affine_map<(d0, d1) -> (0, 0, 0, 0)>
#map2 = affine_map<(d0, d1) -> (0, 0, 0)>
module attributes {stable_mosaic.version = 14 : i64} {
  func.func @_agg_body(%arg0: i32, %arg1: i32, %arg2: memref<10000x128xf32, #tpu.memory_space<hbm>>, %arg3: memref<16x8x40x64xi32, #tpu.memory_space<hbm>>, %arg4: memref<16x8x40x64xi32, #tpu.memory_space<hbm>>, %arg5: memref<10240x128xf32, #tpu.memory_space<hbm>>, %arg6: memref<2x10240x128xf32, #tpu.memory_space<hbm>>, %arg7: memref<10240x128xf32, #tpu.memory_space<vmem_shared>>, %arg8: memref<40x64xi32, #tpu.memory_space<vmem>>, %arg9: memref<40x64xi32, #tpu.memory_space<vmem>>, %arg10: memref<64x128xf32, #tpu.memory_space<vmem>>, %arg11: memref<64x128xf32, #tpu.memory_space<vmem>>, %arg12: memref<64x128xf32, #tpu.memory_space<vmem>>, %arg13: memref<64x128xf32, #tpu.memory_space<vmem>>, %arg14: memref<!tpu.dma_semaphore, #tpu.memory_space<semaphore_mem>>, %arg15: memref<!tpu.dma_semaphore, #tpu.memory_space<semaphore_mem>>, %arg16: memref<!tpu.dma_semaphore, #tpu.memory_space<semaphore_mem>>, %arg17: memref<!tpu.dma_semaphore, #tpu.memory_space<semaphore_mem>>, %arg18: memref<!tpu.dma_semaphore, #tpu.memory_space<semaphore_mem>>, %arg19: memref<!tpu.dma_semaphore, #tpu.memory_space<semaphore_mem>>, %arg20: memref<!tpu.dma_semaphore, #tpu.memory_space<semaphore_mem>>, %arg21: memref<!tpu.dma_semaphore, #tpu.memory_space<semaphore_mem>>) attributes {dimension_semantics = [#tpu.dimension_semantics<core_parallel>, #tpu.dimension_semantics<subcore_parallel>], iteration_bounds = array<i64: 2, 16>, scalar_prefetch = 0 : i64, scratch_operands = 15 : i64, tpu.core_type = #tpu.core_type<sc_vector_subcore>, window_params = [{transform_indices = #map}, {transform_indices = #map1}, {transform_indices = #map1}, {transform_indices = #map}, {transform_indices = #map2}]} {
    %mul3A = arith.constant 640 : i32
    %mul3A_0 = arith.muli %arg1, %mul3A : i32
    "tpu.region"() ({
      %run_scoped3A = tpu.sem_alloc : memref<!tpu.dma_semaphore, #tpu.memory_space<semaphore_mem>>
      %dma_start3A = arith.constant 0 : i32
      %dma_start3A_21 = tpu.memref_slice %arg7[%mul3A_0, %dma_start3A] : memref<10240x128xf32, #tpu.memory_space<vmem_shared>> -> memref<640x128xf32, #tpu.memory_space<vmem_shared>>
      %dma_start3A_22 = arith.constant 0 : i32
      %dma_start3A_23 = tpu.memref_slice %arg5[%mul3A_0, %dma_start3A_22] : memref<10240x128xf32, #tpu.memory_space<hbm>> -> memref<640x128xf32, #tpu.memory_space<hbm>>
      tpu.enqueue_dma source(%dma_start3A_23 : memref<640x128xf32, #tpu.memory_space<hbm>>) target(%dma_start3A_21 : memref<640x128xf32, #tpu.memory_space<vmem_shared>>) target_semaphore(%run_scoped3A : memref<!tpu.dma_semaphore, #tpu.memory_space<semaphore_mem>>)
      %dma_wait3A = arith.constant 0 : i32
      %dma_wait3A_24 = tpu.memref_slice %arg7[%mul3A_0, %dma_wait3A] : memref<10240x128xf32, #tpu.memory_space<vmem_shared>> -> memref<640x128xf32, #tpu.memory_space<vmem_shared>>
      %dma_wait3A_25 = arith.constant 0 : i32
      %dma_wait3A_26 = tpu.memref_slice %arg5[%mul3A_0, %dma_wait3A_25] : memref<10240x128xf32, #tpu.memory_space<hbm>> -> memref<640x128xf32, #tpu.memory_space<hbm>>
      tpu.wait_dma2 semaphore(%run_scoped3A : memref<!tpu.dma_semaphore, #tpu.memory_space<semaphore_mem>>) src(%dma_wait3A_26 : memref<640x128xf32, #tpu.memory_space<hbm>>) dst(%dma_wait3A_24 : memref<640x128xf32, #tpu.memory_space<vmem_shared>>)
      tpu.yield
    }) : () -> ()
    %barrier3A = arith.constant 0 : index
    tpu.barrier barrier_id(%barrier3A)
    %mul3A_1 = arith.constant 4 : i32
    %mul3A_2 = arith.muli %arg0, %mul3A_1 : i32
    %mul3A_3 = arith.constant 4 : i32
    %mul3A_4 = arith.muli %arg0, %mul3A_3 : i32
    %add3A = arith.constant 4 : i32
    %add3A_5 = arith.addi %add3A, %mul3A_4 : i32
    %sub3A = arith.subi %add3A_5, %mul3A_2 : i32
    %sub3A_6 = arith.constant 1 : i32
    %sub3A_7 = arith.constant 1 : i32
    %sub3A_8 = arith.subi %sub3A_6, %sub3A_7 : i32
    %add3A_9 = arith.addi %sub3A, %sub3A_8 : i32
    %div3A = arith.constant 1 : i32
    %div3A_10 = arith.divsi %add3A_9, %div3A : i32
    %while3A = arith.constant 1 : i32
    %while3A_11 = arith.constant 0 : i32
    %while3A_12 = arith.subi %div3A_10, %while3A_11 : i32
    %while3A_13 = arith.addi %while3A_11, %while3A_12 : i32
    %while3A_14 = arith.constant 1 : i32
    %while3A_15 = arith.divsi %while3A_12, %while3A_14 : i32
    %while3A_16 = arith.muli %while3A_15, %while3A_14 : i32
    %while3A_17 = arith.addi %while3A_11, %while3A_16 : i32
    %while3A_18 = arith.constant 1 : i32
    scf.for %while3A_21 = %while3A_11 to %while3A_17 step %while3A_18  : i32 {
      %mul3A_22 = arith.muli %while3A_21, %while3A : i32
      %add3A_23 = arith.addi %mul3A_2, %mul3A_22 : i32
      "tpu.region"() ({
        %run_scoped3A = tpu.sem_alloc : memref<!tpu.dma_semaphore, #tpu.memory_space<semaphore_mem>>
        %dma_start3A_54 = arith.constant 0 : i32
        %dma_start3A_55 = arith.constant 0 : i32
        %dma_start3A_56 = tpu.memref_slice %arg3[%arg1, %add3A_23, %dma_start3A_54, %dma_start3A_55] : memref<16x8x40x64xi32, #tpu.memory_space<hbm>> -> memref<1x1x40x64xi32, #tpu.memory_space<hbm>>
        %dma_start3A_57 = tpu.memref_squeeze %dma_start3A_56 : memref<1x1x40x64xi32, #tpu.memory_space<hbm>> -> memref<40x64xi32, #tpu.memory_space<hbm>>
        %dma_start3A_58 = arith.constant 0 : i32
        %dma_start3A_59 = arith.constant 0 : i32
        %dma_start3A_60 = tpu.memref_slice %arg3[%arg1, %add3A_23, %dma_start3A_58, %dma_start3A_59] : memref<16x8x40x64xi32, #tpu.memory_space<hbm>> -> memref<1x1x40x64xi32, #tpu.memory_space<hbm>>
        %dma_start3A_61 = tpu.memref_squeeze %dma_start3A_60 : memref<1x1x40x64xi32, #tpu.memory_space<hbm>> -> memref<40x64xi32, #tpu.memory_space<hbm>>
        tpu.enqueue_dma source(%dma_start3A_61 : memref<40x64xi32, #tpu.memory_space<hbm>>) target(%arg8 : memref<40x64xi32, #tpu.memory_space<vmem>>) target_semaphore(%run_scoped3A : memref<!tpu.dma_semaphore, #tpu.memory_space<semaphore_mem>>)
        %dma_wait3A_62 = arith.constant 0 : i32
        %dma_wait3A_63 = arith.constant 0 : i32
        %dma_wait3A_64 = tpu.memref_slice %arg3[%arg1, %add3A_23, %dma_wait3A_62, %dma_wait3A_63] : memref<16x8x40x64xi32, #tpu.memory_space<hbm>> -> memref<1x1x40x64xi32, #tpu.memory_space<hbm>>
        %dma_wait3A_65 = tpu.memref_squeeze %dma_wait3A_64 : memref<1x1x40x64xi32, #tpu.memory_space<hbm>> -> memref<40x64xi32, #tpu.memory_space<hbm>>
        %dma_wait3A_66 = arith.constant 0 : i32
        %dma_wait3A_67 = arith.constant 0 : i32
        %dma_wait3A_68 = tpu.memref_slice %arg3[%arg1, %add3A_23, %dma_wait3A_66, %dma_wait3A_67] : memref<16x8x40x64xi32, #tpu.memory_space<hbm>> -> memref<1x1x40x64xi32, #tpu.memory_space<hbm>>
        %dma_wait3A_69 = tpu.memref_squeeze %dma_wait3A_68 : memref<1x1x40x64xi32, #tpu.memory_space<hbm>> -> memref<40x64xi32, #tpu.memory_space<hbm>>
        tpu.wait_dma2 semaphore(%run_scoped3A : memref<!tpu.dma_semaphore, #tpu.memory_space<semaphore_mem>>) src(%dma_wait3A_69 : memref<40x64xi32, #tpu.memory_space<hbm>>) dst(%arg8 : memref<40x64xi32, #tpu.memory_space<vmem>>)
        tpu.yield
      }) : () -> ()
      "tpu.region"() ({
        %run_scoped3A = tpu.sem_alloc : memref<!tpu.dma_semaphore, #tpu.memory_space<semaphore_mem>>
        %dma_start3A_54 = arith.constant 0 : i32
        %dma_start3A_55 = arith.constant 0 : i32
        %dma_start3A_56 = tpu.memref_slice %arg4[%arg1, %add3A_23, %dma_start3A_54, %dma_start3A_55] : memref<16x8x40x64xi32, #tpu.memory_space<hbm>> -> memref<1x1x40x64xi32, #tpu.memory_space<hbm>>
        %dma_start3A_57 = tpu.memref_squeeze %dma_start3A_56 : memref<1x1x40x64xi32, #tpu.memory_space<hbm>> -> memref<40x64xi32, #tpu.memory_space<hbm>>
        %dma_start3A_58 = arith.constant 0 : i32
        %dma_start3A_59 = arith.constant 0 : i32
        %dma_start3A_60 = tpu.memref_slice %arg4[%arg1, %add3A_23, %dma_start3A_58, %dma_start3A_59] : memref<16x8x40x64xi32, #tpu.memory_space<hbm>> -> memref<1x1x40x64xi32, #tpu.memory_space<hbm>>
        %dma_start3A_61 = tpu.memref_squeeze %dma_start3A_60 : memref<1x1x40x64xi32, #tpu.memory_space<hbm>> -> memref<40x64xi32, #tpu.memory_space<hbm>>
        tpu.enqueue_dma source(%dma_start3A_61 : memref<40x64xi32, #tpu.memory_space<hbm>>) target(%arg9 : memref<40x64xi32, #tpu.memory_space<vmem>>) target_semaphore(%run_scoped3A : memref<!tpu.dma_semaphore, #tpu.memory_space<semaphore_mem>>)
        %dma_wait3A_62 = arith.constant 0 : i32
        %dma_wait3A_63 = arith.constant 0 : i32
        %dma_wait3A_64 = tpu.memref_slice %arg4[%arg1, %add3A_23, %dma_wait3A_62, %dma_wait3A_63] : memref<16x8x40x64xi32, #tpu.memory_space<hbm>> -> memref<1x1x40x64xi32, #tpu.memory_space<hbm>>
        %dma_wait3A_65 = tpu.memref_squeeze %dma_wait3A_64 : memref<1x1x40x64xi32, #tpu.memory_space<hbm>> -> memref<40x64xi32, #tpu.memory_space<hbm>>
        %dma_wait3A_66 = arith.constant 0 : i32
        %dma_wait3A_67 = arith.constant 0 : i32
        %dma_wait3A_68 = tpu.memref_slice %arg4[%arg1, %add3A_23, %dma_wait3A_66, %dma_wait3A_67] : memref<16x8x40x64xi32, #tpu.memory_space<hbm>> -> memref<1x1x40x64xi32, #tpu.memory_space<hbm>>
        %dma_wait3A_69 = tpu.memref_squeeze %dma_wait3A_68 : memref<1x1x40x64xi32, #tpu.memory_space<hbm>> -> memref<40x64xi32, #tpu.memory_space<hbm>>
        tpu.wait_dma2 semaphore(%run_scoped3A : memref<!tpu.dma_semaphore, #tpu.memory_space<semaphore_mem>>) src(%dma_wait3A_69 : memref<40x64xi32, #tpu.memory_space<hbm>>) dst(%arg9 : memref<40x64xi32, #tpu.memory_space<vmem>>)
        tpu.yield
      }) : () -> ()
      %dma_start3A = arith.constant 0 : i32
      %dma_start3A_24 = arith.constant 0 : i32
      %dma_start3A_25 = tpu.memref_slice %arg8[%dma_start3A, %dma_start3A_24] : memref<40x64xi32, #tpu.memory_space<vmem>> -> memref<1x64xi32, #tpu.memory_space<vmem>>
      %dma_start3A_26 = tpu.memref_squeeze %dma_start3A_25 : memref<1x64xi32, #tpu.memory_space<vmem>> -> memref<64xi32, #tpu.memory_space<vmem>>
      %dma_start3A_27 = arith.constant 0 : i32
      %dma_start3A_28 = arith.constant 0 : i32
      %dma_start3A_29 = tpu.memref_slice %arg2[%dma_start3A_27, %dma_start3A_28] : memref<10000x128xf32, #tpu.memory_space<hbm>> -> memref<10000x128xf32, #tpu.memory_space<hbm>>
      tpu.enqueue_indirect_dma source(%dma_start3A_29 : memref<10000x128xf32, #tpu.memory_space<hbm>>) target(%arg10 : memref<64x128xf32, #tpu.memory_space<vmem>>) offsets(%dma_start3A_26 : memref<64xi32, #tpu.memory_space<vmem>>) semaphore(%arg14 : memref<!tpu.dma_semaphore, #tpu.memory_space<semaphore_mem>>)
      %dma_start3A_30 = arith.constant 1 : i32
      %dma_start3A_31 = arith.constant 0 : i32
      %dma_start3A_32 = tpu.memref_slice %arg8[%dma_start3A_30, %dma_start3A_31] : memref<40x64xi32, #tpu.memory_space<vmem>> -> memref<1x64xi32, #tpu.memory_space<vmem>>
      %dma_start3A_33 = tpu.memref_squeeze %dma_start3A_32 : memref<1x64xi32, #tpu.memory_space<vmem>> -> memref<64xi32, #tpu.memory_space<vmem>>
      %dma_start3A_34 = arith.constant 0 : i32
      %dma_start3A_35 = arith.constant 0 : i32
      %dma_start3A_36 = tpu.memref_slice %arg2[%dma_start3A_34, %dma_start3A_35] : memref<10000x128xf32, #tpu.memory_space<hbm>> -> memref<10000x128xf32, #tpu.memory_space<hbm>>
      tpu.enqueue_indirect_dma source(%dma_start3A_36 : memref<10000x128xf32, #tpu.memory_space<hbm>>) target(%arg11 : memref<64x128xf32, #tpu.memory_space<vmem>>) offsets(%dma_start3A_33 : memref<64xi32, #tpu.memory_space<vmem>>) semaphore(%arg15 : memref<!tpu.dma_semaphore, #tpu.memory_space<semaphore_mem>>)
      %scan3A = arith.constant 0 : i32
      %scan3A_37 = arith.constant 10 : i32
      %scan3A_38 = arith.addi %scan3A, %scan3A_37 : i32
      %scan3A_39 = arith.constant 1 : i32
      scf.for %scan3A_54 = %scan3A to %scan3A_38 step %scan3A_39  : i32 {
        %mul3A_55 = arith.constant 4 : i32
        %mul3A_56 = arith.muli %scan3A_54, %mul3A_55 : i32
        %add3A_57 = arith.constant 0 : i32
        %add3A_58 = arith.addi %add3A_57, %mul3A_56 : i32
        %add3A_59 = arith.constant 0 : i32
        %add3A_60 = arith.addi %add3A_58, %add3A_59 : i32
        %dma_wait3A_61 = arith.constant 0 : i32
        %dma_wait3A_62 = tpu.memref_slice %arg8[%add3A_60, %dma_wait3A_61] : memref<40x64xi32, #tpu.memory_space<vmem>> -> memref<1x64xi32, #tpu.memory_space<vmem>>
        %dma_wait3A_63 = tpu.memref_squeeze %dma_wait3A_62 : memref<1x64xi32, #tpu.memory_space<vmem>> -> memref<64xi32, #tpu.memory_space<vmem>>
        %dma_wait3A_64 = arith.constant 0 : i32
        %dma_wait3A_65 = arith.constant 0 : i32
        %dma_wait3A_66 = tpu.memref_slice %arg2[%dma_wait3A_64, %dma_wait3A_65] : memref<10000x128xf32, #tpu.memory_space<hbm>> -> memref<10000x128xf32, #tpu.memory_space<hbm>>
        tpu.wait_indirect_dma semaphore(%arg14 : memref<!tpu.dma_semaphore, #tpu.memory_space<semaphore_mem>>) src(%dma_wait3A_66 : memref<10000x128xf32, #tpu.memory_space<hbm>>) dst(%arg10 : memref<64x128xf32, #tpu.memory_space<vmem>>)
        %dma_start3A_67 = arith.constant 0 : i32
        %dma_start3A_68 = tpu.memref_slice %arg9[%add3A_60, %dma_start3A_67] : memref<40x64xi32, #tpu.memory_space<vmem>> -> memref<1x64xi32, #tpu.memory_space<vmem>>
        %dma_start3A_69 = tpu.memref_squeeze %dma_start3A_68 : memref<1x64xi32, #tpu.memory_space<vmem>> -> memref<64xi32, #tpu.memory_space<vmem>>
        %dma_start3A_70 = arith.constant 0 : i32
        %dma_start3A_71 = arith.constant 0 : i32
        %dma_start3A_72 = tpu.memref_slice %arg7[%dma_start3A_70, %dma_start3A_71] : memref<10240x128xf32, #tpu.memory_space<vmem_shared>> -> memref<10240x128xf32, #tpu.memory_space<vmem_shared>>
        tpu.enqueue_indirect_dma source(%arg10 : memref<64x128xf32, #tpu.memory_space<vmem>>) target(%dma_start3A_72 : memref<10240x128xf32, #tpu.memory_space<vmem_shared>>) offsets(%dma_start3A_69 : memref<64xi32, #tpu.memory_space<vmem>>) semaphore(%arg18 : memref<!tpu.dma_semaphore, #tpu.memory_space<semaphore_mem>>) {add = true}
        %ge3A = arith.constant 2 : i32
        %ge3A_73 = arith.cmpi sge, %add3A_60, %ge3A : i32
        %convert_element_type3A = arith.extui %ge3A_73 : i1 to i32
        %cond3A = arith.constant 0 : i32
        %cond3A_74 = arith.cmpi ne, %convert_element_type3A, %cond3A : i32
        scf.if %cond3A_74 {
          %dma_wait3A_159 = arith.constant 0 : i32
          %dma_wait3A_160 = arith.constant 0 : i32
          %dma_wait3A_161 = tpu.memref_slice %arg9[%dma_wait3A_159, %dma_wait3A_160] : memref<40x64xi32, #tpu.memory_space<vmem>> -> memref<1x64xi32, #tpu.memory_space<vmem>>
          %dma_wait3A_162 = tpu.memref_squeeze %dma_wait3A_161 : memref<1x64xi32, #tpu.memory_space<vmem>> -> memref<64xi32, #tpu.memory_space<vmem>>
          %dma_wait3A_163 = arith.constant 0 : i32
          %dma_wait3A_164 = arith.constant 0 : i32
          %dma_wait3A_165 = tpu.memref_slice %arg7[%dma_wait3A_163, %dma_wait3A_164] : memref<10240x128xf32, #tpu.memory_space<vmem_shared>> -> memref<10240x128xf32, #tpu.memory_space<vmem_shared>>
          tpu.wait_indirect_dma semaphore(%arg20 : memref<!tpu.dma_semaphore, #tpu.memory_space<semaphore_mem>>) src(%arg12 : memref<64x128xf32, #tpu.memory_space<vmem>>) dst(%dma_wait3A_165 : memref<10240x128xf32, #tpu.memory_space<vmem_shared>>)
        } else {
        }
        %add3A_75 = arith.constant 2 : i32
        %add3A_76 = arith.addi %add3A_60, %add3A_75 : i32
        %lt3A = arith.constant 40 : i32
        %lt3A_77 = arith.cmpi slt, %add3A_76, %lt3A : i32
        %convert_element_type3A_78 = arith.extui %lt3A_77 : i1 to i32
        %cond3A_79 = arith.constant 0 : i32
        %cond3A_80 = arith.cmpi ne, %convert_element_type3A_78, %cond3A_79 : i32
        scf.if %cond3A_80 {
          %add3A_159 = arith.constant 2 : i32
          %add3A_160 = arith.addi %add3A_60, %add3A_159 : i32
          %dma_start3A_161 = arith.constant 0 : i32
          %dma_start3A_162 = tpu.memref_slice %arg8[%add3A_160, %dma_start3A_161] : memref<40x64xi32, #tpu.memory_space<vmem>> -> memref<1x64xi32, #tpu.memory_space<vmem>>
          %dma_start3A_163 = tpu.memref_squeeze %dma_start3A_162 : memref<1x64xi32, #tpu.memory_space<vmem>> -> memref<64xi32, #tpu.memory_space<vmem>>
          %dma_start3A_164 = arith.constant 0 : i32
          %dma_start3A_165 = arith.constant 0 : i32
          %dma_start3A_166 = tpu.memref_slice %arg2[%dma_start3A_164, %dma_start3A_165] : memref<10000x128xf32, #tpu.memory_space<hbm>> -> memref<10000x128xf32, #tpu.memory_space<hbm>>
          tpu.enqueue_indirect_dma source(%dma_start3A_166 : memref<10000x128xf32, #tpu.memory_space<hbm>>) target(%arg12 : memref<64x128xf32, #tpu.memory_space<vmem>>) offsets(%dma_start3A_163 : memref<64xi32, #tpu.memory_space<vmem>>) semaphore(%arg16 : memref<!tpu.dma_semaphore, #tpu.memory_space<semaphore_mem>>)
        } else {
        }
        %add3A_81 = arith.constant 1 : i32
        %add3A_82 = arith.addi %add3A_58, %add3A_81 : i32
        %dma_wait3A_83 = arith.constant 0 : i32
        %dma_wait3A_84 = tpu.memref_slice %arg8[%add3A_82, %dma_wait3A_83] : memref<40x64xi32, #tpu.memory_space<vmem>> -> memref<1x64xi32, #tpu.memory_space<vmem>>
        %dma_wait3A_85 = tpu.memref_squeeze %dma_wait3A_84 : memref<1x64xi32, #tpu.memory_space<vmem>> -> memref<64xi32, #tpu.memory_space<vmem>>
        %dma_wait3A_86 = arith.constant 0 : i32
        %dma_wait3A_87 = arith.constant 0 : i32
        %dma_wait3A_88 = tpu.memref_slice %arg2[%dma_wait3A_86, %dma_wait3A_87] : memref<10000x128xf32, #tpu.memory_space<hbm>> -> memref<10000x128xf32, #tpu.memory_space<hbm>>
        tpu.wait_indirect_dma semaphore(%arg15 : memref<!tpu.dma_semaphore, #tpu.memory_space<semaphore_mem>>) src(%dma_wait3A_88 : memref<10000x128xf32, #tpu.memory_space<hbm>>) dst(%arg11 : memref<64x128xf32, #tpu.memory_space<vmem>>)
        %dma_start3A_89 = arith.constant 0 : i32
        %dma_start3A_90 = tpu.memref_slice %arg9[%add3A_82, %dma_start3A_89] : memref<40x64xi32, #tpu.memory_space<vmem>> -> memref<1x64xi32, #tpu.memory_space<vmem>>
        %dma_start3A_91 = tpu.memref_squeeze %dma_start3A_90 : memref<1x64xi32, #tpu.memory_space<vmem>> -> memref<64xi32, #tpu.memory_space<vmem>>
        %dma_start3A_92 = arith.constant 0 : i32
        %dma_start3A_93 = arith.constant 0 : i32
        %dma_start3A_94 = tpu.memref_slice %arg7[%dma_start3A_92, %dma_start3A_93] : memref<10240x128xf32, #tpu.memory_space<vmem_shared>> -> memref<10240x128xf32, #tpu.memory_space<vmem_shared>>
        tpu.enqueue_indirect_dma source(%arg11 : memref<64x128xf32, #tpu.memory_space<vmem>>) target(%dma_start3A_94 : memref<10240x128xf32, #tpu.memory_space<vmem_shared>>) offsets(%dma_start3A_91 : memref<64xi32, #tpu.memory_space<vmem>>) semaphore(%arg19 : memref<!tpu.dma_semaphore, #tpu.memory_space<semaphore_mem>>) {add = true}
        %ge3A_95 = arith.constant 2 : i32
        %ge3A_96 = arith.cmpi sge, %add3A_82, %ge3A_95 : i32
        %convert_element_type3A_97 = arith.extui %ge3A_96 : i1 to i32
        %cond3A_98 = arith.constant 0 : i32
        %cond3A_99 = arith.cmpi ne, %convert_element_type3A_97, %cond3A_98 : i32
        scf.if %cond3A_99 {
          %dma_wait3A_159 = arith.constant 0 : i32
          %dma_wait3A_160 = arith.constant 0 : i32
          %dma_wait3A_161 = tpu.memref_slice %arg9[%dma_wait3A_159, %dma_wait3A_160] : memref<40x64xi32, #tpu.memory_space<vmem>> -> memref<1x64xi32, #tpu.memory_space<vmem>>
          %dma_wait3A_162 = tpu.memref_squeeze %dma_wait3A_161 : memref<1x64xi32, #tpu.memory_space<vmem>> -> memref<64xi32, #tpu.memory_space<vmem>>
          %dma_wait3A_163 = arith.constant 0 : i32
          %dma_wait3A_164 = arith.constant 0 : i32
          %dma_wait3A_165 = tpu.memref_slice %arg7[%dma_wait3A_163, %dma_wait3A_164] : memref<10240x128xf32, #tpu.memory_space<vmem_shared>> -> memref<10240x128xf32, #tpu.memory_space<vmem_shared>>
          tpu.wait_indirect_dma semaphore(%arg21 : memref<!tpu.dma_semaphore, #tpu.memory_space<semaphore_mem>>) src(%arg13 : memref<64x128xf32, #tpu.memory_space<vmem>>) dst(%dma_wait3A_165 : memref<10240x128xf32, #tpu.memory_space<vmem_shared>>)
        } else {
        }
        %add3A_100 = arith.constant 2 : i32
        %add3A_101 = arith.addi %add3A_82, %add3A_100 : i32
        %lt3A_102 = arith.constant 40 : i32
        %lt3A_103 = arith.cmpi slt, %add3A_101, %lt3A_102 : i32
        %convert_element_type3A_104 = arith.extui %lt3A_103 : i1 to i32
        %cond3A_105 = arith.constant 0 : i32
        %cond3A_106 = arith.cmpi ne, %convert_element_type3A_104, %cond3A_105 : i32
        scf.if %cond3A_106 {
          %add3A_159 = arith.constant 2 : i32
          %add3A_160 = arith.addi %add3A_82, %add3A_159 : i32
          %dma_start3A_161 = arith.constant 0 : i32
          %dma_start3A_162 = tpu.memref_slice %arg8[%add3A_160, %dma_start3A_161] : memref<40x64xi32, #tpu.memory_space<vmem>> -> memref<1x64xi32, #tpu.memory_space<vmem>>
          %dma_start3A_163 = tpu.memref_squeeze %dma_start3A_162 : memref<1x64xi32, #tpu.memory_space<vmem>> -> memref<64xi32, #tpu.memory_space<vmem>>
          %dma_start3A_164 = arith.constant 0 : i32
          %dma_start3A_165 = arith.constant 0 : i32
          %dma_start3A_166 = tpu.memref_slice %arg2[%dma_start3A_164, %dma_start3A_165] : memref<10000x128xf32, #tpu.memory_space<hbm>> -> memref<10000x128xf32, #tpu.memory_space<hbm>>
          tpu.enqueue_indirect_dma source(%dma_start3A_166 : memref<10000x128xf32, #tpu.memory_space<hbm>>) target(%arg13 : memref<64x128xf32, #tpu.memory_space<vmem>>) offsets(%dma_start3A_163 : memref<64xi32, #tpu.memory_space<vmem>>) semaphore(%arg17 : memref<!tpu.dma_semaphore, #tpu.memory_space<semaphore_mem>>)
        } else {
        }
        %add3A_107 = arith.constant 2 : i32
        %add3A_108 = arith.addi %add3A_58, %add3A_107 : i32
        %dma_wait3A_109 = arith.constant 0 : i32
        %dma_wait3A_110 = tpu.memref_slice %arg8[%add3A_108, %dma_wait3A_109] : memref<40x64xi32, #tpu.memory_space<vmem>> -> memref<1x64xi32, #tpu.memory_space<vmem>>
        %dma_wait3A_111 = tpu.memref_squeeze %dma_wait3A_110 : memref<1x64xi32, #tpu.memory_space<vmem>> -> memref<64xi32, #tpu.memory_space<vmem>>
        %dma_wait3A_112 = arith.constant 0 : i32
        %dma_wait3A_113 = arith.constant 0 : i32
        %dma_wait3A_114 = tpu.memref_slice %arg2[%dma_wait3A_112, %dma_wait3A_113] : memref<10000x128xf32, #tpu.memory_space<hbm>> -> memref<10000x128xf32, #tpu.memory_space<hbm>>
        tpu.wait_indirect_dma semaphore(%arg16 : memref<!tpu.dma_semaphore, #tpu.memory_space<semaphore_mem>>) src(%dma_wait3A_114 : memref<10000x128xf32, #tpu.memory_space<hbm>>) dst(%arg12 : memref<64x128xf32, #tpu.memory_space<vmem>>)
        %dma_start3A_115 = arith.constant 0 : i32
        %dma_start3A_116 = tpu.memref_slice %arg9[%add3A_108, %dma_start3A_115] : memref<40x64xi32, #tpu.memory_space<vmem>> -> memref<1x64xi32, #tpu.memory_space<vmem>>
        %dma_start3A_117 = tpu.memref_squeeze %dma_start3A_116 : memref<1x64xi32, #tpu.memory_space<vmem>> -> memref<64xi32, #tpu.memory_space<vmem>>
        %dma_start3A_118 = arith.constant 0 : i32
        %dma_start3A_119 = arith.constant 0 : i32
        %dma_start3A_120 = tpu.memref_slice %arg7[%dma_start3A_118, %dma_start3A_119] : memref<10240x128xf32, #tpu.memory_space<vmem_shared>> -> memref<10240x128xf32, #tpu.memory_space<vmem_shared>>
        tpu.enqueue_indirect_dma source(%arg12 : memref<64x128xf32, #tpu.memory_space<vmem>>) target(%dma_start3A_120 : memref<10240x128xf32, #tpu.memory_space<vmem_shared>>) offsets(%dma_start3A_117 : memref<64xi32, #tpu.memory_space<vmem>>) semaphore(%arg20 : memref<!tpu.dma_semaphore, #tpu.memory_space<semaphore_mem>>) {add = true}
        %ge3A_121 = arith.constant 2 : i32
        %ge3A_122 = arith.cmpi sge, %add3A_108, %ge3A_121 : i32
        %convert_element_type3A_123 = arith.extui %ge3A_122 : i1 to i32
        %cond3A_124 = arith.constant 0 : i32
        %cond3A_125 = arith.cmpi ne, %convert_element_type3A_123, %cond3A_124 : i32
        scf.if %cond3A_125 {
          %dma_wait3A_159 = arith.constant 0 : i32
          %dma_wait3A_160 = arith.constant 0 : i32
          %dma_wait3A_161 = tpu.memref_slice %arg9[%dma_wait3A_159, %dma_wait3A_160] : memref<40x64xi32, #tpu.memory_space<vmem>> -> memref<1x64xi32, #tpu.memory_space<vmem>>
          %dma_wait3A_162 = tpu.memref_squeeze %dma_wait3A_161 : memref<1x64xi32, #tpu.memory_space<vmem>> -> memref<64xi32, #tpu.memory_space<vmem>>
          %dma_wait3A_163 = arith.constant 0 : i32
          %dma_wait3A_164 = arith.constant 0 : i32
          %dma_wait3A_165 = tpu.memref_slice %arg7[%dma_wait3A_163, %dma_wait3A_164] : memref<10240x128xf32, #tpu.memory_space<vmem_shared>> -> memref<10240x128xf32, #tpu.memory_space<vmem_shared>>
          tpu.wait_indirect_dma semaphore(%arg18 : memref<!tpu.dma_semaphore, #tpu.memory_space<semaphore_mem>>) src(%arg10 : memref<64x128xf32, #tpu.memory_space<vmem>>) dst(%dma_wait3A_165 : memref<10240x128xf32, #tpu.memory_space<vmem_shared>>)
        } else {
        }
        %add3A_126 = arith.constant 2 : i32
        %add3A_127 = arith.addi %add3A_108, %add3A_126 : i32
        %lt3A_128 = arith.constant 40 : i32
        %lt3A_129 = arith.cmpi slt, %add3A_127, %lt3A_128 : i32
        %convert_element_type3A_130 = arith.extui %lt3A_129 : i1 to i32
        %cond3A_131 = arith.constant 0 : i32
        %cond3A_132 = arith.cmpi ne, %convert_element_type3A_130, %cond3A_131 : i32
        scf.if %cond3A_132 {
          %add3A_159 = arith.constant 2 : i32
          %add3A_160 = arith.addi %add3A_108, %add3A_159 : i32
          %dma_start3A_161 = arith.constant 0 : i32
          %dma_start3A_162 = tpu.memref_slice %arg8[%add3A_160, %dma_start3A_161] : memref<40x64xi32, #tpu.memory_space<vmem>> -> memref<1x64xi32, #tpu.memory_space<vmem>>
          %dma_start3A_163 = tpu.memref_squeeze %dma_start3A_162 : memref<1x64xi32, #tpu.memory_space<vmem>> -> memref<64xi32, #tpu.memory_space<vmem>>
          %dma_start3A_164 = arith.constant 0 : i32
          %dma_start3A_165 = arith.constant 0 : i32
          %dma_start3A_166 = tpu.memref_slice %arg2[%dma_start3A_164, %dma_start3A_165] : memref<10000x128xf32, #tpu.memory_space<hbm>> -> memref<10000x128xf32, #tpu.memory_space<hbm>>
          tpu.enqueue_indirect_dma source(%dma_start3A_166 : memref<10000x128xf32, #tpu.memory_space<hbm>>) target(%arg10 : memref<64x128xf32, #tpu.memory_space<vmem>>) offsets(%dma_start3A_163 : memref<64xi32, #tpu.memory_space<vmem>>) semaphore(%arg14 : memref<!tpu.dma_semaphore, #tpu.memory_space<semaphore_mem>>)
        } else {
        }
        %add3A_133 = arith.constant 3 : i32
        %add3A_134 = arith.addi %add3A_58, %add3A_133 : i32
        %dma_wait3A_135 = arith.constant 0 : i32
        %dma_wait3A_136 = tpu.memref_slice %arg8[%add3A_134, %dma_wait3A_135] : memref<40x64xi32, #tpu.memory_space<vmem>> -> memref<1x64xi32, #tpu.memory_space<vmem>>
        %dma_wait3A_137 = tpu.memref_squeeze %dma_wait3A_136 : memref<1x64xi32, #tpu.memory_space<vmem>> -> memref<64xi32, #tpu.memory_space<vmem>>
        %dma_wait3A_138 = arith.constant 0 : i32
        %dma_wait3A_139 = arith.constant 0 : i32
        %dma_wait3A_140 = tpu.memref_slice %arg2[%dma_wait3A_138, %dma_wait3A_139] : memref<10000x128xf32, #tpu.memory_space<hbm>> -> memref<10000x128xf32, #tpu.memory_space<hbm>>
        tpu.wait_indirect_dma semaphore(%arg17 : memref<!tpu.dma_semaphore, #tpu.memory_space<semaphore_mem>>) src(%dma_wait3A_140 : memref<10000x128xf32, #tpu.memory_space<hbm>>) dst(%arg13 : memref<64x128xf32, #tpu.memory_space<vmem>>)
        %dma_start3A_141 = arith.constant 0 : i32
        %dma_start3A_142 = tpu.memref_slice %arg9[%add3A_134, %dma_start3A_141] : memref<40x64xi32, #tpu.memory_space<vmem>> -> memref<1x64xi32, #tpu.memory_space<vmem>>
        %dma_start3A_143 = tpu.memref_squeeze %dma_start3A_142 : memref<1x64xi32, #tpu.memory_space<vmem>> -> memref<64xi32, #tpu.memory_space<vmem>>
        %dma_start3A_144 = arith.constant 0 : i32
        %dma_start3A_145 = arith.constant 0 : i32
        %dma_start3A_146 = tpu.memref_slice %arg7[%dma_start3A_144, %dma_start3A_145] : memref<10240x128xf32, #tpu.memory_space<vmem_shared>> -> memref<10240x128xf32, #tpu.memory_space<vmem_shared>>
        tpu.enqueue_indirect_dma source(%arg13 : memref<64x128xf32, #tpu.memory_space<vmem>>) target(%dma_start3A_146 : memref<10240x128xf32, #tpu.memory_space<vmem_shared>>) offsets(%dma_start3A_143 : memref<64xi32, #tpu.memory_space<vmem>>) semaphore(%arg21 : memref<!tpu.dma_semaphore, #tpu.memory_space<semaphore_mem>>) {add = true}
        %ge3A_147 = arith.constant 2 : i32
        %ge3A_148 = arith.cmpi sge, %add3A_134, %ge3A_147 : i32
        %convert_element_type3A_149 = arith.extui %ge3A_148 : i1 to i32
        %cond3A_150 = arith.constant 0 : i32
        %cond3A_151 = arith.cmpi ne, %convert_element_type3A_149, %cond3A_150 : i32
        scf.if %cond3A_151 {
          %dma_wait3A_159 = arith.constant 0 : i32
          %dma_wait3A_160 = arith.constant 0 : i32
          %dma_wait3A_161 = tpu.memref_slice %arg9[%dma_wait3A_159, %dma_wait3A_160] : memref<40x64xi32, #tpu.memory_space<vmem>> -> memref<1x64xi32, #tpu.memory_space<vmem>>
          %dma_wait3A_162 = tpu.memref_squeeze %dma_wait3A_161 : memref<1x64xi32, #tpu.memory_space<vmem>> -> memref<64xi32, #tpu.memory_space<vmem>>
          %dma_wait3A_163 = arith.constant 0 : i32
          %dma_wait3A_164 = arith.constant 0 : i32
          %dma_wait3A_165 = tpu.memref_slice %arg7[%dma_wait3A_163, %dma_wait3A_164] : memref<10240x128xf32, #tpu.memory_space<vmem_shared>> -> memref<10240x128xf32, #tpu.memory_space<vmem_shared>>
          tpu.wait_indirect_dma semaphore(%arg19 : memref<!tpu.dma_semaphore, #tpu.memory_space<semaphore_mem>>) src(%arg11 : memref<64x128xf32, #tpu.memory_space<vmem>>) dst(%dma_wait3A_165 : memref<10240x128xf32, #tpu.memory_space<vmem_shared>>)
        } else {
        }
        %add3A_152 = arith.constant 2 : i32
        %add3A_153 = arith.addi %add3A_134, %add3A_152 : i32
        %lt3A_154 = arith.constant 40 : i32
        %lt3A_155 = arith.cmpi slt, %add3A_153, %lt3A_154 : i32
        %convert_element_type3A_156 = arith.extui %lt3A_155 : i1 to i32
        %cond3A_157 = arith.constant 0 : i32
        %cond3A_158 = arith.cmpi ne, %convert_element_type3A_156, %cond3A_157 : i32
        scf.if %cond3A_158 {
          %add3A_159 = arith.constant 2 : i32
          %add3A_160 = arith.addi %add3A_134, %add3A_159 : i32
          %dma_start3A_161 = arith.constant 0 : i32
          %dma_start3A_162 = tpu.memref_slice %arg8[%add3A_160, %dma_start3A_161] : memref<40x64xi32, #tpu.memory_space<vmem>> -> memref<1x64xi32, #tpu.memory_space<vmem>>
          %dma_start3A_163 = tpu.memref_squeeze %dma_start3A_162 : memref<1x64xi32, #tpu.memory_space<vmem>> -> memref<64xi32, #tpu.memory_space<vmem>>
          %dma_start3A_164 = arith.constant 0 : i32
          %dma_start3A_165 = arith.constant 0 : i32
          %dma_start3A_166 = tpu.memref_slice %arg2[%dma_start3A_164, %dma_start3A_165] : memref<10000x128xf32, #tpu.memory_space<hbm>> -> memref<10000x128xf32, #tpu.memory_space<hbm>>
          tpu.enqueue_indirect_dma source(%dma_start3A_166 : memref<10000x128xf32, #tpu.memory_space<hbm>>) target(%arg11 : memref<64x128xf32, #tpu.memory_space<vmem>>) offsets(%dma_start3A_163 : memref<64xi32, #tpu.memory_space<vmem>>) semaphore(%arg15 : memref<!tpu.dma_semaphore, #tpu.memory_space<semaphore_mem>>)
        } else {
        }
      }
      %scan3A_40 = arith.constant 10 : i32
      %dma_wait3A = arith.constant 0 : i32
      %dma_wait3A_41 = arith.constant 0 : i32
      %dma_wait3A_42 = tpu.memref_slice %arg9[%dma_wait3A, %dma_wait3A_41] : memref<40x64xi32, #tpu.memory_space<vmem>> -> memref<1x64xi32, #tpu.memory_space<vmem>>
      %dma_wait3A_43 = tpu.memref_squeeze %dma_wait3A_42 : memref<1x64xi32, #tpu.memory_space<vmem>> -> memref<64xi32, #tpu.memory_space<vmem>>
      %dma_wait3A_44 = arith.constant 0 : i32
      %dma_wait3A_45 = arith.constant 0 : i32
      %dma_wait3A_46 = tpu.memref_slice %arg7[%dma_wait3A_44, %dma_wait3A_45] : memref<10240x128xf32, #tpu.memory_space<vmem_shared>> -> memref<10240x128xf32, #tpu.memory_space<vmem_shared>>
      tpu.wait_indirect_dma semaphore(%arg20 : memref<!tpu.dma_semaphore, #tpu.memory_space<semaphore_mem>>) src(%arg12 : memref<64x128xf32, #tpu.memory_space<vmem>>) dst(%dma_wait3A_46 : memref<10240x128xf32, #tpu.memory_space<vmem_shared>>)
      %dma_wait3A_47 = arith.constant 0 : i32
      %dma_wait3A_48 = arith.constant 0 : i32
      %dma_wait3A_49 = tpu.memref_slice %arg9[%dma_wait3A_47, %dma_wait3A_48] : memref<40x64xi32, #tpu.memory_space<vmem>> -> memref<1x64xi32, #tpu.memory_space<vmem>>
      %dma_wait3A_50 = tpu.memref_squeeze %dma_wait3A_49 : memref<1x64xi32, #tpu.memory_space<vmem>> -> memref<64xi32, #tpu.memory_space<vmem>>
      %dma_wait3A_51 = arith.constant 0 : i32
      %dma_wait3A_52 = arith.constant 0 : i32
      %dma_wait3A_53 = tpu.memref_slice %arg7[%dma_wait3A_51, %dma_wait3A_52] : memref<10240x128xf32, #tpu.memory_space<vmem_shared>> -> memref<10240x128xf32, #tpu.memory_space<vmem_shared>>
      tpu.wait_indirect_dma semaphore(%arg21 : memref<!tpu.dma_semaphore, #tpu.memory_space<semaphore_mem>>) src(%arg13 : memref<64x128xf32, #tpu.memory_space<vmem>>) dst(%dma_wait3A_53 : memref<10240x128xf32, #tpu.memory_space<vmem_shared>>)
    }
    %while3A_19 = arith.constant 1 : i32
    scf.for %while3A_21 = %while3A_17 to %while3A_13 step %while3A_19  : i32 {
      %mul3A_22 = arith.muli %while3A_21, %while3A : i32
      %add3A_23 = arith.addi %mul3A_2, %mul3A_22 : i32
      "tpu.region"() ({
        %run_scoped3A = tpu.sem_alloc : memref<!tpu.dma_semaphore, #tpu.memory_space<semaphore_mem>>
        %dma_start3A_54 = arith.constant 0 : i32
        %dma_start3A_55 = arith.constant 0 : i32
        %dma_start3A_56 = tpu.memref_slice %arg3[%arg1, %add3A_23, %dma_start3A_54, %dma_start3A_55] : memref<16x8x40x64xi32, #tpu.memory_space<hbm>> -> memref<1x1x40x64xi32, #tpu.memory_space<hbm>>
        %dma_start3A_57 = tpu.memref_squeeze %dma_start3A_56 : memref<1x1x40x64xi32, #tpu.memory_space<hbm>> -> memref<40x64xi32, #tpu.memory_space<hbm>>
        %dma_start3A_58 = arith.constant 0 : i32
        %dma_start3A_59 = arith.constant 0 : i32
        %dma_start3A_60 = tpu.memref_slice %arg3[%arg1, %add3A_23, %dma_start3A_58, %dma_start3A_59] : memref<16x8x40x64xi32, #tpu.memory_space<hbm>> -> memref<1x1x40x64xi32, #tpu.memory_space<hbm>>
        %dma_start3A_61 = tpu.memref_squeeze %dma_start3A_60 : memref<1x1x40x64xi32, #tpu.memory_space<hbm>> -> memref<40x64xi32, #tpu.memory_space<hbm>>
        tpu.enqueue_dma source(%dma_start3A_61 : memref<40x64xi32, #tpu.memory_space<hbm>>) target(%arg8 : memref<40x64xi32, #tpu.memory_space<vmem>>) target_semaphore(%run_scoped3A : memref<!tpu.dma_semaphore, #tpu.memory_space<semaphore_mem>>)
        %dma_wait3A_62 = arith.constant 0 : i32
        %dma_wait3A_63 = arith.constant 0 : i32
        %dma_wait3A_64 = tpu.memref_slice %arg3[%arg1, %add3A_23, %dma_wait3A_62, %dma_wait3A_63] : memref<16x8x40x64xi32, #tpu.memory_space<hbm>> -> memref<1x1x40x64xi32, #tpu.memory_space<hbm>>
        %dma_wait3A_65 = tpu.memref_squeeze %dma_wait3A_64 : memref<1x1x40x64xi32, #tpu.memory_space<hbm>> -> memref<40x64xi32, #tpu.memory_space<hbm>>
        %dma_wait3A_66 = arith.constant 0 : i32
        %dma_wait3A_67 = arith.constant 0 : i32
        %dma_wait3A_68 = tpu.memref_slice %arg3[%arg1, %add3A_23, %dma_wait3A_66, %dma_wait3A_67] : memref<16x8x40x64xi32, #tpu.memory_space<hbm>> -> memref<1x1x40x64xi32, #tpu.memory_space<hbm>>
        %dma_wait3A_69 = tpu.memref_squeeze %dma_wait3A_68 : memref<1x1x40x64xi32, #tpu.memory_space<hbm>> -> memref<40x64xi32, #tpu.memory_space<hbm>>
        tpu.wait_dma2 semaphore(%run_scoped3A : memref<!tpu.dma_semaphore, #tpu.memory_space<semaphore_mem>>) src(%dma_wait3A_69 : memref<40x64xi32, #tpu.memory_space<hbm>>) dst(%arg8 : memref<40x64xi32, #tpu.memory_space<vmem>>)
        tpu.yield
      }) : () -> ()
      "tpu.region"() ({
        %run_scoped3A = tpu.sem_alloc : memref<!tpu.dma_semaphore, #tpu.memory_space<semaphore_mem>>
        %dma_start3A_54 = arith.constant 0 : i32
        %dma_start3A_55 = arith.constant 0 : i32
        %dma_start3A_56 = tpu.memref_slice %arg4[%arg1, %add3A_23, %dma_start3A_54, %dma_start3A_55] : memref<16x8x40x64xi32, #tpu.memory_space<hbm>> -> memref<1x1x40x64xi32, #tpu.memory_space<hbm>>
        %dma_start3A_57 = tpu.memref_squeeze %dma_start3A_56 : memref<1x1x40x64xi32, #tpu.memory_space<hbm>> -> memref<40x64xi32, #tpu.memory_space<hbm>>
        %dma_start3A_58 = arith.constant 0 : i32
        %dma_start3A_59 = arith.constant 0 : i32
        %dma_start3A_60 = tpu.memref_slice %arg4[%arg1, %add3A_23, %dma_start3A_58, %dma_start3A_59] : memref<16x8x40x64xi32, #tpu.memory_space<hbm>> -> memref<1x1x40x64xi32, #tpu.memory_space<hbm>>
        %dma_start3A_61 = tpu.memref_squeeze %dma_start3A_60 : memref<1x1x40x64xi32, #tpu.memory_space<hbm>> -> memref<40x64xi32, #tpu.memory_space<hbm>>
        tpu.enqueue_dma source(%dma_start3A_61 : memref<40x64xi32, #tpu.memory_space<hbm>>) target(%arg9 : memref<40x64xi32, #tpu.memory_space<vmem>>) target_semaphore(%run_scoped3A : memref<!tpu.dma_semaphore, #tpu.memory_space<semaphore_mem>>)
        %dma_wait3A_62 = arith.constant 0 : i32
        %dma_wait3A_63 = arith.constant 0 : i32
        %dma_wait3A_64 = tpu.memref_slice %arg4[%arg1, %add3A_23, %dma_wait3A_62, %dma_wait3A_63] : memref<16x8x40x64xi32, #tpu.memory_space<hbm>> -> memref<1x1x40x64xi32, #tpu.memory_space<hbm>>
        %dma_wait3A_65 = tpu.memref_squeeze %dma_wait3A_64 : memref<1x1x40x64xi32, #tpu.memory_space<hbm>> -> memref<40x64xi32, #tpu.memory_space<hbm>>
        %dma_wait3A_66 = arith.constant 0 : i32
        %dma_wait3A_67 = arith.constant 0 : i32
        %dma_wait3A_68 = tpu.memref_slice %arg4[%arg1, %add3A_23, %dma_wait3A_66, %dma_wait3A_67] : memref<16x8x40x64xi32, #tpu.memory_space<hbm>> -> memref<1x1x40x64xi32, #tpu.memory_space<hbm>>
        %dma_wait3A_69 = tpu.memref_squeeze %dma_wait3A_68 : memref<1x1x40x64xi32, #tpu.memory_space<hbm>> -> memref<40x64xi32, #tpu.memory_space<hbm>>
        tpu.wait_dma2 semaphore(%run_scoped3A : memref<!tpu.dma_semaphore, #tpu.memory_space<semaphore_mem>>) src(%dma_wait3A_69 : memref<40x64xi32, #tpu.memory_space<hbm>>) dst(%arg9 : memref<40x64xi32, #tpu.memory_space<vmem>>)
        tpu.yield
      }) : () -> ()
      %dma_start3A = arith.constant 0 : i32
      %dma_start3A_24 = arith.constant 0 : i32
      %dma_start3A_25 = tpu.memref_slice %arg8[%dma_start3A, %dma_start3A_24] : memref<40x64xi32, #tpu.memory_space<vmem>> -> memref<1x64xi32, #tpu.memory_space<vmem>>
      %dma_start3A_26 = tpu.memref_squeeze %dma_start3A_25 : memref<1x64xi32, #tpu.memory_space<vmem>> -> memref<64xi32, #tpu.memory_space<vmem>>
      %dma_start3A_27 = arith.constant 0 : i32
      %dma_start3A_28 = arith.constant 0 : i32
      %dma_start3A_29 = tpu.memref_slice %arg2[%dma_start3A_27, %dma_start3A_28] : memref<10000x128xf32, #tpu.memory_space<hbm>> -> memref<10000x128xf32, #tpu.memory_space<hbm>>
      tpu.enqueue_indirect_dma source(%dma_start3A_29 : memref<10000x128xf32, #tpu.memory_space<hbm>>) target(%arg10 : memref<64x128xf32, #tpu.memory_space<vmem>>) offsets(%dma_start3A_26 : memref<64xi32, #tpu.memory_space<vmem>>) semaphore(%arg14 : memref<!tpu.dma_semaphore, #tpu.memory_space<semaphore_mem>>)
      %dma_start3A_30 = arith.constant 1 : i32
      %dma_start3A_31 = arith.constant 0 : i32
      %dma_start3A_32 = tpu.memref_slice %arg8[%dma_start3A_30, %dma_start3A_31] : memref<40x64xi32, #tpu.memory_space<vmem>> -> memref<1x64xi32, #tpu.memory_space<vmem>>
      %dma_start3A_33 = tpu.memref_squeeze %dma_start3A_32 : memref<1x64xi32, #tpu.memory_space<vmem>> -> memref<64xi32, #tpu.memory_space<vmem>>
      %dma_start3A_34 = arith.constant 0 : i32
      %dma_start3A_35 = arith.constant 0 : i32
      %dma_start3A_36 = tpu.memref_slice %arg2[%dma_start3A_34, %dma_start3A_35] : memref<10000x128xf32, #tpu.memory_space<hbm>> -> memref<10000x128xf32, #tpu.memory_space<hbm>>
      tpu.enqueue_indirect_dma source(%dma_start3A_36 : memref<10000x128xf32, #tpu.memory_space<hbm>>) target(%arg11 : memref<64x128xf32, #tpu.memory_space<vmem>>) offsets(%dma_start3A_33 : memref<64xi32, #tpu.memory_space<vmem>>) semaphore(%arg15 : memref<!tpu.dma_semaphore, #tpu.memory_space<semaphore_mem>>)
      %scan3A = arith.constant 0 : i32
      %scan3A_37 = arith.constant 10 : i32
      %scan3A_38 = arith.addi %scan3A, %scan3A_37 : i32
      %scan3A_39 = arith.constant 1 : i32
      scf.for %scan3A_54 = %scan3A to %scan3A_38 step %scan3A_39  : i32 {
        %mul3A_55 = arith.constant 4 : i32
        %mul3A_56 = arith.muli %scan3A_54, %mul3A_55 : i32
        %add3A_57 = arith.constant 0 : i32
        %add3A_58 = arith.addi %add3A_57, %mul3A_56 : i32
        %add3A_59 = arith.constant 0 : i32
        %add3A_60 = arith.addi %add3A_58, %add3A_59 : i32
        %dma_wait3A_61 = arith.constant 0 : i32
        %dma_wait3A_62 = tpu.memref_slice %arg8[%add3A_60, %dma_wait3A_61] : memref<40x64xi32, #tpu.memory_space<vmem>> -> memref<1x64xi32, #tpu.memory_space<vmem>>
        %dma_wait3A_63 = tpu.memref_squeeze %dma_wait3A_62 : memref<1x64xi32, #tpu.memory_space<vmem>> -> memref<64xi32, #tpu.memory_space<vmem>>
        %dma_wait3A_64 = arith.constant 0 : i32
        %dma_wait3A_65 = arith.constant 0 : i32
        %dma_wait3A_66 = tpu.memref_slice %arg2[%dma_wait3A_64, %dma_wait3A_65] : memref<10000x128xf32, #tpu.memory_space<hbm>> -> memref<10000x128xf32, #tpu.memory_space<hbm>>
        tpu.wait_indirect_dma semaphore(%arg14 : memref<!tpu.dma_semaphore, #tpu.memory_space<semaphore_mem>>) src(%dma_wait3A_66 : memref<10000x128xf32, #tpu.memory_space<hbm>>) dst(%arg10 : memref<64x128xf32, #tpu.memory_space<vmem>>)
        %dma_start3A_67 = arith.constant 0 : i32
        %dma_start3A_68 = tpu.memref_slice %arg9[%add3A_60, %dma_start3A_67] : memref<40x64xi32, #tpu.memory_space<vmem>> -> memref<1x64xi32, #tpu.memory_space<vmem>>
        %dma_start3A_69 = tpu.memref_squeeze %dma_start3A_68 : memref<1x64xi32, #tpu.memory_space<vmem>> -> memref<64xi32, #tpu.memory_space<vmem>>
        %dma_start3A_70 = arith.constant 0 : i32
        %dma_start3A_71 = arith.constant 0 : i32
        %dma_start3A_72 = tpu.memref_slice %arg7[%dma_start3A_70, %dma_start3A_71] : memref<10240x128xf32, #tpu.memory_space<vmem_shared>> -> memref<10240x128xf32, #tpu.memory_space<vmem_shared>>
        tpu.enqueue_indirect_dma source(%arg10 : memref<64x128xf32, #tpu.memory_space<vmem>>) target(%dma_start3A_72 : memref<10240x128xf32, #tpu.memory_space<vmem_shared>>) offsets(%dma_start3A_69 : memref<64xi32, #tpu.memory_space<vmem>>) semaphore(%arg18 : memref<!tpu.dma_semaphore, #tpu.memory_space<semaphore_mem>>) {add = true}
        %ge3A = arith.constant 2 : i32
        %ge3A_73 = arith.cmpi sge, %add3A_60, %ge3A : i32
        %convert_element_type3A = arith.extui %ge3A_73 : i1 to i32
        %cond3A = arith.constant 0 : i32
        %cond3A_74 = arith.cmpi ne, %convert_element_type3A, %cond3A : i32
        scf.if %cond3A_74 {
          %dma_wait3A_159 = arith.constant 0 : i32
          %dma_wait3A_160 = arith.constant 0 : i32
          %dma_wait3A_161 = tpu.memref_slice %arg9[%dma_wait3A_159, %dma_wait3A_160] : memref<40x64xi32, #tpu.memory_space<vmem>> -> memref<1x64xi32, #tpu.memory_space<vmem>>
          %dma_wait3A_162 = tpu.memref_squeeze %dma_wait3A_161 : memref<1x64xi32, #tpu.memory_space<vmem>> -> memref<64xi32, #tpu.memory_space<vmem>>
          %dma_wait3A_163 = arith.constant 0 : i32
          %dma_wait3A_164 = arith.constant 0 : i32
          %dma_wait3A_165 = tpu.memref_slice %arg7[%dma_wait3A_163, %dma_wait3A_164] : memref<10240x128xf32, #tpu.memory_space<vmem_shared>> -> memref<10240x128xf32, #tpu.memory_space<vmem_shared>>
          tpu.wait_indirect_dma semaphore(%arg20 : memref<!tpu.dma_semaphore, #tpu.memory_space<semaphore_mem>>) src(%arg12 : memref<64x128xf32, #tpu.memory_space<vmem>>) dst(%dma_wait3A_165 : memref<10240x128xf32, #tpu.memory_space<vmem_shared>>)
        } else {
        }
        %add3A_75 = arith.constant 2 : i32
        %add3A_76 = arith.addi %add3A_60, %add3A_75 : i32
        %lt3A = arith.constant 40 : i32
        %lt3A_77 = arith.cmpi slt, %add3A_76, %lt3A : i32
        %convert_element_type3A_78 = arith.extui %lt3A_77 : i1 to i32
        %cond3A_79 = arith.constant 0 : i32
        %cond3A_80 = arith.cmpi ne, %convert_element_type3A_78, %cond3A_79 : i32
        scf.if %cond3A_80 {
          %add3A_159 = arith.constant 2 : i32
          %add3A_160 = arith.addi %add3A_60, %add3A_159 : i32
          %dma_start3A_161 = arith.constant 0 : i32
          %dma_start3A_162 = tpu.memref_slice %arg8[%add3A_160, %dma_start3A_161] : memref<40x64xi32, #tpu.memory_space<vmem>> -> memref<1x64xi32, #tpu.memory_space<vmem>>
          %dma_start3A_163 = tpu.memref_squeeze %dma_start3A_162 : memref<1x64xi32, #tpu.memory_space<vmem>> -> memref<64xi32, #tpu.memory_space<vmem>>
          %dma_start3A_164 = arith.constant 0 : i32
          %dma_start3A_165 = arith.constant 0 : i32
          %dma_start3A_166 = tpu.memref_slice %arg2[%dma_start3A_164, %dma_start3A_165] : memref<10000x128xf32, #tpu.memory_space<hbm>> -> memref<10000x128xf32, #tpu.memory_space<hbm>>
          tpu.enqueue_indirect_dma source(%dma_start3A_166 : memref<10000x128xf32, #tpu.memory_space<hbm>>) target(%arg12 : memref<64x128xf32, #tpu.memory_space<vmem>>) offsets(%dma_start3A_163 : memref<64xi32, #tpu.memory_space<vmem>>) semaphore(%arg16 : memref<!tpu.dma_semaphore, #tpu.memory_space<semaphore_mem>>)
        } else {
        }
        %add3A_81 = arith.constant 1 : i32
        %add3A_82 = arith.addi %add3A_58, %add3A_81 : i32
        %dma_wait3A_83 = arith.constant 0 : i32
        %dma_wait3A_84 = tpu.memref_slice %arg8[%add3A_82, %dma_wait3A_83] : memref<40x64xi32, #tpu.memory_space<vmem>> -> memref<1x64xi32, #tpu.memory_space<vmem>>
        %dma_wait3A_85 = tpu.memref_squeeze %dma_wait3A_84 : memref<1x64xi32, #tpu.memory_space<vmem>> -> memref<64xi32, #tpu.memory_space<vmem>>
        %dma_wait3A_86 = arith.constant 0 : i32
        %dma_wait3A_87 = arith.constant 0 : i32
        %dma_wait3A_88 = tpu.memref_slice %arg2[%dma_wait3A_86, %dma_wait3A_87] : memref<10000x128xf32, #tpu.memory_space<hbm>> -> memref<10000x128xf32, #tpu.memory_space<hbm>>
        tpu.wait_indirect_dma semaphore(%arg15 : memref<!tpu.dma_semaphore, #tpu.memory_space<semaphore_mem>>) src(%dma_wait3A_88 : memref<10000x128xf32, #tpu.memory_space<hbm>>) dst(%arg11 : memref<64x128xf32, #tpu.memory_space<vmem>>)
        %dma_start3A_89 = arith.constant 0 : i32
        %dma_start3A_90 = tpu.memref_slice %arg9[%add3A_82, %dma_start3A_89] : memref<40x64xi32, #tpu.memory_space<vmem>> -> memref<1x64xi32, #tpu.memory_space<vmem>>
        %dma_start3A_91 = tpu.memref_squeeze %dma_start3A_90 : memref<1x64xi32, #tpu.memory_space<vmem>> -> memref<64xi32, #tpu.memory_space<vmem>>
        %dma_start3A_92 = arith.constant 0 : i32
        %dma_start3A_93 = arith.constant 0 : i32
        %dma_start3A_94 = tpu.memref_slice %arg7[%dma_start3A_92, %dma_start3A_93] : memref<10240x128xf32, #tpu.memory_space<vmem_shared>> -> memref<10240x128xf32, #tpu.memory_space<vmem_shared>>
        tpu.enqueue_indirect_dma source(%arg11 : memref<64x128xf32, #tpu.memory_space<vmem>>) target(%dma_start3A_94 : memref<10240x128xf32, #tpu.memory_space<vmem_shared>>) offsets(%dma_start3A_91 : memref<64xi32, #tpu.memory_space<vmem>>) semaphore(%arg19 : memref<!tpu.dma_semaphore, #tpu.memory_space<semaphore_mem>>) {add = true}
        %ge3A_95 = arith.constant 2 : i32
        %ge3A_96 = arith.cmpi sge, %add3A_82, %ge3A_95 : i32
        %convert_element_type3A_97 = arith.extui %ge3A_96 : i1 to i32
        %cond3A_98 = arith.constant 0 : i32
        %cond3A_99 = arith.cmpi ne, %convert_element_type3A_97, %cond3A_98 : i32
        scf.if %cond3A_99 {
          %dma_wait3A_159 = arith.constant 0 : i32
          %dma_wait3A_160 = arith.constant 0 : i32
          %dma_wait3A_161 = tpu.memref_slice %arg9[%dma_wait3A_159, %dma_wait3A_160] : memref<40x64xi32, #tpu.memory_space<vmem>> -> memref<1x64xi32, #tpu.memory_space<vmem>>
          %dma_wait3A_162 = tpu.memref_squeeze %dma_wait3A_161 : memref<1x64xi32, #tpu.memory_space<vmem>> -> memref<64xi32, #tpu.memory_space<vmem>>
          %dma_wait3A_163 = arith.constant 0 : i32
          %dma_wait3A_164 = arith.constant 0 : i32
          %dma_wait3A_165 = tpu.memref_slice %arg7[%dma_wait3A_163, %dma_wait3A_164] : memref<10240x128xf32, #tpu.memory_space<vmem_shared>> -> memref<10240x128xf32, #tpu.memory_space<vmem_shared>>
          tpu.wait_indirect_dma semaphore(%arg21 : memref<!tpu.dma_semaphore, #tpu.memory_space<semaphore_mem>>) src(%arg13 : memref<64x128xf32, #tpu.memory_space<vmem>>) dst(%dma_wait3A_165 : memref<10240x128xf32, #tpu.memory_space<vmem_shared>>)
        } else {
        }
        %add3A_100 = arith.constant 2 : i32
        %add3A_101 = arith.addi %add3A_82, %add3A_100 : i32
        %lt3A_102 = arith.constant 40 : i32
        %lt3A_103 = arith.cmpi slt, %add3A_101, %lt3A_102 : i32
        %convert_element_type3A_104 = arith.extui %lt3A_103 : i1 to i32
        %cond3A_105 = arith.constant 0 : i32
        %cond3A_106 = arith.cmpi ne, %convert_element_type3A_104, %cond3A_105 : i32
        scf.if %cond3A_106 {
          %add3A_159 = arith.constant 2 : i32
          %add3A_160 = arith.addi %add3A_82, %add3A_159 : i32
          %dma_start3A_161 = arith.constant 0 : i32
          %dma_start3A_162 = tpu.memref_slice %arg8[%add3A_160, %dma_start3A_161] : memref<40x64xi32, #tpu.memory_space<vmem>> -> memref<1x64xi32, #tpu.memory_space<vmem>>
          %dma_start3A_163 = tpu.memref_squeeze %dma_start3A_162 : memref<1x64xi32, #tpu.memory_space<vmem>> -> memref<64xi32, #tpu.memory_space<vmem>>
          %dma_start3A_164 = arith.constant 0 : i32
          %dma_start3A_165 = arith.constant 0 : i32
          %dma_start3A_166 = tpu.memref_slice %arg2[%dma_start3A_164, %dma_start3A_165] : memref<10000x128xf32, #tpu.memory_space<hbm>> -> memref<10000x128xf32, #tpu.memory_space<hbm>>
          tpu.enqueue_indirect_dma source(%dma_start3A_166 : memref<10000x128xf32, #tpu.memory_space<hbm>>) target(%arg13 : memref<64x128xf32, #tpu.memory_space<vmem>>) offsets(%dma_start3A_163 : memref<64xi32, #tpu.memory_space<vmem>>) semaphore(%arg17 : memref<!tpu.dma_semaphore, #tpu.memory_space<semaphore_mem>>)
        } else {
        }
        %add3A_107 = arith.constant 2 : i32
        %add3A_108 = arith.addi %add3A_58, %add3A_107 : i32
        %dma_wait3A_109 = arith.constant 0 : i32
        %dma_wait3A_110 = tpu.memref_slice %arg8[%add3A_108, %dma_wait3A_109] : memref<40x64xi32, #tpu.memory_space<vmem>> -> memref<1x64xi32, #tpu.memory_space<vmem>>
        %dma_wait3A_111 = tpu.memref_squeeze %dma_wait3A_110 : memref<1x64xi32, #tpu.memory_space<vmem>> -> memref<64xi32, #tpu.memory_space<vmem>>
        %dma_wait3A_112 = arith.constant 0 : i32
        %dma_wait3A_113 = arith.constant 0 : i32
        %dma_wait3A_114 = tpu.memref_slice %arg2[%dma_wait3A_112, %dma_wait3A_113] : memref<10000x128xf32, #tpu.memory_space<hbm>> -> memref<10000x128xf32, #tpu.memory_space<hbm>>
        tpu.wait_indirect_dma semaphore(%arg16 : memref<!tpu.dma_semaphore, #tpu.memory_space<semaphore_mem>>) src(%dma_wait3A_114 : memref<10000x128xf32, #tpu.memory_space<hbm>>) dst(%arg12 : memref<64x128xf32, #tpu.memory_space<vmem>>)
        %dma_start3A_115 = arith.constant 0 : i32
        %dma_start3A_116 = tpu.memref_slice %arg9[%add3A_108, %dma_start3A_115] : memref<40x64xi32, #tpu.memory_space<vmem>> -> memref<1x64xi32, #tpu.memory_space<vmem>>
        %dma_start3A_117 = tpu.memref_squeeze %dma_start3A_116 : memref<1x64xi32, #tpu.memory_space<vmem>> -> memref<64xi32, #tpu.memory_space<vmem>>
        %dma_start3A_118 = arith.constant 0 : i32
        %dma_start3A_119 = arith.constant 0 : i32
        %dma_start3A_120 = tpu.memref_slice %arg7[%dma_start3A_118, %dma_start3A_119] : memref<10240x128xf32, #tpu.memory_space<vmem_shared>> -> memref<10240x128xf32, #tpu.memory_space<vmem_shared>>
        tpu.enqueue_indirect_dma source(%arg12 : memref<64x128xf32, #tpu.memory_space<vmem>>) target(%dma_start3A_120 : memref<10240x128xf32, #tpu.memory_space<vmem_shared>>) offsets(%dma_start3A_117 : memref<64xi32, #tpu.memory_space<vmem>>) semaphore(%arg20 : memref<!tpu.dma_semaphore, #tpu.memory_space<semaphore_mem>>) {add = true}
        %ge3A_121 = arith.constant 2 : i32
        %ge3A_122 = arith.cmpi sge, %add3A_108, %ge3A_121 : i32
        %convert_element_type3A_123 = arith.extui %ge3A_122 : i1 to i32
        %cond3A_124 = arith.constant 0 : i32
        %cond3A_125 = arith.cmpi ne, %convert_element_type3A_123, %cond3A_124 : i32
        scf.if %cond3A_125 {
          %dma_wait3A_159 = arith.constant 0 : i32
          %dma_wait3A_160 = arith.constant 0 : i32
          %dma_wait3A_161 = tpu.memref_slice %arg9[%dma_wait3A_159, %dma_wait3A_160] : memref<40x64xi32, #tpu.memory_space<vmem>> -> memref<1x64xi32, #tpu.memory_space<vmem>>
          %dma_wait3A_162 = tpu.memref_squeeze %dma_wait3A_161 : memref<1x64xi32, #tpu.memory_space<vmem>> -> memref<64xi32, #tpu.memory_space<vmem>>
          %dma_wait3A_163 = arith.constant 0 : i32
          %dma_wait3A_164 = arith.constant 0 : i32
          %dma_wait3A_165 = tpu.memref_slice %arg7[%dma_wait3A_163, %dma_wait3A_164] : memref<10240x128xf32, #tpu.memory_space<vmem_shared>> -> memref<10240x128xf32, #tpu.memory_space<vmem_shared>>
          tpu.wait_indirect_dma semaphore(%arg18 : memref<!tpu.dma_semaphore, #tpu.memory_space<semaphore_mem>>) src(%arg10 : memref<64x128xf32, #tpu.memory_space<vmem>>) dst(%dma_wait3A_165 : memref<10240x128xf32, #tpu.memory_space<vmem_shared>>)
        } else {
        }
        %add3A_126 = arith.constant 2 : i32
        %add3A_127 = arith.addi %add3A_108, %add3A_126 : i32
        %lt3A_128 = arith.constant 40 : i32
        %lt3A_129 = arith.cmpi slt, %add3A_127, %lt3A_128 : i32
        %convert_element_type3A_130 = arith.extui %lt3A_129 : i1 to i32
        %cond3A_131 = arith.constant 0 : i32
        %cond3A_132 = arith.cmpi ne, %convert_element_type3A_130, %cond3A_131 : i32
        scf.if %cond3A_132 {
          %add3A_159 = arith.constant 2 : i32
          %add3A_160 = arith.addi %add3A_108, %add3A_159 : i32
          %dma_start3A_161 = arith.constant 0 : i32
          %dma_start3A_162 = tpu.memref_slice %arg8[%add3A_160, %dma_start3A_161] : memref<40x64xi32, #tpu.memory_space<vmem>> -> memref<1x64xi32, #tpu.memory_space<vmem>>
          %dma_start3A_163 = tpu.memref_squeeze %dma_start3A_162 : memref<1x64xi32, #tpu.memory_space<vmem>> -> memref<64xi32, #tpu.memory_space<vmem>>
          %dma_start3A_164 = arith.constant 0 : i32
          %dma_start3A_165 = arith.constant 0 : i32
          %dma_start3A_166 = tpu.memref_slice %arg2[%dma_start3A_164, %dma_start3A_165] : memref<10000x128xf32, #tpu.memory_space<hbm>> -> memref<10000x128xf32, #tpu.memory_space<hbm>>
          tpu.enqueue_indirect_dma source(%dma_start3A_166 : memref<10000x128xf32, #tpu.memory_space<hbm>>) target(%arg10 : memref<64x128xf32, #tpu.memory_space<vmem>>) offsets(%dma_start3A_163 : memref<64xi32, #tpu.memory_space<vmem>>) semaphore(%arg14 : memref<!tpu.dma_semaphore, #tpu.memory_space<semaphore_mem>>)
        } else {
        }
        %add3A_133 = arith.constant 3 : i32
        %add3A_134 = arith.addi %add3A_58, %add3A_133 : i32
        %dma_wait3A_135 = arith.constant 0 : i32
        %dma_wait3A_136 = tpu.memref_slice %arg8[%add3A_134, %dma_wait3A_135] : memref<40x64xi32, #tpu.memory_space<vmem>> -> memref<1x64xi32, #tpu.memory_space<vmem>>
        %dma_wait3A_137 = tpu.memref_squeeze %dma_wait3A_136 : memref<1x64xi32, #tpu.memory_space<vmem>> -> memref<64xi32, #tpu.memory_space<vmem>>
        %dma_wait3A_138 = arith.constant 0 : i32
        %dma_wait3A_139 = arith.constant 0 : i32
        %dma_wait3A_140 = tpu.memref_slice %arg2[%dma_wait3A_138, %dma_wait3A_139] : memref<10000x128xf32, #tpu.memory_space<hbm>> -> memref<10000x128xf32, #tpu.memory_space<hbm>>
        tpu.wait_indirect_dma semaphore(%arg17 : memref<!tpu.dma_semaphore, #tpu.memory_space<semaphore_mem>>) src(%dma_wait3A_140 : memref<10000x128xf32, #tpu.memory_space<hbm>>) dst(%arg13 : memref<64x128xf32, #tpu.memory_space<vmem>>)
        %dma_start3A_141 = arith.constant 0 : i32
        %dma_start3A_142 = tpu.memref_slice %arg9[%add3A_134, %dma_start3A_141] : memref<40x64xi32, #tpu.memory_space<vmem>> -> memref<1x64xi32, #tpu.memory_space<vmem>>
        %dma_start3A_143 = tpu.memref_squeeze %dma_start3A_142 : memref<1x64xi32, #tpu.memory_space<vmem>> -> memref<64xi32, #tpu.memory_space<vmem>>
        %dma_start3A_144 = arith.constant 0 : i32
        %dma_start3A_145 = arith.constant 0 : i32
        %dma_start3A_146 = tpu.memref_slice %arg7[%dma_start3A_144, %dma_start3A_145] : memref<10240x128xf32, #tpu.memory_space<vmem_shared>> -> memref<10240x128xf32, #tpu.memory_space<vmem_shared>>
        tpu.enqueue_indirect_dma source(%arg13 : memref<64x128xf32, #tpu.memory_space<vmem>>) target(%dma_start3A_146 : memref<10240x128xf32, #tpu.memory_space<vmem_shared>>) offsets(%dma_start3A_143 : memref<64xi32, #tpu.memory_space<vmem>>) semaphore(%arg21 : memref<!tpu.dma_semaphore, #tpu.memory_space<semaphore_mem>>) {add = true}
        %ge3A_147 = arith.constant 2 : i32
        %ge3A_148 = arith.cmpi sge, %add3A_134, %ge3A_147 : i32
        %convert_element_type3A_149 = arith.extui %ge3A_148 : i1 to i32
        %cond3A_150 = arith.constant 0 : i32
        %cond3A_151 = arith.cmpi ne, %convert_element_type3A_149, %cond3A_150 : i32
        scf.if %cond3A_151 {
          %dma_wait3A_159 = arith.constant 0 : i32
          %dma_wait3A_160 = arith.constant 0 : i32
          %dma_wait3A_161 = tpu.memref_slice %arg9[%dma_wait3A_159, %dma_wait3A_160] : memref<40x64xi32, #tpu.memory_space<vmem>> -> memref<1x64xi32, #tpu.memory_space<vmem>>
          %dma_wait3A_162 = tpu.memref_squeeze %dma_wait3A_161 : memref<1x64xi32, #tpu.memory_space<vmem>> -> memref<64xi32, #tpu.memory_space<vmem>>
          %dma_wait3A_163 = arith.constant 0 : i32
          %dma_wait3A_164 = arith.constant 0 : i32
          %dma_wait3A_165 = tpu.memref_slice %arg7[%dma_wait3A_163, %dma_wait3A_164] : memref<10240x128xf32, #tpu.memory_space<vmem_shared>> -> memref<10240x128xf32, #tpu.memory_space<vmem_shared>>
          tpu.wait_indirect_dma semaphore(%arg19 : memref<!tpu.dma_semaphore, #tpu.memory_space<semaphore_mem>>) src(%arg11 : memref<64x128xf32, #tpu.memory_space<vmem>>) dst(%dma_wait3A_165 : memref<10240x128xf32, #tpu.memory_space<vmem_shared>>)
        } else {
        }
        %add3A_152 = arith.constant 2 : i32
        %add3A_153 = arith.addi %add3A_134, %add3A_152 : i32
        %lt3A_154 = arith.constant 40 : i32
        %lt3A_155 = arith.cmpi slt, %add3A_153, %lt3A_154 : i32
        %convert_element_type3A_156 = arith.extui %lt3A_155 : i1 to i32
        %cond3A_157 = arith.constant 0 : i32
        %cond3A_158 = arith.cmpi ne, %convert_element_type3A_156, %cond3A_157 : i32
        scf.if %cond3A_158 {
          %add3A_159 = arith.constant 2 : i32
          %add3A_160 = arith.addi %add3A_134, %add3A_159 : i32
          %dma_start3A_161 = arith.constant 0 : i32
          %dma_start3A_162 = tpu.memref_slice %arg8[%add3A_160, %dma_start3A_161] : memref<40x64xi32, #tpu.memory_space<vmem>> -> memref<1x64xi32, #tpu.memory_space<vmem>>
          %dma_start3A_163 = tpu.memref_squeeze %dma_start3A_162 : memref<1x64xi32, #tpu.memory_space<vmem>> -> memref<64xi32, #tpu.memory_space<vmem>>
          %dma_start3A_164 = arith.constant 0 : i32
          %dma_start3A_165 = arith.constant 0 : i32
          %dma_start3A_166 = tpu.memref_slice %arg2[%dma_start3A_164, %dma_start3A_165] : memref<10000x128xf32, #tpu.memory_space<hbm>> -> memref<10000x128xf32, #tpu.memory_space<hbm>>
          tpu.enqueue_indirect_dma source(%dma_start3A_166 : memref<10000x128xf32, #tpu.memory_space<hbm>>) target(%arg11 : memref<64x128xf32, #tpu.memory_space<vmem>>) offsets(%dma_start3A_163 : memref<64xi32, #tpu.memory_space<vmem>>) semaphore(%arg15 : memref<!tpu.dma_semaphore, #tpu.memory_space<semaphore_mem>>)
        } else {
        }
      }
      %scan3A_40 = arith.constant 10 : i32
      %dma_wait3A = arith.constant 0 : i32
      %dma_wait3A_41 = arith.constant 0 : i32
      %dma_wait3A_42 = tpu.memref_slice %arg9[%dma_wait3A, %dma_wait3A_41] : memref<40x64xi32, #tpu.memory_space<vmem>> -> memref<1x64xi32, #tpu.memory_space<vmem>>
      %dma_wait3A_43 = tpu.memref_squeeze %dma_wait3A_42 : memref<1x64xi32, #tpu.memory_space<vmem>> -> memref<64xi32, #tpu.memory_space<vmem>>
      %dma_wait3A_44 = arith.constant 0 : i32
      %dma_wait3A_45 = arith.constant 0 : i32
      %dma_wait3A_46 = tpu.memref_slice %arg7[%dma_wait3A_44, %dma_wait3A_45] : memref<10240x128xf32, #tpu.memory_space<vmem_shared>> -> memref<10240x128xf32, #tpu.memory_space<vmem_shared>>
      tpu.wait_indirect_dma semaphore(%arg20 : memref<!tpu.dma_semaphore, #tpu.memory_space<semaphore_mem>>) src(%arg12 : memref<64x128xf32, #tpu.memory_space<vmem>>) dst(%dma_wait3A_46 : memref<10240x128xf32, #tpu.memory_space<vmem_shared>>)
      %dma_wait3A_47 = arith.constant 0 : i32
      %dma_wait3A_48 = arith.constant 0 : i32
      %dma_wait3A_49 = tpu.memref_slice %arg9[%dma_wait3A_47, %dma_wait3A_48] : memref<40x64xi32, #tpu.memory_space<vmem>> -> memref<1x64xi32, #tpu.memory_space<vmem>>
      %dma_wait3A_50 = tpu.memref_squeeze %dma_wait3A_49 : memref<1x64xi32, #tpu.memory_space<vmem>> -> memref<64xi32, #tpu.memory_space<vmem>>
      %dma_wait3A_51 = arith.constant 0 : i32
      %dma_wait3A_52 = arith.constant 0 : i32
      %dma_wait3A_53 = tpu.memref_slice %arg7[%dma_wait3A_51, %dma_wait3A_52] : memref<10240x128xf32, #tpu.memory_space<vmem_shared>> -> memref<10240x128xf32, #tpu.memory_space<vmem_shared>>
      tpu.wait_indirect_dma semaphore(%arg21 : memref<!tpu.dma_semaphore, #tpu.memory_space<semaphore_mem>>) src(%arg13 : memref<64x128xf32, #tpu.memory_space<vmem>>) dst(%dma_wait3A_53 : memref<10240x128xf32, #tpu.memory_space<vmem_shared>>)
    }
    %barrier3A_20 = arith.constant 0 : index
    tpu.barrier barrier_id(%barrier3A_20)
    "tpu.region"() ({
      %run_scoped3A = tpu.sem_alloc : memref<!tpu.dma_semaphore, #tpu.memory_space<semaphore_mem>>
      %dma_start3A = arith.constant 0 : i32
      %dma_start3A_21 = tpu.memref_slice %arg6[%arg0, %mul3A_0, %dma_start3A] : memref<2x10240x128xf32, #tpu.memory_space<hbm>> -> memref<1x640x128xf32, #tpu.memory_space<hbm>>
      %dma_start3A_22 = tpu.memref_squeeze %dma_start3A_21 : memref<1x640x128xf32, #tpu.memory_space<hbm>> -> memref<640x128xf32, #tpu.memory_space<hbm>>
      %dma_start3A_23 = arith.constant 0 : i32
      %dma_start3A_24 = tpu.memref_slice %arg7[%mul3A_0, %dma_start3A_23] : memref<10240x128xf32, #tpu.memory_space<vmem_shared>> -> memref<640x128xf32, #tpu.memory_space<vmem_shared>>
      tpu.enqueue_dma source(%dma_start3A_24 : memref<640x128xf32, #tpu.memory_space<vmem_shared>>) target(%dma_start3A_22 : memref<640x128xf32, #tpu.memory_space<hbm>>) target_semaphore(%run_scoped3A : memref<!tpu.dma_semaphore, #tpu.memory_space<semaphore_mem>>)
      %dma_wait3A = arith.constant 0 : i32
      %dma_wait3A_25 = tpu.memref_slice %arg6[%arg0, %mul3A_0, %dma_wait3A] : memref<2x10240x128xf32, #tpu.memory_space<hbm>> -> memref<1x640x128xf32, #tpu.memory_space<hbm>>
      %dma_wait3A_26 = tpu.memref_squeeze %dma_wait3A_25 : memref<1x640x128xf32, #tpu.memory_space<hbm>> -> memref<640x128xf32, #tpu.memory_space<hbm>>
      %dma_wait3A_27 = arith.constant 0 : i32
      %dma_wait3A_28 = tpu.memref_slice %arg7[%mul3A_0, %dma_wait3A_27] : memref<10240x128xf32, #tpu.memory_space<vmem_shared>> -> memref<640x128xf32, #tpu.memory_space<vmem_shared>>
      tpu.wait_dma2 semaphore(%run_scoped3A : memref<!tpu.dma_semaphore, #tpu.memory_space<semaphore_mem>>) src(%dma_wait3A_28 : memref<640x128xf32, #tpu.memory_space<vmem_shared>>) dst(%dma_wait3A_26 : memref<640x128xf32, #tpu.memory_space<hbm>>)
      tpu.yield
    }) : () -> ()
    return
  }
}

#map = affine_map<(d0, d1) -> (0, 0)>
#map1 = affine_map<(d0, d1) -> (0, 0, 0, 0)>
#map2 = affine_map<(d0, d1) -> (0, 0, 0)>
module attributes {stable_mosaic.version = 14 : i64} {
  func.func @_agg_body(%arg0: i32, %arg1: i32, %arg2: memref<10000x128xf32, #tpu.memory_space<hbm>>, %arg3: memref<16x8x40x64xi32, #tpu.memory_space<hbm>>, %arg4: memref<16x8x40x64xi32, #tpu.memory_space<hbm>>, %arg5: memref<10240x128xf32, #tpu.memory_space<hbm>>, %arg6: memref<2x10240x128xf32, #tpu.memory_space<hbm>>, %arg7: memref<10240x128xf32, #tpu.memory_space<vmem_shared>>, %arg8: memref<40x64xi32, #tpu.memory_space<vmem>>, %arg9: memref<40x64xi32, #tpu.memory_space<vmem>>, %arg10: memref<64x128xf32, #tpu.memory_space<vmem>>, %arg11: memref<64x128xf32, #tpu.memory_space<vmem>>, %arg12: memref<64x128xf32, #tpu.memory_space<vmem>>, %arg13: memref<64x128xf32, #tpu.memory_space<vmem>>, %arg14: memref<!tpu.dma_semaphore, #tpu.memory_space<semaphore_mem>>, %arg15: memref<!tpu.dma_semaphore, #tpu.memory_space<semaphore_mem>>, %arg16: memref<!tpu.dma_semaphore, #tpu.memory_space<semaphore_mem>>, %arg17: memref<!tpu.dma_semaphore, #tpu.memory_space<semaphore_mem>>, %arg18: memref<!tpu.dma_semaphore, #tpu.memory_space<semaphore_mem>>, %arg19: memref<!tpu.dma_semaphore, #tpu.memory_space<semaphore_mem>>, %arg20: memref<!tpu.dma_semaphore, #tpu.memory_space<semaphore_mem>>, %arg21: memref<!tpu.dma_semaphore, #tpu.memory_space<semaphore_mem>>) attributes {dimension_semantics = [#tpu.dimension_semantics<core_parallel>, #tpu.dimension_semantics<subcore_parallel>], iteration_bounds = array<i64: 2, 16>, scalar_prefetch = 0 : i64, scratch_operands = 15 : i64, tpu.core_type = #tpu.core_type<sc_vector_subcore>, window_params = [{transform_indices = #map}, {transform_indices = #map1}, {transform_indices = #map1}, {transform_indices = #map}, {transform_indices = #map2}]} {
    %mul3A = arith.constant 640 : i32
    %mul3A_0 = arith.muli %arg1, %mul3A : i32
    "tpu.region"() ({
      %run_scoped3A = tpu.sem_alloc : memref<!tpu.dma_semaphore, #tpu.memory_space<semaphore_mem>>
      %dma_start3A = arith.constant 0 : i32
      %dma_start3A_21 = tpu.memref_slice %arg7[%mul3A_0, %dma_start3A] : memref<10240x128xf32, #tpu.memory_space<vmem_shared>> -> memref<640x128xf32, #tpu.memory_space<vmem_shared>>
      %dma_start3A_22 = arith.constant 0 : i32
      %dma_start3A_23 = tpu.memref_slice %arg5[%mul3A_0, %dma_start3A_22] : memref<10240x128xf32, #tpu.memory_space<hbm>> -> memref<640x128xf32, #tpu.memory_space<hbm>>
      tpu.enqueue_dma source(%dma_start3A_23 : memref<640x128xf32, #tpu.memory_space<hbm>>) target(%dma_start3A_21 : memref<640x128xf32, #tpu.memory_space<vmem_shared>>) target_semaphore(%run_scoped3A : memref<!tpu.dma_semaphore, #tpu.memory_space<semaphore_mem>>)
      %dma_wait3A = arith.constant 0 : i32
      %dma_wait3A_24 = tpu.memref_slice %arg7[%mul3A_0, %dma_wait3A] : memref<10240x128xf32, #tpu.memory_space<vmem_shared>> -> memref<640x128xf32, #tpu.memory_space<vmem_shared>>
      %dma_wait3A_25 = arith.constant 0 : i32
      %dma_wait3A_26 = tpu.memref_slice %arg5[%mul3A_0, %dma_wait3A_25] : memref<10240x128xf32, #tpu.memory_space<hbm>> -> memref<640x128xf32, #tpu.memory_space<hbm>>
      tpu.wait_dma2 semaphore(%run_scoped3A : memref<!tpu.dma_semaphore, #tpu.memory_space<semaphore_mem>>) src(%dma_wait3A_26 : memref<640x128xf32, #tpu.memory_space<hbm>>) dst(%dma_wait3A_24 : memref<640x128xf32, #tpu.memory_space<vmem_shared>>)
      tpu.yield
    }) : () -> ()
    %barrier3A = arith.constant 0 : index
    tpu.barrier barrier_id(%barrier3A)
    %mul3A_1 = arith.constant 4 : i32
    %mul3A_2 = arith.muli %arg0, %mul3A_1 : i32
    %mul3A_3 = arith.constant 4 : i32
    %mul3A_4 = arith.muli %arg0, %mul3A_3 : i32
    %add3A = arith.constant 4 : i32
    %add3A_5 = arith.addi %add3A, %mul3A_4 : i32
    %sub3A = arith.subi %add3A_5, %mul3A_2 : i32
    %sub3A_6 = arith.constant 1 : i32
    %sub3A_7 = arith.constant 1 : i32
    %sub3A_8 = arith.subi %sub3A_6, %sub3A_7 : i32
    %add3A_9 = arith.addi %sub3A, %sub3A_8 : i32
    %div3A = arith.constant 1 : i32
    %div3A_10 = arith.divsi %add3A_9, %div3A : i32
    %while3A = arith.constant 1 : i32
    %while3A_11 = arith.constant 0 : i32
    %while3A_12 = arith.subi %div3A_10, %while3A_11 : i32
    %while3A_13 = arith.addi %while3A_11, %while3A_12 : i32
    %while3A_14 = arith.constant 1 : i32
    %while3A_15 = arith.divsi %while3A_12, %while3A_14 : i32
    %while3A_16 = arith.muli %while3A_15, %while3A_14 : i32
    %while3A_17 = arith.addi %while3A_11, %while3A_16 : i32
    %while3A_18 = arith.constant 1 : i32
    scf.for %while3A_21 = %while3A_11 to %while3A_17 step %while3A_18  : i32 {
      %mul3A_22 = arith.muli %while3A_21, %while3A : i32
      %add3A_23 = arith.addi %mul3A_2, %mul3A_22 : i32
      "tpu.region"() ({
        %run_scoped3A = tpu.sem_alloc : memref<!tpu.dma_semaphore, #tpu.memory_space<semaphore_mem>>
        %dma_start3A_54 = arith.constant 0 : i32
        %dma_start3A_55 = arith.constant 0 : i32
        %dma_start3A_56 = tpu.memref_slice %arg3[%arg1, %add3A_23, %dma_start3A_54, %dma_start3A_55] : memref<16x8x40x64xi32, #tpu.memory_space<hbm>> -> memref<1x1x40x64xi32, #tpu.memory_space<hbm>>
        %dma_start3A_57 = tpu.memref_squeeze %dma_start3A_56 : memref<1x1x40x64xi32, #tpu.memory_space<hbm>> -> memref<40x64xi32, #tpu.memory_space<hbm>>
        %dma_start3A_58 = arith.constant 0 : i32
        %dma_start3A_59 = arith.constant 0 : i32
        %dma_start3A_60 = tpu.memref_slice %arg3[%arg1, %add3A_23, %dma_start3A_58, %dma_start3A_59] : memref<16x8x40x64xi32, #tpu.memory_space<hbm>> -> memref<1x1x40x64xi32, #tpu.memory_space<hbm>>
        %dma_start3A_61 = tpu.memref_squeeze %dma_start3A_60 : memref<1x1x40x64xi32, #tpu.memory_space<hbm>> -> memref<40x64xi32, #tpu.memory_space<hbm>>
        tpu.enqueue_dma source(%dma_start3A_61 : memref<40x64xi32, #tpu.memory_space<hbm>>) target(%arg8 : memref<40x64xi32, #tpu.memory_space<vmem>>) target_semaphore(%run_scoped3A : memref<!tpu.dma_semaphore, #tpu.memory_space<semaphore_mem>>)
        %dma_wait3A_62 = arith.constant 0 : i32
        %dma_wait3A_63 = arith.constant 0 : i32
        %dma_wait3A_64 = tpu.memref_slice %arg3[%arg1, %add3A_23, %dma_wait3A_62, %dma_wait3A_63] : memref<16x8x40x64xi32, #tpu.memory_space<hbm>> -> memref<1x1x40x64xi32, #tpu.memory_space<hbm>>
        %dma_wait3A_65 = tpu.memref_squeeze %dma_wait3A_64 : memref<1x1x40x64xi32, #tpu.memory_space<hbm>> -> memref<40x64xi32, #tpu.memory_space<hbm>>
        %dma_wait3A_66 = arith.constant 0 : i32
        %dma_wait3A_67 = arith.constant 0 : i32
        %dma_wait3A_68 = tpu.memref_slice %arg3[%arg1, %add3A_23, %dma_wait3A_66, %dma_wait3A_67] : memref<16x8x40x64xi32, #tpu.memory_space<hbm>> -> memref<1x1x40x64xi32, #tpu.memory_space<hbm>>
        %dma_wait3A_69 = tpu.memref_squeeze %dma_wait3A_68 : memref<1x1x40x64xi32, #tpu.memory_space<hbm>> -> memref<40x64xi32, #tpu.memory_space<hbm>>
        tpu.wait_dma2 semaphore(%run_scoped3A : memref<!tpu.dma_semaphore, #tpu.memory_space<semaphore_mem>>) src(%dma_wait3A_69 : memref<40x64xi32, #tpu.memory_space<hbm>>) dst(%arg8 : memref<40x64xi32, #tpu.memory_space<vmem>>)
        tpu.yield
      }) : () -> ()
      "tpu.region"() ({
        %run_scoped3A = tpu.sem_alloc : memref<!tpu.dma_semaphore, #tpu.memory_space<semaphore_mem>>
        %dma_start3A_54 = arith.constant 0 : i32
        %dma_start3A_55 = arith.constant 0 : i32
        %dma_start3A_56 = tpu.memref_slice %arg4[%arg1, %add3A_23, %dma_start3A_54, %dma_start3A_55] : memref<16x8x40x64xi32, #tpu.memory_space<hbm>> -> memref<1x1x40x64xi32, #tpu.memory_space<hbm>>
        %dma_start3A_57 = tpu.memref_squeeze %dma_start3A_56 : memref<1x1x40x64xi32, #tpu.memory_space<hbm>> -> memref<40x64xi32, #tpu.memory_space<hbm>>
        %dma_start3A_58 = arith.constant 0 : i32
        %dma_start3A_59 = arith.constant 0 : i32
        %dma_start3A_60 = tpu.memref_slice %arg4[%arg1, %add3A_23, %dma_start3A_58, %dma_start3A_59] : memref<16x8x40x64xi32, #tpu.memory_space<hbm>> -> memref<1x1x40x64xi32, #tpu.memory_space<hbm>>
        %dma_start3A_61 = tpu.memref_squeeze %dma_start3A_60 : memref<1x1x40x64xi32, #tpu.memory_space<hbm>> -> memref<40x64xi32, #tpu.memory_space<hbm>>
        tpu.enqueue_dma source(%dma_start3A_61 : memref<40x64xi32, #tpu.memory_space<hbm>>) target(%arg9 : memref<40x64xi32, #tpu.memory_space<vmem>>) target_semaphore(%run_scoped3A : memref<!tpu.dma_semaphore, #tpu.memory_space<semaphore_mem>>)
        %dma_wait3A_62 = arith.constant 0 : i32
        %dma_wait3A_63 = arith.constant 0 : i32
        %dma_wait3A_64 = tpu.memref_slice %arg4[%arg1, %add3A_23, %dma_wait3A_62, %dma_wait3A_63] : memref<16x8x40x64xi32, #tpu.memory_space<hbm>> -> memref<1x1x40x64xi32, #tpu.memory_space<hbm>>
        %dma_wait3A_65 = tpu.memref_squeeze %dma_wait3A_64 : memref<1x1x40x64xi32, #tpu.memory_space<hbm>> -> memref<40x64xi32, #tpu.memory_space<hbm>>
        %dma_wait3A_66 = arith.constant 0 : i32
        %dma_wait3A_67 = arith.constant 0 : i32
        %dma_wait3A_68 = tpu.memref_slice %arg4[%arg1, %add3A_23, %dma_wait3A_66, %dma_wait3A_67] : memref<16x8x40x64xi32, #tpu.memory_space<hbm>> -> memref<1x1x40x64xi32, #tpu.memory_space<hbm>>
        %dma_wait3A_69 = tpu.memref_squeeze %dma_wait3A_68 : memref<1x1x40x64xi32, #tpu.memory_space<hbm>> -> memref<40x64xi32, #tpu.memory_space<hbm>>
        tpu.wait_dma2 semaphore(%run_scoped3A : memref<!tpu.dma_semaphore, #tpu.memory_space<semaphore_mem>>) src(%dma_wait3A_69 : memref<40x64xi32, #tpu.memory_space<hbm>>) dst(%arg9 : memref<40x64xi32, #tpu.memory_space<vmem>>)
        tpu.yield
      }) : () -> ()
      %dma_start3A = arith.constant 0 : i32
      %dma_start3A_24 = arith.constant 0 : i32
      %dma_start3A_25 = tpu.memref_slice %arg8[%dma_start3A, %dma_start3A_24] : memref<40x64xi32, #tpu.memory_space<vmem>> -> memref<1x64xi32, #tpu.memory_space<vmem>>
      %dma_start3A_26 = tpu.memref_squeeze %dma_start3A_25 : memref<1x64xi32, #tpu.memory_space<vmem>> -> memref<64xi32, #tpu.memory_space<vmem>>
      %dma_start3A_27 = arith.constant 0 : i32
      %dma_start3A_28 = arith.constant 0 : i32
      %dma_start3A_29 = tpu.memref_slice %arg2[%dma_start3A_27, %dma_start3A_28] : memref<10000x128xf32, #tpu.memory_space<hbm>> -> memref<10000x128xf32, #tpu.memory_space<hbm>>
      tpu.enqueue_indirect_dma source(%dma_start3A_29 : memref<10000x128xf32, #tpu.memory_space<hbm>>) target(%arg10 : memref<64x128xf32, #tpu.memory_space<vmem>>) offsets(%dma_start3A_26 : memref<64xi32, #tpu.memory_space<vmem>>) semaphore(%arg14 : memref<!tpu.dma_semaphore, #tpu.memory_space<semaphore_mem>>)
      %dma_start3A_30 = arith.constant 1 : i32
      %dma_start3A_31 = arith.constant 0 : i32
      %dma_start3A_32 = tpu.memref_slice %arg8[%dma_start3A_30, %dma_start3A_31] : memref<40x64xi32, #tpu.memory_space<vmem>> -> memref<1x64xi32, #tpu.memory_space<vmem>>
      %dma_start3A_33 = tpu.memref_squeeze %dma_start3A_32 : memref<1x64xi32, #tpu.memory_space<vmem>> -> memref<64xi32, #tpu.memory_space<vmem>>
      %dma_start3A_34 = arith.constant 0 : i32
      %dma_start3A_35 = arith.constant 0 : i32
      %dma_start3A_36 = tpu.memref_slice %arg2[%dma_start3A_34, %dma_start3A_35] : memref<10000x128xf32, #tpu.memory_space<hbm>> -> memref<10000x128xf32, #tpu.memory_space<hbm>>
      tpu.enqueue_indirect_dma source(%dma_start3A_36 : memref<10000x128xf32, #tpu.memory_space<hbm>>) target(%arg11 : memref<64x128xf32, #tpu.memory_space<vmem>>) offsets(%dma_start3A_33 : memref<64xi32, #tpu.memory_space<vmem>>) semaphore(%arg15 : memref<!tpu.dma_semaphore, #tpu.memory_space<semaphore_mem>>)
      %scan3A = arith.constant 0 : i32
      %scan3A_37 = arith.constant 10 : i32
      %scan3A_38 = arith.addi %scan3A, %scan3A_37 : i32
      %scan3A_39 = arith.constant 1 : i32
      scf.for %scan3A_54 = %scan3A to %scan3A_38 step %scan3A_39  : i32 {
        %mul3A_55 = arith.constant 4 : i32
        %mul3A_56 = arith.muli %scan3A_54, %mul3A_55 : i32
        %add3A_57 = arith.constant 0 : i32
        %add3A_58 = arith.addi %add3A_57, %mul3A_56 : i32
        %add3A_59 = arith.constant 0 : i32
        %add3A_60 = arith.addi %add3A_58, %add3A_59 : i32
        %dma_wait3A_61 = arith.constant 0 : i32
        %dma_wait3A_62 = tpu.memref_slice %arg8[%add3A_60, %dma_wait3A_61] : memref<40x64xi32, #tpu.memory_space<vmem>> -> memref<1x64xi32, #tpu.memory_space<vmem>>
        %dma_wait3A_63 = tpu.memref_squeeze %dma_wait3A_62 : memref<1x64xi32, #tpu.memory_space<vmem>> -> memref<64xi32, #tpu.memory_space<vmem>>
        %dma_wait3A_64 = arith.constant 0 : i32
        %dma_wait3A_65 = arith.constant 0 : i32
        %dma_wait3A_66 = tpu.memref_slice %arg2[%dma_wait3A_64, %dma_wait3A_65] : memref<10000x128xf32, #tpu.memory_space<hbm>> -> memref<10000x128xf32, #tpu.memory_space<hbm>>
        tpu.wait_indirect_dma semaphore(%arg14 : memref<!tpu.dma_semaphore, #tpu.memory_space<semaphore_mem>>) src(%dma_wait3A_66 : memref<10000x128xf32, #tpu.memory_space<hbm>>) dst(%arg10 : memref<64x128xf32, #tpu.memory_space<vmem>>)
        %dma_start3A_67 = arith.constant 0 : i32
        %dma_start3A_68 = tpu.memref_slice %arg9[%add3A_60, %dma_start3A_67] : memref<40x64xi32, #tpu.memory_space<vmem>> -> memref<1x64xi32, #tpu.memory_space<vmem>>
        %dma_start3A_69 = tpu.memref_squeeze %dma_start3A_68 : memref<1x64xi32, #tpu.memory_space<vmem>> -> memref<64xi32, #tpu.memory_space<vmem>>
        %dma_start3A_70 = arith.constant 0 : i32
        %dma_start3A_71 = arith.constant 0 : i32
        %dma_start3A_72 = tpu.memref_slice %arg7[%dma_start3A_70, %dma_start3A_71] : memref<10240x128xf32, #tpu.memory_space<vmem_shared>> -> memref<10240x128xf32, #tpu.memory_space<vmem_shared>>
        tpu.enqueue_indirect_dma source(%arg10 : memref<64x128xf32, #tpu.memory_space<vmem>>) target(%dma_start3A_72 : memref<10240x128xf32, #tpu.memory_space<vmem_shared>>) offsets(%dma_start3A_69 : memref<64xi32, #tpu.memory_space<vmem>>) semaphore(%arg18 : memref<!tpu.dma_semaphore, #tpu.memory_space<semaphore_mem>>) {add = true}
        %ge3A = arith.constant 2 : i32
        %ge3A_73 = arith.cmpi sge, %add3A_60, %ge3A : i32
        %convert_element_type3A = arith.extui %ge3A_73 : i1 to i32
        %cond3A = arith.constant 0 : i32
        %cond3A_74 = arith.cmpi ne, %convert_element_type3A, %cond3A : i32
        scf.if %cond3A_74 {
          %dma_wait3A_159 = arith.constant 0 : i32
          %dma_wait3A_160 = arith.constant 0 : i32
          %dma_wait3A_161 = tpu.memref_slice %arg9[%dma_wait3A_159, %dma_wait3A_160] : memref<40x64xi32, #tpu.memory_space<vmem>> -> memref<1x64xi32, #tpu.memory_space<vmem>>
          %dma_wait3A_162 = tpu.memref_squeeze %dma_wait3A_161 : memref<1x64xi32, #tpu.memory_space<vmem>> -> memref<64xi32, #tpu.memory_space<vmem>>
          %dma_wait3A_163 = arith.constant 0 : i32
          %dma_wait3A_164 = arith.constant 0 : i32
          %dma_wait3A_165 = tpu.memref_slice %arg7[%dma_wait3A_163, %dma_wait3A_164] : memref<10240x128xf32, #tpu.memory_space<vmem_shared>> -> memref<10240x128xf32, #tpu.memory_space<vmem_shared>>
          tpu.wait_indirect_dma semaphore(%arg20 : memref<!tpu.dma_semaphore, #tpu.memory_space<semaphore_mem>>) src(%arg12 : memref<64x128xf32, #tpu.memory_space<vmem>>) dst(%dma_wait3A_165 : memref<10240x128xf32, #tpu.memory_space<vmem_shared>>)
        } else {
        }
        %add3A_75 = arith.constant 2 : i32
        %add3A_76 = arith.addi %add3A_60, %add3A_75 : i32
        %lt3A = arith.constant 40 : i32
        %lt3A_77 = arith.cmpi slt, %add3A_76, %lt3A : i32
        %convert_element_type3A_78 = arith.extui %lt3A_77 : i1 to i32
        %cond3A_79 = arith.constant 0 : i32
        %cond3A_80 = arith.cmpi ne, %convert_element_type3A_78, %cond3A_79 : i32
        scf.if %cond3A_80 {
          %add3A_159 = arith.constant 2 : i32
          %add3A_160 = arith.addi %add3A_60, %add3A_159 : i32
          %dma_start3A_161 = arith.constant 0 : i32
          %dma_start3A_162 = tpu.memref_slice %arg8[%add3A_160, %dma_start3A_161] : memref<40x64xi32, #tpu.memory_space<vmem>> -> memref<1x64xi32, #tpu.memory_space<vmem>>
          %dma_start3A_163 = tpu.memref_squeeze %dma_start3A_162 : memref<1x64xi32, #tpu.memory_space<vmem>> -> memref<64xi32, #tpu.memory_space<vmem>>
          %dma_start3A_164 = arith.constant 0 : i32
          %dma_start3A_165 = arith.constant 0 : i32
          %dma_start3A_166 = tpu.memref_slice %arg2[%dma_start3A_164, %dma_start3A_165] : memref<10000x128xf32, #tpu.memory_space<hbm>> -> memref<10000x128xf32, #tpu.memory_space<hbm>>
          tpu.enqueue_indirect_dma source(%dma_start3A_166 : memref<10000x128xf32, #tpu.memory_space<hbm>>) target(%arg12 : memref<64x128xf32, #tpu.memory_space<vmem>>) offsets(%dma_start3A_163 : memref<64xi32, #tpu.memory_space<vmem>>) semaphore(%arg16 : memref<!tpu.dma_semaphore, #tpu.memory_space<semaphore_mem>>)
        } else {
        }
        %add3A_81 = arith.constant 1 : i32
        %add3A_82 = arith.addi %add3A_58, %add3A_81 : i32
        %dma_wait3A_83 = arith.constant 0 : i32
        %dma_wait3A_84 = tpu.memref_slice %arg8[%add3A_82, %dma_wait3A_83] : memref<40x64xi32, #tpu.memory_space<vmem>> -> memref<1x64xi32, #tpu.memory_space<vmem>>
        %dma_wait3A_85 = tpu.memref_squeeze %dma_wait3A_84 : memref<1x64xi32, #tpu.memory_space<vmem>> -> memref<64xi32, #tpu.memory_space<vmem>>
        %dma_wait3A_86 = arith.constant 0 : i32
        %dma_wait3A_87 = arith.constant 0 : i32
        %dma_wait3A_88 = tpu.memref_slice %arg2[%dma_wait3A_86, %dma_wait3A_87] : memref<10000x128xf32, #tpu.memory_space<hbm>> -> memref<10000x128xf32, #tpu.memory_space<hbm>>
        tpu.wait_indirect_dma semaphore(%arg15 : memref<!tpu.dma_semaphore, #tpu.memory_space<semaphore_mem>>) src(%dma_wait3A_88 : memref<10000x128xf32, #tpu.memory_space<hbm>>) dst(%arg11 : memref<64x128xf32, #tpu.memory_space<vmem>>)
        %dma_start3A_89 = arith.constant 0 : i32
        %dma_start3A_90 = tpu.memref_slice %arg9[%add3A_82, %dma_start3A_89] : memref<40x64xi32, #tpu.memory_space<vmem>> -> memref<1x64xi32, #tpu.memory_space<vmem>>
        %dma_start3A_91 = tpu.memref_squeeze %dma_start3A_90 : memref<1x64xi32, #tpu.memory_space<vmem>> -> memref<64xi32, #tpu.memory_space<vmem>>
        %dma_start3A_92 = arith.constant 0 : i32
        %dma_start3A_93 = arith.constant 0 : i32
        %dma_start3A_94 = tpu.memref_slice %arg7[%dma_start3A_92, %dma_start3A_93] : memref<10240x128xf32, #tpu.memory_space<vmem_shared>> -> memref<10240x128xf32, #tpu.memory_space<vmem_shared>>
        tpu.enqueue_indirect_dma source(%arg11 : memref<64x128xf32, #tpu.memory_space<vmem>>) target(%dma_start3A_94 : memref<10240x128xf32, #tpu.memory_space<vmem_shared>>) offsets(%dma_start3A_91 : memref<64xi32, #tpu.memory_space<vmem>>) semaphore(%arg19 : memref<!tpu.dma_semaphore, #tpu.memory_space<semaphore_mem>>) {add = true}
        %ge3A_95 = arith.constant 2 : i32
        %ge3A_96 = arith.cmpi sge, %add3A_82, %ge3A_95 : i32
        %convert_element_type3A_97 = arith.extui %ge3A_96 : i1 to i32
        %cond3A_98 = arith.constant 0 : i32
        %cond3A_99 = arith.cmpi ne, %convert_element_type3A_97, %cond3A_98 : i32
        scf.if %cond3A_99 {
          %dma_wait3A_159 = arith.constant 0 : i32
          %dma_wait3A_160 = arith.constant 0 : i32
          %dma_wait3A_161 = tpu.memref_slice %arg9[%dma_wait3A_159, %dma_wait3A_160] : memref<40x64xi32, #tpu.memory_space<vmem>> -> memref<1x64xi32, #tpu.memory_space<vmem>>
          %dma_wait3A_162 = tpu.memref_squeeze %dma_wait3A_161 : memref<1x64xi32, #tpu.memory_space<vmem>> -> memref<64xi32, #tpu.memory_space<vmem>>
          %dma_wait3A_163 = arith.constant 0 : i32
          %dma_wait3A_164 = arith.constant 0 : i32
          %dma_wait3A_165 = tpu.memref_slice %arg7[%dma_wait3A_163, %dma_wait3A_164] : memref<10240x128xf32, #tpu.memory_space<vmem_shared>> -> memref<10240x128xf32, #tpu.memory_space<vmem_shared>>
          tpu.wait_indirect_dma semaphore(%arg21 : memref<!tpu.dma_semaphore, #tpu.memory_space<semaphore_mem>>) src(%arg13 : memref<64x128xf32, #tpu.memory_space<vmem>>) dst(%dma_wait3A_165 : memref<10240x128xf32, #tpu.memory_space<vmem_shared>>)
        } else {
        }
        %add3A_100 = arith.constant 2 : i32
        %add3A_101 = arith.addi %add3A_82, %add3A_100 : i32
        %lt3A_102 = arith.constant 40 : i32
        %lt3A_103 = arith.cmpi slt, %add3A_101, %lt3A_102 : i32
        %convert_element_type3A_104 = arith.extui %lt3A_103 : i1 to i32
        %cond3A_105 = arith.constant 0 : i32
        %cond3A_106 = arith.cmpi ne, %convert_element_type3A_104, %cond3A_105 : i32
        scf.if %cond3A_106 {
          %add3A_159 = arith.constant 2 : i32
          %add3A_160 = arith.addi %add3A_82, %add3A_159 : i32
          %dma_start3A_161 = arith.constant 0 : i32
          %dma_start3A_162 = tpu.memref_slice %arg8[%add3A_160, %dma_start3A_161] : memref<40x64xi32, #tpu.memory_space<vmem>> -> memref<1x64xi32, #tpu.memory_space<vmem>>
          %dma_start3A_163 = tpu.memref_squeeze %dma_start3A_162 : memref<1x64xi32, #tpu.memory_space<vmem>> -> memref<64xi32, #tpu.memory_space<vmem>>
          %dma_start3A_164 = arith.constant 0 : i32
          %dma_start3A_165 = arith.constant 0 : i32
          %dma_start3A_166 = tpu.memref_slice %arg2[%dma_start3A_164, %dma_start3A_165] : memref<10000x128xf32, #tpu.memory_space<hbm>> -> memref<10000x128xf32, #tpu.memory_space<hbm>>
          tpu.enqueue_indirect_dma source(%dma_start3A_166 : memref<10000x128xf32, #tpu.memory_space<hbm>>) target(%arg13 : memref<64x128xf32, #tpu.memory_space<vmem>>) offsets(%dma_start3A_163 : memref<64xi32, #tpu.memory_space<vmem>>) semaphore(%arg17 : memref<!tpu.dma_semaphore, #tpu.memory_space<semaphore_mem>>)
        } else {
        }
        %add3A_107 = arith.constant 2 : i32
        %add3A_108 = arith.addi %add3A_58, %add3A_107 : i32
        %dma_wait3A_109 = arith.constant 0 : i32
        %dma_wait3A_110 = tpu.memref_slice %arg8[%add3A_108, %dma_wait3A_109] : memref<40x64xi32, #tpu.memory_space<vmem>> -> memref<1x64xi32, #tpu.memory_space<vmem>>
        %dma_wait3A_111 = tpu.memref_squeeze %dma_wait3A_110 : memref<1x64xi32, #tpu.memory_space<vmem>> -> memref<64xi32, #tpu.memory_space<vmem>>
        %dma_wait3A_112 = arith.constant 0 : i32
        %dma_wait3A_113 = arith.constant 0 : i32
        %dma_wait3A_114 = tpu.memref_slice %arg2[%dma_wait3A_112, %dma_wait3A_113] : memref<10000x128xf32, #tpu.memory_space<hbm>> -> memref<10000x128xf32, #tpu.memory_space<hbm>>
        tpu.wait_indirect_dma semaphore(%arg16 : memref<!tpu.dma_semaphore, #tpu.memory_space<semaphore_mem>>) src(%dma_wait3A_114 : memref<10000x128xf32, #tpu.memory_space<hbm>>) dst(%arg12 : memref<64x128xf32, #tpu.memory_space<vmem>>)
        %dma_start3A_115 = arith.constant 0 : i32
        %dma_start3A_116 = tpu.memref_slice %arg9[%add3A_108, %dma_start3A_115] : memref<40x64xi32, #tpu.memory_space<vmem>> -> memref<1x64xi32, #tpu.memory_space<vmem>>
        %dma_start3A_117 = tpu.memref_squeeze %dma_start3A_116 : memref<1x64xi32, #tpu.memory_space<vmem>> -> memref<64xi32, #tpu.memory_space<vmem>>
        %dma_start3A_118 = arith.constant 0 : i32
        %dma_start3A_119 = arith.constant 0 : i32
        %dma_start3A_120 = tpu.memref_slice %arg7[%dma_start3A_118, %dma_start3A_119] : memref<10240x128xf32, #tpu.memory_space<vmem_shared>> -> memref<10240x128xf32, #tpu.memory_space<vmem_shared>>
        tpu.enqueue_indirect_dma source(%arg12 : memref<64x128xf32, #tpu.memory_space<vmem>>) target(%dma_start3A_120 : memref<10240x128xf32, #tpu.memory_space<vmem_shared>>) offsets(%dma_start3A_117 : memref<64xi32, #tpu.memory_space<vmem>>) semaphore(%arg20 : memref<!tpu.dma_semaphore, #tpu.memory_space<semaphore_mem>>) {add = true}
        %ge3A_121 = arith.constant 2 : i32
        %ge3A_122 = arith.cmpi sge, %add3A_108, %ge3A_121 : i32
        %convert_element_type3A_123 = arith.extui %ge3A_122 : i1 to i32
        %cond3A_124 = arith.constant 0 : i32
        %cond3A_125 = arith.cmpi ne, %convert_element_type3A_123, %cond3A_124 : i32
        scf.if %cond3A_125 {
          %dma_wait3A_159 = arith.constant 0 : i32
          %dma_wait3A_160 = arith.constant 0 : i32
          %dma_wait3A_161 = tpu.memref_slice %arg9[%dma_wait3A_159, %dma_wait3A_160] : memref<40x64xi32, #tpu.memory_space<vmem>> -> memref<1x64xi32, #tpu.memory_space<vmem>>
          %dma_wait3A_162 = tpu.memref_squeeze %dma_wait3A_161 : memref<1x64xi32, #tpu.memory_space<vmem>> -> memref<64xi32, #tpu.memory_space<vmem>>
          %dma_wait3A_163 = arith.constant 0 : i32
          %dma_wait3A_164 = arith.constant 0 : i32
          %dma_wait3A_165 = tpu.memref_slice %arg7[%dma_wait3A_163, %dma_wait3A_164] : memref<10240x128xf32, #tpu.memory_space<vmem_shared>> -> memref<10240x128xf32, #tpu.memory_space<vmem_shared>>
          tpu.wait_indirect_dma semaphore(%arg18 : memref<!tpu.dma_semaphore, #tpu.memory_space<semaphore_mem>>) src(%arg10 : memref<64x128xf32, #tpu.memory_space<vmem>>) dst(%dma_wait3A_165 : memref<10240x128xf32, #tpu.memory_space<vmem_shared>>)
        } else {
        }
        %add3A_126 = arith.constant 2 : i32
        %add3A_127 = arith.addi %add3A_108, %add3A_126 : i32
        %lt3A_128 = arith.constant 40 : i32
        %lt3A_129 = arith.cmpi slt, %add3A_127, %lt3A_128 : i32
        %convert_element_type3A_130 = arith.extui %lt3A_129 : i1 to i32
        %cond3A_131 = arith.constant 0 : i32
        %cond3A_132 = arith.cmpi ne, %convert_element_type3A_130, %cond3A_131 : i32
        scf.if %cond3A_132 {
          %add3A_159 = arith.constant 2 : i32
          %add3A_160 = arith.addi %add3A_108, %add3A_159 : i32
          %dma_start3A_161 = arith.constant 0 : i32
          %dma_start3A_162 = tpu.memref_slice %arg8[%add3A_160, %dma_start3A_161] : memref<40x64xi32, #tpu.memory_space<vmem>> -> memref<1x64xi32, #tpu.memory_space<vmem>>
          %dma_start3A_163 = tpu.memref_squeeze %dma_start3A_162 : memref<1x64xi32, #tpu.memory_space<vmem>> -> memref<64xi32, #tpu.memory_space<vmem>>
          %dma_start3A_164 = arith.constant 0 : i32
          %dma_start3A_165 = arith.constant 0 : i32
          %dma_start3A_166 = tpu.memref_slice %arg2[%dma_start3A_164, %dma_start3A_165] : memref<10000x128xf32, #tpu.memory_space<hbm>> -> memref<10000x128xf32, #tpu.memory_space<hbm>>
          tpu.enqueue_indirect_dma source(%dma_start3A_166 : memref<10000x128xf32, #tpu.memory_space<hbm>>) target(%arg10 : memref<64x128xf32, #tpu.memory_space<vmem>>) offsets(%dma_start3A_163 : memref<64xi32, #tpu.memory_space<vmem>>) semaphore(%arg14 : memref<!tpu.dma_semaphore, #tpu.memory_space<semaphore_mem>>)
        } else {
        }
        %add3A_133 = arith.constant 3 : i32
        %add3A_134 = arith.addi %add3A_58, %add3A_133 : i32
        %dma_wait3A_135 = arith.constant 0 : i32
        %dma_wait3A_136 = tpu.memref_slice %arg8[%add3A_134, %dma_wait3A_135] : memref<40x64xi32, #tpu.memory_space<vmem>> -> memref<1x64xi32, #tpu.memory_space<vmem>>
        %dma_wait3A_137 = tpu.memref_squeeze %dma_wait3A_136 : memref<1x64xi32, #tpu.memory_space<vmem>> -> memref<64xi32, #tpu.memory_space<vmem>>
        %dma_wait3A_138 = arith.constant 0 : i32
        %dma_wait3A_139 = arith.constant 0 : i32
        %dma_wait3A_140 = tpu.memref_slice %arg2[%dma_wait3A_138, %dma_wait3A_139] : memref<10000x128xf32, #tpu.memory_space<hbm>> -> memref<10000x128xf32, #tpu.memory_space<hbm>>
        tpu.wait_indirect_dma semaphore(%arg17 : memref<!tpu.dma_semaphore, #tpu.memory_space<semaphore_mem>>) src(%dma_wait3A_140 : memref<10000x128xf32, #tpu.memory_space<hbm>>) dst(%arg13 : memref<64x128xf32, #tpu.memory_space<vmem>>)
        %dma_start3A_141 = arith.constant 0 : i32
        %dma_start3A_142 = tpu.memref_slice %arg9[%add3A_134, %dma_start3A_141] : memref<40x64xi32, #tpu.memory_space<vmem>> -> memref<1x64xi32, #tpu.memory_space<vmem>>
        %dma_start3A_143 = tpu.memref_squeeze %dma_start3A_142 : memref<1x64xi32, #tpu.memory_space<vmem>> -> memref<64xi32, #tpu.memory_space<vmem>>
        %dma_start3A_144 = arith.constant 0 : i32
        %dma_start3A_145 = arith.constant 0 : i32
        %dma_start3A_146 = tpu.memref_slice %arg7[%dma_start3A_144, %dma_start3A_145] : memref<10240x128xf32, #tpu.memory_space<vmem_shared>> -> memref<10240x128xf32, #tpu.memory_space<vmem_shared>>
        tpu.enqueue_indirect_dma source(%arg13 : memref<64x128xf32, #tpu.memory_space<vmem>>) target(%dma_start3A_146 : memref<10240x128xf32, #tpu.memory_space<vmem_shared>>) offsets(%dma_start3A_143 : memref<64xi32, #tpu.memory_space<vmem>>) semaphore(%arg21 : memref<!tpu.dma_semaphore, #tpu.memory_space<semaphore_mem>>) {add = true}
        %ge3A_147 = arith.constant 2 : i32
        %ge3A_148 = arith.cmpi sge, %add3A_134, %ge3A_147 : i32
        %convert_element_type3A_149 = arith.extui %ge3A_148 : i1 to i32
        %cond3A_150 = arith.constant 0 : i32
        %cond3A_151 = arith.cmpi ne, %convert_element_type3A_149, %cond3A_150 : i32
        scf.if %cond3A_151 {
          %dma_wait3A_159 = arith.constant 0 : i32
          %dma_wait3A_160 = arith.constant 0 : i32
          %dma_wait3A_161 = tpu.memref_slice %arg9[%dma_wait3A_159, %dma_wait3A_160] : memref<40x64xi32, #tpu.memory_space<vmem>> -> memref<1x64xi32, #tpu.memory_space<vmem>>
          %dma_wait3A_162 = tpu.memref_squeeze %dma_wait3A_161 : memref<1x64xi32, #tpu.memory_space<vmem>> -> memref<64xi32, #tpu.memory_space<vmem>>
          %dma_wait3A_163 = arith.constant 0 : i32
          %dma_wait3A_164 = arith.constant 0 : i32
          %dma_wait3A_165 = tpu.memref_slice %arg7[%dma_wait3A_163, %dma_wait3A_164] : memref<10240x128xf32, #tpu.memory_space<vmem_shared>> -> memref<10240x128xf32, #tpu.memory_space<vmem_shared>>
          tpu.wait_indirect_dma semaphore(%arg19 : memref<!tpu.dma_semaphore, #tpu.memory_space<semaphore_mem>>) src(%arg11 : memref<64x128xf32, #tpu.memory_space<vmem>>) dst(%dma_wait3A_165 : memref<10240x128xf32, #tpu.memory_space<vmem_shared>>)
        } else {
        }
        %add3A_152 = arith.constant 2 : i32
        %add3A_153 = arith.addi %add3A_134, %add3A_152 : i32
        %lt3A_154 = arith.constant 40 : i32
        %lt3A_155 = arith.cmpi slt, %add3A_153, %lt3A_154 : i32
        %convert_element_type3A_156 = arith.extui %lt3A_155 : i1 to i32
        %cond3A_157 = arith.constant 0 : i32
        %cond3A_158 = arith.cmpi ne, %convert_element_type3A_156, %cond3A_157 : i32
        scf.if %cond3A_158 {
          %add3A_159 = arith.constant 2 : i32
          %add3A_160 = arith.addi %add3A_134, %add3A_159 : i32
          %dma_start3A_161 = arith.constant 0 : i32
          %dma_start3A_162 = tpu.memref_slice %arg8[%add3A_160, %dma_start3A_161] : memref<40x64xi32, #tpu.memory_space<vmem>> -> memref<1x64xi32, #tpu.memory_space<vmem>>
          %dma_start3A_163 = tpu.memref_squeeze %dma_start3A_162 : memref<1x64xi32, #tpu.memory_space<vmem>> -> memref<64xi32, #tpu.memory_space<vmem>>
          %dma_start3A_164 = arith.constant 0 : i32
          %dma_start3A_165 = arith.constant 0 : i32
          %dma_start3A_166 = tpu.memref_slice %arg2[%dma_start3A_164, %dma_start3A_165] : memref<10000x128xf32, #tpu.memory_space<hbm>> -> memref<10000x128xf32, #tpu.memory_space<hbm>>
          tpu.enqueue_indirect_dma source(%dma_start3A_166 : memref<10000x128xf32, #tpu.memory_space<hbm>>) target(%arg11 : memref<64x128xf32, #tpu.memory_space<vmem>>) offsets(%dma_start3A_163 : memref<64xi32, #tpu.memory_space<vmem>>) semaphore(%arg15 : memref<!tpu.dma_semaphore, #tpu.memory_space<semaphore_mem>>)
        } else {
        }
      }
      %scan3A_40 = arith.constant 10 : i32
      %dma_wait3A = arith.constant 0 : i32
      %dma_wait3A_41 = arith.constant 0 : i32
      %dma_wait3A_42 = tpu.memref_slice %arg9[%dma_wait3A, %dma_wait3A_41] : memref<40x64xi32, #tpu.memory_space<vmem>> -> memref<1x64xi32, #tpu.memory_space<vmem>>
      %dma_wait3A_43 = tpu.memref_squeeze %dma_wait3A_42 : memref<1x64xi32, #tpu.memory_space<vmem>> -> memref<64xi32, #tpu.memory_space<vmem>>
      %dma_wait3A_44 = arith.constant 0 : i32
      %dma_wait3A_45 = arith.constant 0 : i32
      %dma_wait3A_46 = tpu.memref_slice %arg7[%dma_wait3A_44, %dma_wait3A_45] : memref<10240x128xf32, #tpu.memory_space<vmem_shared>> -> memref<10240x128xf32, #tpu.memory_space<vmem_shared>>
      tpu.wait_indirect_dma semaphore(%arg20 : memref<!tpu.dma_semaphore, #tpu.memory_space<semaphore_mem>>) src(%arg12 : memref<64x128xf32, #tpu.memory_space<vmem>>) dst(%dma_wait3A_46 : memref<10240x128xf32, #tpu.memory_space<vmem_shared>>)
      %dma_wait3A_47 = arith.constant 0 : i32
      %dma_wait3A_48 = arith.constant 0 : i32
      %dma_wait3A_49 = tpu.memref_slice %arg9[%dma_wait3A_47, %dma_wait3A_48] : memref<40x64xi32, #tpu.memory_space<vmem>> -> memref<1x64xi32, #tpu.memory_space<vmem>>
      %dma_wait3A_50 = tpu.memref_squeeze %dma_wait3A_49 : memref<1x64xi32, #tpu.memory_space<vmem>> -> memref<64xi32, #tpu.memory_space<vmem>>
      %dma_wait3A_51 = arith.constant 0 : i32
      %dma_wait3A_52 = arith.constant 0 : i32
      %dma_wait3A_53 = tpu.memref_slice %arg7[%dma_wait3A_51, %dma_wait3A_52] : memref<10240x128xf32, #tpu.memory_space<vmem_shared>> -> memref<10240x128xf32, #tpu.memory_space<vmem_shared>>
      tpu.wait_indirect_dma semaphore(%arg21 : memref<!tpu.dma_semaphore, #tpu.memory_space<semaphore_mem>>) src(%arg13 : memref<64x128xf32, #tpu.memory_space<vmem>>) dst(%dma_wait3A_53 : memref<10240x128xf32, #tpu.memory_space<vmem_shared>>)
    }
    %while3A_19 = arith.constant 1 : i32
    scf.for %while3A_21 = %while3A_17 to %while3A_13 step %while3A_19  : i32 {
      %mul3A_22 = arith.muli %while3A_21, %while3A : i32
      %add3A_23 = arith.addi %mul3A_2, %mul3A_22 : i32
      "tpu.region"() ({
        %run_scoped3A = tpu.sem_alloc : memref<!tpu.dma_semaphore, #tpu.memory_space<semaphore_mem>>
        %dma_start3A_54 = arith.constant 0 : i32
        %dma_start3A_55 = arith.constant 0 : i32
        %dma_start3A_56 = tpu.memref_slice %arg3[%arg1, %add3A_23, %dma_start3A_54, %dma_start3A_55] : memref<16x8x40x64xi32, #tpu.memory_space<hbm>> -> memref<1x1x40x64xi32, #tpu.memory_space<hbm>>
        %dma_start3A_57 = tpu.memref_squeeze %dma_start3A_56 : memref<1x1x40x64xi32, #tpu.memory_space<hbm>> -> memref<40x64xi32, #tpu.memory_space<hbm>>
        %dma_start3A_58 = arith.constant 0 : i32
        %dma_start3A_59 = arith.constant 0 : i32
        %dma_start3A_60 = tpu.memref_slice %arg3[%arg1, %add3A_23, %dma_start3A_58, %dma_start3A_59] : memref<16x8x40x64xi32, #tpu.memory_space<hbm>> -> memref<1x1x40x64xi32, #tpu.memory_space<hbm>>
        %dma_start3A_61 = tpu.memref_squeeze %dma_start3A_60 : memref<1x1x40x64xi32, #tpu.memory_space<hbm>> -> memref<40x64xi32, #tpu.memory_space<hbm>>
        tpu.enqueue_dma source(%dma_start3A_61 : memref<40x64xi32, #tpu.memory_space<hbm>>) target(%arg8 : memref<40x64xi32, #tpu.memory_space<vmem>>) target_semaphore(%run_scoped3A : memref<!tpu.dma_semaphore, #tpu.memory_space<semaphore_mem>>)
        %dma_wait3A_62 = arith.constant 0 : i32
        %dma_wait3A_63 = arith.constant 0 : i32
        %dma_wait3A_64 = tpu.memref_slice %arg3[%arg1, %add3A_23, %dma_wait3A_62, %dma_wait3A_63] : memref<16x8x40x64xi32, #tpu.memory_space<hbm>> -> memref<1x1x40x64xi32, #tpu.memory_space<hbm>>
        %dma_wait3A_65 = tpu.memref_squeeze %dma_wait3A_64 : memref<1x1x40x64xi32, #tpu.memory_space<hbm>> -> memref<40x64xi32, #tpu.memory_space<hbm>>
        %dma_wait3A_66 = arith.constant 0 : i32
        %dma_wait3A_67 = arith.constant 0 : i32
        %dma_wait3A_68 = tpu.memref_slice %arg3[%arg1, %add3A_23, %dma_wait3A_66, %dma_wait3A_67] : memref<16x8x40x64xi32, #tpu.memory_space<hbm>> -> memref<1x1x40x64xi32, #tpu.memory_space<hbm>>
        %dma_wait3A_69 = tpu.memref_squeeze %dma_wait3A_68 : memref<1x1x40x64xi32, #tpu.memory_space<hbm>> -> memref<40x64xi32, #tpu.memory_space<hbm>>
        tpu.wait_dma2 semaphore(%run_scoped3A : memref<!tpu.dma_semaphore, #tpu.memory_space<semaphore_mem>>) src(%dma_wait3A_69 : memref<40x64xi32, #tpu.memory_space<hbm>>) dst(%arg8 : memref<40x64xi32, #tpu.memory_space<vmem>>)
        tpu.yield
      }) : () -> ()
      "tpu.region"() ({
        %run_scoped3A = tpu.sem_alloc : memref<!tpu.dma_semaphore, #tpu.memory_space<semaphore_mem>>
        %dma_start3A_54 = arith.constant 0 : i32
        %dma_start3A_55 = arith.constant 0 : i32
        %dma_start3A_56 = tpu.memref_slice %arg4[%arg1, %add3A_23, %dma_start3A_54, %dma_start3A_55] : memref<16x8x40x64xi32, #tpu.memory_space<hbm>> -> memref<1x1x40x64xi32, #tpu.memory_space<hbm>>
        %dma_start3A_57 = tpu.memref_squeeze %dma_start3A_56 : memref<1x1x40x64xi32, #tpu.memory_space<hbm>> -> memref<40x64xi32, #tpu.memory_space<hbm>>
        %dma_start3A_58 = arith.constant 0 : i32
        %dma_start3A_59 = arith.constant 0 : i32
        %dma_start3A_60 = tpu.memref_slice %arg4[%arg1, %add3A_23, %dma_start3A_58, %dma_start3A_59] : memref<16x8x40x64xi32, #tpu.memory_space<hbm>> -> memref<1x1x40x64xi32, #tpu.memory_space<hbm>>
        %dma_start3A_61 = tpu.memref_squeeze %dma_start3A_60 : memref<1x1x40x64xi32, #tpu.memory_space<hbm>> -> memref<40x64xi32, #tpu.memory_space<hbm>>
        tpu.enqueue_dma source(%dma_start3A_61 : memref<40x64xi32, #tpu.memory_space<hbm>>) target(%arg9 : memref<40x64xi32, #tpu.memory_space<vmem>>) target_semaphore(%run_scoped3A : memref<!tpu.dma_semaphore, #tpu.memory_space<semaphore_mem>>)
        %dma_wait3A_62 = arith.constant 0 : i32
        %dma_wait3A_63 = arith.constant 0 : i32
        %dma_wait3A_64 = tpu.memref_slice %arg4[%arg1, %add3A_23, %dma_wait3A_62, %dma_wait3A_63] : memref<16x8x40x64xi32, #tpu.memory_space<hbm>> -> memref<1x1x40x64xi32, #tpu.memory_space<hbm>>
        %dma_wait3A_65 = tpu.memref_squeeze %dma_wait3A_64 : memref<1x1x40x64xi32, #tpu.memory_space<hbm>> -> memref<40x64xi32, #tpu.memory_space<hbm>>
        %dma_wait3A_66 = arith.constant 0 : i32
        %dma_wait3A_67 = arith.constant 0 : i32
        %dma_wait3A_68 = tpu.memref_slice %arg4[%arg1, %add3A_23, %dma_wait3A_66, %dma_wait3A_67] : memref<16x8x40x64xi32, #tpu.memory_space<hbm>> -> memref<1x1x40x64xi32, #tpu.memory_space<hbm>>
        %dma_wait3A_69 = tpu.memref_squeeze %dma_wait3A_68 : memref<1x1x40x64xi32, #tpu.memory_space<hbm>> -> memref<40x64xi32, #tpu.memory_space<hbm>>
        tpu.wait_dma2 semaphore(%run_scoped3A : memref<!tpu.dma_semaphore, #tpu.memory_space<semaphore_mem>>) src(%dma_wait3A_69 : memref<40x64xi32, #tpu.memory_space<hbm>>) dst(%arg9 : memref<40x64xi32, #tpu.memory_space<vmem>>)
        tpu.yield
      }) : () -> ()
      %dma_start3A = arith.constant 0 : i32
      %dma_start3A_24 = arith.constant 0 : i32
      %dma_start3A_25 = tpu.memref_slice %arg8[%dma_start3A, %dma_start3A_24] : memref<40x64xi32, #tpu.memory_space<vmem>> -> memref<1x64xi32, #tpu.memory_space<vmem>>
      %dma_start3A_26 = tpu.memref_squeeze %dma_start3A_25 : memref<1x64xi32, #tpu.memory_space<vmem>> -> memref<64xi32, #tpu.memory_space<vmem>>
      %dma_start3A_27 = arith.constant 0 : i32
      %dma_start3A_28 = arith.constant 0 : i32
      %dma_start3A_29 = tpu.memref_slice %arg2[%dma_start3A_27, %dma_start3A_28] : memref<10000x128xf32, #tpu.memory_space<hbm>> -> memref<10000x128xf32, #tpu.memory_space<hbm>>
      tpu.enqueue_indirect_dma source(%dma_start3A_29 : memref<10000x128xf32, #tpu.memory_space<hbm>>) target(%arg10 : memref<64x128xf32, #tpu.memory_space<vmem>>) offsets(%dma_start3A_26 : memref<64xi32, #tpu.memory_space<vmem>>) semaphore(%arg14 : memref<!tpu.dma_semaphore, #tpu.memory_space<semaphore_mem>>)
      %dma_start3A_30 = arith.constant 1 : i32
      %dma_start3A_31 = arith.constant 0 : i32
      %dma_start3A_32 = tpu.memref_slice %arg8[%dma_start3A_30, %dma_start3A_31] : memref<40x64xi32, #tpu.memory_space<vmem>> -> memref<1x64xi32, #tpu.memory_space<vmem>>
      %dma_start3A_33 = tpu.memref_squeeze %dma_start3A_32 : memref<1x64xi32, #tpu.memory_space<vmem>> -> memref<64xi32, #tpu.memory_space<vmem>>
      %dma_start3A_34 = arith.constant 0 : i32
      %dma_start3A_35 = arith.constant 0 : i32
      %dma_start3A_36 = tpu.memref_slice %arg2[%dma_start3A_34, %dma_start3A_35] : memref<10000x128xf32, #tpu.memory_space<hbm>> -> memref<10000x128xf32, #tpu.memory_space<hbm>>
      tpu.enqueue_indirect_dma source(%dma_start3A_36 : memref<10000x128xf32, #tpu.memory_space<hbm>>) target(%arg11 : memref<64x128xf32, #tpu.memory_space<vmem>>) offsets(%dma_start3A_33 : memref<64xi32, #tpu.memory_space<vmem>>) semaphore(%arg15 : memref<!tpu.dma_semaphore, #tpu.memory_space<semaphore_mem>>)
      %scan3A = arith.constant 0 : i32
      %scan3A_37 = arith.constant 10 : i32
      %scan3A_38 = arith.addi %scan3A, %scan3A_37 : i32
      %scan3A_39 = arith.constant 1 : i32
      scf.for %scan3A_54 = %scan3A to %scan3A_38 step %scan3A_39  : i32 {
        %mul3A_55 = arith.constant 4 : i32
        %mul3A_56 = arith.muli %scan3A_54, %mul3A_55 : i32
        %add3A_57 = arith.constant 0 : i32
        %add3A_58 = arith.addi %add3A_57, %mul3A_56 : i32
        %add3A_59 = arith.constant 0 : i32
        %add3A_60 = arith.addi %add3A_58, %add3A_59 : i32
        %dma_wait3A_61 = arith.constant 0 : i32
        %dma_wait3A_62 = tpu.memref_slice %arg8[%add3A_60, %dma_wait3A_61] : memref<40x64xi32, #tpu.memory_space<vmem>> -> memref<1x64xi32, #tpu.memory_space<vmem>>
        %dma_wait3A_63 = tpu.memref_squeeze %dma_wait3A_62 : memref<1x64xi32, #tpu.memory_space<vmem>> -> memref<64xi32, #tpu.memory_space<vmem>>
        %dma_wait3A_64 = arith.constant 0 : i32
        %dma_wait3A_65 = arith.constant 0 : i32
        %dma_wait3A_66 = tpu.memref_slice %arg2[%dma_wait3A_64, %dma_wait3A_65] : memref<10000x128xf32, #tpu.memory_space<hbm>> -> memref<10000x128xf32, #tpu.memory_space<hbm>>
        tpu.wait_indirect_dma semaphore(%arg14 : memref<!tpu.dma_semaphore, #tpu.memory_space<semaphore_mem>>) src(%dma_wait3A_66 : memref<10000x128xf32, #tpu.memory_space<hbm>>) dst(%arg10 : memref<64x128xf32, #tpu.memory_space<vmem>>)
        %dma_start3A_67 = arith.constant 0 : i32
        %dma_start3A_68 = tpu.memref_slice %arg9[%add3A_60, %dma_start3A_67] : memref<40x64xi32, #tpu.memory_space<vmem>> -> memref<1x64xi32, #tpu.memory_space<vmem>>
        %dma_start3A_69 = tpu.memref_squeeze %dma_start3A_68 : memref<1x64xi32, #tpu.memory_space<vmem>> -> memref<64xi32, #tpu.memory_space<vmem>>
        %dma_start3A_70 = arith.constant 0 : i32
        %dma_start3A_71 = arith.constant 0 : i32
        %dma_start3A_72 = tpu.memref_slice %arg7[%dma_start3A_70, %dma_start3A_71] : memref<10240x128xf32, #tpu.memory_space<vmem_shared>> -> memref<10240x128xf32, #tpu.memory_space<vmem_shared>>
        tpu.enqueue_indirect_dma source(%arg10 : memref<64x128xf32, #tpu.memory_space<vmem>>) target(%dma_start3A_72 : memref<10240x128xf32, #tpu.memory_space<vmem_shared>>) offsets(%dma_start3A_69 : memref<64xi32, #tpu.memory_space<vmem>>) semaphore(%arg18 : memref<!tpu.dma_semaphore, #tpu.memory_space<semaphore_mem>>) {add = true}
        %ge3A = arith.constant 2 : i32
        %ge3A_73 = arith.cmpi sge, %add3A_60, %ge3A : i32
        %convert_element_type3A = arith.extui %ge3A_73 : i1 to i32
        %cond3A = arith.constant 0 : i32
        %cond3A_74 = arith.cmpi ne, %convert_element_type3A, %cond3A : i32
        scf.if %cond3A_74 {
          %dma_wait3A_159 = arith.constant 0 : i32
          %dma_wait3A_160 = arith.constant 0 : i32
          %dma_wait3A_161 = tpu.memref_slice %arg9[%dma_wait3A_159, %dma_wait3A_160] : memref<40x64xi32, #tpu.memory_space<vmem>> -> memref<1x64xi32, #tpu.memory_space<vmem>>
          %dma_wait3A_162 = tpu.memref_squeeze %dma_wait3A_161 : memref<1x64xi32, #tpu.memory_space<vmem>> -> memref<64xi32, #tpu.memory_space<vmem>>
          %dma_wait3A_163 = arith.constant 0 : i32
          %dma_wait3A_164 = arith.constant 0 : i32
          %dma_wait3A_165 = tpu.memref_slice %arg7[%dma_wait3A_163, %dma_wait3A_164] : memref<10240x128xf32, #tpu.memory_space<vmem_shared>> -> memref<10240x128xf32, #tpu.memory_space<vmem_shared>>
          tpu.wait_indirect_dma semaphore(%arg20 : memref<!tpu.dma_semaphore, #tpu.memory_space<semaphore_mem>>) src(%arg12 : memref<64x128xf32, #tpu.memory_space<vmem>>) dst(%dma_wait3A_165 : memref<10240x128xf32, #tpu.memory_space<vmem_shared>>)
        } else {
        }
        %add3A_75 = arith.constant 2 : i32
        %add3A_76 = arith.addi %add3A_60, %add3A_75 : i32
        %lt3A = arith.constant 40 : i32
        %lt3A_77 = arith.cmpi slt, %add3A_76, %lt3A : i32
        %convert_element_type3A_78 = arith.extui %lt3A_77 : i1 to i32
        %cond3A_79 = arith.constant 0 : i32
        %cond3A_80 = arith.cmpi ne, %convert_element_type3A_78, %cond3A_79 : i32
        scf.if %cond3A_80 {
          %add3A_159 = arith.constant 2 : i32
          %add3A_160 = arith.addi %add3A_60, %add3A_159 : i32
          %dma_start3A_161 = arith.constant 0 : i32
          %dma_start3A_162 = tpu.memref_slice %arg8[%add3A_160, %dma_start3A_161] : memref<40x64xi32, #tpu.memory_space<vmem>> -> memref<1x64xi32, #tpu.memory_space<vmem>>
          %dma_start3A_163 = tpu.memref_squeeze %dma_start3A_162 : memref<1x64xi32, #tpu.memory_space<vmem>> -> memref<64xi32, #tpu.memory_space<vmem>>
          %dma_start3A_164 = arith.constant 0 : i32
          %dma_start3A_165 = arith.constant 0 : i32
          %dma_start3A_166 = tpu.memref_slice %arg2[%dma_start3A_164, %dma_start3A_165] : memref<10000x128xf32, #tpu.memory_space<hbm>> -> memref<10000x128xf32, #tpu.memory_space<hbm>>
          tpu.enqueue_indirect_dma source(%dma_start3A_166 : memref<10000x128xf32, #tpu.memory_space<hbm>>) target(%arg12 : memref<64x128xf32, #tpu.memory_space<vmem>>) offsets(%dma_start3A_163 : memref<64xi32, #tpu.memory_space<vmem>>) semaphore(%arg16 : memref<!tpu.dma_semaphore, #tpu.memory_space<semaphore_mem>>)
        } else {
        }
        %add3A_81 = arith.constant 1 : i32
        %add3A_82 = arith.addi %add3A_58, %add3A_81 : i32
        %dma_wait3A_83 = arith.constant 0 : i32
        %dma_wait3A_84 = tpu.memref_slice %arg8[%add3A_82, %dma_wait3A_83] : memref<40x64xi32, #tpu.memory_space<vmem>> -> memref<1x64xi32, #tpu.memory_space<vmem>>
        %dma_wait3A_85 = tpu.memref_squeeze %dma_wait3A_84 : memref<1x64xi32, #tpu.memory_space<vmem>> -> memref<64xi32, #tpu.memory_space<vmem>>
        %dma_wait3A_86 = arith.constant 0 : i32
        %dma_wait3A_87 = arith.constant 0 : i32
        %dma_wait3A_88 = tpu.memref_slice %arg2[%dma_wait3A_86, %dma_wait3A_87] : memref<10000x128xf32, #tpu.memory_space<hbm>> -> memref<10000x128xf32, #tpu.memory_space<hbm>>
        tpu.wait_indirect_dma semaphore(%arg15 : memref<!tpu.dma_semaphore, #tpu.memory_space<semaphore_mem>>) src(%dma_wait3A_88 : memref<10000x128xf32, #tpu.memory_space<hbm>>) dst(%arg11 : memref<64x128xf32, #tpu.memory_space<vmem>>)
        %dma_start3A_89 = arith.constant 0 : i32
        %dma_start3A_90 = tpu.memref_slice %arg9[%add3A_82, %dma_start3A_89] : memref<40x64xi32, #tpu.memory_space<vmem>> -> memref<1x64xi32, #tpu.memory_space<vmem>>
        %dma_start3A_91 = tpu.memref_squeeze %dma_start3A_90 : memref<1x64xi32, #tpu.memory_space<vmem>> -> memref<64xi32, #tpu.memory_space<vmem>>
        %dma_start3A_92 = arith.constant 0 : i32
        %dma_start3A_93 = arith.constant 0 : i32
        %dma_start3A_94 = tpu.memref_slice %arg7[%dma_start3A_92, %dma_start3A_93] : memref<10240x128xf32, #tpu.memory_space<vmem_shared>> -> memref<10240x128xf32, #tpu.memory_space<vmem_shared>>
        tpu.enqueue_indirect_dma source(%arg11 : memref<64x128xf32, #tpu.memory_space<vmem>>) target(%dma_start3A_94 : memref<10240x128xf32, #tpu.memory_space<vmem_shared>>) offsets(%dma_start3A_91 : memref<64xi32, #tpu.memory_space<vmem>>) semaphore(%arg19 : memref<!tpu.dma_semaphore, #tpu.memory_space<semaphore_mem>>) {add = true}
        %ge3A_95 = arith.constant 2 : i32
        %ge3A_96 = arith.cmpi sge, %add3A_82, %ge3A_95 : i32
        %convert_element_type3A_97 = arith.extui %ge3A_96 : i1 to i32
        %cond3A_98 = arith.constant 0 : i32
        %cond3A_99 = arith.cmpi ne, %convert_element_type3A_97, %cond3A_98 : i32
        scf.if %cond3A_99 {
          %dma_wait3A_159 = arith.constant 0 : i32
          %dma_wait3A_160 = arith.constant 0 : i32
          %dma_wait3A_161 = tpu.memref_slice %arg9[%dma_wait3A_159, %dma_wait3A_160] : memref<40x64xi32, #tpu.memory_space<vmem>> -> memref<1x64xi32, #tpu.memory_space<vmem>>
          %dma_wait3A_162 = tpu.memref_squeeze %dma_wait3A_161 : memref<1x64xi32, #tpu.memory_space<vmem>> -> memref<64xi32, #tpu.memory_space<vmem>>
          %dma_wait3A_163 = arith.constant 0 : i32
          %dma_wait3A_164 = arith.constant 0 : i32
          %dma_wait3A_165 = tpu.memref_slice %arg7[%dma_wait3A_163, %dma_wait3A_164] : memref<10240x128xf32, #tpu.memory_space<vmem_shared>> -> memref<10240x128xf32, #tpu.memory_space<vmem_shared>>
          tpu.wait_indirect_dma semaphore(%arg21 : memref<!tpu.dma_semaphore, #tpu.memory_space<semaphore_mem>>) src(%arg13 : memref<64x128xf32, #tpu.memory_space<vmem>>) dst(%dma_wait3A_165 : memref<10240x128xf32, #tpu.memory_space<vmem_shared>>)
        } else {
        }
        %add3A_100 = arith.constant 2 : i32
        %add3A_101 = arith.addi %add3A_82, %add3A_100 : i32
        %lt3A_102 = arith.constant 40 : i32
        %lt3A_103 = arith.cmpi slt, %add3A_101, %lt3A_102 : i32
        %convert_element_type3A_104 = arith.extui %lt3A_103 : i1 to i32
        %cond3A_105 = arith.constant 0 : i32
        %cond3A_106 = arith.cmpi ne, %convert_element_type3A_104, %cond3A_105 : i32
        scf.if %cond3A_106 {
          %add3A_159 = arith.constant 2 : i32
          %add3A_160 = arith.addi %add3A_82, %add3A_159 : i32
          %dma_start3A_161 = arith.constant 0 : i32
          %dma_start3A_162 = tpu.memref_slice %arg8[%add3A_160, %dma_start3A_161] : memref<40x64xi32, #tpu.memory_space<vmem>> -> memref<1x64xi32, #tpu.memory_space<vmem>>
          %dma_start3A_163 = tpu.memref_squeeze %dma_start3A_162 : memref<1x64xi32, #tpu.memory_space<vmem>> -> memref<64xi32, #tpu.memory_space<vmem>>
          %dma_start3A_164 = arith.constant 0 : i32
          %dma_start3A_165 = arith.constant 0 : i32
          %dma_start3A_166 = tpu.memref_slice %arg2[%dma_start3A_164, %dma_start3A_165] : memref<10000x128xf32, #tpu.memory_space<hbm>> -> memref<10000x128xf32, #tpu.memory_space<hbm>>
          tpu.enqueue_indirect_dma source(%dma_start3A_166 : memref<10000x128xf32, #tpu.memory_space<hbm>>) target(%arg13 : memref<64x128xf32, #tpu.memory_space<vmem>>) offsets(%dma_start3A_163 : memref<64xi32, #tpu.memory_space<vmem>>) semaphore(%arg17 : memref<!tpu.dma_semaphore, #tpu.memory_space<semaphore_mem>>)
        } else {
        }
        %add3A_107 = arith.constant 2 : i32
        %add3A_108 = arith.addi %add3A_58, %add3A_107 : i32
        %dma_wait3A_109 = arith.constant 0 : i32
        %dma_wait3A_110 = tpu.memref_slice %arg8[%add3A_108, %dma_wait3A_109] : memref<40x64xi32, #tpu.memory_space<vmem>> -> memref<1x64xi32, #tpu.memory_space<vmem>>
        %dma_wait3A_111 = tpu.memref_squeeze %dma_wait3A_110 : memref<1x64xi32, #tpu.memory_space<vmem>> -> memref<64xi32, #tpu.memory_space<vmem>>
        %dma_wait3A_112 = arith.constant 0 : i32
        %dma_wait3A_113 = arith.constant 0 : i32
        %dma_wait3A_114 = tpu.memref_slice %arg2[%dma_wait3A_112, %dma_wait3A_113] : memref<10000x128xf32, #tpu.memory_space<hbm>> -> memref<10000x128xf32, #tpu.memory_space<hbm>>
        tpu.wait_indirect_dma semaphore(%arg16 : memref<!tpu.dma_semaphore, #tpu.memory_space<semaphore_mem>>) src(%dma_wait3A_114 : memref<10000x128xf32, #tpu.memory_space<hbm>>) dst(%arg12 : memref<64x128xf32, #tpu.memory_space<vmem>>)
        %dma_start3A_115 = arith.constant 0 : i32
        %dma_start3A_116 = tpu.memref_slice %arg9[%add3A_108, %dma_start3A_115] : memref<40x64xi32, #tpu.memory_space<vmem>> -> memref<1x64xi32, #tpu.memory_space<vmem>>
        %dma_start3A_117 = tpu.memref_squeeze %dma_start3A_116 : memref<1x64xi32, #tpu.memory_space<vmem>> -> memref<64xi32, #tpu.memory_space<vmem>>
        %dma_start3A_118 = arith.constant 0 : i32
        %dma_start3A_119 = arith.constant 0 : i32
        %dma_start3A_120 = tpu.memref_slice %arg7[%dma_start3A_118, %dma_start3A_119] : memref<10240x128xf32, #tpu.memory_space<vmem_shared>> -> memref<10240x128xf32, #tpu.memory_space<vmem_shared>>
        tpu.enqueue_indirect_dma source(%arg12 : memref<64x128xf32, #tpu.memory_space<vmem>>) target(%dma_start3A_120 : memref<10240x128xf32, #tpu.memory_space<vmem_shared>>) offsets(%dma_start3A_117 : memref<64xi32, #tpu.memory_space<vmem>>) semaphore(%arg20 : memref<!tpu.dma_semaphore, #tpu.memory_space<semaphore_mem>>) {add = true}
        %ge3A_121 = arith.constant 2 : i32
        %ge3A_122 = arith.cmpi sge, %add3A_108, %ge3A_121 : i32
        %convert_element_type3A_123 = arith.extui %ge3A_122 : i1 to i32
        %cond3A_124 = arith.constant 0 : i32
        %cond3A_125 = arith.cmpi ne, %convert_element_type3A_123, %cond3A_124 : i32
        scf.if %cond3A_125 {
          %dma_wait3A_159 = arith.constant 0 : i32
          %dma_wait3A_160 = arith.constant 0 : i32
          %dma_wait3A_161 = tpu.memref_slice %arg9[%dma_wait3A_159, %dma_wait3A_160] : memref<40x64xi32, #tpu.memory_space<vmem>> -> memref<1x64xi32, #tpu.memory_space<vmem>>
          %dma_wait3A_162 = tpu.memref_squeeze %dma_wait3A_161 : memref<1x64xi32, #tpu.memory_space<vmem>> -> memref<64xi32, #tpu.memory_space<vmem>>
          %dma_wait3A_163 = arith.constant 0 : i32
          %dma_wait3A_164 = arith.constant 0 : i32
          %dma_wait3A_165 = tpu.memref_slice %arg7[%dma_wait3A_163, %dma_wait3A_164] : memref<10240x128xf32, #tpu.memory_space<vmem_shared>> -> memref<10240x128xf32, #tpu.memory_space<vmem_shared>>
          tpu.wait_indirect_dma semaphore(%arg18 : memref<!tpu.dma_semaphore, #tpu.memory_space<semaphore_mem>>) src(%arg10 : memref<64x128xf32, #tpu.memory_space<vmem>>) dst(%dma_wait3A_165 : memref<10240x128xf32, #tpu.memory_space<vmem_shared>>)
        } else {
        }
        %add3A_126 = arith.constant 2 : i32
        %add3A_127 = arith.addi %add3A_108, %add3A_126 : i32
        %lt3A_128 = arith.constant 40 : i32
        %lt3A_129 = arith.cmpi slt, %add3A_127, %lt3A_128 : i32
        %convert_element_type3A_130 = arith.extui %lt3A_129 : i1 to i32
        %cond3A_131 = arith.constant 0 : i32
        %cond3A_132 = arith.cmpi ne, %convert_element_type3A_130, %cond3A_131 : i32
        scf.if %cond3A_132 {
          %add3A_159 = arith.constant 2 : i32
          %add3A_160 = arith.addi %add3A_108, %add3A_159 : i32
          %dma_start3A_161 = arith.constant 0 : i32
          %dma_start3A_162 = tpu.memref_slice %arg8[%add3A_160, %dma_start3A_161] : memref<40x64xi32, #tpu.memory_space<vmem>> -> memref<1x64xi32, #tpu.memory_space<vmem>>
          %dma_start3A_163 = tpu.memref_squeeze %dma_start3A_162 : memref<1x64xi32, #tpu.memory_space<vmem>> -> memref<64xi32, #tpu.memory_space<vmem>>
          %dma_start3A_164 = arith.constant 0 : i32
          %dma_start3A_165 = arith.constant 0 : i32
          %dma_start3A_166 = tpu.memref_slice %arg2[%dma_start3A_164, %dma_start3A_165] : memref<10000x128xf32, #tpu.memory_space<hbm>> -> memref<10000x128xf32, #tpu.memory_space<hbm>>
          tpu.enqueue_indirect_dma source(%dma_start3A_166 : memref<10000x128xf32, #tpu.memory_space<hbm>>) target(%arg10 : memref<64x128xf32, #tpu.memory_space<vmem>>) offsets(%dma_start3A_163 : memref<64xi32, #tpu.memory_space<vmem>>) semaphore(%arg14 : memref<!tpu.dma_semaphore, #tpu.memory_space<semaphore_mem>>)
        } else {
        }
        %add3A_133 = arith.constant 3 : i32
        %add3A_134 = arith.addi %add3A_58, %add3A_133 : i32
        %dma_wait3A_135 = arith.constant 0 : i32
        %dma_wait3A_136 = tpu.memref_slice %arg8[%add3A_134, %dma_wait3A_135] : memref<40x64xi32, #tpu.memory_space<vmem>> -> memref<1x64xi32, #tpu.memory_space<vmem>>
        %dma_wait3A_137 = tpu.memref_squeeze %dma_wait3A_136 : memref<1x64xi32, #tpu.memory_space<vmem>> -> memref<64xi32, #tpu.memory_space<vmem>>
        %dma_wait3A_138 = arith.constant 0 : i32
        %dma_wait3A_139 = arith.constant 0 : i32
        %dma_wait3A_140 = tpu.memref_slice %arg2[%dma_wait3A_138, %dma_wait3A_139] : memref<10000x128xf32, #tpu.memory_space<hbm>> -> memref<10000x128xf32, #tpu.memory_space<hbm>>
        tpu.wait_indirect_dma semaphore(%arg17 : memref<!tpu.dma_semaphore, #tpu.memory_space<semaphore_mem>>) src(%dma_wait3A_140 : memref<10000x128xf32, #tpu.memory_space<hbm>>) dst(%arg13 : memref<64x128xf32, #tpu.memory_space<vmem>>)
        %dma_start3A_141 = arith.constant 0 : i32
        %dma_start3A_142 = tpu.memref_slice %arg9[%add3A_134, %dma_start3A_141] : memref<40x64xi32, #tpu.memory_space<vmem>> -> memref<1x64xi32, #tpu.memory_space<vmem>>
        %dma_start3A_143 = tpu.memref_squeeze %dma_start3A_142 : memref<1x64xi32, #tpu.memory_space<vmem>> -> memref<64xi32, #tpu.memory_space<vmem>>
        %dma_start3A_144 = arith.constant 0 : i32
        %dma_start3A_145 = arith.constant 0 : i32
        %dma_start3A_146 = tpu.memref_slice %arg7[%dma_start3A_144, %dma_start3A_145] : memref<10240x128xf32, #tpu.memory_space<vmem_shared>> -> memref<10240x128xf32, #tpu.memory_space<vmem_shared>>
        tpu.enqueue_indirect_dma source(%arg13 : memref<64x128xf32, #tpu.memory_space<vmem>>) target(%dma_start3A_146 : memref<10240x128xf32, #tpu.memory_space<vmem_shared>>) offsets(%dma_start3A_143 : memref<64xi32, #tpu.memory_space<vmem>>) semaphore(%arg21 : memref<!tpu.dma_semaphore, #tpu.memory_space<semaphore_mem>>) {add = true}
        %ge3A_147 = arith.constant 2 : i32
        %ge3A_148 = arith.cmpi sge, %add3A_134, %ge3A_147 : i32
        %convert_element_type3A_149 = arith.extui %ge3A_148 : i1 to i32
        %cond3A_150 = arith.constant 0 : i32
        %cond3A_151 = arith.cmpi ne, %convert_element_type3A_149, %cond3A_150 : i32
        scf.if %cond3A_151 {
          %dma_wait3A_159 = arith.constant 0 : i32
          %dma_wait3A_160 = arith.constant 0 : i32
          %dma_wait3A_161 = tpu.memref_slice %arg9[%dma_wait3A_159, %dma_wait3A_160] : memref<40x64xi32, #tpu.memory_space<vmem>> -> memref<1x64xi32, #tpu.memory_space<vmem>>
          %dma_wait3A_162 = tpu.memref_squeeze %dma_wait3A_161 : memref<1x64xi32, #tpu.memory_space<vmem>> -> memref<64xi32, #tpu.memory_space<vmem>>
          %dma_wait3A_163 = arith.constant 0 : i32
          %dma_wait3A_164 = arith.constant 0 : i32
          %dma_wait3A_165 = tpu.memref_slice %arg7[%dma_wait3A_163, %dma_wait3A_164] : memref<10240x128xf32, #tpu.memory_space<vmem_shared>> -> memref<10240x128xf32, #tpu.memory_space<vmem_shared>>
          tpu.wait_indirect_dma semaphore(%arg19 : memref<!tpu.dma_semaphore, #tpu.memory_space<semaphore_mem>>) src(%arg11 : memref<64x128xf32, #tpu.memory_space<vmem>>) dst(%dma_wait3A_165 : memref<10240x128xf32, #tpu.memory_space<vmem_shared>>)
        } else {
        }
        %add3A_152 = arith.constant 2 : i32
        %add3A_153 = arith.addi %add3A_134, %add3A_152 : i32
        %lt3A_154 = arith.constant 40 : i32
        %lt3A_155 = arith.cmpi slt, %add3A_153, %lt3A_154 : i32
        %convert_element_type3A_156 = arith.extui %lt3A_155 : i1 to i32
        %cond3A_157 = arith.constant 0 : i32
        %cond3A_158 = arith.cmpi ne, %convert_element_type3A_156, %cond3A_157 : i32
        scf.if %cond3A_158 {
          %add3A_159 = arith.constant 2 : i32
          %add3A_160 = arith.addi %add3A_134, %add3A_159 : i32
          %dma_start3A_161 = arith.constant 0 : i32
          %dma_start3A_162 = tpu.memref_slice %arg8[%add3A_160, %dma_start3A_161] : memref<40x64xi32, #tpu.memory_space<vmem>> -> memref<1x64xi32, #tpu.memory_space<vmem>>
          %dma_start3A_163 = tpu.memref_squeeze %dma_start3A_162 : memref<1x64xi32, #tpu.memory_space<vmem>> -> memref<64xi32, #tpu.memory_space<vmem>>
          %dma_start3A_164 = arith.constant 0 : i32
          %dma_start3A_165 = arith.constant 0 : i32
          %dma_start3A_166 = tpu.memref_slice %arg2[%dma_start3A_164, %dma_start3A_165] : memref<10000x128xf32, #tpu.memory_space<hbm>> -> memref<10000x128xf32, #tpu.memory_space<hbm>>
          tpu.enqueue_indirect_dma source(%dma_start3A_166 : memref<10000x128xf32, #tpu.memory_space<hbm>>) target(%arg11 : memref<64x128xf32, #tpu.memory_space<vmem>>) offsets(%dma_start3A_163 : memref<64xi32, #tpu.memory_space<vmem>>) semaphore(%arg15 : memref<!tpu.dma_semaphore, #tpu.memory_space<semaphore_mem>>)
        } else {
        }
      }
      %scan3A_40 = arith.constant 10 : i32
      %dma_wait3A = arith.constant 0 : i32
      %dma_wait3A_41 = arith.constant 0 : i32
      %dma_wait3A_42 = tpu.memref_slice %arg9[%dma_wait3A, %dma_wait3A_41] : memref<40x64xi32, #tpu.memory_space<vmem>> -> memref<1x64xi32, #tpu.memory_space<vmem>>
      %dma_wait3A_43 = tpu.memref_squeeze %dma_wait3A_42 : memref<1x64xi32, #tpu.memory_space<vmem>> -> memref<64xi32, #tpu.memory_space<vmem>>
      %dma_wait3A_44 = arith.constant 0 : i32
      %dma_wait3A_45 = arith.constant 0 : i32
      %dma_wait3A_46 = tpu.memref_slice %arg7[%dma_wait3A_44, %dma_wait3A_45] : memref<10240x128xf32, #tpu.memory_space<vmem_shared>> -> memref<10240x128xf32, #tpu.memory_space<vmem_shared>>
      tpu.wait_indirect_dma semaphore(%arg20 : memref<!tpu.dma_semaphore, #tpu.memory_space<semaphore_mem>>) src(%arg12 : memref<64x128xf32, #tpu.memory_space<vmem>>) dst(%dma_wait3A_46 : memref<10240x128xf32, #tpu.memory_space<vmem_shared>>)
      %dma_wait3A_47 = arith.constant 0 : i32
      %dma_wait3A_48 = arith.constant 0 : i32
      %dma_wait3A_49 = tpu.memref_slice %arg9[%dma_wait3A_47, %dma_wait3A_48] : memref<40x64xi32, #tpu.memory_space<vmem>> -> memref<1x64xi32, #tpu.memory_space<vmem>>
      %dma_wait3A_50 = tpu.memref_squeeze %dma_wait3A_49 : memref<1x64xi32, #tpu.memory_space<vmem>> -> memref<64xi32, #tpu.memory_space<vmem>>
      %dma_wait3A_51 = arith.constant 0 : i32
      %dma_wait3A_52 = arith.constant 0 : i32
      %dma_wait3A_53 = tpu.memref_slice %arg7[%dma_wait3A_51, %dma_wait3A_52] : memref<10240x128xf32, #tpu.memory_space<vmem_shared>> -> memref<10240x128xf32, #tpu.memory_space<vmem_shared>>
      tpu.wait_indirect_dma semaphore(%arg21 : memref<!tpu.dma_semaphore, #tpu.memory_space<semaphore_mem>>) src(%arg13 : memref<64x128xf32, #tpu.memory_space<vmem>>) dst(%dma_wait3A_53 : memref<10240x128xf32, #tpu.memory_space<vmem_shared>>)
    }
    %barrier3A_20 = arith.constant 0 : index
    tpu.barrier barrier_id(%barrier3A_20)
    "tpu.region"() ({
      %run_scoped3A = tpu.sem_alloc : memref<!tpu.dma_semaphore, #tpu.memory_space<semaphore_mem>>
      %dma_start3A = arith.constant 0 : i32
      %dma_start3A_21 = tpu.memref_slice %arg6[%arg0, %mul3A_0, %dma_start3A] : memref<2x10240x128xf32, #tpu.memory_space<hbm>> -> memref<1x640x128xf32, #tpu.memory_space<hbm>>
      %dma_start3A_22 = tpu.memref_squeeze %dma_start3A_21 : memref<1x640x128xf32, #tpu.memory_space<hbm>> -> memref<640x128xf32, #tpu.memory_space<hbm>>
      %dma_start3A_23 = arith.constant 0 : i32
      %dma_start3A_24 = tpu.memref_slice %arg7[%mul3A_0, %dma_start3A_23] : memref<10240x128xf32, #tpu.memory_space<vmem_shared>> -> memref<640x128xf32, #tpu.memory_space<vmem_shared>>
      tpu.enqueue_dma source(%dma_start3A_24 : memref<640x128xf32, #tpu.memory_space<vmem_shared>>) target(%dma_start3A_22 : memref<640x128xf32, #tpu.memory_space<hbm>>) target_semaphore(%run_scoped3A : memref<!tpu.dma_semaphore, #tpu.memory_space<semaphore_mem>>)
      %dma_wait3A = arith.constant 0 : i32
      %dma_wait3A_25 = tpu.memref_slice %arg6[%arg0, %mul3A_0, %dma_wait3A] : memref<2x10240x128xf32, #tpu.memory_space<hbm>> -> memref<1x640x128xf32, #tpu.memory_space<hbm>>
      %dma_wait3A_26 = tpu.memref_squeeze %dma_wait3A_25 : memref<1x640x128xf32, #tpu.memory_space<hbm>> -> memref<640x128xf32, #tpu.memory_space<hbm>>
      %dma_wait3A_27 = arith.constant 0 : i32
      %dma_wait3A_28 = tpu.memref_slice %arg7[%mul3A_0, %dma_wait3A_27] : memref<10240x128xf32, #tpu.memory_space<vmem_shared>> -> memref<640x128xf32, #tpu.memory_space<vmem_shared>>
      tpu.wait_dma2 semaphore(%run_scoped3A : memref<!tpu.dma_semaphore, #tpu.memory_space<semaphore_mem>>) src(%dma_wait3A_28 : memref<640x128xf32, #tpu.memory_space<vmem_shared>>) dst(%dma_wait3A_26 : memref<640x128xf32, #tpu.memory_space<hbm>>)
      tpu.yield
    }) : () -> ()
    return
  }
}

module attributes {stable_mosaic.version = 14 : i64} {
  func.func @_tc_pre_body(%arg0: memref<2x10240x16xf32, #tpu.memory_space<vmem>>, %arg1: memref<2x10240x16xf32, #tpu.memory_space<vmem>>, %arg2: memref<10000x128xf32, #tpu.memory_space<vmem>>, %arg3: memref<10000x1xf32, #tpu.memory_space<vmem>>, %arg4: memref<128x128xf32, #tpu.memory_space<vmem>>, %arg5: memref<10000x3xf32, #tpu.memory_space<vmem>>, %arg6: memref<10000x128xf32, #tpu.memory_space<vmem>>) attributes {dimension_semantics = [], scalar_prefetch = 0 : i64, scratch_operands = 0 : i64, tpu.core_type = #tpu.core_type<tc>} {
    %get3A = arith.constant 0 : index
    %get3A_0 = arith.constant 0 : index
    %get3A_1 = arith.constant 0 : index
    %get3A_2 = vector.load %arg0[%get3A, %get3A_0, %get3A_1] : memref<2x10240x16xf32, #tpu.memory_space<vmem>>, vector<2x10240x16xf32>
    %get3A_3 = arith.constant 0 : index
    %get3A_4 = arith.constant 0 : index
    %get3A_5 = arith.constant 0 : index
    %get3A_6 = vector.load %arg1[%get3A_3, %get3A_4, %get3A_5] : memref<2x10240x16xf32, #tpu.memory_space<vmem>>, vector<2x10240x16xf32>
    %slice3A = vector.extract_strided_slice %get3A_2 {offsets = [0, 0, 0], sizes = [1, 10000, 1], strides = [1, 1, 1]} : vector<2x10240x16xf32> to vector<1x10000x1xf32>
    %squeeze3A = vector.shape_cast %slice3A : vector<1x10000x1xf32> to vector<10000x1xf32>
    %slice3A_7 = vector.extract_strided_slice %get3A_2 {offsets = [1, 0, 0], sizes = [1, 10000, 1], strides = [1, 1, 1]} : vector<2x10240x16xf32> to vector<1x10000x1xf32>
    %squeeze3A_8 = vector.shape_cast %slice3A_7 : vector<1x10000x1xf32> to vector<10000x1xf32>
    %add3A = arith.addf %squeeze3A, %squeeze3A_8 : vector<10000x1xf32>
    %slice3A_9 = vector.extract_strided_slice %get3A_6 {offsets = [0, 0, 0], sizes = [1, 10000, 1], strides = [1, 1, 1]} : vector<2x10240x16xf32> to vector<1x10000x1xf32>
    %squeeze3A_10 = vector.shape_cast %slice3A_9 : vector<1x10000x1xf32> to vector<10000x1xf32>
    %slice3A_11 = vector.extract_strided_slice %get3A_6 {offsets = [1, 0, 0], sizes = [1, 10000, 1], strides = [1, 1, 1]} : vector<2x10240x16xf32> to vector<1x10000x1xf32>
    %squeeze3A_12 = vector.shape_cast %slice3A_11 : vector<1x10000x1xf32> to vector<10000x1xf32>
    %add3A_13 = arith.addf %squeeze3A_10, %squeeze3A_12 : vector<10000x1xf32>
    %max3A = arith.constant 1.000000e+00 : f32
    %max3A_14 = vector.broadcast %max3A : f32 to vector<10000x1xf32>
    %max3A_15 = arith.maximumf %add3A, %max3A_14 : vector<10000x1xf32>
    %rsqrt3A = math.rsqrt %max3A_15 : vector<10000x1xf32>
    %max3A_16 = arith.constant 1.000000e+00 : f32
    %max3A_17 = vector.broadcast %max3A_16 : f32 to vector<10000x1xf32>
    %max3A_18 = arith.maximumf %add3A_13, %max3A_17 : vector<10000x1xf32>
    %rsqrt3A_19 = math.rsqrt %max3A_18 : vector<10000x1xf32>
    %get3A_20 = arith.constant 0 : index
    %get3A_21 = arith.constant 0 : index
    %get3A_22 = vector.load %arg3[%get3A_20, %get3A_21] : memref<10000x1xf32, #tpu.memory_space<vmem>>, vector<10000x1xf32>
    %concatenate3A = tpu.concatenate %rsqrt3A, %rsqrt3A_19, %get3A_22 in 1 : vector<10000x1xf32>, vector<10000x1xf32>, vector<10000x1xf32> -> vector<10000x3xf32>
    %swap3A = arith.constant 0 : index
    %swap3A_23 = arith.constant 0 : index
    %swap3A_24 = vector.load %arg5[%swap3A, %swap3A_23] : memref<10000x3xf32, #tpu.memory_space<vmem>>, vector<10000x3xf32>
    tpu.vector_store %arg5[%swap3A, %swap3A_23], %concatenate3A {strides = array<i32>} : memref<10000x3xf32, #tpu.memory_space<vmem>>, vector<10000x3xf32>,
    %get3A_25 = arith.constant 0 : index
    %get3A_26 = arith.constant 0 : index
    %get3A_27 = vector.load %arg2[%get3A_25, %get3A_26] : memref<10000x128xf32, #tpu.memory_space<vmem>>, vector<10000x128xf32>
    %mul3A = vector.broadcast %rsqrt3A : vector<10000x1xf32> to vector<10000x128xf32>
    %mul3A_28 = arith.mulf %get3A_27, %mul3A : vector<10000x128xf32>
    %get3A_29 = arith.constant 0 : index
    %get3A_30 = arith.constant 0 : index
    %get3A_31 = vector.load %arg4[%get3A_29, %get3A_30] : memref<128x128xf32, #tpu.memory_space<vmem>>, vector<128x128xf32>
    %dot_general3A = arith.constant dense<0.000000e+00> : vector<10000x128xf32>
    %dot_general3A_32 = tpu.matmul %mul3A_28, %get3A_31, %dot_general3A {dimension_numbers = #tpu.dot_dimension_numbers<[1], [0], [0], [1], [0, 0, 1, 1], [], []>, transpose_lhs_hint = false} : vector<10000x128xf32>, vector<128x128xf32>, vector<10000x128xf32> -> vector<10000x128xf32>
    %swap3A_33 = arith.constant 0 : index
    %swap3A_34 = arith.constant 0 : index
    %swap3A_35 = vector.load %arg6[%swap3A_33, %swap3A_34] : memref<10000x128xf32, #tpu.memory_space<vmem>>, vector<10000x128xf32>
    tpu.vector_store %arg6[%swap3A_33, %swap3A_34], %dot_general3A_32 {strides = array<i32>} : memref<10000x128xf32, #tpu.memory_space<vmem>>, vector<10000x128xf32>,
    return
  }
}

module attributes {stable_mosaic.version = 14 : i64} {
  func.func @_tc_mid_body(%arg0: memref<10000x128xf32, #tpu.memory_space<vmem>>, %arg1: memref<2x10240x128xf32, #tpu.memory_space<vmem>>, %arg2: memref<10000x3xf32, #tpu.memory_space<vmem>>, %arg3: memref<1x128xf32, #tpu.memory_space<vmem>>, %arg4: memref<1x128xf32, #tpu.memory_space<vmem>>, %arg5: memref<1x128xf32, #tpu.memory_space<vmem>>, %arg6: memref<128x128xf32, #tpu.memory_space<vmem>>, %arg7: memref<10000x128xf32, #tpu.memory_space<vmem>>, %arg8: memref<10000x128xf32, #tpu.memory_space<vmem>>) attributes {dimension_semantics = [], scalar_prefetch = 0 : i64, scratch_operands = 0 : i64, tpu.core_type = #tpu.core_type<tc>} {
    %get3A = arith.constant 0 : index
    %get3A_0 = arith.constant 0 : index
    %get3A_1 = vector.load %arg2[%get3A, %get3A_0] : memref<10000x3xf32, #tpu.memory_space<vmem>>, vector<10000x3xf32>
    %get3A_2 = arith.constant 0 : index
    %get3A_3 = arith.constant 0 : index
    %get3A_4 = vector.load %arg0[%get3A_2, %get3A_3] : memref<10000x128xf32, #tpu.memory_space<vmem>>, vector<10000x128xf32>
    %get3A_5 = arith.constant 0 : index
    %get3A_6 = arith.constant 0 : index
    %get3A_7 = arith.constant 0 : index
    %get3A_8 = vector.load %arg1[%get3A_5, %get3A_6, %get3A_7] : memref<2x10240x128xf32, #tpu.memory_space<vmem>>, vector<2x10240x128xf32>
    %get3A_9 = arith.constant 0 : index
    %get3A_10 = arith.constant 0 : index
    %get3A_11 = vector.load %arg3[%get3A_9, %get3A_10] : memref<1x128xf32, #tpu.memory_space<vmem>>, vector<1x128xf32>
    %get3A_12 = arith.constant 0 : index
    %get3A_13 = arith.constant 0 : index
    %get3A_14 = vector.load %arg4[%get3A_12, %get3A_13] : memref<1x128xf32, #tpu.memory_space<vmem>>, vector<1x128xf32>
    %get3A_15 = arith.constant 0 : index
    %get3A_16 = arith.constant 0 : index
    %get3A_17 = vector.load %arg5[%get3A_15, %get3A_16] : memref<1x128xf32, #tpu.memory_space<vmem>>, vector<1x128xf32>
    %slice3A = vector.extract_strided_slice %get3A_8 {offsets = [0, 0, 0], sizes = [1, 10000, 128], strides = [1, 1, 1]} : vector<2x10240x128xf32> to vector<1x10000x128xf32>
    %squeeze3A = vector.shape_cast %slice3A : vector<1x10000x128xf32> to vector<10000x128xf32>
    %slice3A_18 = vector.extract_strided_slice %get3A_8 {offsets = [1, 0, 0], sizes = [1, 10000, 128], strides = [1, 1, 1]} : vector<2x10240x128xf32> to vector<1x10000x128xf32>
    %squeeze3A_19 = vector.shape_cast %slice3A_18 : vector<1x10000x128xf32> to vector<10000x128xf32>
    %add3A = arith.addf %squeeze3A, %squeeze3A_19 : vector<10000x128xf32>
    %slice3A_20 = vector.extract_strided_slice %get3A_1 {offsets = [0, 1], sizes = [10000, 1], strides = [1, 1]} : vector<10000x3xf32> to vector<10000x1xf32>
    %slice3A_21 = vector.extract_strided_slice %get3A_1 {offsets = [0, 2], sizes = [10000, 1], strides = [1, 1]} : vector<10000x3xf32> to vector<10000x1xf32>
    %mul3A = vector.broadcast %slice3A_20 : vector<10000x1xf32> to vector<10000x128xf32>
    %mul3A_22 = arith.mulf %add3A, %mul3A : vector<10000x128xf32>
    %add3A_23 = vector.broadcast %get3A_11 : vector<1x128xf32> to vector<10000x128xf32>
    %add3A_24 = arith.addf %mul3A_22, %add3A_23 : vector<10000x128xf32>
    %mul3A_25 = vector.broadcast %slice3A_21 : vector<10000x1xf32> to vector<10000x128xf32>
    %mul3A_26 = arith.mulf %add3A_24, %mul3A_25 : vector<10000x128xf32>
    %reduce_sum3A = arith.constant dense<0.000000e+00> : vector<128xf32>
    %reduce_sum3A_27 = vector.multi_reduction <add>, %mul3A_26, %reduce_sum3A [0] : vector<10000x128xf32> to vector<128xf32>
    %broadcast_in_dim3A = vector.shape_cast %reduce_sum3A_27 : vector<128xf32> to vector<1x128xf32>
    %div3A = arith.constant 1.000000e+04 : f32
    %div3A_28 = vector.broadcast %div3A : f32 to vector<1x128xf32>
    %div3A_29 = arith.divf %broadcast_in_dim3A, %div3A_28 : vector<1x128xf32>
    %sub3A = vector.broadcast %div3A_29 : vector<1x128xf32> to vector<10000x128xf32>
    %sub3A_30 = arith.subf %mul3A_26, %sub3A : vector<10000x128xf32>
    %mul3A_31 = arith.mulf %sub3A_30, %sub3A_30 : vector<10000x128xf32>
    %reduce_sum3A_32 = arith.constant dense<0.000000e+00> : vector<128xf32>
    %reduce_sum3A_33 = vector.multi_reduction <add>, %mul3A_31, %reduce_sum3A_32 [0] : vector<10000x128xf32> to vector<128xf32>
    %broadcast_in_dim3A_34 = vector.shape_cast %reduce_sum3A_33 : vector<128xf32> to vector<1x128xf32>
    %div3A_35 = arith.constant 1.000000e+04 : f32
    %div3A_36 = vector.broadcast %div3A_35 : f32 to vector<1x128xf32>
    %div3A_37 = arith.divf %broadcast_in_dim3A_34, %div3A_36 : vector<1x128xf32>
    %add3A_38 = arith.constant 9.99999974E-6 : f32
    %add3A_39 = vector.broadcast %add3A_38 : f32 to vector<1x128xf32>
    %add3A_40 = arith.addf %div3A_37, %add3A_39 : vector<1x128xf32>
    %rsqrt3A = math.rsqrt %add3A_40 : vector<1x128xf32>
    %mul3A_41 = vector.broadcast %rsqrt3A : vector<1x128xf32> to vector<10000x128xf32>
    %mul3A_42 = arith.mulf %sub3A_30, %mul3A_41 : vector<10000x128xf32>
    %mul3A_43 = vector.broadcast %get3A_14 : vector<1x128xf32> to vector<10000x128xf32>
    %mul3A_44 = arith.mulf %mul3A_42, %mul3A_43 : vector<10000x128xf32>
    %add3A_45 = vector.broadcast %get3A_17 : vector<1x128xf32> to vector<10000x128xf32>
    %add3A_46 = arith.addf %mul3A_44, %add3A_45 : vector<10000x128xf32>
    %max3A = arith.constant 0.000000e+00 : f32
    %max3A_47 = vector.broadcast %max3A : f32 to vector<10000x128xf32>
    %max3A_48 = arith.maximumf %add3A_46, %max3A_47 : vector<10000x128xf32>
    %add3A_49 = arith.addf %get3A_4, %max3A_48 : vector<10000x128xf32>
    %swap3A = arith.constant 0 : index
    %swap3A_50 = arith.constant 0 : index
    %swap3A_51 = vector.load %arg7[%swap3A, %swap3A_50] : memref<10000x128xf32, #tpu.memory_space<vmem>>, vector<10000x128xf32>
    tpu.vector_store %arg7[%swap3A, %swap3A_50], %add3A_49 {strides = array<i32>} : memref<10000x128xf32, #tpu.memory_space<vmem>>, vector<10000x128xf32>,
    %slice3A_52 = vector.extract_strided_slice %get3A_1 {offsets = [0, 0], sizes = [10000, 1], strides = [1, 1]} : vector<10000x3xf32> to vector<10000x1xf32>
    %mul3A_53 = vector.broadcast %slice3A_52 : vector<10000x1xf32> to vector<10000x128xf32>
    %mul3A_54 = arith.mulf %add3A_49, %mul3A_53 : vector<10000x128xf32>
    %get3A_55 = arith.constant 0 : index
    %get3A_56 = arith.constant 0 : index
    %get3A_57 = vector.load %arg6[%get3A_55, %get3A_56] : memref<128x128xf32, #tpu.memory_space<vmem>>, vector<128x128xf32>
    %dot_general3A = arith.constant dense<0.000000e+00> : vector<10000x128xf32>
    %dot_general3A_58 = tpu.matmul %mul3A_54, %get3A_57, %dot_general3A {dimension_numbers = #tpu.dot_dimension_numbers<[1], [0], [0], [1], [0, 0, 1, 1], [], []>, transpose_lhs_hint = false} : vector<10000x128xf32>, vector<128x128xf32>, vector<10000x128xf32> -> vector<10000x128xf32>
    %swap3A_59 = arith.constant 0 : index
    %swap3A_60 = arith.constant 0 : index
    %swap3A_61 = vector.load %arg8[%swap3A_59, %swap3A_60] : memref<10000x128xf32, #tpu.memory_space<vmem>>, vector<10000x128xf32>
    tpu.vector_store %arg8[%swap3A_59, %swap3A_60], %dot_general3A_58 {strides = array<i32>} : memref<10000x128xf32, #tpu.memory_space<vmem>>, vector<10000x128xf32>,
    return
  }
}

module attributes {stable_mosaic.version = 14 : i64} {
  func.func @_tc_post_body(%arg0: memref<10000x128xf32, #tpu.memory_space<vmem>>, %arg1: memref<2x10240x128xf32, #tpu.memory_space<vmem>>, %arg2: memref<10000x3xf32, #tpu.memory_space<vmem>>, %arg3: memref<1x128xf32, #tpu.memory_space<vmem>>, %arg4: memref<1x128xf32, #tpu.memory_space<vmem>>, %arg5: memref<1x128xf32, #tpu.memory_space<vmem>>, %arg6: memref<128x64xf32, #tpu.memory_space<vmem>>, %arg7: memref<1x64xf32, #tpu.memory_space<vmem>>, %arg8: memref<64x32xf32, #tpu.memory_space<vmem>>, %arg9: memref<1x32xf32, #tpu.memory_space<vmem>>, %arg10: memref<32x10xf32, #tpu.memory_space<vmem>>, %arg11: memref<1x10xf32, #tpu.memory_space<vmem>>, %arg12: memref<1x10xf32, #tpu.memory_space<vmem>>) attributes {dimension_semantics = [], scalar_prefetch = 0 : i64, scratch_operands = 0 : i64, tpu.core_type = #tpu.core_type<tc>} {
    %get3A = arith.constant 0 : index
    %get3A_0 = arith.constant 0 : index
    %get3A_1 = vector.load %arg0[%get3A, %get3A_0] : memref<10000x128xf32, #tpu.memory_space<vmem>>, vector<10000x128xf32>
    %get3A_2 = arith.constant 0 : index
    %get3A_3 = arith.constant 0 : index
    %get3A_4 = arith.constant 0 : index
    %get3A_5 = vector.load %arg1[%get3A_2, %get3A_3, %get3A_4] : memref<2x10240x128xf32, #tpu.memory_space<vmem>>, vector<2x10240x128xf32>
    %get3A_6 = arith.constant 0 : index
    %get3A_7 = arith.constant 0 : index
    %get3A_8 = vector.load %arg2[%get3A_6, %get3A_7] : memref<10000x3xf32, #tpu.memory_space<vmem>>, vector<10000x3xf32>
    %get3A_9 = arith.constant 0 : index
    %get3A_10 = arith.constant 0 : index
    %get3A_11 = vector.load %arg3[%get3A_9, %get3A_10] : memref<1x128xf32, #tpu.memory_space<vmem>>, vector<1x128xf32>
    %get3A_12 = arith.constant 0 : index
    %get3A_13 = arith.constant 0 : index
    %get3A_14 = vector.load %arg4[%get3A_12, %get3A_13] : memref<1x128xf32, #tpu.memory_space<vmem>>, vector<1x128xf32>
    %get3A_15 = arith.constant 0 : index
    %get3A_16 = arith.constant 0 : index
    %get3A_17 = vector.load %arg5[%get3A_15, %get3A_16] : memref<1x128xf32, #tpu.memory_space<vmem>>, vector<1x128xf32>
    %slice3A = vector.extract_strided_slice %get3A_5 {offsets = [0, 0, 0], sizes = [1, 10000, 128], strides = [1, 1, 1]} : vector<2x10240x128xf32> to vector<1x10000x128xf32>
    %squeeze3A = vector.shape_cast %slice3A : vector<1x10000x128xf32> to vector<10000x128xf32>
    %slice3A_18 = vector.extract_strided_slice %get3A_5 {offsets = [1, 0, 0], sizes = [1, 10000, 128], strides = [1, 1, 1]} : vector<2x10240x128xf32> to vector<1x10000x128xf32>
    %squeeze3A_19 = vector.shape_cast %slice3A_18 : vector<1x10000x128xf32> to vector<10000x128xf32>
    %add3A = arith.addf %squeeze3A, %squeeze3A_19 : vector<10000x128xf32>
    %slice3A_20 = vector.extract_strided_slice %get3A_8 {offsets = [0, 1], sizes = [10000, 1], strides = [1, 1]} : vector<10000x3xf32> to vector<10000x1xf32>
    %slice3A_21 = vector.extract_strided_slice %get3A_8 {offsets = [0, 2], sizes = [10000, 1], strides = [1, 1]} : vector<10000x3xf32> to vector<10000x1xf32>
    %mul3A = vector.broadcast %slice3A_20 : vector<10000x1xf32> to vector<10000x128xf32>
    %mul3A_22 = arith.mulf %add3A, %mul3A : vector<10000x128xf32>
    %add3A_23 = vector.broadcast %get3A_11 : vector<1x128xf32> to vector<10000x128xf32>
    %add3A_24 = arith.addf %mul3A_22, %add3A_23 : vector<10000x128xf32>
    %mul3A_25 = vector.broadcast %slice3A_21 : vector<10000x1xf32> to vector<10000x128xf32>
    %mul3A_26 = arith.mulf %add3A_24, %mul3A_25 : vector<10000x128xf32>
    %reduce_sum3A = arith.constant dense<0.000000e+00> : vector<128xf32>
    %reduce_sum3A_27 = vector.multi_reduction <add>, %mul3A_26, %reduce_sum3A [0] : vector<10000x128xf32> to vector<128xf32>
    %broadcast_in_dim3A = vector.shape_cast %reduce_sum3A_27 : vector<128xf32> to vector<1x128xf32>
    %div3A = arith.constant 1.000000e+04 : f32
    %div3A_28 = vector.broadcast %div3A : f32 to vector<1x128xf32>
    %div3A_29 = arith.divf %broadcast_in_dim3A, %div3A_28 : vector<1x128xf32>
    %sub3A = vector.broadcast %div3A_29 : vector<1x128xf32> to vector<10000x128xf32>
    %sub3A_30 = arith.subf %mul3A_26, %sub3A : vector<10000x128xf32>
    %mul3A_31 = arith.mulf %sub3A_30, %sub3A_30 : vector<10000x128xf32>
    %reduce_sum3A_32 = arith.constant dense<0.000000e+00> : vector<128xf32>
    %reduce_sum3A_33 = vector.multi_reduction <add>, %mul3A_31, %reduce_sum3A_32 [0] : vector<10000x128xf32> to vector<128xf32>
    %broadcast_in_dim3A_34 = vector.shape_cast %reduce_sum3A_33 : vector<128xf32> to vector<1x128xf32>
    %div3A_35 = arith.constant 1.000000e+04 : f32
    %div3A_36 = vector.broadcast %div3A_35 : f32 to vector<1x128xf32>
    %div3A_37 = arith.divf %broadcast_in_dim3A_34, %div3A_36 : vector<1x128xf32>
    %add3A_38 = arith.constant 9.99999974E-6 : f32
    %add3A_39 = vector.broadcast %add3A_38 : f32 to vector<1x128xf32>
    %add3A_40 = arith.addf %div3A_37, %add3A_39 : vector<1x128xf32>
    %rsqrt3A = math.rsqrt %add3A_40 : vector<1x128xf32>
    %mul3A_41 = vector.broadcast %rsqrt3A : vector<1x128xf32> to vector<10000x128xf32>
    %mul3A_42 = arith.mulf %sub3A_30, %mul3A_41 : vector<10000x128xf32>
    %mul3A_43 = vector.broadcast %get3A_14 : vector<1x128xf32> to vector<10000x128xf32>
    %mul3A_44 = arith.mulf %mul3A_42, %mul3A_43 : vector<10000x128xf32>
    %add3A_45 = vector.broadcast %get3A_17 : vector<1x128xf32> to vector<10000x128xf32>
    %add3A_46 = arith.addf %mul3A_44, %add3A_45 : vector<10000x128xf32>
    %max3A = arith.constant 0.000000e+00 : f32
    %max3A_47 = vector.broadcast %max3A : f32 to vector<10000x128xf32>
    %max3A_48 = arith.maximumf %add3A_46, %max3A_47 : vector<10000x128xf32>
    %add3A_49 = arith.addf %get3A_1, %max3A_48 : vector<10000x128xf32>
    %reduce_sum3A_50 = arith.constant dense<0.000000e+00> : vector<128xf32>
    %reduce_sum3A_51 = vector.multi_reduction <add>, %add3A_49, %reduce_sum3A_50 [0] : vector<10000x128xf32> to vector<128xf32>
    %broadcast_in_dim3A_52 = vector.shape_cast %reduce_sum3A_51 : vector<128xf32> to vector<1x128xf32>
    %div3A_53 = arith.constant 1.000000e+04 : f32
    %div3A_54 = vector.broadcast %div3A_53 : f32 to vector<1x128xf32>
    %div3A_55 = arith.divf %broadcast_in_dim3A_52, %div3A_54 : vector<1x128xf32>
    %get3A_56 = arith.constant 0 : index
    %get3A_57 = arith.constant 0 : index
    %get3A_58 = vector.load %arg6[%get3A_56, %get3A_57] : memref<128x64xf32, #tpu.memory_space<vmem>>, vector<128x64xf32>
    %dot_general3A = arith.constant dense<0.000000e+00> : vector<1x64xf32>
    %dot_general3A_59 = tpu.matmul %div3A_55, %get3A_58, %dot_general3A {dimension_numbers = #tpu.dot_dimension_numbers<[1], [0], [0], [1], [0, 0, 1, 1], [], []>, transpose_lhs_hint = false} : vector<1x128xf32>, vector<128x64xf32>, vector<1x64xf32> -> vector<1x64xf32>
    %get3A_60 = arith.constant 0 : index
    %get3A_61 = arith.constant 0 : index
    %get3A_62 = vector.load %arg7[%get3A_60, %get3A_61] : memref<1x64xf32, #tpu.memory_space<vmem>>, vector<1x64xf32>
    %add3A_63 = arith.addf %dot_general3A_59, %get3A_62 : vector<1x64xf32>
    %max3A_64 = arith.constant 0.000000e+00 : f32
    %max3A_65 = vector.broadcast %max3A_64 : f32 to vector<1x64xf32>
    %max3A_66 = arith.maximumf %add3A_63, %max3A_65 : vector<1x64xf32>
    %get3A_67 = arith.constant 0 : index
    %get3A_68 = arith.constant 0 : index
    %get3A_69 = vector.load %arg8[%get3A_67, %get3A_68] : memref<64x32xf32, #tpu.memory_space<vmem>>, vector<64x32xf32>
    %dot_general3A_70 = arith.constant dense<0.000000e+00> : vector<1x32xf32>
    %dot_general3A_71 = tpu.matmul %max3A_66, %get3A_69, %dot_general3A_70 {dimension_numbers = #tpu.dot_dimension_numbers<[1], [0], [0], [1], [0, 0, 1, 1], [], []>, transpose_lhs_hint = false} : vector<1x64xf32>, vector<64x32xf32>, vector<1x32xf32> -> vector<1x32xf32>
    %get3A_72 = arith.constant 0 : index
    %get3A_73 = arith.constant 0 : index
    %get3A_74 = vector.load %arg9[%get3A_72, %get3A_73] : memref<1x32xf32, #tpu.memory_space<vmem>>, vector<1x32xf32>
    %add3A_75 = arith.addf %dot_general3A_71, %get3A_74 : vector<1x32xf32>
    %max3A_76 = arith.constant 0.000000e+00 : f32
    %max3A_77 = vector.broadcast %max3A_76 : f32 to vector<1x32xf32>
    %max3A_78 = arith.maximumf %add3A_75, %max3A_77 : vector<1x32xf32>
    %get3A_79 = arith.constant 0 : index
    %get3A_80 = arith.constant 0 : index
    %get3A_81 = vector.load %arg10[%get3A_79, %get3A_80] : memref<32x10xf32, #tpu.memory_space<vmem>>, vector<32x10xf32>
    %dot_general3A_82 = arith.constant dense<0.000000e+00> : vector<1x10xf32>
    %dot_general3A_83 = tpu.matmul %max3A_78, %get3A_81, %dot_general3A_82 {dimension_numbers = #tpu.dot_dimension_numbers<[1], [0], [0], [1], [0, 0, 1, 1], [], []>, transpose_lhs_hint = false} : vector<1x32xf32>, vector<32x10xf32>, vector<1x10xf32> -> vector<1x10xf32>
    %get3A_84 = arith.constant 0 : index
    %get3A_85 = arith.constant 0 : index
    %get3A_86 = vector.load %arg11[%get3A_84, %get3A_85] : memref<1x10xf32, #tpu.memory_space<vmem>>, vector<1x10xf32>
    %add3A_87 = arith.addf %dot_general3A_83, %get3A_86 : vector<1x10xf32>
    %swap3A = arith.constant 0 : index
    %swap3A_88 = arith.constant 0 : index
    %swap3A_89 = vector.load %arg12[%swap3A, %swap3A_88] : memref<1x10xf32, #tpu.memory_space<vmem>>, vector<1x10xf32>
    tpu.vector_store %arg12[%swap3A, %swap3A_88], %add3A_87 {strides = array<i32>} : memref<1x10xf32, #tpu.memory_space<vmem>>, vector<1x10xf32>,
    return
  }
}

</mosaic_0001>

<sc_bundles>
// kernel: kernel.12.cloned.1.call-start
scs
__scs_entry_jumppad:
0x0: {  	(pc) =	sbr.rel $0x88, $3  }
0x1: {  	(tag) =	ssettag $0x0;
	lr =	simm.s32 $0x1  }
0x2: {  	[smem:$0x3F88] =	sst lr;
	_ =	strace $0xD0000000  }
0x3: {  	_ = 	snop  }
0x4: {  	_ = 	snop  }
0x5: {  	_ = 	snop  }
0x6: {  	_ = 	snop  }
0x7: {  	_ = 	snop  }
__scs_overlays_trampoline_lowered:
0x8: {  	[smem:$0x3F97] =	sst s0  }
0x9: {  	[smem:$0x3F98] =	sst s1  }
0xa: {  	[smem:$0x3F99] =	sst s2  }
0xb: {  	[smem:$0x3F9A] =	sst s3  }
0xc: {  	[smem:$0x3F9B] =	sst s4  }
0xd: {  	[smem:$0x3F9C] =	sst s5  }
0xe: {  	[smem:$0x3F9D] =	sst s6  }
0xf: {  	[smem:$0x3F9E] =	sst s7  }
0x10: {  	[smem:$0x3F9F] =	sst s8  }
0x11: {  	[smem:$0x3FA0] =	sst s9;
	s0 =	simm.s32 @!p0 $0x0  }
0x12: {  	s1 =	sld [smem:$0x3F86];
	s0 =	simm.s32 @p0 $0x1  }
0x13: {  	[smem:$0x3FA1] =	sst s0;
	s0 =	simm.s32 @!p1 $0x0  }
0x14: {  	s2 =	sld [smem:$0x3F85];
	s0 =	simm.s32 @p1 $0x1  }
0x15: {  	[smem:$0x3FA2] =	sst s0;
	s0 =	simm.s32 @!p2 $0x0  }
0x16: {  	s3 =	sld [smem:$0x3FDB];
	s0 =	simm.s32 @p2 $0x1  }
0x17: {  	s4 =	simm.s32 $0x1BF5;
	[smem:$0x3FA4] =	sst s0  }
0x18: {  	s0 =	sld [smem:$0x3F87];
	_ =	swait.ge [sflag:s4], $0x0  }
0x19: {  	s7 =	sld [smem:$0x3F88]  }
0x1a: {  	s8 =	sadd.s32 $0xFFFFE003, lr  }
0x1b: {  	s9 =	sadd.s32 $0xFFFFFEF7, lr;
	s5 =	simm.s32 $0xFFFFFFFF;
	p2 =	slt.u32 s8, $0xFFFFF086  }
0x1c: {  	p1 =	slt.u32 s9, $0xF7A;
	s5 =	simm.s32 @!p2 $0x0  }
0x1d: {  	s5 =	simm.s32 @p1 $0x1;
	p0 =	seq.s32 s7, s2  }
0x1e: {  	s7 =	smul.u32 @!p0 $0xF7A, s2;
	p2 =	seq.s32 @!p0 s5, $0x0  }
0x1f: {  	s9 =	smul.u32 $0xF7A, s1;
	s8 =	simm.s32 @!p0 $0x1BF5;
	p2 =	por !p2, p0  }
0x20: {  	[sflag:s8] =	ssyncset.s32 @!p0 $0xFFFFF086;
	s6 =	sadd.s32 @!p0 s3, s7;
	s7 =	simm.s32 @!p0 $0x108  }
0x21: {  	s3 =	sadd.s32 s3, s9;
	s6 =	sadd.s32 @!p0 $0x88, s6;
	s7 =	simm.s32 @p2 $0x1082  }
0x22: {  	[simem:s7], [sflag:s8] =	dma.local @!p0 [hbm:s6], $0xF7A  }
0x23: {  	s9 =	sor.u32 $0xD0000000, s2;
	s6 =	simm.s32 $0x108;
	_ =	swait.ge @!p0 [sflag:s8], $0x0  }
0x24: {  	s3 =	sadd.s32 $0x88, s3;
	s6 =	simm.s32 @!p1 $0x1082;
	[sflag:s4] =	ssyncset.s32 $0xFFFFF086  }
0x25: {  	[simem:s6], [sflag:s4] =	dma.local [hbm:s3], $0xF7A  }
0x26: {  	[smem:$0x3F88] =	sst s1;
	(tag) =	ssettag s2;
	_ =	strace s9  }
0x27: {  	s1 =	sld [smem:$0x3F98]  }
0x28: {  	s2 =	sld [smem:$0x3F99]  }
0x29: {  	s4 =	sld [smem:$0x3F9B]  }
0x2a: {  	p0 =	seq.s32 s5, $0x0;
	s5 =	sld [smem:$0x3F9C]  }
0x2b: {  	s6 =	sld [smem:$0x3F9D]  }
0x2c: {  	s7 =	sld [smem:$0x3F9E]  }
0x2d: {  	s3 =	simm.s32 $0x108;
	s8 =	sld [smem:$0x3F9F]  }
0x2e: {  	s3 =	simm.s32 @!p0 $0x1082;
	s9 =	sld [smem:$0x3FA0]  }
0x2f: {  	lr =	sadd.s32 s0, s3;
	s0 =	sld [smem:$0x3F97]  }
0x30: {  	s3 =	sld [smem:$0x3F9A]  }
0x31: {  	[smem:$0x3FA3] =	sst s10  }
0x32: {  	s10 =	sld [smem:$0x3FA1];
	_ =	sdelay $0x3  }
0x33: {  	p0 =	seq.s32 s10, $0x1;
	s10 =	sld [smem:$0x3FA3];
	_ =	sdelay $0x3  }
0x34: {  	[smem:$0x3FA3] =	sst s10  }
0x35: {  	s10 =	sld [smem:$0x3FA2];
	_ =	sdelay $0x3  }
0x36: {  	p1 =	seq.s32 s10, $0x1;
	s10 =	sld [smem:$0x3FA3];
	_ =	sdelay $0x3  }
0x37: {  	[smem:$0x3FA3] =	sst s10  }
0x38: {  	s10 =	sld [smem:$0x3FA4]  }
0x39: {  	_ = 	snop;
	(pc) =	sbr.ind lr, $3  }
0x3a: {  	_ = 	snop  }
0x3b: {  	_ = 	snop  }
0x3c: {  	p2 =	seq.s32 s10, $0x1;
	s10 =	sld [smem:$0x3FA3]  }
0x3d: {  	_ =	shalt  }
0x3e: {  	_ =	shalt  }
0x3f: {  	_ =	shalt  }
0x40: {  	_ =	shalt  }
0x41: {  	_ =	shalt  }
0x42: {  	_ =	shalt  }
0x43: {  	_ =	shalt  }
0x44: {  	_ =	shalt  }
0x45: {  	_ =	shalt  }
0x46: {  	_ =	shalt  }
0x47: {  	_ =	shalt  }
0x48: {  	_ =	shalt  }
0x49: {  	_ =	shalt  }
0x4a: {  	_ =	shalt  }
0x4b: {  	_ =	shalt  }
0x4c: {  	_ =	shalt  }
0x4d: {  	_ =	shalt  }
0x4e: {  	_ =	shalt  }
0x4f: {  	_ =	shalt  }
0x50: {  	_ =	shalt  }
0x51: {  	_ =	shalt  }
0x52: {  	_ =	shalt  }
0x53: {  	_ =	shalt  }
0x54: {  	_ =	shalt  }
0x55: {  	_ =	shalt  }
0x56: {  	_ =	shalt  }
0x57: {  	_ =	shalt  }
0x58: {  	_ =	shalt  }
0x59: {  	_ =	shalt  }
0x5a: {  	_ =	shalt  }
0x5b: {  	_ =	shalt  }
0x5c: {  	_ =	shalt  }
0x5d: {  	_ =	shalt  }
0x5e: {  	_ =	shalt  }
0x5f: {  	_ =	shalt  }
0x60: {  	_ =	shalt  }
0x61: {  	_ =	shalt  }
0x62: {  	_ =	shalt  }
0x63: {  	_ =	shalt  }
0x64: {  	_ =	shalt  }
0x65: {  	_ =	shalt  }
0x66: {  	_ =	shalt  }
0x67: {  	_ =	shalt  }
0x68: {  	_ =	shalt  }
0x69: {  	_ =	shalt  }
0x6a: {  	_ =	shalt  }
0x6b: {  	_ =	shalt  }
0x6c: {  	_ =	shalt  }
0x6d: {  	_ =	shalt  }
0x6e: {  	_ =	shalt  }
0x6f: {  	_ =	shalt  }
0x70: {  	_ =	shalt  }
0x71: {  	_ =	shalt  }
0x72: {  	_ =	shalt  }
0x73: {  	_ =	shalt  }
0x74: {  	_ =	shalt  }
0x75: {  	_ =	shalt  }
0x76: {  	_ =	shalt  }
0x77: {  	_ =	shalt  }
0x78: {  	_ =	shalt  }
0x79: {  	_ =	shalt  }
0x7a: {  	_ =	shalt  }
0x7b: {  	_ =	shalt  }
0x7c: {  	_ =	shalt  }
0x7d: {  	_ =	shalt  }
0x7e: {  	_ =	shalt  }
0x7f: {  	_ =	shalt  }
0x80: {  	_ =	shalt  }
0x81: {  	_ =	shalt  }
0x82: {  	_ =	shalt  }
0x83: {  	_ =	shalt  }
0x84: {  	_ =	shalt  }
0x85: {  	_ =	shalt  }
0x86: {  	_ =	shalt  }
0x87: {  	_ =	shalt  }
.Lfunc_end0:
.L_simem_size_0:
called_computation_lowered:
.L_overlay_start_0:
0x88: {  	s2 =	sld [smem:$0x3FD9]  }
0x89: {  	s3 =	sld [smem:$0x3FFE];
	_ =	sdelay $0x1  }
0x8a: {  	s1 =	srdreg.scid  }
0x8b: {  	s0 =	sand.u32 $0x1, s1  }
0x8c: {  	s16 =	sshll.u32 s0, $0xA;
	s2 =	sadd.s32 s3, s2  }
0x8d: {  	s2 =	sadd.s32 s2, s16  }
0x8e: {  	[smem:$0x3FAF] =	sst s2  }
0x8f: {  	_ = 	snop  }
0x90: {  	(tm) =	ssettm $0x1  }
0x91: {  	s17 =	sld [smem:$0x3FFB];
	_ =	sdelay $0x3  }
0x92: {  	_ =	strace s17  }
0x93: {  	s2 =	sld [smem:$0x3FFC];
	_ =	sdelay $0x3  }
0x94: {  	_ =	strace s2  }
0x95: {  	s2 =	sld [smem:$0x3FFD];
	_ =	sdelay $0x3  }
0x96: {  	_ =	strace s2  }
0x97: {  	_ =	strace $0x8FFFFFFF  }
0x98: {  	s18 =	sld [smem:$0x3FDB];
	_ =	sdelay $0x1  }
0x99: {  	s19 =	simm.s32 $_scs_section_size  }
0x9a: {  	s4 =	simm.s32 $_size__tile_overlayer_lowered;
	s5 =	simm.s32 $_tile_overlayer_lowered  }
0x9b: {  	s22 =	simm.s32 $0x1BFF;
	s21 =	sshll.u32 s5, $0x1;
	s2 =	sadd.s32 s19, s18  }
0x9c: {  	s6 =	simm.s32 $0x0;
	s20 =	sshll.u32 s4, $0x1;
	s4 =	sadd.s32 s21, s2  }
0x9d: {  	[timem:s6], [sflag:s22] =	dma.local [hbm:s4], s20  }
0x9e: {  	_ =	swait.ge [sflag:s22], s20  }
0x9f: {  	s3 =	ssub.s32 $0x0, s20;
	[sflag:s22] =	ssyncset.done $0x0  }
0xa0: {  	[sflag:s22] =	ssyncadd.s32 s3;
	_ =	sdelay $0x1  }
0xa1: {  	s23 =	simm.s32 $0x1B8B  }
0xa2: {  	_ =	swait.ge [sflag:s23], $0x1  }
0xa3: {  	[sflag:s23] =	ssyncset.done $0x0  }
0xa4: {  	s25 =	simm.s32 $0x1B8E;
	s24 =	sld [smem:$0x3FFE];
	[sflag:s23] =	ssyncadd.s32 $0xFFFFFFFF  }
0xa5: {  	s26 =	simm.s32 $execute0_lowered;
	[smem:$0x3FD2] =	sst s25  }
0xa6: {  	s4 =	sshll.u32 s26, $0x1;
	_ =	strace $0x80000046;
	[dreg:$0x1] =	wrdreg $0xFFFFFFFF  }
0xa7: {  	s28 =	simm.s32 $_size_execute0_lowered;
	s2 =	sadd.s32 s2, s4;
	[dreg:$0x0] =	wrdreg $0x0  }
0xa8: {  	s4 =	sshll.u32 s28, $0x1;
	[dreg:$0x2] =	wrdreg s2  }
0xa9: {  	[dreg:$0x3] =	wrdreg s4  }
0xaa: {  	[dreg:$0x4] =	wrdreg $0xC0  }
0xab: {  	_ =	task [dreg:s6], $0x5FFFF  }
0xac: {  	[dreg:$0x1] =	wrdreg $0xFFFFFFFF  }
0xad: {  	[dreg:$0x0] =	wrdreg $0x60  }
0xae: {  	[dreg:$0x2] =	wrdreg s24  }
0xaf: {  	[dreg:$0x3] =	wrdreg $0x0  }
0xb0: {  	[dreg:$0x4] =	wrdreg $0x28000  }
0xb1: {  	[dreg:$0x5] =	wrdreg $0x9  }
0xb2: {  	_ =	task.clear_ibuf [dreg:s6], $0x6FFFF;
	_ =	strace $0x90000046  }
0xb3: {  	s29 =	simm.s32 $0x9;
	_ =	strace $0x80000048  }
0xb4: {  	_ =	swait.ge [sflag:s29], $0x1  }
0xb5: {  	[sflag:s29] =	ssyncadd.s32 $0xFFFFFFFF  }
0xb6: {  	_ =	strace $0x90000048  }
0xb7: {  	_ =	sfence  }
0xb8: {  	s30 =	sld [smem:$0x0];
	_ =	sdelay $0x2  }
0xb9: {  	s31 =	sshll.u32 s1, $0xD;
	s1 =	sshrl.u32 s1, $0x2  }
0xba: {  	s3 =	sand.u32 $0x4000, s31;
	s1 =	sadd.s32 s1, s30  }
0xbb: {  	s0 =	sor.u32 s3, s0;
	s1 =	sshll.u32 s1, $0x11  }
0xbc: {  	s0 =	sor.u32 s1, s0  }
0xbd: {  	s0 =	sadd.s32 $0x8F2B, s0  }
0xbe: {  	[sflag:s0] =	ssyncadd.remote.s32 $0x1  }
0xbf: {  	_ =	sfence.sel $0xFFFF  }
0xc0: {  	[dreg:$0x0] =	wrdreg $0xFFFFFFFF;
	(pc) =	sbr.abs _section_cstart, $3  }
0xc1: {  	[dreg:$0x1] =	wrdreg $0xFFFFFFFF  }
0xc2: {  	_ =	task.clear_ibuf [dreg:s6], $0x2FFFF;
	_ =	strace $0x9FFFFFFF  }
0xc3: {  	(tm) =	ssettm $0x7FFFFFFF  }
tec
execute0_lowered:
.L_overlay_start_1:
0x0: {  	(tag) =	ssettag $0x1  }
0x1: {  	s6 =	rddreg [dreg:$0x0]  }
0x2: {  	s2 =	rddreg [dreg:$0x1]  }
0x3: {  	s3 =	rddreg [dreg:$0x2]  }
0x4: {  	s0 =	rddreg [dreg:$0x3];
	s1 =	stileid.u32  }
0x5: {  	s7 =	srdreg.scid;
	s4 =	simm.s32 $0x0;
	s15 =	simm.s32 $0x3  }
0x6: {  	s16 =	simm.s32 $0xA000;
	s17 =	simm.s32 $0xF000;
	s21 =	simm.s32 $0x80  }
0x7: {  	s22 =	simm.s32 $0x1;
	s23 =	simm.s32 $0x2;
	s5 =	smul.u32 $0xA00, s1  }
0x8: {  	s24 =	simm.s32 $0x0;
	s9 =	smul.u32 $0x14000, s1;
	s8 =	sand.u32 $0x1, s7  }
0x9: {  	[smem:$0x7FF] =	sst s4;
	s18 =	sshll.u32 s1, $0x6;
	s7 =	smul.u32 $0x140000, s8  }
0xa: {  	_ =	strace $0x80000047;
	s11 =	ssub.s32 $0x2, s8;
	s31 =	smul.u32 $0xA000, s8  }
0xb: {  	s18 =	sor.u32 $0x1C03, s18;
	s10 =	sadd.s32 s5, s6;
	s30 =	sshrl.u32 s9, $0x3  }
0xc: {  	s13 =	sshrl.u32 s11, $0x1;
	s5 =	sadd.s32 $0x41C00, s6;
	s19 =	sadd.s32 s9, s2  }
0xd: {  	s20 =	sadd.s32 s9, s3;
	s7 =	sadd.s32 s9, s7;
	s12 =	sadd.s32 s30, s6  }
0xe: {  	s11 =	ssub.s32 s11, s13;
	s13 =	sshrl.u32 s31, $0x2;
	s19 =	sshrl.u32 s19, $0x3  }
0xf: {  	s20 =	sshrl.u32 s20, $0x3;
	s7 =	sshrl.u32 s7, $0x3;
	s8 =	sadd.s32 $0x19C00, s12  }
0x10: {  	s11 =	smax.u32 s11, $0x1;
	s12 =	sadd.s32 $0x5000, s13;
	s13 =	sadd.s32 $0xA000, s13  }
0x11: {  	s14 =	sadd.s32 s7, s6;
	s6 =	sadd.s32 $0x5C00, s10;
	s7 =	sadd.s32 $0xFC00, s10  }
0x12: {  	s9 =	sadd.s32 $0x42400, s14;
	s10 =	sadd.s32 $0x92400, s14;
	s14 =	simm.s32 $0x5000  }
.LBB2_1:
0x13: {  	[tilespmem:s14], [sflag:$0x3] =	stream.linear.gather [hbm4b:s6+s4], $0x5000, $0x38;
	[tilespmem:$0x13000] =	vst v63  }
0x14: {  	_ =	swait.ge [sflag:s15], $0x5000  }
0x15: {  	[sflag:s15] =	ssyncset.done $0x0  }
0x16: {  	[sflag:s15] =	ssyncadd.s32 $0xFFFFB000  }
0x17: {  	[tilespmem:s16], [sflag:$0x3] =	stream.linear.gather [hbm4b:s7+s4], $0x5000, $0x38;
	[tilespmem:$0x13000] =	vst v63  }
0x18: {  	_ =	swait.ge [sflag:s15], $0x5000  }
0x19: {  	[sflag:s15] =	ssyncset.done $0x0  }
0x1a: {  	[sflag:s15] =	ssyncadd.s32 $0xFFFFB000  }
0x1b: {  	[tilespmem:s17], [sflag:$0x3] =	stream.linear.gather [hbm4b:s5+s4], $0x4000, $0x38;
	[tilespmem:$0x13000] =	vst v63  }
0x1c: {  	_ =	swait.ge [sflag:s15], $0x4000  }
0x1d: {  	[sflag:s15] =	ssyncset.done $0x0  }
0x1e: {  	[sflag:s15] =	ssyncadd.s32 $0xFFFFC000  }
0x1f: {  	[spmem:s19], [sflag:s18] =	dma.local [hbm:s8], $0x2800  }
0x20: {  	_ =	swait.ge [sflag:s15], $0x2800  }
0x21: {  	[sflag:s15] =	ssyncset.done $0x0  }
0x22: {  	[sflag:s15] =	ssyncadd.s32 $0xFFFFD800  }
0x23: {  	[spmem:s20], [sflag:s18] =	dma.local [hbm:s8], $0x2800  }
0x24: {  	_ =	swait.ge [sflag:s15], $0x2800  }
0x25: {  	[sflag:s15] =	ssyncset.done $0x0  }
0x26: {  	[sflag:s15] =	ssyncadd.s32 $0xFFFFD800  }
0x27: {  	p0 =	por $0x1, $0x1;
	[bflag:$0x0] =	sbarrier.arrive $0xFFFF  }
0x28: {  	[spmem:s2] =	stream.indirect.scatter.add.f32 [tilespmem:s17], [sflag:$0x1], $0x10, s12, s21, $0xb8;
	[tilespmem:$0x13000] =	vst v63  }
0x29: {  	s25 =	simm.s32 @!p0 $0x1  }
0x2a: {  	[spmem:s3] =	stream.indirect.scatter.add.f32 [tilespmem:s17], [sflag:$0x2], $0x10, s13, s21, $0xb8;
	[tilespmem:$0x13000] =	vst v63  }
0x2b: {  	_ =	swait.ge @!p0 [sflag:s25], $0x800  }
0x2c: {  	[sflag:s25] =	ssyncset.done @!p0 $0x0  }
0x2d: {  	s26 =	sadd.s32 $0x80, s13;
	s29 =	simm.s32 @!p0 $0x2;
	[sflag:s25] =	ssyncadd.s32 @!p0 $0xFFFFF800  }
0x2e: {  	s28 =	smov.u32 s12;
	s25 =	simm.s32 $0x1;
	_ =	swait.ge @!p0 [sflag:s29], $0x800  }
.LBB2_2:
0x2f: {  	[sflag:s29] =	ssyncset.done @!p0 $0x0  }
0x30: {  	s28 =	sadd.s32 $0x80, s28;
	s30 =	smov.u32 s25;
	s25 =	sadd.s32 $0x1, s25  }
0x31: {  	p1 =	sne.s32 s25, $0x50;
	[sflag:s29] =	ssyncadd.s32 @!p0 $0xFFFFF800  }
0x32: {  	[spmem:s2] =	stream.indirect.scatter.add.f32 [tilespmem:s17], [sflag:$0x1], $0x10, s28, s21, $0xb8;
	[tilespmem:$0x13000] =	vst v63  }
0x33: {  	p0 =	slt.u32 s30, $0x8  }
0x34: {  	[spmem:s3] =	stream.indirect.scatter.add.f32 [tilespmem:s17], [sflag:$0x2], $0x10, s26, s21, $0xb8;
	[tilespmem:$0x13000] =	vst v63  }
.Ltmp0:
0x35: {  	s30 =	simm.s32 @!p0 $0x1;
	(pc) =	sbr.rel @p1 .LBB2_2-.Ltmp0, $4  }
0x36: {  	_ =	swait.ge @!p0 [sflag:s30], $0x800  }
0x37: {  	s29 =	simm.s32 @!p0 $0x2;
	[sflag:s30] =	ssyncset.done @!p0 $0x0  }
0x38: {  	[sflag:s30] =	ssyncadd.s32 @!p0 $0xFFFFF800  }
0x39: {  	s26 =	sadd.s32 $0x80, s26;
	_ =	swait.ge @!p0 [sflag:s29], $0x800  }
0x3a: {  	[sflag:s29] =	ssyncset.done @!p0 $0x0  }
0x3b: {  	[sflag:s29] =	ssyncadd.s32 @!p0 $0xFFFFF800  }
0x3c: {  	_ =	swait.ge [sflag:s22], $0x800  }
0x3d: {  	[sflag:s22] =	ssyncset.done $0x0  }
0x3e: {  	[sflag:s22] =	ssyncadd.s32 $0xFFFFF800  }
0x3f: {  	_ =	swait.ge [sflag:s23], $0x800  }
0x40: {  	[sflag:s23] =	ssyncset.done $0x0  }
0x41: {  	[sflag:s23] =	ssyncadd.s32 $0xFFFFF800  }
0x42: {  	_ =	swait.ge [sflag:s22], $0x800  }
0x43: {  	[sflag:s22] =	ssyncset.done $0x0  }
0x44: {  	[sflag:s22] =	ssyncadd.s32 $0xFFFFF800  }
0x45: {  	_ =	swait.ge [sflag:s23], $0x800  }
0x46: {  	[sflag:s23] =	ssyncset.done $0x0  }
0x47: {  	[sflag:s23] =	ssyncadd.s32 $0xFFFFF800  }
0x48: {  	_ =	swait.ge [sflag:s22], $0x800  }
0x49: {  	[sflag:s22] =	ssyncset.done $0x0  }
0x4a: {  	[sflag:s22] =	ssyncadd.s32 $0xFFFFF800  }
0x4b: {  	_ =	swait.ge [sflag:s23], $0x800  }
0x4c: {  	[sflag:s23] =	ssyncset.done $0x0  }
0x4d: {  	[sflag:s23] =	ssyncadd.s32 $0xFFFFF800  }
0x4e: {  	_ =	swait.ge [sflag:s22], $0x800  }
0x4f: {  	[sflag:s22] =	ssyncset.done $0x0  }
0x50: {  	[sflag:s22] =	ssyncadd.s32 $0xFFFFF800  }
0x51: {  	_ =	swait.ge [sflag:s23], $0x800  }
0x52: {  	[sflag:s23] =	ssyncset.done $0x0  }
0x53: {  	[sflag:s23] =	ssyncadd.s32 $0xFFFFF800  }
0x54: {  	_ =	swait.ge [sflag:s22], $0x800  }
0x55: {  	[sflag:s22] =	ssyncset.done $0x0  }
0x56: {  	[sflag:s22] =	ssyncadd.s32 $0xFFFFF800  }
0x57: {  	_ =	swait.ge [sflag:s23], $0x800  }
0x58: {  	[sflag:s23] =	ssyncset.done $0x0  }
0x59: {  	[sflag:s23] =	ssyncadd.s32 $0xFFFFF800  }
0x5a: {  	_ =	swait.ge [sflag:s22], $0x800  }
0x5b: {  	[sflag:s22] =	ssyncset.done $0x0  }
0x5c: {  	[sflag:s22] =	ssyncadd.s32 $0xFFFFF800  }
0x5d: {  	_ =	swait.ge [sflag:s23], $0x800  }
0x5e: {  	[sflag:s23] =	ssyncset.done $0x0  }
0x5f: {  	[sflag:s23] =	ssyncadd.s32 $0xFFFFF800  }
0x60: {  	_ =	swait.ge [sflag:s22], $0x800  }
0x61: {  	[sflag:s22] =	ssyncset.done $0x0  }
0x62: {  	[sflag:s22] =	ssyncadd.s32 $0xFFFFF800  }
0x63: {  	_ =	swait.ge [sflag:s23], $0x800  }
0x64: {  	[sflag:s23] =	ssyncset.done $0x0  }
0x65: {  	[sflag:s23] =	ssyncadd.s32 $0xFFFFF800  }
0x66: {  	_ =	swait.ge [sflag:s22], $0x800  }
0x67: {  	[sflag:s22] =	ssyncset.done $0x0  }
0x68: {  	[sflag:s22] =	ssyncadd.s32 $0xFFFFF800  }
0x69: {  	_ =	swait.ge [sflag:s23], $0x800  }
0x6a: {  	[sflag:s23] =	ssyncset.done $0x0  }
0x6b: {  	[sflag:s23] =	ssyncadd.s32 $0xFFFFF800  }
0x6c: {  	[bflag:$0x0] =	sbarrier.arrive $0xFFFF  }
0x6d: {  	[hbm:s9], [sflag:s18] =	dma.local [spmem:s19], $0x2800  }
0x6e: {  	s24 =	sadd.s32 $0x1, s24;
	_ =	swait.ge [sflag:s15], $0x2800  }
0x6f: {  	p0 =	sne.s32 s24, s11;
	[sflag:s15] =	ssyncset.done $0x0  }
.Ltmp1:
0x70: {  	[sflag:s15] =	ssyncadd.s32 $0xFFFFD800;
	(pc) =	sbr.rel @p0 .LBB2_1-.Ltmp1, $4  }
0x71: {  	[hbm:s10], [sflag:s18] =	dma.local [spmem:s20], $0x2800  }
0x72: {  	_ =	swait.ge [sflag:s15], $0x2800  }
0x73: {  	[sflag:s15] =	ssyncset.done $0x0  }
0x74: {  	[sflag:s15] =	ssyncadd.s32 $0xFFFFD800  }
0x75: {  	_ =	sfence.sel $0x180000  }
0x76: {  	[bflag:$0x0] =	sbarrier.arrive $0xFFFF  }
0x77: {  	p0 =	sne.s32 s1, $0x0;
	_ =	strace $0x90000047  }
0x78: {  	s0 =	sadd.s32 @!p0 $0x100000, s0;
	[bflag:$0x2] =	sbarrier.arrive $0xFFFF  }
0x79: {  	[sflag:s0] =	ssyncadd.tile.s32 @!p0 $0x1;
	_ =	shalt  }
.Lfunc_end2:
_tile_overlayer_lowered:
.L_overlay_start_2:
0x7a: {  	(tag) =	ssettag $0x2  }
0x7b: {  	s0 =	rddreg [dreg:$0x0];
	s2 =	stileid.u32  }
0x7c: {  	s1 =	rddreg [dreg:$0x1];
	p0 =	sne.s32 s2, $0x0  }
0x7d: {  	s3 =	rddreg [dreg:$0x2];
	[bflag:$0x3] =	sbarrier.arrive $0xFFFF;
	s2 =	simm.s32 @!p0 $0x1C03  }
0x7e: {  	[timem:s3], [sflag:s2] =	dma.local @!p0 [hbm:s0], s1  }
0x7f: {  	s0 =	simm.s32 @!p0 $0x3  }
0x80: {  	_ =	swait.ge @!p0 [sflag:s0], s1  }
0x81: {  	s1 =	ssub.s32 @!p0 $0x0, s1;
	[sflag:s0] =	ssyncset.done @!p0 $0x0  }
0x82: {  	[sflag:s0] =	ssyncadd.s32 @!p0 s1  }
0x83: {  	[bflag:$0x3] =	sbarrier.arrive $0xFFFF  }
0x84: {  	_ =	shalt  }

// kernel: kernel.15.cloned.1.call-start
scs
__scs_entry_jumppad:
0x0: {  	(pc) =	sbr.rel $0x88, $3  }
0x1: {  	(tag) =	ssettag $0x0;
	lr =	simm.s32 $0x1  }
0x2: {  	[smem:$0x3F88] =	sst lr;
	_ =	strace $0xD0000000  }
0x3: {  	_ = 	snop  }
0x4: {  	_ = 	snop  }
0x5: {  	_ = 	snop  }
0x6: {  	_ = 	snop  }
0x7: {  	_ = 	snop  }
__scs_overlays_trampoline_lowered:
0x8: {  	[smem:$0x3F97] =	sst s0  }
0x9: {  	[smem:$0x3F98] =	sst s1  }
0xa: {  	[smem:$0x3F99] =	sst s2  }
0xb: {  	[smem:$0x3F9A] =	sst s3  }
0xc: {  	[smem:$0x3F9B] =	sst s4  }
0xd: {  	[smem:$0x3F9C] =	sst s5  }
0xe: {  	[smem:$0x3F9D] =	sst s6  }
0xf: {  	[smem:$0x3F9E] =	sst s7  }
0x10: {  	[smem:$0x3F9F] =	sst s8  }
0x11: {  	[smem:$0x3FA0] =	sst s9;
	s0 =	simm.s32 @!p0 $0x0  }
0x12: {  	s1 =	sld [smem:$0x3F86];
	s0 =	simm.s32 @p0 $0x1  }
0x13: {  	[smem:$0x3FA1] =	sst s0;
	s0 =	simm.s32 @!p1 $0x0  }
0x14: {  	s2 =	sld [smem:$0x3F85];
	s0 =	simm.s32 @p1 $0x1  }
0x15: {  	[smem:$0x3FA2] =	sst s0;
	s0 =	simm.s32 @!p2 $0x0  }
0x16: {  	s3 =	sld [smem:$0x3FDB];
	s0 =	simm.s32 @p2 $0x1  }
0x17: {  	s4 =	simm.s32 $0x1BF5;
	[smem:$0x3FA4] =	sst s0  }
0x18: {  	s0 =	sld [smem:$0x3F87];
	_ =	swait.ge [sflag:s4], $0x0  }
0x19: {  	s7 =	sld [smem:$0x3F88]  }
0x1a: {  	s8 =	sadd.s32 $0xFFFFE003, lr  }
0x1b: {  	s9 =	sadd.s32 $0xFFFFFEF7, lr;
	s5 =	simm.s32 $0xFFFFFFFF;
	p2 =	slt.u32 s8, $0xFFFFF086  }
0x1c: {  	p1 =	slt.u32 s9, $0xF7A;
	s5 =	simm.s32 @!p2 $0x0  }
0x1d: {  	s5 =	simm.s32 @p1 $0x1;
	p0 =	seq.s32 s7, s2  }
0x1e: {  	s7 =	smul.u32 @!p0 $0xF7A, s2;
	p2 =	seq.s32 @!p0 s5, $0x0  }
0x1f: {  	s9 =	smul.u32 $0xF7A, s1;
	s8 =	simm.s32 @!p0 $0x1BF5;
	p2 =	por !p2, p0  }
0x20: {  	[sflag:s8] =	ssyncset.s32 @!p0 $0xFFFFF086;
	s6 =	sadd.s32 @!p0 s3, s7;
	s7 =	simm.s32 @!p0 $0x108  }
0x21: {  	s3 =	sadd.s32 s3, s9;
	s6 =	sadd.s32 @!p0 $0x88, s6;
	s7 =	simm.s32 @p2 $0x1082  }
0x22: {  	[simem:s7], [sflag:s8] =	dma.local @!p0 [hbm:s6], $0xF7A  }
0x23: {  	s9 =	sor.u32 $0xD0000000, s2;
	s6 =	simm.s32 $0x108;
	_ =	swait.ge @!p0 [sflag:s8], $0x0  }
0x24: {  	s3 =	sadd.s32 $0x88, s3;
	s6 =	simm.s32 @!p1 $0x1082;
	[sflag:s4] =	ssyncset.s32 $0xFFFFF086  }
0x25: {  	[simem:s6], [sflag:s4] =	dma.local [hbm:s3], $0xF7A  }
0x26: {  	[smem:$0x3F88] =	sst s1;
	(tag) =	ssettag s2;
	_ =	strace s9  }
0x27: {  	s1 =	sld [smem:$0x3F98]  }
0x28: {  	s2 =	sld [smem:$0x3F99]  }
0x29: {  	s4 =	sld [smem:$0x3F9B]  }
0x2a: {  	p0 =	seq.s32 s5, $0x0;
	s5 =	sld [smem:$0x3F9C]  }
0x2b: {  	s6 =	sld [smem:$0x3F9D]  }
0x2c: {  	s7 =	sld [smem:$0x3F9E]  }
0x2d: {  	s3 =	simm.s32 $0x108;
	s8 =	sld [smem:$0x3F9F]  }
0x2e: {  	s3 =	simm.s32 @!p0 $0x1082;
	s9 =	sld [smem:$0x3FA0]  }
0x2f: {  	lr =	sadd.s32 s0, s3;
	s0 =	sld [smem:$0x3F97]  }
0x30: {  	s3 =	sld [smem:$0x3F9A]  }
0x31: {  	[smem:$0x3FA3] =	sst s10  }
0x32: {  	s10 =	sld [smem:$0x3FA1];
	_ =	sdelay $0x3  }
0x33: {  	p0 =	seq.s32 s10, $0x1;
	s10 =	sld [smem:$0x3FA3];
	_ =	sdelay $0x3  }
0x34: {  	[smem:$0x3FA3] =	sst s10  }
0x35: {  	s10 =	sld [smem:$0x3FA2];
	_ =	sdelay $0x3  }
0x36: {  	p1 =	seq.s32 s10, $0x1;
	s10 =	sld [smem:$0x3FA3];
	_ =	sdelay $0x3  }
0x37: {  	[smem:$0x3FA3] =	sst s10  }
0x38: {  	s10 =	sld [smem:$0x3FA4]  }
0x39: {  	_ = 	snop;
	(pc) =	sbr.ind lr, $3  }
0x3a: {  	_ = 	snop  }
0x3b: {  	_ = 	snop  }
0x3c: {  	p2 =	seq.s32 s10, $0x1;
	s10 =	sld [smem:$0x3FA3]  }
0x3d: {  	_ =	shalt  }
0x3e: {  	_ =	shalt  }
0x3f: {  	_ =	shalt  }
0x40: {  	_ =	shalt  }
0x41: {  	_ =	shalt  }
0x42: {  	_ =	shalt  }
0x43: {  	_ =	shalt  }
0x44: {  	_ =	shalt  }
0x45: {  	_ =	shalt  }
0x46: {  	_ =	shalt  }
0x47: {  	_ =	shalt  }
0x48: {  	_ =	shalt  }
0x49: {  	_ =	shalt  }
0x4a: {  	_ =	shalt  }
0x4b: {  	_ =	shalt  }
0x4c: {  	_ =	shalt  }
0x4d: {  	_ =	shalt  }
0x4e: {  	_ =	shalt  }
0x4f: {  	_ =	shalt  }
0x50: {  	_ =	shalt  }
0x51: {  	_ =	shalt  }
0x52: {  	_ =	shalt  }
0x53: {  	_ =	shalt  }
0x54: {  	_ =	shalt  }
0x55: {  	_ =	shalt  }
0x56: {  	_ =	shalt  }
0x57: {  	_ =	shalt  }
0x58: {  	_ =	shalt  }
0x59: {  	_ =	shalt  }
0x5a: {  	_ =	shalt  }
0x5b: {  	_ =	shalt  }
0x5c: {  	_ =	shalt  }
0x5d: {  	_ =	shalt  }
0x5e: {  	_ =	shalt  }
0x5f: {  	_ =	shalt  }
0x60: {  	_ =	shalt  }
0x61: {  	_ =	shalt  }
0x62: {  	_ =	shalt  }
0x63: {  	_ =	shalt  }
0x64: {  	_ =	shalt  }
0x65: {  	_ =	shalt  }
0x66: {  	_ =	shalt  }
0x67: {  	_ =	shalt  }
0x68: {  	_ =	shalt  }
0x69: {  	_ =	shalt  }
0x6a: {  	_ =	shalt  }
0x6b: {  	_ =	shalt  }
0x6c: {  	_ =	shalt  }
0x6d: {  	_ =	shalt  }
0x6e: {  	_ =	shalt  }
0x6f: {  	_ =	shalt  }
0x70: {  	_ =	shalt  }
0x71: {  	_ =	shalt  }
0x72: {  	_ =	shalt  }
0x73: {  	_ =	shalt  }
0x74: {  	_ =	shalt  }
0x75: {  	_ =	shalt  }
0x76: {  	_ =	shalt  }
0x77: {  	_ =	shalt  }
0x78: {  	_ =	shalt  }
0x79: {  	_ =	shalt  }
0x7a: {  	_ =	shalt  }
0x7b: {  	_ =	shalt  }
0x7c: {  	_ =	shalt  }
0x7d: {  	_ =	shalt  }
0x7e: {  	_ =	shalt  }
0x7f: {  	_ =	shalt  }
0x80: {  	_ =	shalt  }
0x81: {  	_ =	shalt  }
0x82: {  	_ =	shalt  }
0x83: {  	_ =	shalt  }
0x84: {  	_ =	shalt  }
0x85: {  	_ =	shalt  }
0x86: {  	_ =	shalt  }
0x87: {  	_ =	shalt  }
.Lfunc_end0:
.L_simem_size_0:
called_computation.1_lowered:
.L_overlay_start_0:
0x88: {  	s2 =	sld [smem:$0x3FD9]  }
0x89: {  	s3 =	sld [smem:$0x3FFE];
	_ =	sdelay $0x1  }
0x8a: {  	s1 =	srdreg.scid  }
0x8b: {  	s0 =	sand.u32 $0x1, s1  }
0x8c: {  	s16 =	sshll.u32 s0, $0xA;
	s2 =	sadd.s32 s3, s2  }
0x8d: {  	s2 =	sadd.s32 s2, s16  }
0x8e: {  	[smem:$0x3FAF] =	sst s2  }
0x8f: {  	_ = 	snop  }
0x90: {  	(tm) =	ssettm $0x1  }
0x91: {  	s17 =	sld [smem:$0x3FFB];
	_ =	sdelay $0x3  }
0x92: {  	_ =	strace s17  }
0x93: {  	s2 =	sld [smem:$0x3FFC];
	_ =	sdelay $0x3  }
0x94: {  	_ =	strace s2  }
0x95: {  	s2 =	sld [smem:$0x3FFD];
	_ =	sdelay $0x3  }
0x96: {  	_ =	strace s2  }
0x97: {  	_ =	strace $0x8FFFFFFF  }
0x98: {  	s18 =	sld [smem:$0x3FDB];
	_ =	sdelay $0x1  }
0x99: {  	s19 =	simm.s32 $_scs_section_size  }
0x9a: {  	s4 =	simm.s32 $_size__tile_overlayer_lowered;
	s5 =	simm.s32 $_tile_overlayer_lowered  }
0x9b: {  	s22 =	simm.s32 $0x1BFF;
	s21 =	sshll.u32 s5, $0x1;
	s2 =	sadd.s32 s19, s18  }
0x9c: {  	s6 =	simm.s32 $0x0;
	s20 =	sshll.u32 s4, $0x1;
	s4 =	sadd.s32 s21, s2  }
0x9d: {  	[timem:s6], [sflag:s22] =	dma.local [hbm:s4], s20  }
0x9e: {  	_ =	swait.ge [sflag:s22], s20  }
0x9f: {  	s3 =	ssub.s32 $0x0, s20;
	[sflag:s22] =	ssyncset.done $0x0  }
0xa0: {  	[sflag:s22] =	ssyncadd.s32 s3;
	_ =	sdelay $0x1  }
0xa1: {  	s23 =	simm.s32 $0x1B8B  }
0xa2: {  	_ =	swait.ge [sflag:s23], $0x1  }
0xa3: {  	[sflag:s23] =	ssyncset.done $0x0  }
0xa4: {  	s25 =	simm.s32 $0x1B8E;
	s24 =	sld [smem:$0x3FFE];
	[sflag:s23] =	ssyncadd.s32 $0xFFFFFFFF  }
0xa5: {  	s26 =	simm.s32 $execute0_lowered;
	[smem:$0x3FD2] =	sst s25  }
0xa6: {  	s4 =	sshll.u32 s26, $0x1;
	_ =	strace $0x80000049;
	[dreg:$0x1] =	wrdreg $0xFFFFFFFF  }
0xa7: {  	s28 =	simm.s32 $_size_execute0_lowered;
	s2 =	sadd.s32 s2, s4;
	[dreg:$0x0] =	wrdreg $0x0  }
0xa8: {  	s4 =	sshll.u32 s28, $0x1;
	[dreg:$0x2] =	wrdreg s2  }
0xa9: {  	[dreg:$0x3] =	wrdreg s4  }
0xaa: {  	[dreg:$0x4] =	wrdreg $0xC0  }
0xab: {  	_ =	task [dreg:s6], $0x5FFFF  }
0xac: {  	[dreg:$0x1] =	wrdreg $0xFFFFFFFF  }
0xad: {  	[dreg:$0x0] =	wrdreg $0x60  }
0xae: {  	[dreg:$0x2] =	wrdreg s24  }
0xaf: {  	[dreg:$0x3] =	wrdreg $0x0  }
0xb0: {  	[dreg:$0x4] =	wrdreg $0x9  }
0xb1: {  	_ =	task.clear_ibuf [dreg:s6], $0x5FFFF;
	_ =	strace $0x90000049  }
0xb2: {  	s29 =	simm.s32 $0x9;
	_ =	strace $0x8000004B  }
0xb3: {  	_ =	swait.ge [sflag:s29], $0x1  }
0xb4: {  	[sflag:s29] =	ssyncadd.s32 $0xFFFFFFFF  }
0xb5: {  	_ =	strace $0x9000004B  }
0xb6: {  	_ =	sfence  }
0xb7: {  	s30 =	sld [smem:$0x0];
	_ =	sdelay $0x2  }
0xb8: {  	s31 =	sshll.u32 s1, $0xD;
	s1 =	sshrl.u32 s1, $0x2  }
0xb9: {  	s3 =	sand.u32 $0x4000, s31;
	s1 =	sadd.s32 s1, s30  }
0xba: {  	s0 =	sor.u32 s3, s0;
	s1 =	sshll.u32 s1, $0x11  }
0xbb: {  	s0 =	sor.u32 s1, s0  }
0xbc: {  	s0 =	sadd.s32 $0x8F2B, s0  }
0xbd: {  	[sflag:s0] =	ssyncadd.remote.s32 $0x1  }
0xbe: {  	_ =	sfence.sel $0xFFFF  }
0xbf: {  	[dreg:$0x0] =	wrdreg $0xFFFFFFFF;
	(pc) =	sbr.abs _section_cstart, $3  }
0xc0: {  	[dreg:$0x1] =	wrdreg $0xFFFFFFFF  }
0xc1: {  	_ =	task.clear_ibuf [dreg:s6], $0x2FFFF;
	_ =	strace $0x9FFFFFFF  }
0xc2: {  	(tm) =	ssettm $0x7FFFFFFF  }
0xc3: {  	_ =	shalt  }
tec
execute0_lowered:
.L_overlay_start_1:
0x0: {  	(tag) =	ssettag $0x1  }
0x1: {  	s0 =	rddreg [dreg:$0x0]  }
0x2: {  	s2 =	rddreg [dreg:$0x1];
	s19 =	simm.s32 $0x0;
	s11 =	stileid.u32  }
0x3: {  	s1 =	srdreg.scid;
	s14 =	simm.s32 $0x9;
	s15 =	simm.s32 $0x14000  }
0x4: {  	s16 =	simm.s32 $0x15400;
	s17 =	simm.s32 $0x40;
	s18 =	simm.s32 $0x16800  }
0x5: {  	s20 =	simm.s32 $0x18800;
	s21 =	simm.s32 $0x1;
	s28 =	simm.s32 $0x1C800  }
0x6: {  	s29 =	simm.s32 $0x3;
	s30 =	simm.s32 $0x15500;
	s31 =	simm.s32 $0x5  }
0x7: {  	s12 =	simm.s32 $0x14280;
	s13 =	simm.s32 $0x8;
	[smem:$0x7FF] =	sst s19  }
0x8: {  	s3 =	smul.u32 $0x14000, s11;
	s1 =	sand.u32 $0x1, s1;
	s4 =	sadd.s32 $0x5C00, s0  }
0x9: {  	s5 =	sadd.s32 $0xF6400, s0;
	s6 =	sadd.s32 $0xE2400, s0;
	s9 =	smul.u32 $0x50000, s11  }
0xa: {  	s25 =	sshll.u32 s11, $0x6;
	_ =	strace $0x8000004A;
	s22 =	ssub.s32 $0x2, s1  }
0xb: {  	s7 =	smul.u32 $0x140000, s1;
	s8 =	sshrl.u32 s3, $0x3;
	s10 =	sshrl.u32 s22, $0x1  }
0xc: {  	s24 =	sshrl.u32 s9, $0x2;
	s9 =	sshll.u32 s1, $0x2;
	s1 =	simm.s32 $0x4  }
0xd: {  	s3 =	sadd.s32 s3, s7;
	s8 =	sadd.s32 s8, s0;
	s23 =	ssub.s32 s22, s10  }
0xe: {  	s7 =	sadd.s32 s24, s2;
	s22 =	sor.u32 $0x1C09, s25;
	s10 =	smul.u32 $0xA000, s11  }
0xf: {  	s24 =	simm.s32 $0x2;
	s11 =	simm.s32 $0x6;
	s3 =	sshrl.u32 s3, $0x3  }
.Ltmp0:
0x10: {  	s8 =	sadd.s32 $0x2CE00, s8;
	[dreg:$0x5] =	wrdreg s22;
	(pc) =	sbr.rel .LBB2_1-.Ltmp0, $4  }
0x11: {  	s26 =	smax.u32 s23, $0x1;
	s25 =	sshrl.u32 s7, $0x3;
	[dreg:$0x4] =	wrdreg s8  }
0x12: {  	s23 =	simm.s32 $0x1A800;
	s0 =	sadd.s32 s3, s0;
	[dreg:$0x7] =	wrdreg s26  }
0x13: {  	s7 =	simm.s32 $0x15580;
	[dreg:$0x8] =	wrdreg s25;
	s0 =	sadd.s32 $0x54E00, s0  }
0x14: {  	s8 =	simm.s32 $0x7;
	[dreg:$0x6] =	wrdreg s0;
	s0 =	simm.s32 $0x14200  }
.LBB2_6:
0x15: {  	[bflag:$0x0] =	sbarrier.arrive $0xFFFF  }
0x16: {  	s22 =	rddreg [dreg:$0x5]  }
0x17: {  	s3 =	rddreg [dreg:$0x6]  }
0x18: {  	s25 =	rddreg [dreg:$0x8]  }
0x19: {  	[hbm:s3], [sflag:s22] =	dma.local [spmem:s25], $0x2800  }
0x1a: {  	_ =	swait.ge [sflag:s14], $0x2800  }
0x1b: {  	s19 =	rddreg [dreg:$0x3]  }
0x1c: {  	s26 =	rddreg [dreg:$0x7];
	s19 =	sadd.s32 $0x1, s19  }
0x1d: {  	p0 =	sne.s32 s19, s26  }
.Ltmp1:
0x1e: {  	_ = 	snop;
	(pc) =	sbr.rel @!p0 .LBB2_7-.Ltmp1, $3  }
0x1f: {  	_ =	sdelay $0x1  }
0x20: {  	[sflag:s14] =	ssyncset.done $0x0  }
0x21: {  	[sflag:s14] =	ssyncadd.s32 $0xFFFFD800  }
.LBB2_1:
0x22: {  	[dreg:$0x3] =	wrdreg s19  }
0x23: {  	s3 =	rddreg [dreg:$0x4]  }
0x24: {  	[spmem:s25], [sflag:s22] =	dma.local [hbm:s3], $0x2800  }
.Ltmp2:
0x25: {  	_ =	swait.ge [sflag:s14], $0x2800;
	(pc) =	sbr.rel .LBB2_2-.Ltmp2, $4  }
0x26: {  	[sflag:s14] =	ssyncset.done $0x0  }
0x27: {  	[sflag:s14] =	ssyncadd.s32 $0xFFFFD800  }
0x28: {  	[bflag:$0x0] =	sbarrier.arrive $0xFFFF  }
0x29: {  	s3 =	simm.s32 $0x0  }
.LBB2_5:
0x2a: {  	_ =	swait.ge [sflag:s1], $0x2000  }
0x2b: {  	[sflag:s1] =	ssyncset.done $0x0  }
0x2c: {  	[sflag:s1] =	ssyncadd.s32 $0xFFFFE000  }
0x2d: {  	[spmem:s2] =	stream.indirect.scatter.add.f32 [tilespmem:s28], [sflag:$0x8], $0x80, s25, s17, $0xb8;
	[tilespmem:$0x1E800] =	vst v63  }
0x2e: {  	_ =	swait.ge [sflag:s11], $0x2000  }
0x2f: {  	[sflag:s11] =	ssyncset.done $0x0  }
0x30: {  	s3 =	sadd.s32 $0x1, s3;
	[sflag:s11] =	ssyncadd.s32 $0xFFFFE000  }
0x31: {  	p0 =	sne.s32 s3, $0x4;
	_ =	swait.ge [sflag:s8], $0x2000  }
.Ltmp3:
0x32: {  	[sflag:s8] =	ssyncset.done $0x0;
	(pc) =	sbr.rel @!p0 .LBB2_6-.Ltmp3, $4  }
0x33: {  	[sflag:s8] =	ssyncadd.s32 $0xFFFFE000  }
0x34: {  	_ =	swait.ge [sflag:s13], $0x2000  }
0x35: {  	[sflag:s13] =	ssyncset.done $0x0  }
0x36: {  	[sflag:s13] =	ssyncadd.s32 $0xFFFFE000  }
.LBB2_2:
0x37: {  	s19 =	sadd.s32 s9, s3  }
0x38: {  	s19 =	smul.u32 $0x1400, s19;
	_ =	sdelay $0x1  }
0x39: {  	s19 =	sadd.s32 s10, s19  }
0x3a: {  	s22 =	sshrl.u32 s19, $0x3  }
0x3b: {  	s19 =	simm.s32 $0x0;
	s25 =	sadd.s32 s5, s22  }
0x3c: {  	[tilespmem:s15], [sflag:$0x9] =	stream.linear.gather [hbm4b:s25+s19], $0x1400, $0x38;
	[tilespmem:$0x1E800] =	vst v63  }
0x3d: {  	_ =	swait.ge [sflag:s14], $0x1400  }
0x3e: {  	[sflag:s14] =	ssyncset.done $0x0  }
0x3f: {  	s22 =	sadd.s32 s6, s22;
	[sflag:s14] =	ssyncadd.s32 $0xFFFFEC00  }
0x40: {  	[tilespmem:s16], [sflag:$0x9] =	stream.linear.gather [hbm4b:s22+s19], $0x1400, $0x38;
	[tilespmem:$0x1E800] =	vst v63  }
0x41: {  	_ =	swait.ge [sflag:s14], $0x1400  }
0x42: {  	[sflag:s14] =	ssyncset.done $0x0  }
0x43: {  	[sflag:s14] =	ssyncadd.s32 $0xFFFFEC00  }
0x44: {  	[tilespmem:s18], [sflag:$0x1] =	stream.indirect.gather [hbm4b:s4+s17], $0x80, s15, s17, $0xb8;
	[tilespmem:$0x1E800] =	vst v63  }
0x45: {  	s25 =	simm.s32 $0x14080  }
0x46: {  	[tilespmem:s20], [sflag:$0x2] =	stream.indirect.gather [hbm4b:s4+s17], $0x80, s25, s17, $0xb8;
	[tilespmem:$0x1E800] =	vst v63  }
0x47: {  	_ =	swait.ge [sflag:s21], $0x2000  }
0x48: {  	[sflag:s21] =	ssyncset.done $0x0  }
0x49: {  	[sflag:s21] =	ssyncadd.s32 $0xFFFFE000  }
0x4a: {  	[spmem:s2] =	stream.indirect.scatter.add.f32 [tilespmem:s18], [sflag:$0x5], $0x80, s16, s17, $0xb8;
	[tilespmem:$0x1E800] =	vst v63  }
0x4b: {  	s26 =	simm.s32 $0x14100  }
0x4c: {  	[tilespmem:s23], [sflag:$0x3] =	stream.indirect.gather [hbm4b:s4+s17], $0x80, s26, s17, $0xb8;
	[tilespmem:$0x1E800] =	vst v63  }
0x4d: {  	_ =	swait.ge [sflag:s24], $0x2000  }
0x4e: {  	[sflag:s24] =	ssyncset.done $0x0  }
0x4f: {  	s25 =	simm.s32 $0x15480;
	[sflag:s24] =	ssyncadd.s32 $0xFFFFE000  }
0x50: {  	[spmem:s2] =	stream.indirect.scatter.add.f32 [tilespmem:s20], [sflag:$0x6], $0x80, s25, s17, $0xb8;
	[tilespmem:$0x1E800] =	vst v63  }
0x51: {  	s26 =	simm.s32 $0x14180  }
0x52: {  	[tilespmem:s28], [sflag:$0x4] =	stream.indirect.gather [hbm4b:s4+s17], $0x80, s26, s17, $0xb8;
	[tilespmem:$0x1E800] =	vst v63  }
0x53: {  	_ =	swait.ge [sflag:s29], $0x2000  }
0x54: {  	[sflag:s29] =	ssyncset.done $0x0  }
0x55: {  	[sflag:s29] =	ssyncadd.s32 $0xFFFFE000  }
0x56: {  	[spmem:s2] =	stream.indirect.scatter.add.f32 [tilespmem:s23], [sflag:$0x7], $0x80, s30, s17, $0xb8;
	[tilespmem:$0x1E800] =	vst v63  }
0x57: {  	_ =	swait.ge [sflag:s31], $0x2000  }
0x58: {  	[sflag:s31] =	ssyncset.done $0x0  }
0x59: {  	[sflag:s31] =	ssyncadd.s32 $0xFFFFE000  }
0x5a: {  	[tilespmem:s18], [sflag:$0x1] =	stream.indirect.gather [hbm4b:s4+s17], $0x80, s0, s17, $0xb8;
	[tilespmem:$0x1E800] =	vst v63  }
0x5b: {  	_ =	swait.ge [sflag:s1], $0x2000  }
0x5c: {  	[sflag:s1] =	ssyncset.done $0x0  }
0x5d: {  	[sflag:s1] =	ssyncadd.s32 $0xFFFFE000  }
0x5e: {  	[spmem:s2] =	stream.indirect.scatter.add.f32 [tilespmem:s28], [sflag:$0x8], $0x80, s7, s17, $0xb8;
	[tilespmem:$0x1E800] =	vst v63  }
0x5f: {  	_ =	swait.ge [sflag:s11], $0x2000  }
0x60: {  	[sflag:s11] =	ssyncset.done $0x0  }
0x61: {  	[sflag:s11] =	ssyncadd.s32 $0xFFFFE000  }
0x62: {  	[tilespmem:s20], [sflag:$0x2] =	stream.indirect.gather [hbm4b:s4+s17], $0x80, s12, s17, $0xb8;
	[tilespmem:$0x1E800] =	vst v63  }
.LBB2_3:
0x63: {  	_ =	swait.ge [sflag:s21], $0x2000  }
0x64: {  	s22 =	sshra.s32 s19, $0x2;
	[sflag:s21] =	ssyncset.done $0x0  }
0x65: {  	s25 =	sadd.s32 $0x15600, s22;
	[sflag:s21] =	ssyncadd.s32 $0xFFFFE000  }
0x66: {  	[spmem:s2] =	stream.indirect.scatter.add.f32 [tilespmem:s18], [sflag:$0x5], $0x80, s25, s17, $0xb8;
	[tilespmem:$0x1E800] =	vst v63  }
0x67: {  	_ =	swait.ge [sflag:s8], $0x2000  }
0x68: {  	[sflag:s8] =	ssyncset.done $0x0  }
0x69: {  	s26 =	sadd.s32 $0x14300, s22;
	[sflag:s8] =	ssyncadd.s32 $0xFFFFE000  }
0x6a: {  	[tilespmem:s23], [sflag:$0x3] =	stream.indirect.gather [hbm4b:s4+s17], $0x80, s26, s17, $0xb8;
	[tilespmem:$0x1E800] =	vst v63  }
0x6b: {  	_ =	swait.ge [sflag:s24], $0x2000  }
0x6c: {  	[sflag:s24] =	ssyncset.done $0x0  }
0x6d: {  	s26 =	sadd.s32 $0x15680, s22;
	[sflag:s24] =	ssyncadd.s32 $0xFFFFE000  }
0x6e: {  	[spmem:s2] =	stream.indirect.scatter.add.f32 [tilespmem:s20], [sflag:$0x6], $0x80, s26, s17, $0xb8;
	[tilespmem:$0x1E800] =	vst v63  }
0x6f: {  	_ =	swait.ge [sflag:s13], $0x2000  }
0x70: {  	[sflag:s13] =	ssyncset.done $0x0  }
0x71: {  	s26 =	sadd.s32 $0x14380, s22;
	[sflag:s13] =	ssyncadd.s32 $0xFFFFE000  }
0x72: {  	[tilespmem:s28], [sflag:$0x4] =	stream.indirect.gather [hbm4b:s4+s17], $0x80, s26, s17, $0xb8;
	[tilespmem:$0x1E800] =	vst v63  }
0x73: {  	_ =	swait.ge [sflag:s29], $0x2000  }
0x74: {  	p0 =	seq.s32 s19, $0x4000;
	[sflag:s29] =	ssyncset.done $0x0  }
.Ltmp4:
0x75: {  	s26 =	sadd.s32 $0x15700, s22;
	[sflag:s29] =	ssyncadd.s32 $0xFFFFE000;
	(pc) =	sbr.rel @p0 .LBB2_5-.Ltmp4, $4  }
0x76: {  	[spmem:s2] =	stream.indirect.scatter.add.f32 [tilespmem:s23], [sflag:$0x7], $0x80, s26, s17, $0xb8;
	[tilespmem:$0x1E800] =	vst v63  }
0x77: {  	_ =	swait.ge [sflag:s31], $0x2000  }
0x78: {  	[sflag:s31] =	ssyncset.done $0x0  }
0x79: {  	s25 =	sadd.s32 $0x15780, s22;
	[sflag:s31] =	ssyncadd.s32 $0xFFFFE000  }
0x7a: {  	s26 =	sadd.s32 $0x14400, s22  }
0x7b: {  	[tilespmem:s18], [sflag:$0x1] =	stream.indirect.gather [hbm4b:s4+s17], $0x80, s26, s17, $0xb8;
	[tilespmem:$0x1E800] =	vst v63  }
0x7c: {  	_ =	swait.ge [sflag:s1], $0x2000  }
0x7d: {  	[sflag:s1] =	ssyncset.done $0x0  }
0x7e: {  	[sflag:s1] =	ssyncadd.s32 $0xFFFFE000  }
0x7f: {  	[spmem:s2] =	stream.indirect.scatter.add.f32 [tilespmem:s28], [sflag:$0x8], $0x80, s25, s17, $0xb8;
	[tilespmem:$0x1E800] =	vst v63  }
.Ltmp5:
0x80: {  	_ = 	snop;
	(pc) =	sbr.rel .LBB2_3-.Ltmp5, $4  }
0x81: {  	_ =	swait.ge [sflag:s11], $0x2000  }
0x82: {  	[sflag:s11] =	ssyncset.done $0x0  }
0x83: {  	s19 =	sadd.s32 $0x800, s19;
	s26 =	sadd.s32 $0x14480, s22;
	[sflag:s11] =	ssyncadd.s32 $0xFFFFE000  }
0x84: {  	[tilespmem:s20], [sflag:$0x2] =	stream.indirect.gather [hbm4b:s4+s17], $0x80, s26, s17, $0xb8;
	[tilespmem:$0x1E800] =	vst v63  }
.LBB2_7:
0x85: {  	_ =	sfence.sel $0x180000  }
0x86: {  	[bflag:$0x0] =	sbarrier.arrive $0xFFFF  }
0x87: {  	_ =	strace $0x9000004A  }
0x88: {  	s0 =	stileid.u32;
	[bflag:$0x2] =	sbarrier.arrive $0xFFFF  }
0x89: {  	p0 =	sne.s32 s0, $0x0;
	s0 =	rddreg [dreg:$0x2]  }
0x8a: {  	s0 =	sadd.s32 @!p0 $0x100000, s0  }
0x8b: {  	[sflag:s0] =	ssyncadd.tile.s32 @!p0 $0x1;
	_ =	shalt  }
.Lfunc_end2:
_tile_overlayer_lowered:
.L_overlay_start_2:
0x8c: {  	(tag) =	ssettag $0x2  }
0x8d: {  	s0 =	rddreg [dreg:$0x0];
	s2 =	stileid.u32  }
0x8e: {  	s1 =	rddreg [dreg:$0x1];
	p0 =	sne.s32 s2, $0x0  }
0x8f: {  	s3 =	rddreg [dreg:$0x2];
	[bflag:$0x3] =	sbarrier.arrive $0xFFFF;
	s2 =	simm.s32 @!p0 $0x1C09  }
0x90: {  	[timem:s3], [sflag:s2] =	dma.local @!p0 [hbm:s0], s1  }
0x91: {  	s0 =	simm.s32 @!p0 $0x9  }
0x92: {  	_ =	swait.ge @!p0 [sflag:s0], s1  }
0x93: {  	s1 =	ssub.s32 @!p0 $0x0, s1;
	[sflag:s0] =	ssyncset.done @!p0 $0x0  }
0x94: {  	[sflag:s0] =	ssyncadd.s32 @!p0 s1  }
0x95: {  	[bflag:$0x3] =	sbarrier.arrive $0xFFFF  }
0x96: {  	_ =	shalt  }

// kernel: kernel.18.cloned.1.call-start
scs
__scs_entry_jumppad:
0x0: {  	(pc) =	sbr.rel $0x88, $3  }
0x1: {  	(tag) =	ssettag $0x0;
	lr =	simm.s32 $0x1  }
0x2: {  	[smem:$0x3F88] =	sst lr;
	_ =	strace $0xD0000000  }
0x3: {  	_ = 	snop  }
0x4: {  	_ = 	snop  }
0x5: {  	_ = 	snop  }
0x6: {  	_ = 	snop  }
0x7: {  	_ = 	snop  }
__scs_overlays_trampoline_lowered:
0x8: {  	[smem:$0x3F97] =	sst s0  }
0x9: {  	[smem:$0x3F98] =	sst s1  }
0xa: {  	[smem:$0x3F99] =	sst s2  }
0xb: {  	[smem:$0x3F9A] =	sst s3  }
0xc: {  	[smem:$0x3F9B] =	sst s4  }
0xd: {  	[smem:$0x3F9C] =	sst s5  }
0xe: {  	[smem:$0x3F9D] =	sst s6  }
0xf: {  	[smem:$0x3F9E] =	sst s7  }
0x10: {  	[smem:$0x3F9F] =	sst s8  }
0x11: {  	[smem:$0x3FA0] =	sst s9;
	s0 =	simm.s32 @!p0 $0x0  }
0x12: {  	s1 =	sld [smem:$0x3F86];
	s0 =	simm.s32 @p0 $0x1  }
0x13: {  	[smem:$0x3FA1] =	sst s0;
	s0 =	simm.s32 @!p1 $0x0  }
0x14: {  	s2 =	sld [smem:$0x3F85];
	s0 =	simm.s32 @p1 $0x1  }
0x15: {  	[smem:$0x3FA2] =	sst s0;
	s0 =	simm.s32 @!p2 $0x0  }
0x16: {  	s3 =	sld [smem:$0x3FDB];
	s0 =	simm.s32 @p2 $0x1  }
0x17: {  	s4 =	simm.s32 $0x1BF5;
	[smem:$0x3FA4] =	sst s0  }
0x18: {  	s0 =	sld [smem:$0x3F87];
	_ =	swait.ge [sflag:s4], $0x0  }
0x19: {  	s7 =	sld [smem:$0x3F88]  }
0x1a: {  	s8 =	sadd.s32 $0xFFFFE003, lr  }
0x1b: {  	s9 =	sadd.s32 $0xFFFFFEF7, lr;
	s5 =	simm.s32 $0xFFFFFFFF;
	p2 =	slt.u32 s8, $0xFFFFF086  }
0x1c: {  	p1 =	slt.u32 s9, $0xF7A;
	s5 =	simm.s32 @!p2 $0x0  }
0x1d: {  	s5 =	simm.s32 @p1 $0x1;
	p0 =	seq.s32 s7, s2  }
0x1e: {  	s7 =	smul.u32 @!p0 $0xF7A, s2;
	p2 =	seq.s32 @!p0 s5, $0x0  }
0x1f: {  	s9 =	smul.u32 $0xF7A, s1;
	s8 =	simm.s32 @!p0 $0x1BF5;
	p2 =	por !p2, p0  }
0x20: {  	[sflag:s8] =	ssyncset.s32 @!p0 $0xFFFFF086;
	s6 =	sadd.s32 @!p0 s3, s7;
	s7 =	simm.s32 @!p0 $0x108  }
0x21: {  	s3 =	sadd.s32 s3, s9;
	s6 =	sadd.s32 @!p0 $0x88, s6;
	s7 =	simm.s32 @p2 $0x1082  }
0x22: {  	[simem:s7], [sflag:s8] =	dma.local @!p0 [hbm:s6], $0xF7A  }
0x23: {  	s9 =	sor.u32 $0xD0000000, s2;
	s6 =	simm.s32 $0x108;
	_ =	swait.ge @!p0 [sflag:s8], $0x0  }
0x24: {  	s3 =	sadd.s32 $0x88, s3;
	s6 =	simm.s32 @!p1 $0x1082;
	[sflag:s4] =	ssyncset.s32 $0xFFFFF086  }
0x25: {  	[simem:s6], [sflag:s4] =	dma.local [hbm:s3], $0xF7A  }
0x26: {  	[smem:$0x3F88] =	sst s1;
	(tag) =	ssettag s2;
	_ =	strace s9  }
0x27: {  	s1 =	sld [smem:$0x3F98]  }
0x28: {  	s2 =	sld [smem:$0x3F99]  }
0x29: {  	s4 =	sld [smem:$0x3F9B]  }
0x2a: {  	p0 =	seq.s32 s5, $0x0;
	s5 =	sld [smem:$0x3F9C]  }
0x2b: {  	s6 =	sld [smem:$0x3F9D]  }
0x2c: {  	s7 =	sld [smem:$0x3F9E]  }
0x2d: {  	s3 =	simm.s32 $0x108;
	s8 =	sld [smem:$0x3F9F]  }
0x2e: {  	s3 =	simm.s32 @!p0 $0x1082;
	s9 =	sld [smem:$0x3FA0]  }
0x2f: {  	lr =	sadd.s32 s0, s3;
	s0 =	sld [smem:$0x3F97]  }
0x30: {  	s3 =	sld [smem:$0x3F9A]  }
0x31: {  	[smem:$0x3FA3] =	sst s10  }
0x32: {  	s10 =	sld [smem:$0x3FA1];
	_ =	sdelay $0x3  }
0x33: {  	p0 =	seq.s32 s10, $0x1;
	s10 =	sld [smem:$0x3FA3];
	_ =	sdelay $0x3  }
0x34: {  	[smem:$0x3FA3] =	sst s10  }
0x35: {  	s10 =	sld [smem:$0x3FA2];
	_ =	sdelay $0x3  }
0x36: {  	p1 =	seq.s32 s10, $0x1;
	s10 =	sld [smem:$0x3FA3];
	_ =	sdelay $0x3  }
0x37: {  	[smem:$0x3FA3] =	sst s10  }
0x38: {  	s10 =	sld [smem:$0x3FA4]  }
0x39: {  	_ = 	snop;
	(pc) =	sbr.ind lr, $3  }
0x3a: {  	_ = 	snop  }
0x3b: {  	_ = 	snop  }
0x3c: {  	p2 =	seq.s32 s10, $0x1;
	s10 =	sld [smem:$0x3FA3]  }
0x3d: {  	_ =	shalt  }
0x3e: {  	_ =	shalt  }
0x3f: {  	_ =	shalt  }
0x40: {  	_ =	shalt  }
0x41: {  	_ =	shalt  }
0x42: {  	_ =	shalt  }
0x43: {  	_ =	shalt  }
0x44: {  	_ =	shalt  }
0x45: {  	_ =	shalt  }
0x46: {  	_ =	shalt  }
0x47: {  	_ =	shalt  }
0x48: {  	_ =	shalt  }
0x49: {  	_ =	shalt  }
0x4a: {  	_ =	shalt  }
0x4b: {  	_ =	shalt  }
0x4c: {  	_ =	shalt  }
0x4d: {  	_ =	shalt  }
0x4e: {  	_ =	shalt  }
0x4f: {  	_ =	shalt  }
0x50: {  	_ =	shalt  }
0x51: {  	_ =	shalt  }
0x52: {  	_ =	shalt  }
0x53: {  	_ =	shalt  }
0x54: {  	_ =	shalt  }
0x55: {  	_ =	shalt  }
0x56: {  	_ =	shalt  }
0x57: {  	_ =	shalt  }
0x58: {  	_ =	shalt  }
0x59: {  	_ =	shalt  }
0x5a: {  	_ =	shalt  }
0x5b: {  	_ =	shalt  }
0x5c: {  	_ =	shalt  }
0x5d: {  	_ =	shalt  }
0x5e: {  	_ =	shalt  }
0x5f: {  	_ =	shalt  }
0x60: {  	_ =	shalt  }
0x61: {  	_ =	shalt  }
0x62: {  	_ =	shalt  }
0x63: {  	_ =	shalt  }
0x64: {  	_ =	shalt  }
0x65: {  	_ =	shalt  }
0x66: {  	_ =	shalt  }
0x67: {  	_ =	shalt  }
0x68: {  	_ =	shalt  }
0x69: {  	_ =	shalt  }
0x6a: {  	_ =	shalt  }
0x6b: {  	_ =	shalt  }
0x6c: {  	_ =	shalt  }
0x6d: {  	_ =	shalt  }
0x6e: {  	_ =	shalt  }
0x6f: {  	_ =	shalt  }
0x70: {  	_ =	shalt  }
0x71: {  	_ =	shalt  }
0x72: {  	_ =	shalt  }
0x73: {  	_ =	shalt  }
0x74: {  	_ =	shalt  }
0x75: {  	_ =	shalt  }
0x76: {  	_ =	shalt  }
0x77: {  	_ =	shalt  }
0x78: {  	_ =	shalt  }
0x79: {  	_ =	shalt  }
0x7a: {  	_ =	shalt  }
0x7b: {  	_ =	shalt  }
0x7c: {  	_ =	shalt  }
0x7d: {  	_ =	shalt  }
0x7e: {  	_ =	shalt  }
0x7f: {  	_ =	shalt  }
0x80: {  	_ =	shalt  }
0x81: {  	_ =	shalt  }
0x82: {  	_ =	shalt  }
0x83: {  	_ =	shalt  }
0x84: {  	_ =	shalt  }
0x85: {  	_ =	shalt  }
0x86: {  	_ =	shalt  }
0x87: {  	_ =	shalt  }
.Lfunc_end0:
.L_simem_size_0:
called_computation.2_lowered:
.L_overlay_start_0:
0x88: {  	s2 =	sld [smem:$0x3FD9]  }
0x89: {  	s3 =	sld [smem:$0x3FFE];
	_ =	sdelay $0x1  }
0x8a: {  	s1 =	srdreg.scid  }
0x8b: {  	s0 =	sand.u32 $0x1, s1  }
0x8c: {  	s16 =	sshll.u32 s0, $0xA;
	s2 =	sadd.s32 s3, s2  }
0x8d: {  	s2 =	sadd.s32 s2, s16  }
0x8e: {  	[smem:$0x3FAF] =	sst s2  }
0x8f: {  	_ = 	snop  }
0x90: {  	(tm) =	ssettm $0x1  }
0x91: {  	s17 =	sld [smem:$0x3FFB];
	_ =	sdelay $0x3  }
0x92: {  	_ =	strace s17  }
0x93: {  	s2 =	sld [smem:$0x3FFC];
	_ =	sdelay $0x3  }
0x94: {  	_ =	strace s2  }
0x95: {  	s2 =	sld [smem:$0x3FFD];
	_ =	sdelay $0x3  }
0x96: {  	_ =	strace s2  }
0x97: {  	_ =	strace $0x8FFFFFFF  }
0x98: {  	s18 =	sld [smem:$0x3FDB];
	_ =	sdelay $0x1  }
0x99: {  	s19 =	simm.s32 $_scs_section_size  }
0x9a: {  	s4 =	simm.s32 $_size__tile_overlayer_lowered;
	s5 =	simm.s32 $_tile_overlayer_lowered  }
0x9b: {  	s22 =	simm.s32 $0x1BFF;
	s21 =	sshll.u32 s5, $0x1;
	s2 =	sadd.s32 s19, s18  }
0x9c: {  	s6 =	simm.s32 $0x0;
	s20 =	sshll.u32 s4, $0x1;
	s4 =	sadd.s32 s21, s2  }
0x9d: {  	[timem:s6], [sflag:s22] =	dma.local [hbm:s4], s20  }
0x9e: {  	_ =	swait.ge [sflag:s22], s20  }
0x9f: {  	s3 =	ssub.s32 $0x0, s20;
	[sflag:s22] =	ssyncset.done $0x0  }
0xa0: {  	[sflag:s22] =	ssyncadd.s32 s3;
	_ =	sdelay $0x1  }
0xa1: {  	s23 =	simm.s32 $0x1B8B  }
0xa2: {  	_ =	swait.ge [sflag:s23], $0x1  }
0xa3: {  	[sflag:s23] =	ssyncset.done $0x0  }
0xa4: {  	s25 =	simm.s32 $0x1B8E;
	s24 =	sld [smem:$0x3FFE];
	[sflag:s23] =	ssyncadd.s32 $0xFFFFFFFF  }
0xa5: {  	s26 =	simm.s32 $execute0_lowered;
	[smem:$0x3FD2] =	sst s25  }
0xa6: {  	s4 =	sshll.u32 s26, $0x1;
	_ =	strace $0x8000004C;
	[dreg:$0x1] =	wrdreg $0xFFFFFFFF  }
0xa7: {  	s28 =	simm.s32 $_size_execute0_lowered;
	s2 =	sadd.s32 s2, s4;
	[dreg:$0x0] =	wrdreg $0x0  }
0xa8: {  	s4 =	sshll.u32 s28, $0x1;
	[dreg:$0x2] =	wrdreg s2  }
0xa9: {  	[dreg:$0x3] =	wrdreg s4  }
0xaa: {  	[dreg:$0x4] =	wrdreg $0xC0  }
0xab: {  	_ =	task [dreg:s6], $0x5FFFF  }
0xac: {  	[dreg:$0x1] =	wrdreg $0xFFFFFFFF  }
0xad: {  	[dreg:$0x0] =	wrdreg $0x60  }
0xae: {  	[dreg:$0x2] =	wrdreg s24  }
0xaf: {  	[dreg:$0x3] =	wrdreg $0x0  }
0xb0: {  	[dreg:$0x4] =	wrdreg $0x9  }
0xb1: {  	_ =	task.clear_ibuf [dreg:s6], $0x5FFFF;
	_ =	strace $0x9000004C  }
0xb2: {  	s29 =	simm.s32 $0x9;
	_ =	strace $0x8000004E  }
0xb3: {  	_ =	swait.ge [sflag:s29], $0x1  }
0xb4: {  	[sflag:s29] =	ssyncadd.s32 $0xFFFFFFFF  }
0xb5: {  	_ =	strace $0x9000004E  }
0xb6: {  	_ =	sfence  }
0xb7: {  	s30 =	sld [smem:$0x0];
	_ =	sdelay $0x2  }
0xb8: {  	s31 =	sshll.u32 s1, $0xD;
	s1 =	sshrl.u32 s1, $0x2  }
0xb9: {  	s3 =	sand.u32 $0x4000, s31;
	s1 =	sadd.s32 s1, s30  }
0xba: {  	s0 =	sor.u32 s3, s0;
	s1 =	sshll.u32 s1, $0x11  }
0xbb: {  	s0 =	sor.u32 s1, s0  }
0xbc: {  	s0 =	sadd.s32 $0x8F2B, s0  }
0xbd: {  	[sflag:s0] =	ssyncadd.remote.s32 $0x1  }
0xbe: {  	_ =	sfence.sel $0xFFFF  }
0xbf: {  	[dreg:$0x0] =	wrdreg $0xFFFFFFFF;
	(pc) =	sbr.abs _section_cstart, $3  }
0xc0: {  	[dreg:$0x1] =	wrdreg $0xFFFFFFFF  }
0xc1: {  	_ =	task.clear_ibuf [dreg:s6], $0x2FFFF;
	_ =	strace $0x9FFFFFFF  }
0xc2: {  	(tm) =	ssettm $0x7FFFFFFF  }
0xc3: {  	_ =	shalt  }
tec
execute0_lowered:
.L_overlay_start_1:
0x0: {  	(tag) =	ssettag $0x1  }
0x1: {  	s0 =	rddreg [dreg:$0x0]  }
0x2: {  	s2 =	rddreg [dreg:$0x1];
	s19 =	simm.s32 $0x0;
	s11 =	stileid.u32  }
0x3: {  	s1 =	srdreg.scid;
	s14 =	simm.s32 $0x9;
	s15 =	simm.s32 $0x14000  }
0x4: {  	s16 =	simm.s32 $0x15400;
	s17 =	simm.s32 $0x40;
	s18 =	simm.s32 $0x16800  }
0x5: {  	s20 =	simm.s32 $0x18800;
	s21 =	simm.s32 $0x1;
	s28 =	simm.s32 $0x1C800  }
0x6: {  	s29 =	simm.s32 $0x3;
	s30 =	simm.s32 $0x15500;
	s31 =	simm.s32 $0x5  }
0x7: {  	s12 =	simm.s32 $0x14280;
	s13 =	simm.s32 $0x8;
	[smem:$0x7FF] =	sst s19  }
0x8: {  	s3 =	smul.u32 $0x14000, s11;
	s1 =	sand.u32 $0x1, s1;
	s4 =	sadd.s32 $0x5C00, s0  }
0x9: {  	s5 =	sadd.s32 $0xF6400, s0;
	s6 =	sadd.s32 $0xE2400, s0;
	s9 =	smul.u32 $0x50000, s11  }
0xa: {  	s25 =	sshll.u32 s11, $0x6;
	_ =	strace $0x8000004D;
	s22 =	ssub.s32 $0x2, s1  }
0xb: {  	s7 =	smul.u32 $0x140000, s1;
	s8 =	sshrl.u32 s3, $0x3;
	s10 =	sshrl.u32 s22, $0x1  }
0xc: {  	s24 =	sshrl.u32 s9, $0x2;
	s9 =	sshll.u32 s1, $0x2;
	s1 =	simm.s32 $0x4  }
0xd: {  	s3 =	sadd.s32 s3, s7;
	s8 =	sadd.s32 s8, s0;
	s23 =	ssub.s32 s22, s10  }
0xe: {  	s7 =	sadd.s32 s24, s2;
	s22 =	sor.u32 $0x1C09, s25;
	s10 =	smul.u32 $0xA000, s11  }
0xf: {  	s24 =	simm.s32 $0x2;
	s11 =	simm.s32 $0x6;
	s3 =	sshrl.u32 s3, $0x3  }
.Ltmp0:
0x10: {  	s8 =	sadd.s32 $0x2CE00, s8;
	[dreg:$0x5] =	wrdreg s22;
	(pc) =	sbr.rel .LBB2_1-.Ltmp0, $4  }
0x11: {  	s26 =	smax.u32 s23, $0x1;
	s25 =	sshrl.u32 s7, $0x3;
	[dreg:$0x4] =	wrdreg s8  }
0x12: {  	s23 =	simm.s32 $0x1A800;
	s0 =	sadd.s32 s3, s0;
	[dreg:$0x7] =	wrdreg s26  }
0x13: {  	s7 =	simm.s32 $0x15580;
	[dreg:$0x8] =	wrdreg s25;
	s0 =	sadd.s32 $0x54E00, s0  }
0x14: {  	s8 =	simm.s32 $0x7;
	[dreg:$0x6] =	wrdreg s0;
	s0 =	simm.s32 $0x14200  }
.LBB2_6:
0x15: {  	[bflag:$0x0] =	sbarrier.arrive $0xFFFF  }
0x16: {  	s22 =	rddreg [dreg:$0x5]  }
0x17: {  	s3 =	rddreg [dreg:$0x6]  }
0x18: {  	s25 =	rddreg [dreg:$0x8]  }
0x19: {  	[hbm:s3], [sflag:s22] =	dma.local [spmem:s25], $0x2800  }
0x1a: {  	_ =	swait.ge [sflag:s14], $0x2800  }
0x1b: {  	s19 =	rddreg [dreg:$0x3]  }
0x1c: {  	s26 =	rddreg [dreg:$0x7];
	s19 =	sadd.s32 $0x1, s19  }
0x1d: {  	p0 =	sne.s32 s19, s26  }
.Ltmp1:
0x1e: {  	_ = 	snop;
	(pc) =	sbr.rel @!p0 .LBB2_7-.Ltmp1, $3  }
0x1f: {  	_ =	sdelay $0x1  }
0x20: {  	[sflag:s14] =	ssyncset.done $0x0  }
0x21: {  	[sflag:s14] =	ssyncadd.s32 $0xFFFFD800  }
.LBB2_1:
0x22: {  	[dreg:$0x3] =	wrdreg s19  }
0x23: {  	s3 =	rddreg [dreg:$0x4]  }
0x24: {  	[spmem:s25], [sflag:s22] =	dma.local [hbm:s3], $0x2800  }
.Ltmp2:
0x25: {  	_ =	swait.ge [sflag:s14], $0x2800;
	(pc) =	sbr.rel .LBB2_2-.Ltmp2, $4  }
0x26: {  	[sflag:s14] =	ssyncset.done $0x0  }
0x27: {  	[sflag:s14] =	ssyncadd.s32 $0xFFFFD800  }
0x28: {  	[bflag:$0x0] =	sbarrier.arrive $0xFFFF  }
0x29: {  	s3 =	simm.s32 $0x0  }
.LBB2_5:
0x2a: {  	_ =	swait.ge [sflag:s1], $0x2000  }
0x2b: {  	[sflag:s1] =	ssyncset.done $0x0  }
0x2c: {  	[sflag:s1] =	ssyncadd.s32 $0xFFFFE000  }
0x2d: {  	[spmem:s2] =	stream.indirect.scatter.add.f32 [tilespmem:s28], [sflag:$0x8], $0x80, s25, s17, $0xb8;
	[tilespmem:$0x1E800] =	vst v63  }
0x2e: {  	_ =	swait.ge [sflag:s11], $0x2000  }
0x2f: {  	[sflag:s11] =	ssyncset.done $0x0  }
0x30: {  	s3 =	sadd.s32 $0x1, s3;
	[sflag:s11] =	ssyncadd.s32 $0xFFFFE000  }
0x31: {  	p0 =	sne.s32 s3, $0x4;
	_ =	swait.ge [sflag:s8], $0x2000  }
.Ltmp3:
0x32: {  	[sflag:s8] =	ssyncset.done $0x0;
	(pc) =	sbr.rel @!p0 .LBB2_6-.Ltmp3, $4  }
0x33: {  	[sflag:s8] =	ssyncadd.s32 $0xFFFFE000  }
0x34: {  	_ =	swait.ge [sflag:s13], $0x2000  }
0x35: {  	[sflag:s13] =	ssyncset.done $0x0  }
0x36: {  	[sflag:s13] =	ssyncadd.s32 $0xFFFFE000  }
.LBB2_2:
0x37: {  	s19 =	sadd.s32 s9, s3  }
0x38: {  	s19 =	smul.u32 $0x1400, s19;
	_ =	sdelay $0x1  }
0x39: {  	s19 =	sadd.s32 s10, s19  }
0x3a: {  	s22 =	sshrl.u32 s19, $0x3  }
0x3b: {  	s19 =	simm.s32 $0x0;
	s25 =	sadd.s32 s5, s22  }
0x3c: {  	[tilespmem:s15], [sflag:$0x9] =	stream.linear.gather [hbm4b:s25+s19], $0x1400, $0x38;
	[tilespmem:$0x1E800] =	vst v63  }
0x3d: {  	_ =	swait.ge [sflag:s14], $0x1400  }
0x3e: {  	[sflag:s14] =	ssyncset.done $0x0  }
0x3f: {  	s22 =	sadd.s32 s6, s22;
	[sflag:s14] =	ssyncadd.s32 $0xFFFFEC00  }
0x40: {  	[tilespmem:s16], [sflag:$0x9] =	stream.linear.gather [hbm4b:s22+s19], $0x1400, $0x38;
	[tilespmem:$0x1E800] =	vst v63  }
0x41: {  	_ =	swait.ge [sflag:s14], $0x1400  }
0x42: {  	[sflag:s14] =	ssyncset.done $0x0  }
0x43: {  	[sflag:s14] =	ssyncadd.s32 $0xFFFFEC00  }
0x44: {  	[tilespmem:s18], [sflag:$0x1] =	stream.indirect.gather [hbm4b:s4+s17], $0x80, s15, s17, $0xb8;
	[tilespmem:$0x1E800] =	vst v63  }
0x45: {  	s25 =	simm.s32 $0x14080  }
0x46: {  	[tilespmem:s20], [sflag:$0x2] =	stream.indirect.gather [hbm4b:s4+s17], $0x80, s25, s17, $0xb8;
	[tilespmem:$0x1E800] =	vst v63  }
0x47: {  	_ =	swait.ge [sflag:s21], $0x2000  }
0x48: {  	[sflag:s21] =	ssyncset.done $0x0  }
0x49: {  	[sflag:s21] =	ssyncadd.s32 $0xFFFFE000  }
0x4a: {  	[spmem:s2] =	stream.indirect.scatter.add.f32 [tilespmem:s18], [sflag:$0x5], $0x80, s16, s17, $0xb8;
	[tilespmem:$0x1E800] =	vst v63  }
0x4b: {  	s26 =	simm.s32 $0x14100  }
0x4c: {  	[tilespmem:s23], [sflag:$0x3] =	stream.indirect.gather [hbm4b:s4+s17], $0x80, s26, s17, $0xb8;
	[tilespmem:$0x1E800] =	vst v63  }
0x4d: {  	_ =	swait.ge [sflag:s24], $0x2000  }
0x4e: {  	[sflag:s24] =	ssyncset.done $0x0  }
0x4f: {  	s25 =	simm.s32 $0x15480;
	[sflag:s24] =	ssyncadd.s32 $0xFFFFE000  }
0x50: {  	[spmem:s2] =	stream.indirect.scatter.add.f32 [tilespmem:s20], [sflag:$0x6], $0x80, s25, s17, $0xb8;
	[tilespmem:$0x1E800] =	vst v63  }
0x51: {  	s26 =	simm.s32 $0x14180  }
0x52: {  	[tilespmem:s28], [sflag:$0x4] =	stream.indirect.gather [hbm4b:s4+s17], $0x80, s26, s17, $0xb8;
	[tilespmem:$0x1E800] =	vst v63  }
0x53: {  	_ =	swait.ge [sflag:s29], $0x2000  }
0x54: {  	[sflag:s29] =	ssyncset.done $0x0  }
0x55: {  	[sflag:s29] =	ssyncadd.s32 $0xFFFFE000  }
0x56: {  	[spmem:s2] =	stream.indirect.scatter.add.f32 [tilespmem:s23], [sflag:$0x7], $0x80, s30, s17, $0xb8;
	[tilespmem:$0x1E800] =	vst v63  }
0x57: {  	_ =	swait.ge [sflag:s31], $0x2000  }
0x58: {  	[sflag:s31] =	ssyncset.done $0x0  }
0x59: {  	[sflag:s31] =	ssyncadd.s32 $0xFFFFE000  }
0x5a: {  	[tilespmem:s18], [sflag:$0x1] =	stream.indirect.gather [hbm4b:s4+s17], $0x80, s0, s17, $0xb8;
	[tilespmem:$0x1E800] =	vst v63  }
0x5b: {  	_ =	swait.ge [sflag:s1], $0x2000  }
0x5c: {  	[sflag:s1] =	ssyncset.done $0x0  }
0x5d: {  	[sflag:s1] =	ssyncadd.s32 $0xFFFFE000  }
0x5e: {  	[spmem:s2] =	stream.indirect.scatter.add.f32 [tilespmem:s28], [sflag:$0x8], $0x80, s7, s17, $0xb8;
	[tilespmem:$0x1E800] =	vst v63  }
0x5f: {  	_ =	swait.ge [sflag:s11], $0x2000  }
0x60: {  	[sflag:s11] =	ssyncset.done $0x0  }
0x61: {  	[sflag:s11] =	ssyncadd.s32 $0xFFFFE000  }
0x62: {  	[tilespmem:s20], [sflag:$0x2] =	stream.indirect.gather [hbm4b:s4+s17], $0x80, s12, s17, $0xb8;
	[tilespmem:$0x1E800] =	vst v63  }
.LBB2_3:
0x63: {  	_ =	swait.ge [sflag:s21], $0x2000  }
0x64: {  	s22 =	sshra.s32 s19, $0x2;
	[sflag:s21] =	ssyncset.done $0x0  }
0x65: {  	s25 =	sadd.s32 $0x15600, s22;
	[sflag:s21] =	ssyncadd.s32 $0xFFFFE000  }
0x66: {  	[spmem:s2] =	stream.indirect.scatter.add.f32 [tilespmem:s18], [sflag:$0x5], $0x80, s25, s17, $0xb8;
	[tilespmem:$0x1E800] =	vst v63  }
0x67: {  	_ =	swait.ge [sflag:s8], $0x2000  }
0x68: {  	[sflag:s8] =	ssyncset.done $0x0  }
0x69: {  	s26 =	sadd.s32 $0x14300, s22;
	[sflag:s8] =	ssyncadd.s32 $0xFFFFE000  }
0x6a: {  	[tilespmem:s23], [sflag:$0x3] =	stream.indirect.gather [hbm4b:s4+s17], $0x80, s26, s17, $0xb8;
	[tilespmem:$0x1E800] =	vst v63  }
0x6b: {  	_ =	swait.ge [sflag:s24], $0x2000  }
0x6c: {  	[sflag:s24] =	ssyncset.done $0x0  }
0x6d: {  	s26 =	sadd.s32 $0x15680, s22;
	[sflag:s24] =	ssyncadd.s32 $0xFFFFE000  }
0x6e: {  	[spmem:s2] =	stream.indirect.scatter.add.f32 [tilespmem:s20], [sflag:$0x6], $0x80, s26, s17, $0xb8;
	[tilespmem:$0x1E800] =	vst v63  }
0x6f: {  	_ =	swait.ge [sflag:s13], $0x2000  }
0x70: {  	[sflag:s13] =	ssyncset.done $0x0  }
0x71: {  	s26 =	sadd.s32 $0x14380, s22;
	[sflag:s13] =	ssyncadd.s32 $0xFFFFE000  }
0x72: {  	[tilespmem:s28], [sflag:$0x4] =	stream.indirect.gather [hbm4b:s4+s17], $0x80, s26, s17, $0xb8;
	[tilespmem:$0x1E800] =	vst v63  }
0x73: {  	_ =	swait.ge [sflag:s29], $0x2000  }
0x74: {  	p0 =	seq.s32 s19, $0x4000;
	[sflag:s29] =	ssyncset.done $0x0  }
.Ltmp4:
0x75: {  	s26 =	sadd.s32 $0x15700, s22;
	[sflag:s29] =	ssyncadd.s32 $0xFFFFE000;
	(pc) =	sbr.rel @p0 .LBB2_5-.Ltmp4, $4  }
0x76: {  	[spmem:s2] =	stream.indirect.scatter.add.f32 [tilespmem:s23], [sflag:$0x7], $0x80, s26, s17, $0xb8;
	[tilespmem:$0x1E800] =	vst v63  }
0x77: {  	_ =	swait.ge [sflag:s31], $0x2000  }
0x78: {  	[sflag:s31] =	ssyncset.done $0x0  }
0x79: {  	s25 =	sadd.s32 $0x15780, s22;
	[sflag:s31] =	ssyncadd.s32 $0xFFFFE000  }
0x7a: {  	s26 =	sadd.s32 $0x14400, s22  }
0x7b: {  	[tilespmem:s18], [sflag:$0x1] =	stream.indirect.gather [hbm4b:s4+s17], $0x80, s26, s17, $0xb8;
	[tilespmem:$0x1E800] =	vst v63  }
0x7c: {  	_ =	swait.ge [sflag:s1], $0x2000  }
0x7d: {  	[sflag:s1] =	ssyncset.done $0x0  }
0x7e: {  	[sflag:s1] =	ssyncadd.s32 $0xFFFFE000  }
0x7f: {  	[spmem:s2] =	stream.indirect.scatter.add.f32 [tilespmem:s28], [sflag:$0x8], $0x80, s25, s17, $0xb8;
	[tilespmem:$0x1E800] =	vst v63  }
.Ltmp5:
0x80: {  	_ = 	snop;
	(pc) =	sbr.rel .LBB2_3-.Ltmp5, $4  }
0x81: {  	_ =	swait.ge [sflag:s11], $0x2000  }
0x82: {  	[sflag:s11] =	ssyncset.done $0x0  }
0x83: {  	s19 =	sadd.s32 $0x800, s19;
	s26 =	sadd.s32 $0x14480, s22;
	[sflag:s11] =	ssyncadd.s32 $0xFFFFE000  }
0x84: {  	[tilespmem:s20], [sflag:$0x2] =	stream.indirect.gather [hbm4b:s4+s17], $0x80, s26, s17, $0xb8;
	[tilespmem:$0x1E800] =	vst v63  }
.LBB2_7:
0x85: {  	_ =	sfence.sel $0x180000  }
0x86: {  	[bflag:$0x0] =	sbarrier.arrive $0xFFFF  }
0x87: {  	_ =	strace $0x9000004D  }
0x88: {  	s0 =	stileid.u32;
	[bflag:$0x2] =	sbarrier.arrive $0xFFFF  }
0x89: {  	p0 =	sne.s32 s0, $0x0;
	s0 =	rddreg [dreg:$0x2]  }
0x8a: {  	s0 =	sadd.s32 @!p0 $0x100000, s0  }
0x8b: {  	[sflag:s0] =	ssyncadd.tile.s32 @!p0 $0x1;
	_ =	shalt  }
.Lfunc_end2:
_tile_overlayer_lowered:
.L_overlay_start_2:
0x8c: {  	(tag) =	ssettag $0x2  }
0x8d: {  	s0 =	rddreg [dreg:$0x0];
	s2 =	stileid.u32  }
0x8e: {  	s1 =	rddreg [dreg:$0x1];
	p0 =	sne.s32 s2, $0x0  }
0x8f: {  	s3 =	rddreg [dreg:$0x2];
	[bflag:$0x3] =	sbarrier.arrive $0xFFFF;
	s2 =	simm.s32 @!p0 $0x1C09  }
0x90: {  	[timem:s3], [sflag:s2] =	dma.local @!p0 [hbm:s0], s1  }
0x91: {  	s0 =	simm.s32 @!p0 $0x9  }
0x92: {  	_ =	swait.ge @!p0 [sflag:s0], s1  }
0x93: {  	s1 =	ssub.s32 @!p0 $0x0, s1;
	[sflag:s0] =	ssyncset.done @!p0 $0x0  }
0x94: {  	[sflag:s0] =	ssyncadd.s32 @!p0 s1  }
0x95: {  	[bflag:$0x3] =	sbarrier.arrive $0xFFFF  }
0x96: {  	_ =	shalt  }

// kernel: kernel.21.cloned.1.call-start
scs
__scs_entry_jumppad:
0x0: {  	(pc) =	sbr.rel $0x88, $3  }
0x1: {  	(tag) =	ssettag $0x0;
	lr =	simm.s32 $0x1  }
0x2: {  	[smem:$0x3F88] =	sst lr;
	_ =	strace $0xD0000000  }
0x3: {  	_ = 	snop  }
0x4: {  	_ = 	snop  }
0x5: {  	_ = 	snop  }
0x6: {  	_ = 	snop  }
0x7: {  	_ = 	snop  }
__scs_overlays_trampoline_lowered:
0x8: {  	[smem:$0x3F97] =	sst s0  }
0x9: {  	[smem:$0x3F98] =	sst s1  }
0xa: {  	[smem:$0x3F99] =	sst s2  }
0xb: {  	[smem:$0x3F9A] =	sst s3  }
0xc: {  	[smem:$0x3F9B] =	sst s4  }
0xd: {  	[smem:$0x3F9C] =	sst s5  }
0xe: {  	[smem:$0x3F9D] =	sst s6  }
0xf: {  	[smem:$0x3F9E] =	sst s7  }
0x10: {  	[smem:$0x3F9F] =	sst s8  }
0x11: {  	[smem:$0x3FA0] =	sst s9;
	s0 =	simm.s32 @!p0 $0x0  }
0x12: {  	s1 =	sld [smem:$0x3F86];
	s0 =	simm.s32 @p0 $0x1  }
0x13: {  	[smem:$0x3FA1] =	sst s0;
	s0 =	simm.s32 @!p1 $0x0  }
0x14: {  	s2 =	sld [smem:$0x3F85];
	s0 =	simm.s32 @p1 $0x1  }
0x15: {  	[smem:$0x3FA2] =	sst s0;
	s0 =	simm.s32 @!p2 $0x0  }
0x16: {  	s3 =	sld [smem:$0x3FDB];
	s0 =	simm.s32 @p2 $0x1  }
0x17: {  	s4 =	simm.s32 $0x1BF5;
	[smem:$0x3FA4] =	sst s0  }
0x18: {  	s0 =	sld [smem:$0x3F87];
	_ =	swait.ge [sflag:s4], $0x0  }
0x19: {  	s7 =	sld [smem:$0x3F88]  }
0x1a: {  	s8 =	sadd.s32 $0xFFFFE003, lr  }
0x1b: {  	s9 =	sadd.s32 $0xFFFFFEF7, lr;
	s5 =	simm.s32 $0xFFFFFFFF;
	p2 =	slt.u32 s8, $0xFFFFF086  }
0x1c: {  	p1 =	slt.u32 s9, $0xF7A;
	s5 =	simm.s32 @!p2 $0x0  }
0x1d: {  	s5 =	simm.s32 @p1 $0x1;
	p0 =	seq.s32 s7, s2  }
0x1e: {  	s7 =	smul.u32 @!p0 $0xF7A, s2;
	p2 =	seq.s32 @!p0 s5, $0x0  }
0x1f: {  	s9 =	smul.u32 $0xF7A, s1;
	s8 =	simm.s32 @!p0 $0x1BF5;
	p2 =	por !p2, p0  }
0x20: {  	[sflag:s8] =	ssyncset.s32 @!p0 $0xFFFFF086;
	s6 =	sadd.s32 @!p0 s3, s7;
	s7 =	simm.s32 @!p0 $0x108  }
0x21: {  	s3 =	sadd.s32 s3, s9;
	s6 =	sadd.s32 @!p0 $0x88, s6;
	s7 =	simm.s32 @p2 $0x1082  }
0x22: {  	[simem:s7], [sflag:s8] =	dma.local @!p0 [hbm:s6], $0xF7A  }
0x23: {  	s9 =	sor.u32 $0xD0000000, s2;
	s6 =	simm.s32 $0x108;
	_ =	swait.ge @!p0 [sflag:s8], $0x0  }
0x24: {  	s3 =	sadd.s32 $0x88, s3;
	s6 =	simm.s32 @!p1 $0x1082;
	[sflag:s4] =	ssyncset.s32 $0xFFFFF086  }
0x25: {  	[simem:s6], [sflag:s4] =	dma.local [hbm:s3], $0xF7A  }
0x26: {  	[smem:$0x3F88] =	sst s1;
	(tag) =	ssettag s2;
	_ =	strace s9  }
0x27: {  	s1 =	sld [smem:$0x3F98]  }
0x28: {  	s2 =	sld [smem:$0x3F99]  }
0x29: {  	s4 =	sld [smem:$0x3F9B]  }
0x2a: {  	p0 =	seq.s32 s5, $0x0;
	s5 =	sld [smem:$0x3F9C]  }
0x2b: {  	s6 =	sld [smem:$0x3F9D]  }
0x2c: {  	s7 =	sld [smem:$0x3F9E]  }
0x2d: {  	s3 =	simm.s32 $0x108;
	s8 =	sld [smem:$0x3F9F]  }
0x2e: {  	s3 =	simm.s32 @!p0 $0x1082;
	s9 =	sld [smem:$0x3FA0]  }
0x2f: {  	lr =	sadd.s32 s0, s3;
	s0 =	sld [smem:$0x3F97]  }
0x30: {  	s3 =	sld [smem:$0x3F9A]  }
0x31: {  	[smem:$0x3FA3] =	sst s10  }
0x32: {  	s10 =	sld [smem:$0x3FA1];
	_ =	sdelay $0x3  }
0x33: {  	p0 =	seq.s32 s10, $0x1;
	s10 =	sld [smem:$0x3FA3];
	_ =	sdelay $0x3  }
0x34: {  	[smem:$0x3FA3] =	sst s10  }
0x35: {  	s10 =	sld [smem:$0x3FA2];
	_ =	sdelay $0x3  }
0x36: {  	p1 =	seq.s32 s10, $0x1;
	s10 =	sld [smem:$0x3FA3];
	_ =	sdelay $0x3  }
0x37: {  	[smem:$0x3FA3] =	sst s10  }
0x38: {  	s10 =	sld [smem:$0x3FA4]  }
0x39: {  	_ = 	snop;
	(pc) =	sbr.ind lr, $3  }
0x3a: {  	_ = 	snop  }
0x3b: {  	_ = 	snop  }
0x3c: {  	p2 =	seq.s32 s10, $0x1;
	s10 =	sld [smem:$0x3FA3]  }
0x3d: {  	_ =	shalt  }
0x3e: {  	_ =	shalt  }
0x3f: {  	_ =	shalt  }
0x40: {  	_ =	shalt  }
0x41: {  	_ =	shalt  }
0x42: {  	_ =	shalt  }
0x43: {  	_ =	shalt  }
0x44: {  	_ =	shalt  }
0x45: {  	_ =	shalt  }
0x46: {  	_ =	shalt  }
0x47: {  	_ =	shalt  }
0x48: {  	_ =	shalt  }
0x49: {  	_ =	shalt  }
0x4a: {  	_ =	shalt  }
0x4b: {  	_ =	shalt  }
0x4c: {  	_ =	shalt  }
0x4d: {  	_ =	shalt  }
0x4e: {  	_ =	shalt  }
0x4f: {  	_ =	shalt  }
0x50: {  	_ =	shalt  }
0x51: {  	_ =	shalt  }
0x52: {  	_ =	shalt  }
0x53: {  	_ =	shalt  }
0x54: {  	_ =	shalt  }
0x55: {  	_ =	shalt  }
0x56: {  	_ =	shalt  }
0x57: {  	_ =	shalt  }
0x58: {  	_ =	shalt  }
0x59: {  	_ =	shalt  }
0x5a: {  	_ =	shalt  }
0x5b: {  	_ =	shalt  }
0x5c: {  	_ =	shalt  }
0x5d: {  	_ =	shalt  }
0x5e: {  	_ =	shalt  }
0x5f: {  	_ =	shalt  }
0x60: {  	_ =	shalt  }
0x61: {  	_ =	shalt  }
0x62: {  	_ =	shalt  }
0x63: {  	_ =	shalt  }
0x64: {  	_ =	shalt  }
0x65: {  	_ =	shalt  }
0x66: {  	_ =	shalt  }
0x67: {  	_ =	shalt  }
0x68: {  	_ =	shalt  }
0x69: {  	_ =	shalt  }
0x6a: {  	_ =	shalt  }
0x6b: {  	_ =	shalt  }
0x6c: {  	_ =	shalt  }
0x6d: {  	_ =	shalt  }
0x6e: {  	_ =	shalt  }
0x6f: {  	_ =	shalt  }
0x70: {  	_ =	shalt  }
0x71: {  	_ =	shalt  }
0x72: {  	_ =	shalt  }
0x73: {  	_ =	shalt  }
0x74: {  	_ =	shalt  }
0x75: {  	_ =	shalt  }
0x76: {  	_ =	shalt  }
0x77: {  	_ =	shalt  }
0x78: {  	_ =	shalt  }
0x79: {  	_ =	shalt  }
0x7a: {  	_ =	shalt  }
0x7b: {  	_ =	shalt  }
0x7c: {  	_ =	shalt  }
0x7d: {  	_ =	shalt  }
0x7e: {  	_ =	shalt  }
0x7f: {  	_ =	shalt  }
0x80: {  	_ =	shalt  }
0x81: {  	_ =	shalt  }
0x82: {  	_ =	shalt  }
0x83: {  	_ =	shalt  }
0x84: {  	_ =	shalt  }
0x85: {  	_ =	shalt  }
0x86: {  	_ =	shalt  }
0x87: {  	_ =	shalt  }
.Lfunc_end0:
.L_simem_size_0:
called_computation.3_lowered:
.L_overlay_start_0:
0x88: {  	s2 =	sld [smem:$0x3FD9]  }
0x89: {  	s3 =	sld [smem:$0x3FFE];
	_ =	sdelay $0x1  }
0x8a: {  	s1 =	srdreg.scid  }
0x8b: {  	s0 =	sand.u32 $0x1, s1  }
0x8c: {  	s16 =	sshll.u32 s0, $0xA;
	s2 =	sadd.s32 s3, s2  }
0x8d: {  	s2 =	sadd.s32 s2, s16  }
0x8e: {  	[smem:$0x3FAF] =	sst s2  }
0x8f: {  	_ = 	snop  }
0x90: {  	(tm) =	ssettm $0x1  }
0x91: {  	s17 =	sld [smem:$0x3FFB];
	_ =	sdelay $0x3  }
0x92: {  	_ =	strace s17  }
0x93: {  	s2 =	sld [smem:$0x3FFC];
	_ =	sdelay $0x3  }
0x94: {  	_ =	strace s2  }
0x95: {  	s2 =	sld [smem:$0x3FFD];
	_ =	sdelay $0x3  }
0x96: {  	_ =	strace s2  }
0x97: {  	_ =	strace $0x8FFFFFFF  }
0x98: {  	s18 =	sld [smem:$0x3FDB];
	_ =	sdelay $0x1  }
0x99: {  	s19 =	simm.s32 $_scs_section_size  }
0x9a: {  	s4 =	simm.s32 $_size__tile_overlayer_lowered;
	s5 =	simm.s32 $_tile_overlayer_lowered  }
0x9b: {  	s22 =	simm.s32 $0x1BFF;
	s21 =	sshll.u32 s5, $0x1;
	s2 =	sadd.s32 s19, s18  }
0x9c: {  	s6 =	simm.s32 $0x0;
	s20 =	sshll.u32 s4, $0x1;
	s4 =	sadd.s32 s21, s2  }
0x9d: {  	[timem:s6], [sflag:s22] =	dma.local [hbm:s4], s20  }
0x9e: {  	_ =	swait.ge [sflag:s22], s20  }
0x9f: {  	s3 =	ssub.s32 $0x0, s20;
	[sflag:s22] =	ssyncset.done $0x0  }
0xa0: {  	[sflag:s22] =	ssyncadd.s32 s3;
	_ =	sdelay $0x1  }
0xa1: {  	s23 =	simm.s32 $0x1B8B  }
0xa2: {  	_ =	swait.ge [sflag:s23], $0x1  }
0xa3: {  	[sflag:s23] =	ssyncset.done $0x0  }
0xa4: {  	s25 =	simm.s32 $0x1B8E;
	s24 =	sld [smem:$0x3FFE];
	[sflag:s23] =	ssyncadd.s32 $0xFFFFFFFF  }
0xa5: {  	s26 =	simm.s32 $execute0_lowered;
	[smem:$0x3FD2] =	sst s25  }
0xa6: {  	s4 =	sshll.u32 s26, $0x1;
	_ =	strace $0x8000004F;
	[dreg:$0x1] =	wrdreg $0xFFFFFFFF  }
0xa7: {  	s28 =	simm.s32 $_size_execute0_lowered;
	s2 =	sadd.s32 s2, s4;
	[dreg:$0x0] =	wrdreg $0x0  }
0xa8: {  	s4 =	sshll.u32 s28, $0x1;
	[dreg:$0x2] =	wrdreg s2  }
0xa9: {  	[dreg:$0x3] =	wrdreg s4  }
0xaa: {  	[dreg:$0x4] =	wrdreg $0xC0  }
0xab: {  	_ =	task [dreg:s6], $0x5FFFF  }
0xac: {  	[dreg:$0x1] =	wrdreg $0xFFFFFFFF  }
0xad: {  	[dreg:$0x0] =	wrdreg $0x60  }
0xae: {  	[dreg:$0x2] =	wrdreg s24  }
0xaf: {  	[dreg:$0x3] =	wrdreg $0x0  }
0xb0: {  	[dreg:$0x4] =	wrdreg $0x9  }
0xb1: {  	_ =	task.clear_ibuf [dreg:s6], $0x5FFFF;
	_ =	strace $0x9000004F  }
0xb2: {  	s29 =	simm.s32 $0x9;
	_ =	strace $0x80000051  }
0xb3: {  	_ =	swait.ge [sflag:s29], $0x1  }
0xb4: {  	[sflag:s29] =	ssyncadd.s32 $0xFFFFFFFF  }
0xb5: {  	_ =	strace $0x90000051  }
0xb6: {  	_ =	sfence  }
0xb7: {  	s30 =	sld [smem:$0x0];
	_ =	sdelay $0x2  }
0xb8: {  	s31 =	sshll.u32 s1, $0xD;
	s1 =	sshrl.u32 s1, $0x2  }
0xb9: {  	s3 =	sand.u32 $0x4000, s31;
	s1 =	sadd.s32 s1, s30  }
0xba: {  	s0 =	sor.u32 s3, s0;
	s1 =	sshll.u32 s1, $0x11  }
0xbb: {  	s0 =	sor.u32 s1, s0  }
0xbc: {  	s0 =	sadd.s32 $0x8F2B, s0  }
0xbd: {  	[sflag:s0] =	ssyncadd.remote.s32 $0x1  }
0xbe: {  	_ =	sfence.sel $0xFFFF  }
0xbf: {  	[dreg:$0x0] =	wrdreg $0xFFFFFFFF;
	(pc) =	sbr.abs _section_cstart, $3  }
0xc0: {  	[dreg:$0x1] =	wrdreg $0xFFFFFFFF  }
0xc1: {  	_ =	task.clear_ibuf [dreg:s6], $0x2FFFF;
	_ =	strace $0x9FFFFFFF  }
0xc2: {  	(tm) =	ssettm $0x7FFFFFFF  }
0xc3: {  	_ =	shalt  }
tec
execute0_lowered:
.L_overlay_start_1:
0x0: {  	(tag) =	ssettag $0x1  }
0x1: {  	s0 =	rddreg [dreg:$0x0]  }
0x2: {  	s2 =	rddreg [dreg:$0x1];
	s19 =	simm.s32 $0x0;
	s11 =	stileid.u32  }
0x3: {  	s1 =	srdreg.scid;
	s14 =	simm.s32 $0x9;
	s15 =	simm.s32 $0x14000  }
0x4: {  	s16 =	simm.s32 $0x15400;
	s17 =	simm.s32 $0x40;
	s18 =	simm.s32 $0x16800  }
0x5: {  	s20 =	simm.s32 $0x18800;
	s21 =	simm.s32 $0x1;
	s28 =	simm.s32 $0x1C800  }
0x6: {  	s29 =	simm.s32 $0x3;
	s30 =	simm.s32 $0x15500;
	s31 =	simm.s32 $0x5  }
0x7: {  	s12 =	simm.s32 $0x14280;
	s13 =	simm.s32 $0x8;
	[smem:$0x7FF] =	sst s19  }
0x8: {  	s3 =	smul.u32 $0x14000, s11;
	s1 =	sand.u32 $0x1, s1;
	s4 =	sadd.s32 $0x5C00, s0  }
0x9: {  	s5 =	sadd.s32 $0xF6400, s0;
	s6 =	sadd.s32 $0xE2400, s0;
	s9 =	smul.u32 $0x50000, s11  }
0xa: {  	s25 =	sshll.u32 s11, $0x6;
	_ =	strace $0x80000050;
	s22 =	ssub.s32 $0x2, s1  }
0xb: {  	s7 =	smul.u32 $0x140000, s1;
	s8 =	sshrl.u32 s3, $0x3;
	s10 =	sshrl.u32 s22, $0x1  }
0xc: {  	s24 =	sshrl.u32 s9, $0x2;
	s9 =	sshll.u32 s1, $0x2;
	s1 =	simm.s32 $0x4  }
0xd: {  	s3 =	sadd.s32 s3, s7;
	s8 =	sadd.s32 s8, s0;
	s23 =	ssub.s32 s22, s10  }
0xe: {  	s7 =	sadd.s32 s24, s2;
	s22 =	sor.u32 $0x1C09, s25;
	s10 =	smul.u32 $0xA000, s11  }
0xf: {  	s24 =	simm.s32 $0x2;
	s11 =	simm.s32 $0x6;
	s3 =	sshrl.u32 s3, $0x3  }
.Ltmp0:
0x10: {  	s8 =	sadd.s32 $0x2CE00, s8;
	[dreg:$0x5] =	wrdreg s22;
	(pc) =	sbr.rel .LBB2_1-.Ltmp0, $4  }
0x11: {  	s26 =	smax.u32 s23, $0x1;
	s25 =	sshrl.u32 s7, $0x3;
	[dreg:$0x4] =	wrdreg s8  }
0x12: {  	s23 =	simm.s32 $0x1A800;
	s0 =	sadd.s32 s3, s0;
	[dreg:$0x7] =	wrdreg s26  }
0x13: {  	s7 =	simm.s32 $0x15580;
	[dreg:$0x8] =	wrdreg s25;
	s0 =	sadd.s32 $0x54E00, s0  }
0x14: {  	s8 =	simm.s32 $0x7;
	[dreg:$0x6] =	wrdreg s0;
	s0 =	simm.s32 $0x14200  }
.LBB2_6:
0x15: {  	[bflag:$0x0] =	sbarrier.arrive $0xFFFF  }
0x16: {  	s22 =	rddreg [dreg:$0x5]  }
0x17: {  	s3 =	rddreg [dreg:$0x6]  }
0x18: {  	s25 =	rddreg [dreg:$0x8]  }
0x19: {  	[hbm:s3], [sflag:s22] =	dma.local [spmem:s25], $0x2800  }
0x1a: {  	_ =	swait.ge [sflag:s14], $0x2800  }
0x1b: {  	s19 =	rddreg [dreg:$0x3]  }
0x1c: {  	s26 =	rddreg [dreg:$0x7];
	s19 =	sadd.s32 $0x1, s19  }
0x1d: {  	p0 =	sne.s32 s19, s26  }
.Ltmp1:
0x1e: {  	_ = 	snop;
	(pc) =	sbr.rel @!p0 .LBB2_7-.Ltmp1, $3  }
0x1f: {  	_ =	sdelay $0x1  }
0x20: {  	[sflag:s14] =	ssyncset.done $0x0  }
0x21: {  	[sflag:s14] =	ssyncadd.s32 $0xFFFFD800  }
.LBB2_1:
0x22: {  	[dreg:$0x3] =	wrdreg s19  }
0x23: {  	s3 =	rddreg [dreg:$0x4]  }
0x24: {  	[spmem:s25], [sflag:s22] =	dma.local [hbm:s3], $0x2800  }
.Ltmp2:
0x25: {  	_ =	swait.ge [sflag:s14], $0x2800;
	(pc) =	sbr.rel .LBB2_2-.Ltmp2, $4  }
0x26: {  	[sflag:s14] =	ssyncset.done $0x0  }
0x27: {  	[sflag:s14] =	ssyncadd.s32 $0xFFFFD800  }
0x28: {  	[bflag:$0x0] =	sbarrier.arrive $0xFFFF  }
0x29: {  	s3 =	simm.s32 $0x0  }
.LBB2_5:
0x2a: {  	_ =	swait.ge [sflag:s1], $0x2000  }
0x2b: {  	[sflag:s1] =	ssyncset.done $0x0  }
0x2c: {  	[sflag:s1] =	ssyncadd.s32 $0xFFFFE000  }
0x2d: {  	[spmem:s2] =	stream.indirect.scatter.add.f32 [tilespmem:s28], [sflag:$0x8], $0x80, s25, s17, $0xb8;
	[tilespmem:$0x1E800] =	vst v63  }
0x2e: {  	_ =	swait.ge [sflag:s11], $0x2000  }
0x2f: {  	[sflag:s11] =	ssyncset.done $0x0  }
0x30: {  	s3 =	sadd.s32 $0x1, s3;
	[sflag:s11] =	ssyncadd.s32 $0xFFFFE000  }
0x31: {  	p0 =	sne.s32 s3, $0x4;
	_ =	swait.ge [sflag:s8], $0x2000  }
.Ltmp3:
0x32: {  	[sflag:s8] =	ssyncset.done $0x0;
	(pc) =	sbr.rel @!p0 .LBB2_6-.Ltmp3, $4  }
0x33: {  	[sflag:s8] =	ssyncadd.s32 $0xFFFFE000  }
0x34: {  	_ =	swait.ge [sflag:s13], $0x2000  }
0x35: {  	[sflag:s13] =	ssyncset.done $0x0  }
0x36: {  	[sflag:s13] =	ssyncadd.s32 $0xFFFFE000  }
.LBB2_2:
0x37: {  	s19 =	sadd.s32 s9, s3  }
0x38: {  	s19 =	smul.u32 $0x1400, s19;
	_ =	sdelay $0x1  }
0x39: {  	s19 =	sadd.s32 s10, s19  }
0x3a: {  	s22 =	sshrl.u32 s19, $0x3  }
0x3b: {  	s19 =	simm.s32 $0x0;
	s25 =	sadd.s32 s5, s22  }
0x3c: {  	[tilespmem:s15], [sflag:$0x9] =	stream.linear.gather [hbm4b:s25+s19], $0x1400, $0x38;
	[tilespmem:$0x1E800] =	vst v63  }
0x3d: {  	_ =	swait.ge [sflag:s14], $0x1400  }
0x3e: {  	[sflag:s14] =	ssyncset.done $0x0  }
0x3f: {  	s22 =	sadd.s32 s6, s22;
	[sflag:s14] =	ssyncadd.s32 $0xFFFFEC00  }
0x40: {  	[tilespmem:s16], [sflag:$0x9] =	stream.linear.gather [hbm4b:s22+s19], $0x1400, $0x38;
	[tilespmem:$0x1E800] =	vst v63  }
0x41: {  	_ =	swait.ge [sflag:s14], $0x1400  }
0x42: {  	[sflag:s14] =	ssyncset.done $0x0  }
0x43: {  	[sflag:s14] =	ssyncadd.s32 $0xFFFFEC00  }
0x44: {  	[tilespmem:s18], [sflag:$0x1] =	stream.indirect.gather [hbm4b:s4+s17], $0x80, s15, s17, $0xb8;
	[tilespmem:$0x1E800] =	vst v63  }
0x45: {  	s25 =	simm.s32 $0x14080  }
0x46: {  	[tilespmem:s20], [sflag:$0x2] =	stream.indirect.gather [hbm4b:s4+s17], $0x80, s25, s17, $0xb8;
	[tilespmem:$0x1E800] =	vst v63  }
0x47: {  	_ =	swait.ge [sflag:s21], $0x2000  }
0x48: {  	[sflag:s21] =	ssyncset.done $0x0  }
0x49: {  	[sflag:s21] =	ssyncadd.s32 $0xFFFFE000  }
0x4a: {  	[spmem:s2] =	stream.indirect.scatter.add.f32 [tilespmem:s18], [sflag:$0x5], $0x80, s16, s17, $0xb8;
	[tilespmem:$0x1E800] =	vst v63  }
0x4b: {  	s26 =	simm.s32 $0x14100  }
0x4c: {  	[tilespmem:s23], [sflag:$0x3] =	stream.indirect.gather [hbm4b:s4+s17], $0x80, s26, s17, $0xb8;
	[tilespmem:$0x1E800] =	vst v63  }
0x4d: {  	_ =	swait.ge [sflag:s24], $0x2000  }
0x4e: {  	[sflag:s24] =	ssyncset.done $0x0  }
0x4f: {  	s25 =	simm.s32 $0x15480;
	[sflag:s24] =	ssyncadd.s32 $0xFFFFE000  }
0x50: {  	[spmem:s2] =	stream.indirect.scatter.add.f32 [tilespmem:s20], [sflag:$0x6], $0x80, s25, s17, $0xb8;
	[tilespmem:$0x1E800] =	vst v63  }
0x51: {  	s26 =	simm.s32 $0x14180  }
0x52: {  	[tilespmem:s28], [sflag:$0x4] =	stream.indirect.gather [hbm4b:s4+s17], $0x80, s26, s17, $0xb8;
	[tilespmem:$0x1E800] =	vst v63  }
0x53: {  	_ =	swait.ge [sflag:s29], $0x2000  }
0x54: {  	[sflag:s29] =	ssyncset.done $0x0  }
0x55: {  	[sflag:s29] =	ssyncadd.s32 $0xFFFFE000  }
0x56: {  	[spmem:s2] =	stream.indirect.scatter.add.f32 [tilespmem:s23], [sflag:$0x7], $0x80, s30, s17, $0xb8;
	[tilespmem:$0x1E800] =	vst v63  }
0x57: {  	_ =	swait.ge [sflag:s31], $0x2000  }
0x58: {  	[sflag:s31] =	ssyncset.done $0x0  }
0x59: {  	[sflag:s31] =	ssyncadd.s32 $0xFFFFE000  }
0x5a: {  	[tilespmem:s18], [sflag:$0x1] =	stream.indirect.gather [hbm4b:s4+s17], $0x80, s0, s17, $0xb8;
	[tilespmem:$0x1E800] =	vst v63  }
0x5b: {  	_ =	swait.ge [sflag:s1], $0x2000  }
0x5c: {  	[sflag:s1] =	ssyncset.done $0x0  }
0x5d: {  	[sflag:s1] =	ssyncadd.s32 $0xFFFFE000  }
0x5e: {  	[spmem:s2] =	stream.indirect.scatter.add.f32 [tilespmem:s28], [sflag:$0x8], $0x80, s7, s17, $0xb8;
	[tilespmem:$0x1E800] =	vst v63  }
0x5f: {  	_ =	swait.ge [sflag:s11], $0x2000  }
0x60: {  	[sflag:s11] =	ssyncset.done $0x0  }
0x61: {  	[sflag:s11] =	ssyncadd.s32 $0xFFFFE000  }
0x62: {  	[tilespmem:s20], [sflag:$0x2] =	stream.indirect.gather [hbm4b:s4+s17], $0x80, s12, s17, $0xb8;
	[tilespmem:$0x1E800] =	vst v63  }
.LBB2_3:
0x63: {  	_ =	swait.ge [sflag:s21], $0x2000  }
0x64: {  	s22 =	sshra.s32 s19, $0x2;
	[sflag:s21] =	ssyncset.done $0x0  }
0x65: {  	s25 =	sadd.s32 $0x15600, s22;
	[sflag:s21] =	ssyncadd.s32 $0xFFFFE000  }
0x66: {  	[spmem:s2] =	stream.indirect.scatter.add.f32 [tilespmem:s18], [sflag:$0x5], $0x80, s25, s17, $0xb8;
	[tilespmem:$0x1E800] =	vst v63  }
0x67: {  	_ =	swait.ge [sflag:s8], $0x2000  }
0x68: {  	[sflag:s8] =	ssyncset.done $0x0  }
0x69: {  	s26 =	sadd.s32 $0x14300, s22;
	[sflag:s8] =	ssyncadd.s32 $0xFFFFE000  }
0x6a: {  	[tilespmem:s23], [sflag:$0x3] =	stream.indirect.gather [hbm4b:s4+s17], $0x80, s26, s17, $0xb8;
	[tilespmem:$0x1E800] =	vst v63  }
0x6b: {  	_ =	swait.ge [sflag:s24], $0x2000  }
0x6c: {  	[sflag:s24] =	ssyncset.done $0x0  }
0x6d: {  	s26 =	sadd.s32 $0x15680, s22;
	[sflag:s24] =	ssyncadd.s32 $0xFFFFE000  }
0x6e: {  	[spmem:s2] =	stream.indirect.scatter.add.f32 [tilespmem:s20], [sflag:$0x6], $0x80, s26, s17, $0xb8;
	[tilespmem:$0x1E800] =	vst v63  }
0x6f: {  	_ =	swait.ge [sflag:s13], $0x2000  }
0x70: {  	[sflag:s13] =	ssyncset.done $0x0  }
0x71: {  	s26 =	sadd.s32 $0x14380, s22;
	[sflag:s13] =	ssyncadd.s32 $0xFFFFE000  }
0x72: {  	[tilespmem:s28], [sflag:$0x4] =	stream.indirect.gather [hbm4b:s4+s17], $0x80, s26, s17, $0xb8;
	[tilespmem:$0x1E800] =	vst v63  }
0x73: {  	_ =	swait.ge [sflag:s29], $0x2000  }
0x74: {  	p0 =	seq.s32 s19, $0x4000;
	[sflag:s29] =	ssyncset.done $0x0  }
.Ltmp4:
0x75: {  	s26 =	sadd.s32 $0x15700, s22;
	[sflag:s29] =	ssyncadd.s32 $0xFFFFE000;
	(pc) =	sbr.rel @p0 .LBB2_5-.Ltmp4, $4  }
0x76: {  	[spmem:s2] =	stream.indirect.scatter.add.f32 [tilespmem:s23], [sflag:$0x7], $0x80, s26, s17, $0xb8;
	[tilespmem:$0x1E800] =	vst v63  }
0x77: {  	_ =	swait.ge [sflag:s31], $0x2000  }
0x78: {  	[sflag:s31] =	ssyncset.done $0x0  }
0x79: {  	s25 =	sadd.s32 $0x15780, s22;
	[sflag:s31] =	ssyncadd.s32 $0xFFFFE000  }
0x7a: {  	s26 =	sadd.s32 $0x14400, s22  }
0x7b: {  	[tilespmem:s18], [sflag:$0x1] =	stream.indirect.gather [hbm4b:s4+s17], $0x80, s26, s17, $0xb8;
	[tilespmem:$0x1E800] =	vst v63  }
0x7c: {  	_ =	swait.ge [sflag:s1], $0x2000  }
0x7d: {  	[sflag:s1] =	ssyncset.done $0x0  }
0x7e: {  	[sflag:s1] =	ssyncadd.s32 $0xFFFFE000  }
0x7f: {  	[spmem:s2] =	stream.indirect.scatter.add.f32 [tilespmem:s28], [sflag:$0x8], $0x80, s25, s17, $0xb8;
	[tilespmem:$0x1E800] =	vst v63  }
.Ltmp5:
0x80: {  	_ = 	snop;
	(pc) =	sbr.rel .LBB2_3-.Ltmp5, $4  }
0x81: {  	_ =	swait.ge [sflag:s11], $0x2000  }
0x82: {  	[sflag:s11] =	ssyncset.done $0x0  }
0x83: {  	s19 =	sadd.s32 $0x800, s19;
	s26 =	sadd.s32 $0x14480, s22;
	[sflag:s11] =	ssyncadd.s32 $0xFFFFE000  }
0x84: {  	[tilespmem:s20], [sflag:$0x2] =	stream.indirect.gather [hbm4b:s4+s17], $0x80, s26, s17, $0xb8;
	[tilespmem:$0x1E800] =	vst v63  }
.LBB2_7:
0x85: {  	_ =	sfence.sel $0x180000  }
0x86: {  	[bflag:$0x0] =	sbarrier.arrive $0xFFFF  }
0x87: {  	_ =	strace $0x90000050  }
0x88: {  	s0 =	stileid.u32;
	[bflag:$0x2] =	sbarrier.arrive $0xFFFF  }
0x89: {  	p0 =	sne.s32 s0, $0x0;
	s0 =	rddreg [dreg:$0x2]  }
0x8a: {  	s0 =	sadd.s32 @!p0 $0x100000, s0  }
0x8b: {  	[sflag:s0] =	ssyncadd.tile.s32 @!p0 $0x1;
	_ =	shalt  }
.Lfunc_end2:
_tile_overlayer_lowered:
.L_overlay_start_2:
0x8c: {  	(tag) =	ssettag $0x2  }
0x8d: {  	s0 =	rddreg [dreg:$0x0];
	s2 =	stileid.u32  }
0x8e: {  	s1 =	rddreg [dreg:$0x1];
	p0 =	sne.s32 s2, $0x0  }
0x8f: {  	s3 =	rddreg [dreg:$0x2];
	[bflag:$0x3] =	sbarrier.arrive $0xFFFF;
	s2 =	simm.s32 @!p0 $0x1C09  }
0x90: {  	[timem:s3], [sflag:s2] =	dma.local @!p0 [hbm:s0], s1  }
0x91: {  	s0 =	simm.s32 @!p0 $0x9  }
0x92: {  	_ =	swait.ge @!p0 [sflag:s0], s1  }
0x93: {  	s1 =	ssub.s32 @!p0 $0x0, s1;
	[sflag:s0] =	ssyncset.done @!p0 $0x0  }
0x94: {  	[sflag:s0] =	ssyncadd.s32 @!p0 s1  }
0x95: {  	[bflag:$0x3] =	sbarrier.arrive $0xFFFF  }
0x96: {  	_ =	shalt  }

// kernel: kernel.24.cloned.1.call-start
scs
__scs_entry_jumppad:
0x0: {  	(pc) =	sbr.rel $0x88, $3  }
0x1: {  	(tag) =	ssettag $0x0;
	lr =	simm.s32 $0x1  }
0x2: {  	[smem:$0x3F88] =	sst lr;
	_ =	strace $0xD0000000  }
0x3: {  	_ = 	snop  }
0x4: {  	_ = 	snop  }
0x5: {  	_ = 	snop  }
0x6: {  	_ = 	snop  }
0x7: {  	_ = 	snop  }
__scs_overlays_trampoline_lowered:
0x8: {  	[smem:$0x3F97] =	sst s0  }
0x9: {  	[smem:$0x3F98] =	sst s1  }
0xa: {  	[smem:$0x3F99] =	sst s2  }
0xb: {  	[smem:$0x3F9A] =	sst s3  }
0xc: {  	[smem:$0x3F9B] =	sst s4  }
0xd: {  	[smem:$0x3F9C] =	sst s5  }
0xe: {  	[smem:$0x3F9D] =	sst s6  }
0xf: {  	[smem:$0x3F9E] =	sst s7  }
0x10: {  	[smem:$0x3F9F] =	sst s8  }
0x11: {  	[smem:$0x3FA0] =	sst s9;
	s0 =	simm.s32 @!p0 $0x0  }
0x12: {  	s1 =	sld [smem:$0x3F86];
	s0 =	simm.s32 @p0 $0x1  }
0x13: {  	[smem:$0x3FA1] =	sst s0;
	s0 =	simm.s32 @!p1 $0x0  }
0x14: {  	s2 =	sld [smem:$0x3F85];
	s0 =	simm.s32 @p1 $0x1  }
0x15: {  	[smem:$0x3FA2] =	sst s0;
	s0 =	simm.s32 @!p2 $0x0  }
0x16: {  	s3 =	sld [smem:$0x3FDB];
	s0 =	simm.s32 @p2 $0x1  }
0x17: {  	s4 =	simm.s32 $0x1BF5;
	[smem:$0x3FA4] =	sst s0  }
0x18: {  	s0 =	sld [smem:$0x3F87];
	_ =	swait.ge [sflag:s4], $0x0  }
0x19: {  	s7 =	sld [smem:$0x3F88]  }
0x1a: {  	s8 =	sadd.s32 $0xFFFFE003, lr  }
0x1b: {  	s9 =	sadd.s32 $0xFFFFFEF7, lr;
	s5 =	simm.s32 $0xFFFFFFFF;
	p2 =	slt.u32 s8, $0xFFFFF086  }
0x1c: {  	p1 =	slt.u32 s9, $0xF7A;
	s5 =	simm.s32 @!p2 $0x0  }
0x1d: {  	s5 =	simm.s32 @p1 $0x1;
	p0 =	seq.s32 s7, s2  }
0x1e: {  	s7 =	smul.u32 @!p0 $0xF7A, s2;
	p2 =	seq.s32 @!p0 s5, $0x0  }
0x1f: {  	s9 =	smul.u32 $0xF7A, s1;
	s8 =	simm.s32 @!p0 $0x1BF5;
	p2 =	por !p2, p0  }
0x20: {  	[sflag:s8] =	ssyncset.s32 @!p0 $0xFFFFF086;
	s6 =	sadd.s32 @!p0 s3, s7;
	s7 =	simm.s32 @!p0 $0x108  }
0x21: {  	s3 =	sadd.s32 s3, s9;
	s6 =	sadd.s32 @!p0 $0x88, s6;
	s7 =	simm.s32 @p2 $0x1082  }
0x22: {  	[simem:s7], [sflag:s8] =	dma.local @!p0 [hbm:s6], $0xF7A  }
0x23: {  	s9 =	sor.u32 $0xD0000000, s2;
	s6 =	simm.s32 $0x108;
	_ =	swait.ge @!p0 [sflag:s8], $0x0  }
0x24: {  	s3 =	sadd.s32 $0x88, s3;
	s6 =	simm.s32 @!p1 $0x1082;
	[sflag:s4] =	ssyncset.s32 $0xFFFFF086  }
0x25: {  	[simem:s6], [sflag:s4] =	dma.local [hbm:s3], $0xF7A  }
0x26: {  	[smem:$0x3F88] =	sst s1;
	(tag) =	ssettag s2;
	_ =	strace s9  }
0x27: {  	s1 =	sld [smem:$0x3F98]  }
0x28: {  	s2 =	sld [smem:$0x3F99]  }
0x29: {  	s4 =	sld [smem:$0x3F9B]  }
0x2a: {  	p0 =	seq.s32 s5, $0x0;
	s5 =	sld [smem:$0x3F9C]  }
0x2b: {  	s6 =	sld [smem:$0x3F9D]  }
0x2c: {  	s7 =	sld [smem:$0x3F9E]  }
0x2d: {  	s3 =	simm.s32 $0x108;
	s8 =	sld [smem:$0x3F9F]  }
0x2e: {  	s3 =	simm.s32 @!p0 $0x1082;
	s9 =	sld [smem:$0x3FA0]  }
0x2f: {  	lr =	sadd.s32 s0, s3;
	s0 =	sld [smem:$0x3F97]  }
0x30: {  	s3 =	sld [smem:$0x3F9A]  }
0x31: {  	[smem:$0x3FA3] =	sst s10  }
0x32: {  	s10 =	sld [smem:$0x3FA1];
	_ =	sdelay $0x3  }
0x33: {  	p0 =	seq.s32 s10, $0x1;
	s10 =	sld [smem:$0x3FA3];
	_ =	sdelay $0x3  }
0x34: {  	[smem:$0x3FA3] =	sst s10  }
0x35: {  	s10 =	sld [smem:$0x3FA2];
	_ =	sdelay $0x3  }
0x36: {  	p1 =	seq.s32 s10, $0x1;
	s10 =	sld [smem:$0x3FA3];
	_ =	sdelay $0x3  }
0x37: {  	[smem:$0x3FA3] =	sst s10  }
0x38: {  	s10 =	sld [smem:$0x3FA4]  }
0x39: {  	_ = 	snop;
	(pc) =	sbr.ind lr, $3  }
0x3a: {  	_ = 	snop  }
0x3b: {  	_ = 	snop  }
0x3c: {  	p2 =	seq.s32 s10, $0x1;
	s10 =	sld [smem:$0x3FA3]  }
0x3d: {  	_ =	shalt  }
0x3e: {  	_ =	shalt  }
0x3f: {  	_ =	shalt  }
0x40: {  	_ =	shalt  }
0x41: {  	_ =	shalt  }
0x42: {  	_ =	shalt  }
0x43: {  	_ =	shalt  }
0x44: {  	_ =	shalt  }
0x45: {  	_ =	shalt  }
0x46: {  	_ =	shalt  }
0x47: {  	_ =	shalt  }
0x48: {  	_ =	shalt  }
0x49: {  	_ =	shalt  }
0x4a: {  	_ =	shalt  }
0x4b: {  	_ =	shalt  }
0x4c: {  	_ =	shalt  }
0x4d: {  	_ =	shalt  }
0x4e: {  	_ =	shalt  }
0x4f: {  	_ =	shalt  }
0x50: {  	_ =	shalt  }
0x51: {  	_ =	shalt  }
0x52: {  	_ =	shalt  }
0x53: {  	_ =	shalt  }
0x54: {  	_ =	shalt  }
0x55: {  	_ =	shalt  }
0x56: {  	_ =	shalt  }
0x57: {  	_ =	shalt  }
0x58: {  	_ =	shalt  }
0x59: {  	_ =	shalt  }
0x5a: {  	_ =	shalt  }
0x5b: {  	_ =	shalt  }
0x5c: {  	_ =	shalt  }
0x5d: {  	_ =	shalt  }
0x5e: {  	_ =	shalt  }
0x5f: {  	_ =	shalt  }
0x60: {  	_ =	shalt  }
0x61: {  	_ =	shalt  }
0x62: {  	_ =	shalt  }
0x63: {  	_ =	shalt  }
0x64: {  	_ =	shalt  }
0x65: {  	_ =	shalt  }
0x66: {  	_ =	shalt  }
0x67: {  	_ =	shalt  }
0x68: {  	_ =	shalt  }
0x69: {  	_ =	shalt  }
0x6a: {  	_ =	shalt  }
0x6b: {  	_ =	shalt  }
0x6c: {  	_ =	shalt  }
0x6d: {  	_ =	shalt  }
0x6e: {  	_ =	shalt  }
0x6f: {  	_ =	shalt  }
0x70: {  	_ =	shalt  }
0x71: {  	_ =	shalt  }
0x72: {  	_ =	shalt  }
0x73: {  	_ =	shalt  }
0x74: {  	_ =	shalt  }
0x75: {  	_ =	shalt  }
0x76: {  	_ =	shalt  }
0x77: {  	_ =	shalt  }
0x78: {  	_ =	shalt  }
0x79: {  	_ =	shalt  }
0x7a: {  	_ =	shalt  }
0x7b: {  	_ =	shalt  }
0x7c: {  	_ =	shalt  }
0x7d: {  	_ =	shalt  }
0x7e: {  	_ =	shalt  }
0x7f: {  	_ =	shalt  }
0x80: {  	_ =	shalt  }
0x81: {  	_ =	shalt  }
0x82: {  	_ =	shalt  }
0x83: {  	_ =	shalt  }
0x84: {  	_ =	shalt  }
0x85: {  	_ =	shalt  }
0x86: {  	_ =	shalt  }
0x87: {  	_ =	shalt  }
.Lfunc_end0:
.L_simem_size_0:
called_computation.4_lowered:
.L_overlay_start_0:
0x88: {  	s2 =	sld [smem:$0x3FD9]  }
0x89: {  	s3 =	sld [smem:$0x3FFE];
	_ =	sdelay $0x1  }
0x8a: {  	s1 =	srdreg.scid  }
0x8b: {  	s0 =	sand.u32 $0x1, s1  }
0x8c: {  	s16 =	sshll.u32 s0, $0xA;
	s2 =	sadd.s32 s3, s2  }
0x8d: {  	s2 =	sadd.s32 s2, s16  }
0x8e: {  	[smem:$0x3FAF] =	sst s2  }
0x8f: {  	_ = 	snop  }
0x90: {  	(tm) =	ssettm $0x1  }
0x91: {  	s17 =	sld [smem:$0x3FFB];
	_ =	sdelay $0x3  }
0x92: {  	_ =	strace s17  }
0x93: {  	s2 =	sld [smem:$0x3FFC];
	_ =	sdelay $0x3  }
0x94: {  	_ =	strace s2  }
0x95: {  	s2 =	sld [smem:$0x3FFD];
	_ =	sdelay $0x3  }
0x96: {  	_ =	strace s2  }
0x97: {  	_ =	strace $0x8FFFFFFF  }
0x98: {  	s18 =	sld [smem:$0x3FDB];
	_ =	sdelay $0x1  }
0x99: {  	s19 =	simm.s32 $_scs_section_size  }
0x9a: {  	s4 =	simm.s32 $_size__tile_overlayer_lowered;
	s5 =	simm.s32 $_tile_overlayer_lowered  }
0x9b: {  	s22 =	simm.s32 $0x1BFF;
	s21 =	sshll.u32 s5, $0x1;
	s2 =	sadd.s32 s19, s18  }
0x9c: {  	s6 =	simm.s32 $0x0;
	s20 =	sshll.u32 s4, $0x1;
	s4 =	sadd.s32 s21, s2  }
0x9d: {  	[timem:s6], [sflag:s22] =	dma.local [hbm:s4], s20  }
0x9e: {  	_ =	swait.ge [sflag:s22], s20  }
0x9f: {  	s3 =	ssub.s32 $0x0, s20;
	[sflag:s22] =	ssyncset.done $0x0  }
0xa0: {  	[sflag:s22] =	ssyncadd.s32 s3;
	_ =	sdelay $0x1  }
0xa1: {  	s23 =	simm.s32 $0x1B8B  }
0xa2: {  	_ =	swait.ge [sflag:s23], $0x1  }
0xa3: {  	[sflag:s23] =	ssyncset.done $0x0  }
0xa4: {  	s25 =	simm.s32 $0x1B8E;
	s24 =	sld [smem:$0x3FFE];
	[sflag:s23] =	ssyncadd.s32 $0xFFFFFFFF  }
0xa5: {  	s26 =	simm.s32 $execute0_lowered;
	[smem:$0x3FD2] =	sst s25  }
0xa6: {  	s4 =	sshll.u32 s26, $0x1;
	_ =	strace $0x80000052;
	[dreg:$0x1] =	wrdreg $0xFFFFFFFF  }
0xa7: {  	s28 =	simm.s32 $_size_execute0_lowered;
	s2 =	sadd.s32 s2, s4;
	[dreg:$0x0] =	wrdreg $0x0  }
0xa8: {  	s4 =	sshll.u32 s28, $0x1;
	[dreg:$0x2] =	wrdreg s2  }
0xa9: {  	[dreg:$0x3] =	wrdreg s4  }
0xaa: {  	[dreg:$0x4] =	wrdreg $0xC0  }
0xab: {  	_ =	task [dreg:s6], $0x5FFFF  }
0xac: {  	[dreg:$0x1] =	wrdreg $0xFFFFFFFF  }
0xad: {  	[dreg:$0x0] =	wrdreg $0x60  }
0xae: {  	[dreg:$0x2] =	wrdreg s24  }
0xaf: {  	[dreg:$0x3] =	wrdreg $0x0  }
0xb0: {  	[dreg:$0x4] =	wrdreg $0x9  }
0xb1: {  	_ =	task.clear_ibuf [dreg:s6], $0x5FFFF;
	_ =	strace $0x90000052  }
0xb2: {  	s29 =	simm.s32 $0x9;
	_ =	strace $0x80000054  }
0xb3: {  	_ =	swait.ge [sflag:s29], $0x1  }
0xb4: {  	[sflag:s29] =	ssyncadd.s32 $0xFFFFFFFF  }
0xb5: {  	_ =	strace $0x90000054  }
0xb6: {  	_ =	sfence  }
0xb7: {  	s30 =	sld [smem:$0x0];
	_ =	sdelay $0x2  }
0xb8: {  	s31 =	sshll.u32 s1, $0xD;
	s1 =	sshrl.u32 s1, $0x2  }
0xb9: {  	s3 =	sand.u32 $0x4000, s31;
	s1 =	sadd.s32 s1, s30  }
0xba: {  	s0 =	sor.u32 s3, s0;
	s1 =	sshll.u32 s1, $0x11  }
0xbb: {  	s0 =	sor.u32 s1, s0  }
0xbc: {  	s0 =	sadd.s32 $0x8F2B, s0  }
0xbd: {  	[sflag:s0] =	ssyncadd.remote.s32 $0x1  }
0xbe: {  	_ =	sfence.sel $0xFFFF  }
0xbf: {  	[dreg:$0x0] =	wrdreg $0xFFFFFFFF;
	(pc) =	sbr.abs _section_cstart, $3  }
0xc0: {  	[dreg:$0x1] =	wrdreg $0xFFFFFFFF  }
0xc1: {  	_ =	task.clear_ibuf [dreg:s6], $0x2FFFF;
	_ =	strace $0x9FFFFFFF  }
0xc2: {  	(tm) =	ssettm $0x7FFFFFFF  }
0xc3: {  	_ =	shalt  }
tec
execute0_lowered:
.L_overlay_start_1:
0x0: {  	(tag) =	ssettag $0x1  }
0x1: {  	s0 =	rddreg [dreg:$0x0]  }
0x2: {  	s2 =	rddreg [dreg:$0x1];
	s19 =	simm.s32 $0x0;
	s11 =	stileid.u32  }
0x3: {  	s1 =	srdreg.scid;
	s14 =	simm.s32 $0x9;
	s15 =	simm.s32 $0x14000  }
0x4: {  	s16 =	simm.s32 $0x15400;
	s17 =	simm.s32 $0x40;
	s18 =	simm.s32 $0x16800  }
0x5: {  	s20 =	simm.s32 $0x18800;
	s21 =	simm.s32 $0x1;
	s28 =	simm.s32 $0x1C800  }
0x6: {  	s29 =	simm.s32 $0x3;
	s30 =	simm.s32 $0x15500;
	s31 =	simm.s32 $0x5  }
0x7: {  	s12 =	simm.s32 $0x14280;
	s13 =	simm.s32 $0x8;
	[smem:$0x7FF] =	sst s19  }
0x8: {  	s3 =	smul.u32 $0x14000, s11;
	s1 =	sand.u32 $0x1, s1;
	s4 =	sadd.s32 $0x5C00, s0  }
0x9: {  	s5 =	sadd.s32 $0xF6400, s0;
	s6 =	sadd.s32 $0xE2400, s0;
	s9 =	smul.u32 $0x50000, s11  }
0xa: {  	s25 =	sshll.u32 s11, $0x6;
	_ =	strace $0x80000053;
	s22 =	ssub.s32 $0x2, s1  }
0xb: {  	s7 =	smul.u32 $0x140000, s1;
	s8 =	sshrl.u32 s3, $0x3;
	s10 =	sshrl.u32 s22, $0x1  }
0xc: {  	s24 =	sshrl.u32 s9, $0x2;
	s9 =	sshll.u32 s1, $0x2;
	s1 =	simm.s32 $0x4  }
0xd: {  	s3 =	sadd.s32 s3, s7;
	s8 =	sadd.s32 s8, s0;
	s23 =	ssub.s32 s22, s10  }
0xe: {  	s7 =	sadd.s32 s24, s2;
	s22 =	sor.u32 $0x1C09, s25;
	s10 =	smul.u32 $0xA000, s11  }
0xf: {  	s24 =	simm.s32 $0x2;
	s11 =	simm.s32 $0x6;
	s3 =	sshrl.u32 s3, $0x3  }
.Ltmp0:
0x10: {  	s8 =	sadd.s32 $0x2CE00, s8;
	[dreg:$0x5] =	wrdreg s22;
	(pc) =	sbr.rel .LBB2_1-.Ltmp0, $4  }
0x11: {  	s26 =	smax.u32 s23, $0x1;
	s25 =	sshrl.u32 s7, $0x3;
	[dreg:$0x4] =	wrdreg s8  }
0x12: {  	s23 =	simm.s32 $0x1A800;
	s0 =	sadd.s32 s3, s0;
	[dreg:$0x7] =	wrdreg s26  }
0x13: {  	s7 =	simm.s32 $0x15580;
	[dreg:$0x8] =	wrdreg s25;
	s0 =	sadd.s32 $0x54E00, s0  }
0x14: {  	s8 =	simm.s32 $0x7;
	[dreg:$0x6] =	wrdreg s0;
	s0 =	simm.s32 $0x14200  }
.LBB2_6:
0x15: {  	[bflag:$0x0] =	sbarrier.arrive $0xFFFF  }
0x16: {  	s22 =	rddreg [dreg:$0x5]  }
0x17: {  	s3 =	rddreg [dreg:$0x6]  }
0x18: {  	s25 =	rddreg [dreg:$0x8]  }
0x19: {  	[hbm:s3], [sflag:s22] =	dma.local [spmem:s25], $0x2800  }
0x1a: {  	_ =	swait.ge [sflag:s14], $0x2800  }
0x1b: {  	s19 =	rddreg [dreg:$0x3]  }
0x1c: {  	s26 =	rddreg [dreg:$0x7];
	s19 =	sadd.s32 $0x1, s19  }
0x1d: {  	p0 =	sne.s32 s19, s26  }
.Ltmp1:
0x1e: {  	_ = 	snop;
	(pc) =	sbr.rel @!p0 .LBB2_7-.Ltmp1, $3  }
0x1f: {  	_ =	sdelay $0x1  }
0x20: {  	[sflag:s14] =	ssyncset.done $0x0  }
0x21: {  	[sflag:s14] =	ssyncadd.s32 $0xFFFFD800  }
.LBB2_1:
0x22: {  	[dreg:$0x3] =	wrdreg s19  }
0x23: {  	s3 =	rddreg [dreg:$0x4]  }
0x24: {  	[spmem:s25], [sflag:s22] =	dma.local [hbm:s3], $0x2800  }
.Ltmp2:
0x25: {  	_ =	swait.ge [sflag:s14], $0x2800;
	(pc) =	sbr.rel .LBB2_2-.Ltmp2, $4  }
0x26: {  	[sflag:s14] =	ssyncset.done $0x0  }
0x27: {  	[sflag:s14] =	ssyncadd.s32 $0xFFFFD800  }
0x28: {  	[bflag:$0x0] =	sbarrier.arrive $0xFFFF  }
0x29: {  	s3 =	simm.s32 $0x0  }
.LBB2_5:
0x2a: {  	_ =	swait.ge [sflag:s1], $0x2000  }
0x2b: {  	[sflag:s1] =	ssyncset.done $0x0  }
0x2c: {  	[sflag:s1] =	ssyncadd.s32 $0xFFFFE000  }
0x2d: {  	[spmem:s2] =	stream.indirect.scatter.add.f32 [tilespmem:s28], [sflag:$0x8], $0x80, s25, s17, $0xb8;
	[tilespmem:$0x1E800] =	vst v63  }
0x2e: {  	_ =	swait.ge [sflag:s11], $0x2000  }
0x2f: {  	[sflag:s11] =	ssyncset.done $0x0  }
0x30: {  	s3 =	sadd.s32 $0x1, s3;
	[sflag:s11] =	ssyncadd.s32 $0xFFFFE000  }
0x31: {  	p0 =	sne.s32 s3, $0x4;
	_ =	swait.ge [sflag:s8], $0x2000  }
.Ltmp3:
0x32: {  	[sflag:s8] =	ssyncset.done $0x0;
	(pc) =	sbr.rel @!p0 .LBB2_6-.Ltmp3, $4  }
0x33: {  	[sflag:s8] =	ssyncadd.s32 $0xFFFFE000  }
0x34: {  	_ =	swait.ge [sflag:s13], $0x2000  }
0x35: {  	[sflag:s13] =	ssyncset.done $0x0  }
0x36: {  	[sflag:s13] =	ssyncadd.s32 $0xFFFFE000  }
.LBB2_2:
0x37: {  	s19 =	sadd.s32 s9, s3  }
0x38: {  	s19 =	smul.u32 $0x1400, s19;
	_ =	sdelay $0x1  }
0x39: {  	s19 =	sadd.s32 s10, s19  }
0x3a: {  	s22 =	sshrl.u32 s19, $0x3  }
0x3b: {  	s19 =	simm.s32 $0x0;
	s25 =	sadd.s32 s5, s22  }
0x3c: {  	[tilespmem:s15], [sflag:$0x9] =	stream.linear.gather [hbm4b:s25+s19], $0x1400, $0x38;
	[tilespmem:$0x1E800] =	vst v63  }
0x3d: {  	_ =	swait.ge [sflag:s14], $0x1400  }
0x3e: {  	[sflag:s14] =	ssyncset.done $0x0  }
0x3f: {  	s22 =	sadd.s32 s6, s22;
	[sflag:s14] =	ssyncadd.s32 $0xFFFFEC00  }
0x40: {  	[tilespmem:s16], [sflag:$0x9] =	stream.linear.gather [hbm4b:s22+s19], $0x1400, $0x38;
	[tilespmem:$0x1E800] =	vst v63  }
0x41: {  	_ =	swait.ge [sflag:s14], $0x1400  }
0x42: {  	[sflag:s14] =	ssyncset.done $0x0  }
0x43: {  	[sflag:s14] =	ssyncadd.s32 $0xFFFFEC00  }
0x44: {  	[tilespmem:s18], [sflag:$0x1] =	stream.indirect.gather [hbm4b:s4+s17], $0x80, s15, s17, $0xb8;
	[tilespmem:$0x1E800] =	vst v63  }
0x45: {  	s25 =	simm.s32 $0x14080  }
0x46: {  	[tilespmem:s20], [sflag:$0x2] =	stream.indirect.gather [hbm4b:s4+s17], $0x80, s25, s17, $0xb8;
	[tilespmem:$0x1E800] =	vst v63  }
0x47: {  	_ =	swait.ge [sflag:s21], $0x2000  }
0x48: {  	[sflag:s21] =	ssyncset.done $0x0  }
0x49: {  	[sflag:s21] =	ssyncadd.s32 $0xFFFFE000  }
0x4a: {  	[spmem:s2] =	stream.indirect.scatter.add.f32 [tilespmem:s18], [sflag:$0x5], $0x80, s16, s17, $0xb8;
	[tilespmem:$0x1E800] =	vst v63  }
0x4b: {  	s26 =	simm.s32 $0x14100  }
0x4c: {  	[tilespmem:s23], [sflag:$0x3] =	stream.indirect.gather [hbm4b:s4+s17], $0x80, s26, s17, $0xb8;
	[tilespmem:$0x1E800] =	vst v63  }
0x4d: {  	_ =	swait.ge [sflag:s24], $0x2000  }
0x4e: {  	[sflag:s24] =	ssyncset.done $0x0  }
0x4f: {  	s25 =	simm.s32 $0x15480;
	[sflag:s24] =	ssyncadd.s32 $0xFFFFE000  }
0x50: {  	[spmem:s2] =	stream.indirect.scatter.add.f32 [tilespmem:s20], [sflag:$0x6], $0x80, s25, s17, $0xb8;
	[tilespmem:$0x1E800] =	vst v63  }
0x51: {  	s26 =	simm.s32 $0x14180  }
0x52: {  	[tilespmem:s28], [sflag:$0x4] =	stream.indirect.gather [hbm4b:s4+s17], $0x80, s26, s17, $0xb8;
	[tilespmem:$0x1E800] =	vst v63  }
0x53: {  	_ =	swait.ge [sflag:s29], $0x2000  }
0x54: {  	[sflag:s29] =	ssyncset.done $0x0  }
0x55: {  	[sflag:s29] =	ssyncadd.s32 $0xFFFFE000  }
0x56: {  	[spmem:s2] =	stream.indirect.scatter.add.f32 [tilespmem:s23], [sflag:$0x7], $0x80, s30, s17, $0xb8;
	[tilespmem:$0x1E800] =	vst v63  }
0x57: {  	_ =	swait.ge [sflag:s31], $0x2000  }
0x58: {  	[sflag:s31] =	ssyncset.done $0x0  }
0x59: {  	[sflag:s31] =	ssyncadd.s32 $0xFFFFE000  }
0x5a: {  	[tilespmem:s18], [sflag:$0x1] =	stream.indirect.gather [hbm4b:s4+s17], $0x80, s0, s17, $0xb8;
	[tilespmem:$0x1E800] =	vst v63  }
0x5b: {  	_ =	swait.ge [sflag:s1], $0x2000  }
0x5c: {  	[sflag:s1] =	ssyncset.done $0x0  }
0x5d: {  	[sflag:s1] =	ssyncadd.s32 $0xFFFFE000  }
0x5e: {  	[spmem:s2] =	stream.indirect.scatter.add.f32 [tilespmem:s28], [sflag:$0x8], $0x80, s7, s17, $0xb8;
	[tilespmem:$0x1E800] =	vst v63  }
0x5f: {  	_ =	swait.ge [sflag:s11], $0x2000  }
0x60: {  	[sflag:s11] =	ssyncset.done $0x0  }
0x61: {  	[sflag:s11] =	ssyncadd.s32 $0xFFFFE000  }
0x62: {  	[tilespmem:s20], [sflag:$0x2] =	stream.indirect.gather [hbm4b:s4+s17], $0x80, s12, s17, $0xb8;
	[tilespmem:$0x1E800] =	vst v63  }
.LBB2_3:
0x63: {  	_ =	swait.ge [sflag:s21], $0x2000  }
0x64: {  	s22 =	sshra.s32 s19, $0x2;
	[sflag:s21] =	ssyncset.done $0x0  }
0x65: {  	s25 =	sadd.s32 $0x15600, s22;
	[sflag:s21] =	ssyncadd.s32 $0xFFFFE000  }
0x66: {  	[spmem:s2] =	stream.indirect.scatter.add.f32 [tilespmem:s18], [sflag:$0x5], $0x80, s25, s17, $0xb8;
	[tilespmem:$0x1E800] =	vst v63  }
0x67: {  	_ =	swait.ge [sflag:s8], $0x2000  }
0x68: {  	[sflag:s8] =	ssyncset.done $0x0  }
0x69: {  	s26 =	sadd.s32 $0x14300, s22;
	[sflag:s8] =	ssyncadd.s32 $0xFFFFE000  }
0x6a: {  	[tilespmem:s23], [sflag:$0x3] =	stream.indirect.gather [hbm4b:s4+s17], $0x80, s26, s17, $0xb8;
	[tilespmem:$0x1E800] =	vst v63  }
0x6b: {  	_ =	swait.ge [sflag:s24], $0x2000  }
0x6c: {  	[sflag:s24] =	ssyncset.done $0x0  }
0x6d: {  	s26 =	sadd.s32 $0x15680, s22;
	[sflag:s24] =	ssyncadd.s32 $0xFFFFE000  }
0x6e: {  	[spmem:s2] =	stream.indirect.scatter.add.f32 [tilespmem:s20], [sflag:$0x6], $0x80, s26, s17, $0xb8;
	[tilespmem:$0x1E800] =	vst v63  }
0x6f: {  	_ =	swait.ge [sflag:s13], $0x2000  }
0x70: {  	[sflag:s13] =	ssyncset.done $0x0  }
0x71: {  	s26 =	sadd.s32 $0x14380, s22;
	[sflag:s13] =	ssyncadd.s32 $0xFFFFE000  }
0x72: {  	[tilespmem:s28], [sflag:$0x4] =	stream.indirect.gather [hbm4b:s4+s17], $0x80, s26, s17, $0xb8;
	[tilespmem:$0x1E800] =	vst v63  }
0x73: {  	_ =	swait.ge [sflag:s29], $0x2000  }
0x74: {  	p0 =	seq.s32 s19, $0x4000;
	[sflag:s29] =	ssyncset.done $0x0  }
.Ltmp4:
0x75: {  	s26 =	sadd.s32 $0x15700, s22;
	[sflag:s29] =	ssyncadd.s32 $0xFFFFE000;
	(pc) =	sbr.rel @p0 .LBB2_5-.Ltmp4, $4  }
0x76: {  	[spmem:s2] =	stream.indirect.scatter.add.f32 [tilespmem:s23], [sflag:$0x7], $0x80, s26, s17, $0xb8;
	[tilespmem:$0x1E800] =	vst v63  }
0x77: {  	_ =	swait.ge [sflag:s31], $0x2000  }
0x78: {  	[sflag:s31] =	ssyncset.done $0x0  }
0x79: {  	s25 =	sadd.s32 $0x15780, s22;
	[sflag:s31] =	ssyncadd.s32 $0xFFFFE000  }
0x7a: {  	s26 =	sadd.s32 $0x14400, s22  }
0x7b: {  	[tilespmem:s18], [sflag:$0x1] =	stream.indirect.gather [hbm4b:s4+s17], $0x80, s26, s17, $0xb8;
	[tilespmem:$0x1E800] =	vst v63  }
0x7c: {  	_ =	swait.ge [sflag:s1], $0x2000  }
0x7d: {  	[sflag:s1] =	ssyncset.done $0x0  }
0x7e: {  	[sflag:s1] =	ssyncadd.s32 $0xFFFFE000  }
0x7f: {  	[spmem:s2] =	stream.indirect.scatter.add.f32 [tilespmem:s28], [sflag:$0x8], $0x80, s25, s17, $0xb8;
	[tilespmem:$0x1E800] =	vst v63  }
.Ltmp5:
0x80: {  	_ = 	snop;
	(pc) =	sbr.rel .LBB2_3-.Ltmp5, $4  }
0x81: {  	_ =	swait.ge [sflag:s11], $0x2000  }
0x82: {  	[sflag:s11] =	ssyncset.done $0x0  }
0x83: {  	s19 =	sadd.s32 $0x800, s19;
	s26 =	sadd.s32 $0x14480, s22;
	[sflag:s11] =	ssyncadd.s32 $0xFFFFE000  }
0x84: {  	[tilespmem:s20], [sflag:$0x2] =	stream.indirect.gather [hbm4b:s4+s17], $0x80, s26, s17, $0xb8;
	[tilespmem:$0x1E800] =	vst v63  }
.LBB2_7:
0x85: {  	_ =	sfence.sel $0x180000  }
0x86: {  	[bflag:$0x0] =	sbarrier.arrive $0xFFFF  }
0x87: {  	_ =	strace $0x90000053  }
0x88: {  	s0 =	stileid.u32;
	[bflag:$0x2] =	sbarrier.arrive $0xFFFF  }
0x89: {  	p0 =	sne.s32 s0, $0x0;
	s0 =	rddreg [dreg:$0x2]  }
0x8a: {  	s0 =	sadd.s32 @!p0 $0x100000, s0  }
0x8b: {  	[sflag:s0] =	ssyncadd.tile.s32 @!p0 $0x1;
	_ =	shalt  }
.Lfunc_end2:
_tile_overlayer_lowered:
.L_overlay_start_2:
0x8c: {  	(tag) =	ssettag $0x2  }
0x8d: {  	s0 =	rddreg [dreg:$0x0];
	s2 =	stileid.u32  }
0x8e: {  	s1 =	rddreg [dreg:$0x1];
	p0 =	sne.s32 s2, $0x0  }
0x8f: {  	s3 =	rddreg [dreg:$0x2];
	[bflag:$0x3] =	sbarrier.arrive $0xFFFF;
	s2 =	simm.s32 @!p0 $0x1C09  }
0x90: {  	[timem:s3], [sflag:s2] =	dma.local @!p0 [hbm:s0], s1  }
0x91: {  	s0 =	simm.s32 @!p0 $0x9  }
0x92: {  	_ =	swait.ge @!p0 [sflag:s0], s1  }
0x93: {  	s1 =	ssub.s32 @!p0 $0x0, s1;
	[sflag:s0] =	ssyncset.done @!p0 $0x0  }
0x94: {  	[sflag:s0] =	ssyncadd.s32 @!p0 s1  }
0x95: {  	[bflag:$0x3] =	sbarrier.arrive $0xFFFF  }
0x96: {  	_ =	shalt  }

</sc_bundles>
